<compile_context>
chip_gen: v7x
topology: tpu7x:2x2x1
jax: 0.10.2.dev20260603
libtpu: 0.0.44.dev20260713+nightly
codegen_flags: <defaults>
</compile_context>

<pallas_src>
import functools

import jax
import jax.numpy as jnp
from jax import lax
from jax.experimental import pallas as pl
from jax.experimental.pallas import tpu as pltpu
from jax.experimental.pallas import tpu_sc as plsc

N_NODES = 10000
N_EDGES = 320000
D_FEAT = 128
HIDDEN = 64
HEADS = 8
N_GRAPHS = 64
N_CLASSES = 10

NC, NS = 2, 16
NW = NC * NS
ESH = N_EDGES // NW
ESH1 = N_EDGES // NS
EBLK = 80
NBLK = ESH // EBLK
NBLK1 = ESH1 // EBLK
NPAD = 10240
NROW = NPAD // NS

ROW_BLK = 1000

_SC_MESH2 = dict(core_axis_name="c", subcore_axis_name="s", num_cores=NC,
                 num_subcores=NS)
_SC_MESH1 = dict(core_axis_name="c", subcore_axis_name="s", num_cores=1,
                 num_subcores=NS)


def _mm1_body(x_ref, w_ref, aa_ref, h_ref, a_ref):
    h = jnp.dot(x_ref[...], w_ref[...], preferred_element_type=jnp.float32)
    h_ref[...] = h
    a_ref[...] = jnp.dot(h, aa_ref[...], preferred_element_type=jnp.float32)


def _mm1(x, W1, asadM):
    n = x.shape[0]
    return pl.pallas_call(
        _mm1_body,
        grid=(n // ROW_BLK,),
        in_specs=[
            pl.BlockSpec((ROW_BLK, D_FEAT), lambda i: (i, 0)),
            pl.BlockSpec((D_FEAT, HEADS * HIDDEN), lambda i: (0, 0)),
            pl.BlockSpec((HEADS * HIDDEN, 128), lambda i: (0, 0)),
        ],
        out_specs=[
            pl.BlockSpec((ROW_BLK, HEADS * HIDDEN), lambda i: (i, 0)),
            pl.BlockSpec((ROW_BLK, 128), lambda i: (i, 0)),
        ],
        out_shape=[
            jax.ShapeDtypeStruct((n, HEADS * HIDDEN), jnp.float32),
            jax.ShapeDtypeStruct((n, 128), jnp.float32),
        ],
    )(x, W1, asadM)


def _mm2_body(h1_ref, w2_ref, h2_ref):
    h2_ref[...] = jnp.dot(h1_ref[...], w2_ref[...],
                          preferred_element_type=jnp.float32)


def _mm2(h1, W2ext):
    n = h1.shape[0]
    return pl.pallas_call(
        _mm2_body,
        grid=(n // ROW_BLK,),
        in_specs=[
            pl.BlockSpec((ROW_BLK, HEADS * HIDDEN), lambda i: (i, 0)),
            pl.BlockSpec((HEADS * HIDDEN, 128), lambda i: (0, 0)),
        ],
        out_specs=pl.BlockSpec((ROW_BLK, 128), lambda i: (i, 0)),
        out_shape=jax.ShapeDtypeStruct((n, 128), jnp.float32),
    )(h1, W2ext)


def _sc2_body(src_hbm, dst_hbm, as_hbm, ad_hbm, h2_hbm, z64_hbm, z8_hbm,
              msum_hbm, esum_hbm, ex_hbm,
              as_v, ad_v, src80_v, dst80_v, exf_v, exrow_v, h_v,
              hm_v, bm_v, be_v, acc_m, acc_e, sem):
    s = lax.axis_index("s")
    ebase = s * ESH1
    pltpu.sync_copy(as_hbm, as_v)
    pltpu.sync_copy(ad_hbm, ad_v)
    pltpu.sync_copy(z64_hbm, bm_v)
    pltpu.sync_copy(z8_hbm, be_v)
    for k in range(NROW // 128):
        pltpu.sync_copy(bm_v, acc_m.at[pl.ds(s * NROW + k * 128, 128)])
        pltpu.sync_copy(be_v, acc_e.at[pl.ds(s * NROW + k * 128, 128)])
    pltpu.sync_copy(z8_hbm.at[pl.ds(0, EBLK)], exrow_v)
    plsc.subcore_barrier()

    zcol = jnp.zeros((16,), jnp.int32)

    def block(b, carry):
        e0 = ebase + b * EBLK
        pltpu.sync_copy(src_hbm.at[pl.ds(e0, EBLK)], src80_v)
        pltpu.sync_copy(dst_hbm.at[pl.ds(e0, EBLK)], dst80_v)
        for j in range(EBLK // 16):
            s16 = src80_v[pl.ds(j * 16, 16)]
            d16 = dst80_v[pl.ds(j * 16, 16)]
            e = plsc.load_gather(as_v, [s16]) + plsc.load_gather(ad_v, [d16])
            e = jnp.where(e >= 0.0, e, 0.2 * e)
            ex16 = jnp.exp(e)
            exf_v[pl.ds(j * 16, 16)] = ex16
            rows = lax.iota(jnp.int32, 16) + j * 16
            plsc.store_scatter(exrow_v, [rows, zcol], ex16)
        pltpu.async_copy(h2_hbm.at[src80_v], h_v, sem).wait()

        def scale(g, carry2):
            ex16 = exf_v[pl.ds(g * 16, 16)]
            for l in range(16):
                i = g * 16 + l
                v = jnp.broadcast_to(ex16[l], (16,))
                for k in range(HIDDEN // 16):
                    hm_v[i, pl.ds(k * 16, 16)] = h_v[i, pl.ds(k * 16, 16)] * v
            return carry2

        lax.fori_loop(0, EBLK // 16, scale, 0)
        pltpu.sync_copy(hm_v, acc_m.at[dst80_v], add=True)
        pltpu.sync_copy(exrow_v, acc_e.at[dst80_v], add=True)
        pltpu.sync_copy(exf_v, ex_hbm.at[pl.ds(e0, EBLK)])
        return carry

    lax.fori_loop(0, NBLK1, block, 0)
    plsc.subcore_barrier()
    for k in range(NROW // 128):
        pltpu.sync_copy(acc_m.at[pl.ds(s * NROW + k * 128, 128)], bm_v)
        pltpu.sync_copy(acc_e.at[pl.ds(s * NROW + k * 128, 128)], be_v)
        pltpu.sync_copy(bm_v, msum_hbm.at[pl.ds(s * NROW + k * 128, 128)])
        pltpu.sync_copy(be_v, esum_hbm.at[pl.ds(s * NROW + k * 128, 128)])


def _sc_layer2(src, dst, as2, ad2, h2ext, z64, z8):
    mesh = plsc.VectorSubcoreMesh(**_SC_MESH1)
    f = functools.partial(
        pl.kernel,
        out_type=[
            jax.ShapeDtypeStruct((NPAD, HIDDEN), jnp.float32),
            jax.ShapeDtypeStruct((NPAD, 8), jnp.float32),
            jax.ShapeDtypeStruct((N_EDGES,), jnp.float32),
        ],
        mesh=mesh,
        compiler_params=pltpu.CompilerParams(needs_layout_passes=False, use_tc_tiling_on_sc=False),
        scratch_types=[
            pltpu.VMEM((N_NODES,), jnp.float32),
            pltpu.VMEM((N_NODES,), jnp.float32),
            pltpu.VMEM((EBLK,), jnp.int32),
            pltpu.VMEM((EBLK,), jnp.int32),
            pltpu.VMEM((EBLK,), jnp.float32),
            pltpu.VMEM((EBLK, 8), jnp.float32),
            pltpu.VMEM((EBLK, 128), jnp.float32),
            pltpu.VMEM((EBLK, HIDDEN), jnp.float32),
            pltpu.VMEM((128, HIDDEN), jnp.float32),
            pltpu.VMEM((128, 8), jnp.float32),
            pltpu.VMEM_SHARED((NPAD, HIDDEN), jnp.float32),
            pltpu.VMEM_SHARED((NPAD, 8), jnp.float32),
            pltpu.SemaphoreType.DMA,
        ],
    )(_sc2_body)
    return f(src, dst, as2, ad2, h2ext, z64, z8)


def _sc3_body(ex_hbm, dst_hbm, d0_hbm, alpha_hbm, ex_v, dst_v, d0_v, al_v):
    c = lax.axis_index("c")
    s = lax.axis_index("s")
    wid = s * NC + c
    ebase = wid * ESH
    pltpu.sync_copy(ex_hbm.at[pl.ds(ebase, ESH)], ex_v)
    pltpu.sync_copy(dst_hbm.at[pl.ds(ebase, ESH)], dst_v)
    pltpu.sync_copy(d0_hbm, d0_v)

    def lp(j, carry):
        d16 = dst_v[pl.ds(j * 16, 16)]
        den = plsc.load_gather(d0_v, [d16]) + 1e-16
        al_v[pl.ds(j * 16, 16)] = ex_v[pl.ds(j * 16, 16)] / den
        return carry

    lax.fori_loop(0, ESH // 16, lp, 0)
    pltpu.sync_copy(al_v, alpha_hbm.at[pl.ds(ebase, ESH)])


def _sc_alpha(ex, dst, d0):
    mesh = plsc.VectorSubcoreMesh(**_SC_MESH2)
    f = functools.partial(
        pl.kernel,
        out_type=jax.ShapeDtypeStruct((N_EDGES,), jnp.float32),
        mesh=mesh,
        compiler_params=pltpu.CompilerParams(needs_layout_passes=False, use_tc_tiling_on_sc=False),
        scratch_types=[
            pltpu.VMEM((ESH,), jnp.float32),
            pltpu.VMEM((ESH,), jnp.int32),
            pltpu.VMEM((NPAD,), jnp.float32),
            pltpu.VMEM((ESH,), jnp.float32),
        ],
    )(_sc3_body)
    return f(ex, dst, d0)


def _head_body(msum_ref, esum_ref, b2_ref, batch_ref, linW_ref, linb_ref,
               out_ref, accp_ref, accc_ref):
    i = pl.program_id(0)

    @pl.when(i == 0)
    def _init():
        accp_ref[...] = jnp.zeros_like(accp_ref)
        accc_ref[...] = jnp.zeros_like(accc_ref)

    m = msum_ref[...]
    d = esum_ref[:, 0:1]
    h2 = m / (d + 1e-16) + b2_ref[...]
    h2 = jnp.where(h2 > 0.0, h2, jnp.exp(jnp.minimum(h2, 0.0)) - 1.0)
    onehot = (batch_ref[...] == lax.iota(jnp.int32, N_GRAPHS)[None, :]
              ).astype(jnp.float32)
    accp_ref[...] += lax.dot_general(onehot, h2, (((0,), (0,)), ((), ())),
                                     preferred_element_type=jnp.float32)
    accc_ref[...] += jnp.sum(onehot, axis=0, keepdims=True)

    @pl.when(i == pl.num_programs(0) - 1)
    def _fin():
        cnt = jnp.maximum(accc_ref[...], 1.0).reshape(N_GRAPHS, 1)
        pooled = accp_ref[...] / cnt
        logits = (jnp.dot(pooled, linW_ref[...],
                          preferred_element_type=jnp.float32) + linb_ref[...])
        mx = jnp.max(logits, axis=1, keepdims=True)
        z = logits - mx
        lse = jnp.log(jnp.sum(jnp.exp(z), axis=1, keepdims=True))
        out_ref[...] = z - lse


def _head(msum, esum, b2, batch2d, lin_W, lin_b):
    return pl.pallas_call(
        _head_body,
        grid=(NPAD // 1024,),
        in_specs=[
            pl.BlockSpec((1024, HIDDEN), lambda i: (i, 0)),
            pl.BlockSpec((1024, 8), lambda i: (i, 0)),
            pl.BlockSpec((1, HIDDEN), lambda i: (0, 0)),
            pl.BlockSpec((1024, 1), lambda i: (i, 0)),
            pl.BlockSpec((HIDDEN, N_CLASSES), lambda i: (0, 0)),
            pl.BlockSpec((1, N_CLASSES), lambda i: (0, 0)),
        ],
        out_specs=pl.BlockSpec((N_GRAPHS, N_CLASSES), lambda i: (0, 0)),
        out_shape=jax.ShapeDtypeStruct((N_GRAPHS, N_CLASSES), jnp.float32),
        scratch_shapes=[
            pltpu.VMEM((N_GRAPHS, HIDDEN), jnp.float32),
            pltpu.VMEM((1, N_GRAPHS), jnp.float32),
        ],
    )(msum, esum, b2, batch2d, lin_W, lin_b)



CHUNK = 1024
NCHUNK = NPAD // CHUNK
CROW = CHUNK // NS
HBLK = 32


def _sc1a_body(src_hbm, dst_hbm, tab_hbm, z8_hbm,
               ex03_hbm, ex47_hbm, e03_hbm, e47_hbm,
               t0, t1, t2, t3, t4, t5, t6, t7,
               src80_v, dst80_v, exblk_v, bae_v, acc_e):
    c = lax.axis_index("c")
    s = lax.axis_index("s")
    wid = s * NC + c
    ebase = wid * ESH
    tas = (t0, t1, t2, t3)
    tad = (t4, t5, t6, t7)

    for p in range(2):
        ex_hbm = ex03_hbm if p == 0 else ex47_hbm
        es_hbm = e03_hbm if p == 0 else e47_hbm
        for hh in range(4):
            pltpu.sync_copy(tab_hbm.at[pl.ds((4 * p + hh) * NPAD, NPAD)],
                            tas[hh])
            pltpu.sync_copy(tab_hbm.at[pl.ds((8 + 4 * p + hh) * NPAD, NPAD)],
                            tad[hh])
        pltpu.sync_copy(z8_hbm, bae_v)
        for k in range(NROW // 128):
            pltpu.sync_copy(bae_v, acc_e.at[pl.ds(s * NROW + k * 128, 128)])
        pltpu.sync_copy(z8_hbm.at[pl.ds(0, EBLK)], exblk_v)
        plsc.subcore_barrier()

        def block(b, carry):
            e0 = ebase + b * EBLK
            pltpu.sync_copy(src_hbm.at[pl.ds(e0, EBLK)], src80_v)
            pltpu.sync_copy(dst_hbm.at[pl.ds(e0, EBLK)], dst80_v)
            for j in range(EBLK // 16):
                s16 = src80_v[pl.ds(j * 16, 16)]
                d16 = dst80_v[pl.ds(j * 16, 16)]
                rows = lax.iota(jnp.int32, 16) + j * 16
                for hh in range(4):
                    e = (plsc.load_gather(tas[hh], [s16])
                         + plsc.load_gather(tad[hh], [d16]))
                    e = jnp.where(e >= 0.0, e, 0.2 * e)
                    plsc.store_scatter(
                        exblk_v, [rows, jnp.full((16,), hh, jnp.int32)],
                        jnp.exp(e))
            pltpu.sync_copy(exblk_v, acc_e.at[dst80_v], add=True)
            pltpu.sync_copy(exblk_v, ex_hbm.at[pl.ds(e0, EBLK)])
            return carry

        lax.fori_loop(0, NBLK, block, 0)
        plsc.subcore_barrier()
        for k in range(NROW // 128):
            pltpu.sync_copy(acc_e.at[pl.ds(s * NROW + k * 128, 128)], bae_v)
            pltpu.sync_copy(
                bae_v, es_hbm.at[pl.ds(c * NPAD + s * NROW + k * 128, 128)])


def _sc_att1(src, dst, tabs, z8):
    mesh = plsc.VectorSubcoreMesh(**_SC_MESH2)
    f = functools.partial(
        pl.kernel,
        out_type=[
            jax.ShapeDtypeStruct((N_EDGES, 8), jnp.float32),
            jax.ShapeDtypeStruct((N_EDGES, 8), jnp.float32),
            jax.ShapeDtypeStruct((NC * NPAD, 8), jnp.float32),
            jax.ShapeDtypeStruct((NC * NPAD, 8), jnp.float32),
        ],
        mesh=mesh,
        compiler_params=pltpu.CompilerParams(needs_layout_passes=False,
                                             use_tc_tiling_on_sc=False),
        scratch_types=[pltpu.VMEM((NPAD,), jnp.float32)] * 8 + [
            pltpu.VMEM((EBLK,), jnp.int32),
            pltpu.VMEM((EBLK,), jnp.int32),
            pltpu.VMEM((EBLK, 8), jnp.float32),
            pltpu.VMEM((128, 8), jnp.float32),
            pltpu.VMEM_SHARED((NPAD, 8), jnp.float32),
        ],
    )(_sc1a_body)
    return f(src, dst, tabs, z8)


def _sc1b_body(src_hbm, dst_hbm, expk_hbm, h1_hbm, z512_hbm,
               msum_hbm,
               dst_v, eidm_v, eidg_v, srcm_v, relb_v, expkb_v, h_v, acc, sem):
    c = lax.axis_index("c")
    s = lax.axis_index("s")
    wid = s * NC + c
    ebase = wid * ESH
    pltpu.sync_copy(dst_hbm.at[pl.ds(ebase, ESH)], dst_v.at[pl.ds(0, ESH)])

    def chunk_loop(cc, carry0):
        lo = cc * CHUNK
        dst_v[pl.ds(ESH, 16)] = jnp.full((16,), 1, jnp.int32) * lo
        pltpu.sync_copy(z512_hbm, h_v)
        pltpu.sync_copy(h_v, acc.at[pl.ds(s * CROW, HBLK)])
        pltpu.sync_copy(h_v, acc.at[pl.ds(s * CROW + HBLK, HBLK)])
        plsc.subcore_barrier()

        def filt(g, m):
            ids = lax.iota(jnp.int32, 16) + g * 16
            d16 = dst_v[pl.ds(g * 16, 16)]
            msk = (d16 >= lo) & (d16 < lo + CHUNK)
            plsc.store_compressed(eidm_v.at[pl.ds(m, 16)], ids, mask=msk)
            pc = plsc.all_reduce_population_count(msk)
            return m + pc[0]

        m = lax.fori_loop(0, ESH // 16, filt, 0)
        for t in range(HBLK // 16):
            eidm_v[pl.ds(m + t * 16, 16)] = jnp.full((16,), ESH, jnp.int32)
        nblk = (m + HBLK - 1) // HBLK

        def hblock(bb, carry):
            base = bb * HBLK
            for t in range(HBLK // 16):
                eid16 = eidm_v[pl.ds(base + t * 16, 16)]
                eidg_v[pl.ds(t * 16, 16)] = jnp.minimum(eid16 + ebase,
                                                        N_EDGES - 1)
                relb_v[pl.ds(t * 16, 16)] = (
                    plsc.load_gather(dst_v, [eid16]) - lo)
            pltpu.async_copy(expk_hbm.at[eidg_v], expkb_v, sem).wait()
            for t in range(HBLK // 16):
                rows16 = lax.iota(jnp.int32, 16) + t * 16
                srcm_v[pl.ds(t * 16, 16)] = plsc.load_gather(
                    expkb_v, [rows16, jnp.full((16,), 4, jnp.int32)])
            pltpu.async_copy(h1_hbm.at[srcm_v], h_v, sem).wait()

            for t in range(HBLK // 16):
                eidA = eidm_v[pl.ds(base + t * 16, 16)]
                for l in range(16):
                    i = t * 16 + l
                    valid = jnp.broadcast_to(eidA[l], (16,)) < ESH
                    for q in range(4):
                        w = plsc.load_gather(
                            expkb_v, [jnp.full((16,), i, jnp.int32),
                                      jnp.full((16,), q, jnp.int32)])
                        w = jnp.where(valid, w, 0)
                        slo = plsc.bitcast(w << 16, jnp.float32)
                        shi = plsc.bitcast(w & jnp.int32(-65536), jnp.float32)
                        for k in range(4):
                            h_v[i, pl.ds((8 * q + k) * 16, 16)] = (
                                h_v[i, pl.ds((8 * q + k) * 16, 16)] * slo)
                            h_v[i, pl.ds((8 * q + 4 + k) * 16, 16)] = (
                                h_v[i, pl.ds((8 * q + 4 + k) * 16, 16)] * shi)
            pltpu.sync_copy(h_v, acc.at[relb_v], add=True)
            return carry

        lax.fori_loop(0, nblk, hblock, 0)
        plsc.subcore_barrier()
        out0 = c * NPAD + lo + s * CROW
        pltpu.sync_copy(acc.at[pl.ds(s * CROW, HBLK)], h_v)
        pltpu.sync_copy(h_v, msum_hbm.at[pl.ds(out0, HBLK)])
        pltpu.sync_copy(acc.at[pl.ds(s * CROW + HBLK, HBLK)], h_v)
        pltpu.sync_copy(h_v, msum_hbm.at[pl.ds(out0 + HBLK, HBLK)])
        return carry0

    lax.fori_loop(0, NCHUNK, chunk_loop, 0)


def _sc_agg1(src, dst, expk, h1pre, z512):
    mesh = plsc.VectorSubcoreMesh(**_SC_MESH2)
    f = functools.partial(
        pl.kernel,
        out_type=jax.ShapeDtypeStruct((NC * NPAD, HEADS * HIDDEN),
                                      jnp.float32),
        mesh=mesh,
        compiler_params=pltpu.CompilerParams(needs_layout_passes=False,
                                             use_tc_tiling_on_sc=False),
        scratch_types=[
            pltpu.VMEM((ESH + 16,), jnp.int32),
            pltpu.VMEM((ESH + HBLK,), jnp.int32),
            pltpu.VMEM((HBLK,), jnp.int32),
            pltpu.VMEM((HBLK,), jnp.int32),
            pltpu.VMEM((HBLK,), jnp.int32),
            pltpu.VMEM((HBLK, 8), jnp.int32),
            pltpu.VMEM((HBLK, HEADS * HIDDEN), jnp.float32),
            pltpu.VMEM_SHARED((CHUNK, HEADS * HIDDEN), jnp.float32),
            pltpu.SemaphoreType.DMA,
        ],
    )(_sc1b_body)
    return f(src, dst, expk, h1pre, z512)


def _merge2_body(ms_ref, e03_ref, e47_ref, b1_ref, w2_ref, out_ref):
    m = ms_ref[0] + ms_ref[1]
    d8 = jnp.concatenate([e03_ref[0] + e03_ref[1],
                          e47_ref[0] + e47_ref[1]], axis=1)
    dbig = jnp.reshape(
        jnp.broadcast_to(d8[:, :, None], (1024, HEADS, HIDDEN)),
        (1024, HEADS * HIDDEN))
    h1 = m / (dbig + 1e-16) + b1_ref[...]
    h1 = jnp.where(h1 > 0.0, h1, jnp.exp(jnp.minimum(h1, 0.0)) - 1.0)
    out_ref[...] = jnp.dot(h1, w2_ref[...], preferred_element_type=jnp.float32)


def _merge2(msum1, e03p, e47p, b1, W2ext):
    return pl.pallas_call(
        _merge2_body,
        grid=(NPAD // 1024,),
        in_specs=[
            pl.BlockSpec((NC, 1024, HEADS * HIDDEN), lambda i: (0, i, 0)),
            pl.BlockSpec((NC, 1024, 4), lambda i: (0, i, 0)),
            pl.BlockSpec((NC, 1024, 4), lambda i: (0, i, 0)),
            pl.BlockSpec((1, HEADS * HIDDEN), lambda i: (0, 0)),
            pl.BlockSpec((HEADS * HIDDEN, 128), lambda i: (0, 0)),
        ],
        out_specs=pl.BlockSpec((1024, 128), lambda i: (i, 0)),
        out_shape=jax.ShapeDtypeStruct((NPAD, 128), jnp.float32),
    )(msum1, e03p, e47p, b1, W2ext)


def _gat1_xla(h, edge_index, a_src, a_dst, bias):
    N = h.shape[0]
    src = edge_index[0]
    dst = edge_index[1]
    hr = h.reshape(N, HEADS, HIDDEN)
    a_s = (hr * a_src[None, :, :]).sum(-1)
    a_d = (hr * a_dst[None, :, :]).sum(-1)
    e = jax.nn.leaky_relu(a_s[src] + a_d[dst], negative_slope=0.2)
    ex = jnp.exp(e)
    denom = jax.ops.segment_sum(ex, dst, num_segments=N)
    alpha = ex / (denom[dst] + 1e-16)
    msg = hr[src] * alpha[:, :, None]
    out = jax.ops.segment_sum(msg, dst, num_segments=N)
    return out.reshape(N, HEADS * HIDDEN) + bias


def kernel(x, edge_index, batch, W1, a_src1, a_dst1, b1, W2, a_src2, a_dst2,
           b2, lin_W, lin_b):
    eye = jnp.eye(HEADS, dtype=jnp.float32)
    asrcM = (eye[:, None, :] * a_src1[:, :, None]).reshape(HEADS * HIDDEN, HEADS)
    adstM = (eye[:, None, :] * a_dst1[:, :, None]).reshape(HEADS * HIDDEN, HEADS)
    asadM = jnp.pad(jnp.concatenate([asrcM, adstM], axis=1),
                    ((0, 0), (0, 128 - 2 * HEADS)))
    W2ext = jnp.concatenate(
        [W2, (W2 @ a_src2[0])[:, None], (W2 @ a_dst2[0])[:, None],
         jnp.zeros((HEADS * HIDDEN, 128 - HIDDEN - 2), jnp.float32)], axis=1)

    h1pre, _ = _mm1(x, W1, asadM)
    h1 = jax.nn.elu(_gat1_xla(h1pre, edge_index, a_src1, a_dst1, b1))
    h2ext = _mm2(h1, W2ext)
    src = edge_index[0]
    dst = edge_index[1]
    as2 = h2ext[:, HIDDEN]
    ad2 = h2ext[:, HIDDEN + 1]
    z64 = jnp.zeros((128, HIDDEN), jnp.float32)
    z8 = jnp.zeros((128, 8), jnp.float32)
    msum2, esum2, ex2 = _sc_layer2(src, dst, as2, ad2, h2ext, z64, z8)
    alpha = _sc_alpha(ex2, dst, esum2[:, 0])

    batch2d = jnp.pad(batch, (0, NPAD - N_NODES),
                      constant_values=N_GRAPHS).reshape(NPAD, 1)
    logp = _head(msum2, esum2, b2.reshape(1, HIDDEN), batch2d, lin_W,
                 lin_b.reshape(1, N_CLASSES))
    return logp, (edge_index, alpha.reshape(N_EDGES, 1))

# --- scband reference (transcript-rebuilt; emitter-appended) ---
"""Pipeline reference for scband-gat-11828339933316 (READ-ONLY COPY).

The authoritative reference and input builder live on the scoring server;
editing this copy changes nothing except your own understanding.
"""

import jax, jax.numpy as jnp
import numpy as np

N_NODES = 10000
N_EDGES = 320000
D_FEAT = 128
HIDDEN = 64
HEADS = 8
N_GRAPHS = 64
N_CLASSES = 10


def setup_inputs(seed: int = 0) -> dict:
    key = jax.random.key(seed)
    ks = jax.random.split(key, 12)
    x = jax.random.normal(ks[0], (N_NODES, D_FEAT), dtype=jnp.float32)
    edge_index = jax.random.randint(ks[1], (2, N_EDGES), 0, N_NODES, dtype=jnp.int32)
    batch = jnp.sort(jax.random.randint(ks[2], (N_NODES,), 0, N_GRAPHS, dtype=jnp.int32))
    s = 0.05
    W1 = jax.random.normal(ks[3], (D_FEAT, HEADS * HIDDEN), dtype=jnp.float32) * s
    a_src1 = jax.random.normal(ks[4], (HEADS, HIDDEN), dtype=jnp.float32) * s
    a_dst1 = jax.random.normal(ks[5], (HEADS, HIDDEN), dtype=jnp.float32) * s
    b1 = jnp.zeros((HEADS * HIDDEN,), dtype=jnp.float32)
    W2 = jax.random.normal(ks[6], (HEADS * HIDDEN, HIDDEN), dtype=jnp.float32) * s
    a_src2 = jax.random.normal(ks[7], (1, HIDDEN), dtype=jnp.float32) * s
    a_dst2 = jax.random.normal(ks[8], (1, HIDDEN), dtype=jnp.float32) * s
    b2 = jnp.zeros((HIDDEN,), dtype=jnp.float32)
    lin_W = jax.random.normal(ks[9], (HIDDEN, N_CLASSES), dtype=jnp.float32) * s
    lin_b = jnp.zeros((N_CLASSES,), dtype=jnp.float32)
    return {"x": x, "edge_index": edge_index, "batch": batch,
            "W1": W1, "a_src1": a_src1, "a_dst1": a_dst1, "b1": b1,
            "W2": W2, "a_src2": a_src2, "a_dst2": a_dst2, "b2": b2,
            "lin_W": lin_W, "lin_b": lin_b}


def gat_conv(x, edge_index, W, a_src, a_dst, bias, heads, out_ch, concat):
    N = x.shape[0]
    src = edge_index[0]
    dst = edge_index[1]
    h = (x @ W).reshape(N, heads, out_ch)
    alpha_src = (h * a_src[None, :, :]).sum(-1)  # [N, H]
    alpha_dst = (h * a_dst[None, :, :]).sum(-1)  # [N, H]
    e = alpha_src[src] + alpha_dst[dst]          # [E, H]
    e = jax.nn.leaky_relu(e, negative_slope=0.2)
    emax = jax.ops.segment_max(e, dst, num_segments=N)
    emax = jnp.where(jnp.isfinite(emax), emax, 0.0)
    ex = jnp.exp(e - emax[dst])
    denom = jax.ops.segment_sum(ex, dst, num_segments=N)
    alpha = ex / (denom[dst] + 1e-16)            # [E, H]
    msg = h[src] * alpha[:, :, None]             # [E, H, C]
    out = jax.ops.segment_sum(msg, dst, num_segments=N)  # [N, H, C]
    if concat:
        out = out.reshape(N, heads * out_ch)
    else:
        out = out.mean(axis=1)
    return out + bias, alpha


def reference(x, edge_index, batch, W1, a_src1, a_dst1, b1, W2, a_src2, a_dst2, b2, lin_W, lin_b):
    # conv1: heads=8, concat -> [N, 512]  (dropout is a no-op in eval mode)
    h1, _ = gat_conv(x, edge_index, W1, a_src1, a_dst1, b1, HEADS, HIDDEN, True)
    h1 = jax.nn.elu(h1)
    # conv2: heads=1, concat=False -> [N, 64], with attention weights returned
    h2, alpha = gat_conv(h1, edge_index, W2, a_src2, a_dst2, b2, 1, HIDDEN, False)
    h2 = jax.nn.elu(h2)
    # global mean pool over graphs
    counts = jax.ops.segment_sum(jnp.ones((h2.shape[0],), jnp.float32), batch, num_segments=N_GRAPHS)
    pooled = jax.ops.segment_sum(h2, batch, num_segments=N_GRAPHS) / jnp.maximum(counts, 1.0)[:, None]
    logits = pooled @ lin_W + lin_b
    logp = jax.nn.log_softmax(logits, axis=1)
    return logp, (edge_index, alpha)

if __name__ == "__main__":
    import jax
    _d = setup_inputs()
    print(jax.jit(kernel)(*tuple(_d.values())))

</pallas_src>

<mosaic_0001>
#map = affine_map<(d0, d1) -> (0)>
module attributes {stable_mosaic.version = 14 : i64} {
  func.func @_sc3_body(%arg0: i32, %arg1: i32, %arg2: memref<320000xf32, #tpu.memory_space<hbm>>, %arg3: memref<320000xi32, #tpu.memory_space<hbm>>, %arg4: memref<10240xf32, #tpu.memory_space<hbm>>, %arg5: memref<320000xf32, #tpu.memory_space<hbm>>, %arg6: memref<10000xf32, #tpu.memory_space<vmem>>, %arg7: memref<10000xi32, #tpu.memory_space<vmem>>, %arg8: memref<10240xf32, #tpu.memory_space<vmem>>, %arg9: memref<10000xf32, #tpu.memory_space<vmem>>) attributes {dimension_semantics = [#tpu.dimension_semantics<core_parallel>, #tpu.dimension_semantics<subcore_parallel>], iteration_bounds = array<i64: 2, 16>, scalar_prefetch = 0 : i64, scratch_operands = 4 : i64, tpu.core_type = #tpu.core_type<sc_vector_subcore>, window_params = [{transform_indices = #map}, {transform_indices = #map}, {transform_indices = #map}, {transform_indices = #map}]} {
    %mul3A = arith.constant 2 : i32
    %mul3A_0 = arith.muli %arg1, %mul3A : i32
    %add3A = arith.addi %mul3A_0, %arg0 : i32
    %mul3A_1 = arith.constant 10000 : i32
    %mul3A_2 = arith.muli %add3A, %mul3A_1 : i32
    "tpu.region"() ({
      %run_scoped3A = tpu.sem_alloc : memref<!tpu.dma_semaphore, #tpu.memory_space<semaphore_mem>>
      %dma_start3A = tpu.memref_slice %arg2[%mul3A_2] : memref<320000xf32, #tpu.memory_space<hbm>> -> memref<10000xf32, #tpu.memory_space<hbm>>
      %dma_start3A_8 = tpu.memref_slice %arg2[%mul3A_2] : memref<320000xf32, #tpu.memory_space<hbm>> -> memref<10000xf32, #tpu.memory_space<hbm>>
      tpu.enqueue_dma source(%dma_start3A_8 : memref<10000xf32, #tpu.memory_space<hbm>>) target(%arg6 : memref<10000xf32, #tpu.memory_space<vmem>>) target_semaphore(%run_scoped3A : memref<!tpu.dma_semaphore, #tpu.memory_space<semaphore_mem>>)
      %dma_wait3A = tpu.memref_slice %arg2[%mul3A_2] : memref<320000xf32, #tpu.memory_space<hbm>> -> memref<10000xf32, #tpu.memory_space<hbm>>
      %dma_wait3A_9 = tpu.memref_slice %arg2[%mul3A_2] : memref<320000xf32, #tpu.memory_space<hbm>> -> memref<10000xf32, #tpu.memory_space<hbm>>
      tpu.wait_dma2 semaphore(%run_scoped3A : memref<!tpu.dma_semaphore, #tpu.memory_space<semaphore_mem>>) src(%dma_wait3A_9 : memref<10000xf32, #tpu.memory_space<hbm>>) dst(%arg6 : memref<10000xf32, #tpu.memory_space<vmem>>)
      tpu.yield
    }) : () -> ()
    "tpu.region"() ({
      %run_scoped3A = tpu.sem_alloc : memref<!tpu.dma_semaphore, #tpu.memory_space<semaphore_mem>>
      %dma_start3A = tpu.memref_slice %arg3[%mul3A_2] : memref<320000xi32, #tpu.memory_space<hbm>> -> memref<10000xi32, #tpu.memory_space<hbm>>
      %dma_start3A_8 = tpu.memref_slice %arg3[%mul3A_2] : memref<320000xi32, #tpu.memory_space<hbm>> -> memref<10000xi32, #tpu.memory_space<hbm>>
      tpu.enqueue_dma source(%dma_start3A_8 : memref<10000xi32, #tpu.memory_space<hbm>>) target(%arg7 : memref<10000xi32, #tpu.memory_space<vmem>>) target_semaphore(%run_scoped3A : memref<!tpu.dma_semaphore, #tpu.memory_space<semaphore_mem>>)
      %dma_wait3A = tpu.memref_slice %arg3[%mul3A_2] : memref<320000xi32, #tpu.memory_space<hbm>> -> memref<10000xi32, #tpu.memory_space<hbm>>
      %dma_wait3A_9 = tpu.memref_slice %arg3[%mul3A_2] : memref<320000xi32, #tpu.memory_space<hbm>> -> memref<10000xi32, #tpu.memory_space<hbm>>
      tpu.wait_dma2 semaphore(%run_scoped3A : memref<!tpu.dma_semaphore, #tpu.memory_space<semaphore_mem>>) src(%dma_wait3A_9 : memref<10000xi32, #tpu.memory_space<hbm>>) dst(%arg7 : memref<10000xi32, #tpu.memory_space<vmem>>)
      tpu.yield
    }) : () -> ()
    "tpu.region"() ({
      %run_scoped3A = tpu.sem_alloc : memref<!tpu.dma_semaphore, #tpu.memory_space<semaphore_mem>>
      tpu.enqueue_dma source(%arg4 : memref<10240xf32, #tpu.memory_space<hbm>>) target(%arg8 : memref<10240xf32, #tpu.memory_space<vmem>>) target_semaphore(%run_scoped3A : memref<!tpu.dma_semaphore, #tpu.memory_space<semaphore_mem>>)
      tpu.wait_dma2 semaphore(%run_scoped3A : memref<!tpu.dma_semaphore, #tpu.memory_space<semaphore_mem>>) src(%arg4 : memref<10240xf32, #tpu.memory_space<hbm>>) dst(%arg8 : memref<10240xf32, #tpu.memory_space<vmem>>)
      tpu.yield
    }) : () -> ()
    %scan3A = arith.constant 0 : i32
    %scan3A_3 = arith.constant 0 : i32
    %scan3A_4 = arith.constant 625 : i32
    %scan3A_5 = arith.addi %scan3A_3, %scan3A_4 : i32
    %scan3A_6 = arith.constant 1 : i32
    scf.for %scan3A_8 = %scan3A_3 to %scan3A_5 step %scan3A_6  : i32 {
      %mul3A_9 = arith.constant 16 : i32
      %mul3A_10 = arith.muli %scan3A_8, %mul3A_9 : i32
      %get3A = arith.index_cast %mul3A_10 : i32 to index
      %get3A_11 = tpu.vector_load %arg7[%get3A] {strides = array<i32>} : memref<10000xi32, #tpu.memory_space<vmem>>, vector<16xi32>,
      %gather3A = tpu.vector_load_idx %arg8[%get3A_11] : memref<10240xf32, #tpu.memory_space<vmem>>[vector<16xi32>], vector<16xf32>,
      %add3A_12 = arith.constant 1.000000e-16 : f32
      %add3A_13 = vector.broadcast %add3A_12 : f32 to vector<16xf32>
      %add3A_14 = arith.addf %gather3A, %add3A_13 : vector<16xf32>
      %mul3A_15 = arith.constant 16 : i32
      %mul3A_16 = arith.muli %scan3A_8, %mul3A_15 : i32
      %get3A_17 = arith.index_cast %mul3A_16 : i32 to index
      %get3A_18 = tpu.vector_load %arg6[%get3A_17] {strides = array<i32>} : memref<10000xf32, #tpu.memory_space<vmem>>, vector<16xf32>,
      %div3A = arith.divf %get3A_18, %add3A_14 : vector<16xf32>
      %mul3A_19 = arith.constant 16 : i32
      %mul3A_20 = arith.muli %scan3A_8, %mul3A_19 : i32
      %swap3A = arith.index_cast %mul3A_20 : i32 to index
      %swap3A_21 = tpu.vector_load %arg9[%swap3A] {strides = array<i32>} : memref<10000xf32, #tpu.memory_space<vmem>>, vector<16xf32>,
      tpu.vector_store %arg9[%swap3A], %div3A {strides = array<i32>} : memref<10000xf32, #tpu.memory_space<vmem>>, vector<16xf32>,
    }
    %scan3A_7 = arith.constant 625 : i32
    "tpu.region"() ({
      %run_scoped3A = tpu.sem_alloc : memref<!tpu.dma_semaphore, #tpu.memory_space<semaphore_mem>>
      %dma_start3A = tpu.memref_slice %arg5[%mul3A_2] : memref<320000xf32, #tpu.memory_space<hbm>> -> memref<10000xf32, #tpu.memory_space<hbm>>
      %dma_start3A_8 = tpu.memref_slice %arg5[%mul3A_2] : memref<320000xf32, #tpu.memory_space<hbm>> -> memref<10000xf32, #tpu.memory_space<hbm>>
      tpu.enqueue_dma source(%arg9 : memref<10000xf32, #tpu.memory_space<vmem>>) target(%dma_start3A_8 : memref<10000xf32, #tpu.memory_space<hbm>>) target_semaphore(%run_scoped3A : memref<!tpu.dma_semaphore, #tpu.memory_space<semaphore_mem>>)
      %dma_wait3A = tpu.memref_slice %arg5[%mul3A_2] : memref<320000xf32, #tpu.memory_space<hbm>> -> memref<10000xf32, #tpu.memory_space<hbm>>
      %dma_wait3A_9 = tpu.memref_slice %arg5[%mul3A_2] : memref<320000xf32, #tpu.memory_space<hbm>> -> memref<10000xf32, #tpu.memory_space<hbm>>
      tpu.wait_dma2 semaphore(%run_scoped3A : memref<!tpu.dma_semaphore, #tpu.memory_space<semaphore_mem>>) src(%arg9 : memref<10000xf32, #tpu.memory_space<vmem>>) dst(%dma_wait3A_9 : memref<10000xf32, #tpu.memory_space<hbm>>)
      tpu.yield
    }) : () -> ()
    return
  }
}

#map = affine_map<(d0, d1) -> (0)>
#map1 = affine_map<(d0, d1) -> (0, 0)>
module attributes {stable_mosaic.version = 14 : i64} {
  func.func @_sc2_body(%arg0: i32, %arg1: i32, %arg2: memref<320000xi32, #tpu.memory_space<hbm>>, %arg3: memref<320000xi32, #tpu.memory_space<hbm>>, %arg4: memref<10000xf32, #tpu.memory_space<hbm>>, %arg5: memref<10000xf32, #tpu.memory_space<hbm>>, %arg6: memref<10000x128xf32, #tpu.memory_space<hbm>>, %arg7: memref<128x64xf32, #tpu.memory_space<hbm>>, %arg8: memref<128x8xf32, #tpu.memory_space<hbm>>, %arg9: memref<10240x64xf32, #tpu.memory_space<hbm>>, %arg10: memref<10240x8xf32, #tpu.memory_space<hbm>>, %arg11: memref<320000xf32, #tpu.memory_space<hbm>>, %arg12: memref<10000xf32, #tpu.memory_space<vmem>>, %arg13: memref<10000xf32, #tpu.memory_space<vmem>>, %arg14: memref<80xi32, #tpu.memory_space<vmem>>, %arg15: memref<80xi32, #tpu.memory_space<vmem>>, %arg16: memref<80xf32, #tpu.memory_space<vmem>>, %arg17: memref<80x8xf32, #tpu.memory_space<vmem>>, %arg18: memref<80x128xf32, #tpu.memory_space<vmem>>, %arg19: memref<80x64xf32, #tpu.memory_space<vmem>>, %arg20: memref<128x64xf32, #tpu.memory_space<vmem>>, %arg21: memref<128x8xf32, #tpu.memory_space<vmem>>, %arg22: memref<10240x64xf32, #tpu.memory_space<vmem_shared>>, %arg23: memref<10240x8xf32, #tpu.memory_space<vmem_shared>>, %arg24: memref<!tpu.dma_semaphore, #tpu.memory_space<semaphore_mem>>) attributes {dimension_semantics = [#tpu.dimension_semantics<core_parallel>, #tpu.dimension_semantics<subcore_parallel>], iteration_bounds = array<i64: 1, 16>, scalar_prefetch = 0 : i64, scratch_operands = 13 : i64, tpu.core_type = #tpu.core_type<sc_vector_subcore>, window_params = [{transform_indices = #map}, {transform_indices = #map}, {transform_indices = #map}, {transform_indices = #map}, {transform_indices = #map1}, {transform_indices = #map1}, {transform_indices = #map1}, {transform_indices = #map1}, {transform_indices = #map1}, {transform_indices = #map}]} {
    %mul3A = arith.constant 20000 : i32
    %mul3A_0 = arith.muli %arg1, %mul3A : i32
    "tpu.region"() ({
      %run_scoped3A = tpu.sem_alloc : memref<!tpu.dma_semaphore, #tpu.memory_space<semaphore_mem>>
      tpu.enqueue_dma source(%arg4 : memref<10000xf32, #tpu.memory_space<hbm>>) target(%arg12 : memref<10000xf32, #tpu.memory_space<vmem>>) target_semaphore(%run_scoped3A : memref<!tpu.dma_semaphore, #tpu.memory_space<semaphore_mem>>)
      tpu.wait_dma2 semaphore(%run_scoped3A : memref<!tpu.dma_semaphore, #tpu.memory_space<semaphore_mem>>) src(%arg4 : memref<10000xf32, #tpu.memory_space<hbm>>) dst(%arg12 : memref<10000xf32, #tpu.memory_space<vmem>>)
      tpu.yield
    }) : () -> ()
    "tpu.region"() ({
      %run_scoped3A = tpu.sem_alloc : memref<!tpu.dma_semaphore, #tpu.memory_space<semaphore_mem>>
      tpu.enqueue_dma source(%arg5 : memref<10000xf32, #tpu.memory_space<hbm>>) target(%arg13 : memref<10000xf32, #tpu.memory_space<vmem>>) target_semaphore(%run_scoped3A : memref<!tpu.dma_semaphore, #tpu.memory_space<semaphore_mem>>)
      tpu.wait_dma2 semaphore(%run_scoped3A : memref<!tpu.dma_semaphore, #tpu.memory_space<semaphore_mem>>) src(%arg5 : memref<10000xf32, #tpu.memory_space<hbm>>) dst(%arg13 : memref<10000xf32, #tpu.memory_space<vmem>>)
      tpu.yield
    }) : () -> ()
    "tpu.region"() ({
      %run_scoped3A = tpu.sem_alloc : memref<!tpu.dma_semaphore, #tpu.memory_space<semaphore_mem>>
      tpu.enqueue_dma source(%arg7 : memref<128x64xf32, #tpu.memory_space<hbm>>) target(%arg20 : memref<128x64xf32, #tpu.memory_space<vmem>>) target_semaphore(%run_scoped3A : memref<!tpu.dma_semaphore, #tpu.memory_space<semaphore_mem>>)
      tpu.wait_dma2 semaphore(%run_scoped3A : memref<!tpu.dma_semaphore, #tpu.memory_space<semaphore_mem>>) src(%arg7 : memref<128x64xf32, #tpu.memory_space<hbm>>) dst(%arg20 : memref<128x64xf32, #tpu.memory_space<vmem>>)
      tpu.yield
    }) : () -> ()
    "tpu.region"() ({
      %run_scoped3A = tpu.sem_alloc : memref<!tpu.dma_semaphore, #tpu.memory_space<semaphore_mem>>
      tpu.enqueue_dma source(%arg8 : memref<128x8xf32, #tpu.memory_space<hbm>>) target(%arg21 : memref<128x8xf32, #tpu.memory_space<vmem>>) target_semaphore(%run_scoped3A : memref<!tpu.dma_semaphore, #tpu.memory_space<semaphore_mem>>)
      tpu.wait_dma2 semaphore(%run_scoped3A : memref<!tpu.dma_semaphore, #tpu.memory_space<semaphore_mem>>) src(%arg8 : memref<128x8xf32, #tpu.memory_space<hbm>>) dst(%arg21 : memref<128x8xf32, #tpu.memory_space<vmem>>)
      tpu.yield
    }) : () -> ()
    %mul3A_1 = arith.constant 640 : i32
    %mul3A_2 = arith.muli %arg1, %mul3A_1 : i32
    %add3A = arith.constant 0 : i32
    %add3A_3 = arith.addi %mul3A_2, %add3A : i32
    "tpu.region"() ({
      %run_scoped3A = tpu.sem_alloc : memref<!tpu.dma_semaphore, #tpu.memory_space<semaphore_mem>>
      %dma_start3A = arith.constant 0 : i32
      %dma_start3A_127 = tpu.memref_slice %arg22[%add3A_3, %dma_start3A] : memref<10240x64xf32, #tpu.memory_space<vmem_shared>> -> memref<128x64xf32, #tpu.memory_space<vmem_shared>>
      %dma_start3A_128 = arith.constant 0 : i32
      %dma_start3A_129 = tpu.memref_slice %arg22[%add3A_3, %dma_start3A_128] : memref<10240x64xf32, #tpu.memory_space<vmem_shared>> -> memref<128x64xf32, #tpu.memory_space<vmem_shared>>
      tpu.enqueue_dma source(%arg20 : memref<128x64xf32, #tpu.memory_space<vmem>>) target(%dma_start3A_129 : memref<128x64xf32, #tpu.memory_space<vmem_shared>>) target_semaphore(%run_scoped3A : memref<!tpu.dma_semaphore, #tpu.memory_space<semaphore_mem>>)
      %dma_wait3A = arith.constant 0 : i32
      %dma_wait3A_130 = tpu.memref_slice %arg22[%add3A_3, %dma_wait3A] : memref<10240x64xf32, #tpu.memory_space<vmem_shared>> -> memref<128x64xf32, #tpu.memory_space<vmem_shared>>
      %dma_wait3A_131 = arith.constant 0 : i32
      %dma_wait3A_132 = tpu.memref_slice %arg22[%add3A_3, %dma_wait3A_131] : memref<10240x64xf32, #tpu.memory_space<vmem_shared>> -> memref<128x64xf32, #tpu.memory_space<vmem_shared>>
      tpu.wait_dma2 semaphore(%run_scoped3A : memref<!tpu.dma_semaphore, #tpu.memory_space<semaphore_mem>>) src(%arg20 : memref<128x64xf32, #tpu.memory_space<vmem>>) dst(%dma_wait3A_132 : memref<128x64xf32, #tpu.memory_space<vmem_shared>>)
      tpu.yield
    }) : () -> ()
    %mul3A_4 = arith.constant 640 : i32
    %mul3A_5 = arith.muli %arg1, %mul3A_4 : i32
    %add3A_6 = arith.constant 0 : i32
    %add3A_7 = arith.addi %mul3A_5, %add3A_6 : i32
    "tpu.region"() ({
      %run_scoped3A = tpu.sem_alloc : memref<!tpu.dma_semaphore, #tpu.memory_space<semaphore_mem>>
      %dma_start3A = arith.constant 0 : i32
      %dma_start3A_127 = tpu.memref_slice %arg23[%add3A_7, %dma_start3A] : memref<10240x8xf32, #tpu.memory_space<vmem_shared>> -> memref<128x8xf32, #tpu.memory_space<vmem_shared>>
      %dma_start3A_128 = arith.constant 0 : i32
      %dma_start3A_129 = tpu.memref_slice %arg23[%add3A_7, %dma_start3A_128] : memref<10240x8xf32, #tpu.memory_space<vmem_shared>> -> memref<128x8xf32, #tpu.memory_space<vmem_shared>>
      tpu.enqueue_dma source(%arg21 : memref<128x8xf32, #tpu.memory_space<vmem>>) target(%dma_start3A_129 : memref<128x8xf32, #tpu.memory_space<vmem_shared>>) target_semaphore(%run_scoped3A : memref<!tpu.dma_semaphore, #tpu.memory_space<semaphore_mem>>)
      %dma_wait3A = arith.constant 0 : i32
      %dma_wait3A_130 = tpu.memref_slice %arg23[%add3A_7, %dma_wait3A] : memref<10240x8xf32, #tpu.memory_space<vmem_shared>> -> memref<128x8xf32, #tpu.memory_space<vmem_shared>>
      %dma_wait3A_131 = arith.constant 0 : i32
      %dma_wait3A_132 = tpu.memref_slice %arg23[%add3A_7, %dma_wait3A_131] : memref<10240x8xf32, #tpu.memory_space<vmem_shared>> -> memref<128x8xf32, #tpu.memory_space<vmem_shared>>
      tpu.wait_dma2 semaphore(%run_scoped3A : memref<!tpu.dma_semaphore, #tpu.memory_space<semaphore_mem>>) src(%arg21 : memref<128x8xf32, #tpu.memory_space<vmem>>) dst(%dma_wait3A_132 : memref<128x8xf32, #tpu.memory_space<vmem_shared>>)
      tpu.yield
    }) : () -> ()
    %mul3A_8 = arith.constant 640 : i32
    %mul3A_9 = arith.muli %arg1, %mul3A_8 : i32
    %add3A_10 = arith.constant 128 : i32
    %add3A_11 = arith.addi %mul3A_9, %add3A_10 : i32
    "tpu.region"() ({
      %run_scoped3A = tpu.sem_alloc : memref<!tpu.dma_semaphore, #tpu.memory_space<semaphore_mem>>
      %dma_start3A = arith.constant 0 : i32
      %dma_start3A_127 = tpu.memref_slice %arg22[%add3A_11, %dma_start3A] : memref<10240x64xf32, #tpu.memory_space<vmem_shared>> -> memref<128x64xf32, #tpu.memory_space<vmem_shared>>
      %dma_start3A_128 = arith.constant 0 : i32
      %dma_start3A_129 = tpu.memref_slice %arg22[%add3A_11, %dma_start3A_128] : memref<10240x64xf32, #tpu.memory_space<vmem_shared>> -> memref<128x64xf32, #tpu.memory_space<vmem_shared>>
      tpu.enqueue_dma source(%arg20 : memref<128x64xf32, #tpu.memory_space<vmem>>) target(%dma_start3A_129 : memref<128x64xf32, #tpu.memory_space<vmem_shared>>) target_semaphore(%run_scoped3A : memref<!tpu.dma_semaphore, #tpu.memory_space<semaphore_mem>>)
      %dma_wait3A = arith.constant 0 : i32
      %dma_wait3A_130 = tpu.memref_slice %arg22[%add3A_11, %dma_wait3A] : memref<10240x64xf32, #tpu.memory_space<vmem_shared>> -> memref<128x64xf32, #tpu.memory_space<vmem_shared>>
      %dma_wait3A_131 = arith.constant 0 : i32
      %dma_wait3A_132 = tpu.memref_slice %arg22[%add3A_11, %dma_wait3A_131] : memref<10240x64xf32, #tpu.memory_space<vmem_shared>> -> memref<128x64xf32, #tpu.memory_space<vmem_shared>>
      tpu.wait_dma2 semaphore(%run_scoped3A : memref<!tpu.dma_semaphore, #tpu.memory_space<semaphore_mem>>) src(%arg20 : memref<128x64xf32, #tpu.memory_space<vmem>>) dst(%dma_wait3A_132 : memref<128x64xf32, #tpu.memory_space<vmem_shared>>)
      tpu.yield
    }) : () -> ()
    %mul3A_12 = arith.constant 640 : i32
    %mul3A_13 = arith.muli %arg1, %mul3A_12 : i32
    %add3A_14 = arith.constant 128 : i32
    %add3A_15 = arith.addi %mul3A_13, %add3A_14 : i32
    "tpu.region"() ({
      %run_scoped3A = tpu.sem_alloc : memref<!tpu.dma_semaphore, #tpu.memory_space<semaphore_mem>>
      %dma_start3A = arith.constant 0 : i32
      %dma_start3A_127 = tpu.memref_slice %arg23[%add3A_15, %dma_start3A] : memref<10240x8xf32, #tpu.memory_space<vmem_shared>> -> memref<128x8xf32, #tpu.memory_space<vmem_shared>>
      %dma_start3A_128 = arith.constant 0 : i32
      %dma_start3A_129 = tpu.memref_slice %arg23[%add3A_15, %dma_start3A_128] : memref<10240x8xf32, #tpu.memory_space<vmem_shared>> -> memref<128x8xf32, #tpu.memory_space<vmem_shared>>
      tpu.enqueue_dma source(%arg21 : memref<128x8xf32, #tpu.memory_space<vmem>>) target(%dma_start3A_129 : memref<128x8xf32, #tpu.memory_space<vmem_shared>>) target_semaphore(%run_scoped3A : memref<!tpu.dma_semaphore, #tpu.memory_space<semaphore_mem>>)
      %dma_wait3A = arith.constant 0 : i32
      %dma_wait3A_130 = tpu.memref_slice %arg23[%add3A_15, %dma_wait3A] : memref<10240x8xf32, #tpu.memory_space<vmem_shared>> -> memref<128x8xf32, #tpu.memory_space<vmem_shared>>
      %dma_wait3A_131 = arith.constant 0 : i32
      %dma_wait3A_132 = tpu.memref_slice %arg23[%add3A_15, %dma_wait3A_131] : memref<10240x8xf32, #tpu.memory_space<vmem_shared>> -> memref<128x8xf32, #tpu.memory_space<vmem_shared>>
      tpu.wait_dma2 semaphore(%run_scoped3A : memref<!tpu.dma_semaphore, #tpu.memory_space<semaphore_mem>>) src(%arg21 : memref<128x8xf32, #tpu.memory_space<vmem>>) dst(%dma_wait3A_132 : memref<128x8xf32, #tpu.memory_space<vmem_shared>>)
      tpu.yield
    }) : () -> ()
    %mul3A_16 = arith.constant 640 : i32
    %mul3A_17 = arith.muli %arg1, %mul3A_16 : i32
    %add3A_18 = arith.constant 256 : i32
    %add3A_19 = arith.addi %mul3A_17, %add3A_18 : i32
    "tpu.region"() ({
      %run_scoped3A = tpu.sem_alloc : memref<!tpu.dma_semaphore, #tpu.memory_space<semaphore_mem>>
      %dma_start3A = arith.constant 0 : i32
      %dma_start3A_127 = tpu.memref_slice %arg22[%add3A_19, %dma_start3A] : memref<10240x64xf32, #tpu.memory_space<vmem_shared>> -> memref<128x64xf32, #tpu.memory_space<vmem_shared>>
      %dma_start3A_128 = arith.constant 0 : i32
      %dma_start3A_129 = tpu.memref_slice %arg22[%add3A_19, %dma_start3A_128] : memref<10240x64xf32, #tpu.memory_space<vmem_shared>> -> memref<128x64xf32, #tpu.memory_space<vmem_shared>>
      tpu.enqueue_dma source(%arg20 : memref<128x64xf32, #tpu.memory_space<vmem>>) target(%dma_start3A_129 : memref<128x64xf32, #tpu.memory_space<vmem_shared>>) target_semaphore(%run_scoped3A : memref<!tpu.dma_semaphore, #tpu.memory_space<semaphore_mem>>)
      %dma_wait3A = arith.constant 0 : i32
      %dma_wait3A_130 = tpu.memref_slice %arg22[%add3A_19, %dma_wait3A] : memref<10240x64xf32, #tpu.memory_space<vmem_shared>> -> memref<128x64xf32, #tpu.memory_space<vmem_shared>>
      %dma_wait3A_131 = arith.constant 0 : i32
      %dma_wait3A_132 = tpu.memref_slice %arg22[%add3A_19, %dma_wait3A_131] : memref<10240x64xf32, #tpu.memory_space<vmem_shared>> -> memref<128x64xf32, #tpu.memory_space<vmem_shared>>
      tpu.wait_dma2 semaphore(%run_scoped3A : memref<!tpu.dma_semaphore, #tpu.memory_space<semaphore_mem>>) src(%arg20 : memref<128x64xf32, #tpu.memory_space<vmem>>) dst(%dma_wait3A_132 : memref<128x64xf32, #tpu.memory_space<vmem_shared>>)
      tpu.yield
    }) : () -> ()
    %mul3A_20 = arith.constant 640 : i32
    %mul3A_21 = arith.muli %arg1, %mul3A_20 : i32
    %add3A_22 = arith.constant 256 : i32
    %add3A_23 = arith.addi %mul3A_21, %add3A_22 : i32
    "tpu.region"() ({
      %run_scoped3A = tpu.sem_alloc : memref<!tpu.dma_semaphore, #tpu.memory_space<semaphore_mem>>
      %dma_start3A = arith.constant 0 : i32
      %dma_start3A_127 = tpu.memref_slice %arg23[%add3A_23, %dma_start3A] : memref<10240x8xf32, #tpu.memory_space<vmem_shared>> -> memref<128x8xf32, #tpu.memory_space<vmem_shared>>
      %dma_start3A_128 = arith.constant 0 : i32
      %dma_start3A_129 = tpu.memref_slice %arg23[%add3A_23, %dma_start3A_128] : memref<10240x8xf32, #tpu.memory_space<vmem_shared>> -> memref<128x8xf32, #tpu.memory_space<vmem_shared>>
      tpu.enqueue_dma source(%arg21 : memref<128x8xf32, #tpu.memory_space<vmem>>) target(%dma_start3A_129 : memref<128x8xf32, #tpu.memory_space<vmem_shared>>) target_semaphore(%run_scoped3A : memref<!tpu.dma_semaphore, #tpu.memory_space<semaphore_mem>>)
      %dma_wait3A = arith.constant 0 : i32
      %dma_wait3A_130 = tpu.memref_slice %arg23[%add3A_23, %dma_wait3A] : memref<10240x8xf32, #tpu.memory_space<vmem_shared>> -> memref<128x8xf32, #tpu.memory_space<vmem_shared>>
      %dma_wait3A_131 = arith.constant 0 : i32
      %dma_wait3A_132 = tpu.memref_slice %arg23[%add3A_23, %dma_wait3A_131] : memref<10240x8xf32, #tpu.memory_space<vmem_shared>> -> memref<128x8xf32, #tpu.memory_space<vmem_shared>>
      tpu.wait_dma2 semaphore(%run_scoped3A : memref<!tpu.dma_semaphore, #tpu.memory_space<semaphore_mem>>) src(%arg21 : memref<128x8xf32, #tpu.memory_space<vmem>>) dst(%dma_wait3A_132 : memref<128x8xf32, #tpu.memory_space<vmem_shared>>)
      tpu.yield
    }) : () -> ()
    %mul3A_24 = arith.constant 640 : i32
    %mul3A_25 = arith.muli %arg1, %mul3A_24 : i32
    %add3A_26 = arith.constant 384 : i32
    %add3A_27 = arith.addi %mul3A_25, %add3A_26 : i32
    "tpu.region"() ({
      %run_scoped3A = tpu.sem_alloc : memref<!tpu.dma_semaphore, #tpu.memory_space<semaphore_mem>>
      %dma_start3A = arith.constant 0 : i32
      %dma_start3A_127 = tpu.memref_slice %arg22[%add3A_27, %dma_start3A] : memref<10240x64xf32, #tpu.memory_space<vmem_shared>> -> memref<128x64xf32, #tpu.memory_space<vmem_shared>>
      %dma_start3A_128 = arith.constant 0 : i32
      %dma_start3A_129 = tpu.memref_slice %arg22[%add3A_27, %dma_start3A_128] : memref<10240x64xf32, #tpu.memory_space<vmem_shared>> -> memref<128x64xf32, #tpu.memory_space<vmem_shared>>
      tpu.enqueue_dma source(%arg20 : memref<128x64xf32, #tpu.memory_space<vmem>>) target(%dma_start3A_129 : memref<128x64xf32, #tpu.memory_space<vmem_shared>>) target_semaphore(%run_scoped3A : memref<!tpu.dma_semaphore, #tpu.memory_space<semaphore_mem>>)
      %dma_wait3A = arith.constant 0 : i32
      %dma_wait3A_130 = tpu.memref_slice %arg22[%add3A_27, %dma_wait3A] : memref<10240x64xf32, #tpu.memory_space<vmem_shared>> -> memref<128x64xf32, #tpu.memory_space<vmem_shared>>
      %dma_wait3A_131 = arith.constant 0 : i32
      %dma_wait3A_132 = tpu.memref_slice %arg22[%add3A_27, %dma_wait3A_131] : memref<10240x64xf32, #tpu.memory_space<vmem_shared>> -> memref<128x64xf32, #tpu.memory_space<vmem_shared>>
      tpu.wait_dma2 semaphore(%run_scoped3A : memref<!tpu.dma_semaphore, #tpu.memory_space<semaphore_mem>>) src(%arg20 : memref<128x64xf32, #tpu.memory_space<vmem>>) dst(%dma_wait3A_132 : memref<128x64xf32, #tpu.memory_space<vmem_shared>>)
      tpu.yield
    }) : () -> ()
    %mul3A_28 = arith.constant 640 : i32
    %mul3A_29 = arith.muli %arg1, %mul3A_28 : i32
    %add3A_30 = arith.constant 384 : i32
    %add3A_31 = arith.addi %mul3A_29, %add3A_30 : i32
    "tpu.region"() ({
      %run_scoped3A = tpu.sem_alloc : memref<!tpu.dma_semaphore, #tpu.memory_space<semaphore_mem>>
      %dma_start3A = arith.constant 0 : i32
      %dma_start3A_127 = tpu.memref_slice %arg23[%add3A_31, %dma_start3A] : memref<10240x8xf32, #tpu.memory_space<vmem_shared>> -> memref<128x8xf32, #tpu.memory_space<vmem_shared>>
      %dma_start3A_128 = arith.constant 0 : i32
      %dma_start3A_129 = tpu.memref_slice %arg23[%add3A_31, %dma_start3A_128] : memref<10240x8xf32, #tpu.memory_space<vmem_shared>> -> memref<128x8xf32, #tpu.memory_space<vmem_shared>>
      tpu.enqueue_dma source(%arg21 : memref<128x8xf32, #tpu.memory_space<vmem>>) target(%dma_start3A_129 : memref<128x8xf32, #tpu.memory_space<vmem_shared>>) target_semaphore(%run_scoped3A : memref<!tpu.dma_semaphore, #tpu.memory_space<semaphore_mem>>)
      %dma_wait3A = arith.constant 0 : i32
      %dma_wait3A_130 = tpu.memref_slice %arg23[%add3A_31, %dma_wait3A] : memref<10240x8xf32, #tpu.memory_space<vmem_shared>> -> memref<128x8xf32, #tpu.memory_space<vmem_shared>>
      %dma_wait3A_131 = arith.constant 0 : i32
      %dma_wait3A_132 = tpu.memref_slice %arg23[%add3A_31, %dma_wait3A_131] : memref<10240x8xf32, #tpu.memory_space<vmem_shared>> -> memref<128x8xf32, #tpu.memory_space<vmem_shared>>
      tpu.wait_dma2 semaphore(%run_scoped3A : memref<!tpu.dma_semaphore, #tpu.memory_space<semaphore_mem>>) src(%arg21 : memref<128x8xf32, #tpu.memory_space<vmem>>) dst(%dma_wait3A_132 : memref<128x8xf32, #tpu.memory_space<vmem_shared>>)
      tpu.yield
    }) : () -> ()
    %mul3A_32 = arith.constant 640 : i32
    %mul3A_33 = arith.muli %arg1, %mul3A_32 : i32
    %add3A_34 = arith.constant 512 : i32
    %add3A_35 = arith.addi %mul3A_33, %add3A_34 : i32
    "tpu.region"() ({
      %run_scoped3A = tpu.sem_alloc : memref<!tpu.dma_semaphore, #tpu.memory_space<semaphore_mem>>
      %dma_start3A = arith.constant 0 : i32
      %dma_start3A_127 = tpu.memref_slice %arg22[%add3A_35, %dma_start3A] : memref<10240x64xf32, #tpu.memory_space<vmem_shared>> -> memref<128x64xf32, #tpu.memory_space<vmem_shared>>
      %dma_start3A_128 = arith.constant 0 : i32
      %dma_start3A_129 = tpu.memref_slice %arg22[%add3A_35, %dma_start3A_128] : memref<10240x64xf32, #tpu.memory_space<vmem_shared>> -> memref<128x64xf32, #tpu.memory_space<vmem_shared>>
      tpu.enqueue_dma source(%arg20 : memref<128x64xf32, #tpu.memory_space<vmem>>) target(%dma_start3A_129 : memref<128x64xf32, #tpu.memory_space<vmem_shared>>) target_semaphore(%run_scoped3A : memref<!tpu.dma_semaphore, #tpu.memory_space<semaphore_mem>>)
      %dma_wait3A = arith.constant 0 : i32
      %dma_wait3A_130 = tpu.memref_slice %arg22[%add3A_35, %dma_wait3A] : memref<10240x64xf32, #tpu.memory_space<vmem_shared>> -> memref<128x64xf32, #tpu.memory_space<vmem_shared>>
      %dma_wait3A_131 = arith.constant 0 : i32
      %dma_wait3A_132 = tpu.memref_slice %arg22[%add3A_35, %dma_wait3A_131] : memref<10240x64xf32, #tpu.memory_space<vmem_shared>> -> memref<128x64xf32, #tpu.memory_space<vmem_shared>>
      tpu.wait_dma2 semaphore(%run_scoped3A : memref<!tpu.dma_semaphore, #tpu.memory_space<semaphore_mem>>) src(%arg20 : memref<128x64xf32, #tpu.memory_space<vmem>>) dst(%dma_wait3A_132 : memref<128x64xf32, #tpu.memory_space<vmem_shared>>)
      tpu.yield
    }) : () -> ()
    %mul3A_36 = arith.constant 640 : i32
    %mul3A_37 = arith.muli %arg1, %mul3A_36 : i32
    %add3A_38 = arith.constant 512 : i32
    %add3A_39 = arith.addi %mul3A_37, %add3A_38 : i32
    "tpu.region"() ({
      %run_scoped3A = tpu.sem_alloc : memref<!tpu.dma_semaphore, #tpu.memory_space<semaphore_mem>>
      %dma_start3A = arith.constant 0 : i32
      %dma_start3A_127 = tpu.memref_slice %arg23[%add3A_39, %dma_start3A] : memref<10240x8xf32, #tpu.memory_space<vmem_shared>> -> memref<128x8xf32, #tpu.memory_space<vmem_shared>>
      %dma_start3A_128 = arith.constant 0 : i32
      %dma_start3A_129 = tpu.memref_slice %arg23[%add3A_39, %dma_start3A_128] : memref<10240x8xf32, #tpu.memory_space<vmem_shared>> -> memref<128x8xf32, #tpu.memory_space<vmem_shared>>
      tpu.enqueue_dma source(%arg21 : memref<128x8xf32, #tpu.memory_space<vmem>>) target(%dma_start3A_129 : memref<128x8xf32, #tpu.memory_space<vmem_shared>>) target_semaphore(%run_scoped3A : memref<!tpu.dma_semaphore, #tpu.memory_space<semaphore_mem>>)
      %dma_wait3A = arith.constant 0 : i32
      %dma_wait3A_130 = tpu.memref_slice %arg23[%add3A_39, %dma_wait3A] : memref<10240x8xf32, #tpu.memory_space<vmem_shared>> -> memref<128x8xf32, #tpu.memory_space<vmem_shared>>
      %dma_wait3A_131 = arith.constant 0 : i32
      %dma_wait3A_132 = tpu.memref_slice %arg23[%add3A_39, %dma_wait3A_131] : memref<10240x8xf32, #tpu.memory_space<vmem_shared>> -> memref<128x8xf32, #tpu.memory_space<vmem_shared>>
      tpu.wait_dma2 semaphore(%run_scoped3A : memref<!tpu.dma_semaphore, #tpu.memory_space<semaphore_mem>>) src(%arg21 : memref<128x8xf32, #tpu.memory_space<vmem>>) dst(%dma_wait3A_132 : memref<128x8xf32, #tpu.memory_space<vmem_shared>>)
      tpu.yield
    }) : () -> ()
    "tpu.region"() ({
      %run_scoped3A = tpu.sem_alloc : memref<!tpu.dma_semaphore, #tpu.memory_space<semaphore_mem>>
      %dma_start3A = arith.constant 0 : i32
      %dma_start3A_127 = arith.constant 0 : i32
      %dma_start3A_128 = tpu.memref_slice %arg8[%dma_start3A, %dma_start3A_127] : memref<128x8xf32, #tpu.memory_space<hbm>> -> memref<80x8xf32, #tpu.memory_space<hbm>>
      %dma_start3A_129 = arith.constant 0 : i32
      %dma_start3A_130 = arith.constant 0 : i32
      %dma_start3A_131 = tpu.memref_slice %arg8[%dma_start3A_129, %dma_start3A_130] : memref<128x8xf32, #tpu.memory_space<hbm>> -> memref<80x8xf32, #tpu.memory_space<hbm>>
      tpu.enqueue_dma source(%dma_start3A_131 : memref<80x8xf32, #tpu.memory_space<hbm>>) target(%arg17 : memref<80x8xf32, #tpu.memory_space<vmem>>) target_semaphore(%run_scoped3A : memref<!tpu.dma_semaphore, #tpu.memory_space<semaphore_mem>>)
      %dma_wait3A = arith.constant 0 : i32
      %dma_wait3A_132 = arith.constant 0 : i32
      %dma_wait3A_133 = tpu.memref_slice %arg8[%dma_wait3A, %dma_wait3A_132] : memref<128x8xf32, #tpu.memory_space<hbm>> -> memref<80x8xf32, #tpu.memory_space<hbm>>
      %dma_wait3A_134 = arith.constant 0 : i32
      %dma_wait3A_135 = arith.constant 0 : i32
      %dma_wait3A_136 = tpu.memref_slice %arg8[%dma_wait3A_134, %dma_wait3A_135] : memref<128x8xf32, #tpu.memory_space<hbm>> -> memref<80x8xf32, #tpu.memory_space<hbm>>
      tpu.wait_dma2 semaphore(%run_scoped3A : memref<!tpu.dma_semaphore, #tpu.memory_space<semaphore_mem>>) src(%dma_wait3A_136 : memref<80x8xf32, #tpu.memory_space<hbm>>) dst(%arg17 : memref<80x8xf32, #tpu.memory_space<vmem>>)
      tpu.yield
    }) : () -> ()
    %barrier3A = arith.constant 0 : index
    tpu.barrier barrier_id(%barrier3A)
    %broadcast_in_dim3A = arith.constant 0 : i32
    %broadcast_in_dim3A_40 = vector.broadcast %broadcast_in_dim3A : i32 to vector<16xi32>
    %scan3A = arith.constant 0 : i32
    %scan3A_41 = arith.constant 0 : i32
    %scan3A_42 = arith.constant 250 : i32
    %scan3A_43 = arith.addi %scan3A_41, %scan3A_42 : i32
    %scan3A_44 = arith.constant 1 : i32
    scf.for %scan3A_127 = %scan3A_41 to %scan3A_43 step %scan3A_44  : i32 {
      %mul3A_128 = arith.constant 80 : i32
      %mul3A_129 = arith.muli %scan3A_127, %mul3A_128 : i32
      %add3A_130 = arith.addi %mul3A_0, %mul3A_129 : i32
      "tpu.region"() ({
        %run_scoped3A = tpu.sem_alloc : memref<!tpu.dma_semaphore, #tpu.memory_space<semaphore_mem>>
        %dma_start3A_239 = tpu.memref_slice %arg2[%add3A_130] : memref<320000xi32, #tpu.memory_space<hbm>> -> memref<80xi32, #tpu.memory_space<hbm>>
        %dma_start3A_240 = tpu.memref_slice %arg2[%add3A_130] : memref<320000xi32, #tpu.memory_space<hbm>> -> memref<80xi32, #tpu.memory_space<hbm>>
        tpu.enqueue_dma source(%dma_start3A_240 : memref<80xi32, #tpu.memory_space<hbm>>) target(%arg14 : memref<80xi32, #tpu.memory_space<vmem>>) target_semaphore(%run_scoped3A : memref<!tpu.dma_semaphore, #tpu.memory_space<semaphore_mem>>)
        %dma_wait3A_241 = tpu.memref_slice %arg2[%add3A_130] : memref<320000xi32, #tpu.memory_space<hbm>> -> memref<80xi32, #tpu.memory_space<hbm>>
        %dma_wait3A_242 = tpu.memref_slice %arg2[%add3A_130] : memref<320000xi32, #tpu.memory_space<hbm>> -> memref<80xi32, #tpu.memory_space<hbm>>
        tpu.wait_dma2 semaphore(%run_scoped3A : memref<!tpu.dma_semaphore, #tpu.memory_space<semaphore_mem>>) src(%dma_wait3A_242 : memref<80xi32, #tpu.memory_space<hbm>>) dst(%arg14 : memref<80xi32, #tpu.memory_space<vmem>>)
        tpu.yield
      }) : () -> ()
      "tpu.region"() ({
        %run_scoped3A = tpu.sem_alloc : memref<!tpu.dma_semaphore, #tpu.memory_space<semaphore_mem>>
        %dma_start3A_239 = tpu.memref_slice %arg3[%add3A_130] : memref<320000xi32, #tpu.memory_space<hbm>> -> memref<80xi32, #tpu.memory_space<hbm>>
        %dma_start3A_240 = tpu.memref_slice %arg3[%add3A_130] : memref<320000xi32, #tpu.memory_space<hbm>> -> memref<80xi32, #tpu.memory_space<hbm>>
        tpu.enqueue_dma source(%dma_start3A_240 : memref<80xi32, #tpu.memory_space<hbm>>) target(%arg15 : memref<80xi32, #tpu.memory_space<vmem>>) target_semaphore(%run_scoped3A : memref<!tpu.dma_semaphore, #tpu.memory_space<semaphore_mem>>)
        %dma_wait3A_241 = tpu.memref_slice %arg3[%add3A_130] : memref<320000xi32, #tpu.memory_space<hbm>> -> memref<80xi32, #tpu.memory_space<hbm>>
        %dma_wait3A_242 = tpu.memref_slice %arg3[%add3A_130] : memref<320000xi32, #tpu.memory_space<hbm>> -> memref<80xi32, #tpu.memory_space<hbm>>
        tpu.wait_dma2 semaphore(%run_scoped3A : memref<!tpu.dma_semaphore, #tpu.memory_space<semaphore_mem>>) src(%dma_wait3A_242 : memref<80xi32, #tpu.memory_space<hbm>>) dst(%arg15 : memref<80xi32, #tpu.memory_space<vmem>>)
        tpu.yield
      }) : () -> ()
      %get3A = arith.constant 0 : index
      %get3A_131 = tpu.vector_load %arg14[%get3A] {strides = array<i32>} : memref<80xi32, #tpu.memory_space<vmem>>, vector<16xi32>,
      %get3A_132 = arith.constant 0 : index
      %get3A_133 = tpu.vector_load %arg15[%get3A_132] {strides = array<i32>} : memref<80xi32, #tpu.memory_space<vmem>>, vector<16xi32>,
      %gather3A = tpu.vector_load_idx %arg12[%get3A_131] : memref<10000xf32, #tpu.memory_space<vmem>>[vector<16xi32>], vector<16xf32>,
      %gather3A_134 = tpu.vector_load_idx %arg13[%get3A_133] : memref<10000xf32, #tpu.memory_space<vmem>>[vector<16xi32>], vector<16xf32>,
      %add3A_135 = arith.addf %gather3A, %gather3A_134 : vector<16xf32>
      %ge3A = arith.constant 0.000000e+00 : f32
      %ge3A_136 = vector.broadcast %ge3A : f32 to vector<16xf32>
      %ge3A_137 = arith.cmpf oge, %add3A_135, %ge3A_136 : vector<16xf32>
      %mul3A_138 = arith.constant 2.000000e-01 : f32
      %mul3A_139 = vector.broadcast %mul3A_138 : f32 to vector<16xf32>
      %mul3A_140 = arith.mulf %mul3A_139, %add3A_135 : vector<16xf32>
      %select_n3A = arith.select %ge3A_137, %add3A_135, %mul3A_140 : vector<16xi1>, vector<16xf32>
      %exp3A = math.exp %select_n3A : vector<16xf32>
      %swap3A = arith.constant 0 : index
      %swap3A_141 = tpu.vector_load %arg16[%swap3A] {strides = array<i32>} : memref<80xf32, #tpu.memory_space<vmem>>, vector<16xf32>,
      tpu.vector_store %arg16[%swap3A], %exp3A {strides = array<i32>} : memref<80xf32, #tpu.memory_space<vmem>>, vector<16xf32>,
      %iota3A = tpu.iota {dimensions = array<i32: 0>} : vector<16xi32>
      %add3A_142 = arith.constant 0 : i32
      %add3A_143 = vector.broadcast %add3A_142 : i32 to vector<16xi32>
      %add3A_144 = arith.addi %iota3A, %add3A_143 : vector<16xi32>
      tpu.vector_store_idx %arg17[%add3A_144, %broadcast_in_dim3A_40], %exp3A : memref<80x8xf32, #tpu.memory_space<vmem>>[vector<16xi32>, vector<16xi32>], vector<16xf32>,
      %get3A_145 = arith.constant 16 : index
      %get3A_146 = tpu.vector_load %arg14[%get3A_145] {strides = array<i32>} : memref<80xi32, #tpu.memory_space<vmem>>, vector<16xi32>,
      %get3A_147 = arith.constant 16 : index
      %get3A_148 = tpu.vector_load %arg15[%get3A_147] {strides = array<i32>} : memref<80xi32, #tpu.memory_space<vmem>>, vector<16xi32>,
      %gather3A_149 = tpu.vector_load_idx %arg12[%get3A_146] : memref<10000xf32, #tpu.memory_space<vmem>>[vector<16xi32>], vector<16xf32>,
      %gather3A_150 = tpu.vector_load_idx %arg13[%get3A_148] : memref<10000xf32, #tpu.memory_space<vmem>>[vector<16xi32>], vector<16xf32>,
      %add3A_151 = arith.addf %gather3A_149, %gather3A_150 : vector<16xf32>
      %ge3A_152 = arith.constant 0.000000e+00 : f32
      %ge3A_153 = vector.broadcast %ge3A_152 : f32 to vector<16xf32>
      %ge3A_154 = arith.cmpf oge, %add3A_151, %ge3A_153 : vector<16xf32>
      %mul3A_155 = arith.constant 2.000000e-01 : f32
      %mul3A_156 = vector.broadcast %mul3A_155 : f32 to vector<16xf32>
      %mul3A_157 = arith.mulf %mul3A_156, %add3A_151 : vector<16xf32>
      %select_n3A_158 = arith.select %ge3A_154, %add3A_151, %mul3A_157 : vector<16xi1>, vector<16xf32>
      %exp3A_159 = math.exp %select_n3A_158 : vector<16xf32>
      %swap3A_160 = arith.constant 16 : index
      %swap3A_161 = tpu.vector_load %arg16[%swap3A_160] {strides = array<i32>} : memref<80xf32, #tpu.memory_space<vmem>>, vector<16xf32>,
      tpu.vector_store %arg16[%swap3A_160], %exp3A_159 {strides = array<i32>} : memref<80xf32, #tpu.memory_space<vmem>>, vector<16xf32>,
      %iota3A_162 = tpu.iota {dimensions = array<i32: 0>} : vector<16xi32>
      %add3A_163 = arith.constant 16 : i32
      %add3A_164 = vector.broadcast %add3A_163 : i32 to vector<16xi32>
      %add3A_165 = arith.addi %iota3A_162, %add3A_164 : vector<16xi32>
      tpu.vector_store_idx %arg17[%add3A_165, %broadcast_in_dim3A_40], %exp3A_159 : memref<80x8xf32, #tpu.memory_space<vmem>>[vector<16xi32>, vector<16xi32>], vector<16xf32>,
      %get3A_166 = arith.constant 32 : index
      %get3A_167 = tpu.vector_load %arg14[%get3A_166] {strides = array<i32>} : memref<80xi32, #tpu.memory_space<vmem>>, vector<16xi32>,
      %get3A_168 = arith.constant 32 : index
      %get3A_169 = tpu.vector_load %arg15[%get3A_168] {strides = array<i32>} : memref<80xi32, #tpu.memory_space<vmem>>, vector<16xi32>,
      %gather3A_170 = tpu.vector_load_idx %arg12[%get3A_167] : memref<10000xf32, #tpu.memory_space<vmem>>[vector<16xi32>], vector<16xf32>,
      %gather3A_171 = tpu.vector_load_idx %arg13[%get3A_169] : memref<10000xf32, #tpu.memory_space<vmem>>[vector<16xi32>], vector<16xf32>,
      %add3A_172 = arith.addf %gather3A_170, %gather3A_171 : vector<16xf32>
      %ge3A_173 = arith.constant 0.000000e+00 : f32
      %ge3A_174 = vector.broadcast %ge3A_173 : f32 to vector<16xf32>
      %ge3A_175 = arith.cmpf oge, %add3A_172, %ge3A_174 : vector<16xf32>
      %mul3A_176 = arith.constant 2.000000e-01 : f32
      %mul3A_177 = vector.broadcast %mul3A_176 : f32 to vector<16xf32>
      %mul3A_178 = arith.mulf %mul3A_177, %add3A_172 : vector<16xf32>
      %select_n3A_179 = arith.select %ge3A_175, %add3A_172, %mul3A_178 : vector<16xi1>, vector<16xf32>
      %exp3A_180 = math.exp %select_n3A_179 : vector<16xf32>
      %swap3A_181 = arith.constant 32 : index
      %swap3A_182 = tpu.vector_load %arg16[%swap3A_181] {strides = array<i32>} : memref<80xf32, #tpu.memory_space<vmem>>, vector<16xf32>,
      tpu.vector_store %arg16[%swap3A_181], %exp3A_180 {strides = array<i32>} : memref<80xf32, #tpu.memory_space<vmem>>, vector<16xf32>,
      %iota3A_183 = tpu.iota {dimensions = array<i32: 0>} : vector<16xi32>
      %add3A_184 = arith.constant 32 : i32
      %add3A_185 = vector.broadcast %add3A_184 : i32 to vector<16xi32>
      %add3A_186 = arith.addi %iota3A_183, %add3A_185 : vector<16xi32>
      tpu.vector_store_idx %arg17[%add3A_186, %broadcast_in_dim3A_40], %exp3A_180 : memref<80x8xf32, #tpu.memory_space<vmem>>[vector<16xi32>, vector<16xi32>], vector<16xf32>,
      %get3A_187 = arith.constant 48 : index
      %get3A_188 = tpu.vector_load %arg14[%get3A_187] {strides = array<i32>} : memref<80xi32, #tpu.memory_space<vmem>>, vector<16xi32>,
      %get3A_189 = arith.constant 48 : index
      %get3A_190 = tpu.vector_load %arg15[%get3A_189] {strides = array<i32>} : memref<80xi32, #tpu.memory_space<vmem>>, vector<16xi32>,
      %gather3A_191 = tpu.vector_load_idx %arg12[%get3A_188] : memref<10000xf32, #tpu.memory_space<vmem>>[vector<16xi32>], vector<16xf32>,
      %gather3A_192 = tpu.vector_load_idx %arg13[%get3A_190] : memref<10000xf32, #tpu.memory_space<vmem>>[vector<16xi32>], vector<16xf32>,
      %add3A_193 = arith.addf %gather3A_191, %gather3A_192 : vector<16xf32>
      %ge3A_194 = arith.constant 0.000000e+00 : f32
      %ge3A_195 = vector.broadcast %ge3A_194 : f32 to vector<16xf32>
      %ge3A_196 = arith.cmpf oge, %add3A_193, %ge3A_195 : vector<16xf32>
      %mul3A_197 = arith.constant 2.000000e-01 : f32
      %mul3A_198 = vector.broadcast %mul3A_197 : f32 to vector<16xf32>
      %mul3A_199 = arith.mulf %mul3A_198, %add3A_193 : vector<16xf32>
      %select_n3A_200 = arith.select %ge3A_196, %add3A_193, %mul3A_199 : vector<16xi1>, vector<16xf32>
      %exp3A_201 = math.exp %select_n3A_200 : vector<16xf32>
      %swap3A_202 = arith.constant 48 : index
      %swap3A_203 = tpu.vector_load %arg16[%swap3A_202] {strides = array<i32>} : memref<80xf32, #tpu.memory_space<vmem>>, vector<16xf32>,
      tpu.vector_store %arg16[%swap3A_202], %exp3A_201 {strides = array<i32>} : memref<80xf32, #tpu.memory_space<vmem>>, vector<16xf32>,
      %iota3A_204 = tpu.iota {dimensions = array<i32: 0>} : vector<16xi32>
      %add3A_205 = arith.constant 48 : i32
      %add3A_206 = vector.broadcast %add3A_205 : i32 to vector<16xi32>
      %add3A_207 = arith.addi %iota3A_204, %add3A_206 : vector<16xi32>
      tpu.vector_store_idx %arg17[%add3A_207, %broadcast_in_dim3A_40], %exp3A_201 : memref<80x8xf32, #tpu.memory_space<vmem>>[vector<16xi32>, vector<16xi32>], vector<16xf32>,
      %get3A_208 = arith.constant 64 : index
      %get3A_209 = tpu.vector_load %arg14[%get3A_208] {strides = array<i32>} : memref<80xi32, #tpu.memory_space<vmem>>, vector<16xi32>,
      %get3A_210 = arith.constant 64 : index
      %get3A_211 = tpu.vector_load %arg15[%get3A_210] {strides = array<i32>} : memref<80xi32, #tpu.memory_space<vmem>>, vector<16xi32>,
      %gather3A_212 = tpu.vector_load_idx %arg12[%get3A_209] : memref<10000xf32, #tpu.memory_space<vmem>>[vector<16xi32>], vector<16xf32>,
      %gather3A_213 = tpu.vector_load_idx %arg13[%get3A_211] : memref<10000xf32, #tpu.memory_space<vmem>>[vector<16xi32>], vector<16xf32>,
      %add3A_214 = arith.addf %gather3A_212, %gather3A_213 : vector<16xf32>
      %ge3A_215 = arith.constant 0.000000e+00 : f32
      %ge3A_216 = vector.broadcast %ge3A_215 : f32 to vector<16xf32>
      %ge3A_217 = arith.cmpf oge, %add3A_214, %ge3A_216 : vector<16xf32>
      %mul3A_218 = arith.constant 2.000000e-01 : f32
      %mul3A_219 = vector.broadcast %mul3A_218 : f32 to vector<16xf32>
      %mul3A_220 = arith.mulf %mul3A_219, %add3A_214 : vector<16xf32>
      %select_n3A_221 = arith.select %ge3A_217, %add3A_214, %mul3A_220 : vector<16xi1>, vector<16xf32>
      %exp3A_222 = math.exp %select_n3A_221 : vector<16xf32>
      %swap3A_223 = arith.constant 64 : index
      %swap3A_224 = tpu.vector_load %arg16[%swap3A_223] {strides = array<i32>} : memref<80xf32, #tpu.memory_space<vmem>>, vector<16xf32>,
      tpu.vector_store %arg16[%swap3A_223], %exp3A_222 {strides = array<i32>} : memref<80xf32, #tpu.memory_space<vmem>>, vector<16xf32>,
      %iota3A_225 = tpu.iota {dimensions = array<i32: 0>} : vector<16xi32>
      %add3A_226 = arith.constant 64 : i32
      %add3A_227 = vector.broadcast %add3A_226 : i32 to vector<16xi32>
      %add3A_228 = arith.addi %iota3A_225, %add3A_227 : vector<16xi32>
      tpu.vector_store_idx %arg17[%add3A_228, %broadcast_in_dim3A_40], %exp3A_222 : memref<80x8xf32, #tpu.memory_space<vmem>>[vector<16xi32>, vector<16xi32>], vector<16xf32>,
      %dma_start3A = arith.constant 0 : i32
      %dma_start3A_229 = arith.constant 0 : i32
      %dma_start3A_230 = tpu.memref_slice %arg6[%dma_start3A, %dma_start3A_229] : memref<10000x128xf32, #tpu.memory_space<hbm>> -> memref<10000x128xf32, #tpu.memory_space<hbm>>
      tpu.enqueue_indirect_dma source(%dma_start3A_230 : memref<10000x128xf32, #tpu.memory_space<hbm>>) target(%arg18 : memref<80x128xf32, #tpu.memory_space<vmem>>) offsets(%arg14 : memref<80xi32, #tpu.memory_space<vmem>>) semaphore(%arg24 : memref<!tpu.dma_semaphore, #tpu.memory_space<semaphore_mem>>)
      %dma_wait3A = arith.constant 0 : i32
      %dma_wait3A_231 = arith.constant 0 : i32
      %dma_wait3A_232 = tpu.memref_slice %arg6[%dma_wait3A, %dma_wait3A_231] : memref<10000x128xf32, #tpu.memory_space<hbm>> -> memref<10000x128xf32, #tpu.memory_space<hbm>>
      tpu.wait_indirect_dma semaphore(%arg24 : memref<!tpu.dma_semaphore, #tpu.memory_space<semaphore_mem>>) src(%dma_wait3A_232 : memref<10000x128xf32, #tpu.memory_space<hbm>>) dst(%arg18 : memref<80x128xf32, #tpu.memory_space<vmem>>)
      %scan3A_233 = arith.constant 0 : i32
      %scan3A_234 = arith.constant 0 : i32
      %scan3A_235 = arith.constant 5 : i32
      %scan3A_236 = arith.addi %scan3A_234, %scan3A_235 : i32
      %scan3A_237 = arith.constant 1 : i32
      scf.for %scan3A_239 = %scan3A_234 to %scan3A_236 step %scan3A_237  : i32 {
        %mul3A_240 = arith.constant 16 : i32
        %mul3A_241 = arith.muli %scan3A_239, %mul3A_240 : i32
        %get3A_242 = arith.index_cast %mul3A_241 : i32 to index
        %get3A_243 = tpu.vector_load %arg16[%get3A_242] {strides = array<i32>} : memref<80xf32, #tpu.memory_space<vmem>>, vector<16xf32>,
        %mul3A_244 = arith.constant 16 : i32
        %mul3A_245 = arith.muli %scan3A_239, %mul3A_244 : i32
        %add3A_246 = arith.constant 0 : i32
        %add3A_247 = arith.addi %mul3A_245, %add3A_246 : i32
        %slice3A = vector.extract_strided_slice %get3A_243 {offsets = [0], sizes = [1], strides = [1]} : vector<16xf32> to vector<1xf32>
        %squeeze3A = vector.extract %slice3A[0] : f32 from vector<1xf32>
        %broadcast_in_dim3A_248 = vector.broadcast %squeeze3A : f32 to vector<16xf32>
        %get3A_249 = arith.index_cast %add3A_247 : i32 to index
        %get3A_250 = arith.constant 0 : index
        %get3A_251 = tpu.vector_load %arg18[%get3A_249, %get3A_250] {strides = array<i32>} : memref<80x128xf32, #tpu.memory_space<vmem>>, vector<16xf32>,
        %mul3A_252 = arith.mulf %get3A_251, %broadcast_in_dim3A_248 : vector<16xf32>
        %swap3A_253 = arith.index_cast %add3A_247 : i32 to index
        %swap3A_254 = arith.constant 0 : index
        %swap3A_255 = tpu.vector_load %arg19[%swap3A_253, %swap3A_254] {strides = array<i32>} : memref<80x64xf32, #tpu.memory_space<vmem>>, vector<16xf32>,
        tpu.vector_store %arg19[%swap3A_253, %swap3A_254], %mul3A_252 {strides = array<i32>} : memref<80x64xf32, #tpu.memory_space<vmem>>, vector<16xf32>,
        %get3A_256 = arith.index_cast %add3A_247 : i32 to index
        %get3A_257 = arith.constant 16 : index
        %get3A_258 = tpu.vector_load %arg18[%get3A_256, %get3A_257] {strides = array<i32>} : memref<80x128xf32, #tpu.memory_space<vmem>>, vector<16xf32>,
        %mul3A_259 = arith.mulf %get3A_258, %broadcast_in_dim3A_248 : vector<16xf32>
        %swap3A_260 = arith.index_cast %add3A_247 : i32 to index
        %swap3A_261 = arith.constant 16 : index
        %swap3A_262 = tpu.vector_load %arg19[%swap3A_260, %swap3A_261] {strides = array<i32>} : memref<80x64xf32, #tpu.memory_space<vmem>>, vector<16xf32>,
        tpu.vector_store %arg19[%swap3A_260, %swap3A_261], %mul3A_259 {strides = array<i32>} : memref<80x64xf32, #tpu.memory_space<vmem>>, vector<16xf32>,
        %get3A_263 = arith.index_cast %add3A_247 : i32 to index
        %get3A_264 = arith.constant 32 : index
        %get3A_265 = tpu.vector_load %arg18[%get3A_263, %get3A_264] {strides = array<i32>} : memref<80x128xf32, #tpu.memory_space<vmem>>, vector<16xf32>,
        %mul3A_266 = arith.mulf %get3A_265, %broadcast_in_dim3A_248 : vector<16xf32>
        %swap3A_267 = arith.index_cast %add3A_247 : i32 to index
        %swap3A_268 = arith.constant 32 : index
        %swap3A_269 = tpu.vector_load %arg19[%swap3A_267, %swap3A_268] {strides = array<i32>} : memref<80x64xf32, #tpu.memory_space<vmem>>, vector<16xf32>,
        tpu.vector_store %arg19[%swap3A_267, %swap3A_268], %mul3A_266 {strides = array<i32>} : memref<80x64xf32, #tpu.memory_space<vmem>>, vector<16xf32>,
        %get3A_270 = arith.index_cast %add3A_247 : i32 to index
        %get3A_271 = arith.constant 48 : index
        %get3A_272 = tpu.vector_load %arg18[%get3A_270, %get3A_271] {strides = array<i32>} : memref<80x128xf32, #tpu.memory_space<vmem>>, vector<16xf32>,
        %mul3A_273 = arith.mulf %get3A_272, %broadcast_in_dim3A_248 : vector<16xf32>
        %swap3A_274 = arith.index_cast %add3A_247 : i32 to index
        %swap3A_275 = arith.constant 48 : index
        %swap3A_276 = tpu.vector_load %arg19[%swap3A_274, %swap3A_275] {strides = array<i32>} : memref<80x64xf32, #tpu.memory_space<vmem>>, vector<16xf32>,
        tpu.vector_store %arg19[%swap3A_274, %swap3A_275], %mul3A_273 {strides = array<i32>} : memref<80x64xf32, #tpu.memory_space<vmem>>, vector<16xf32>,
        %mul3A_277 = arith.constant 16 : i32
        %mul3A_278 = arith.muli %scan3A_239, %mul3A_277 : i32
        %add3A_279 = arith.constant 1 : i32
        %add3A_280 = arith.addi %mul3A_278, %add3A_279 : i32
        %slice3A_281 = vector.extract_strided_slice %get3A_243 {offsets = [1], sizes = [1], strides = [1]} : vector<16xf32> to vector<1xf32>
        %squeeze3A_282 = vector.extract %slice3A_281[0] : f32 from vector<1xf32>
        %broadcast_in_dim3A_283 = vector.broadcast %squeeze3A_282 : f32 to vector<16xf32>
        %get3A_284 = arith.index_cast %add3A_280 : i32 to index
        %get3A_285 = arith.constant 0 : index
        %get3A_286 = tpu.vector_load %arg18[%get3A_284, %get3A_285] {strides = array<i32>} : memref<80x128xf32, #tpu.memory_space<vmem>>, vector<16xf32>,
        %mul3A_287 = arith.mulf %get3A_286, %broadcast_in_dim3A_283 : vector<16xf32>
        %swap3A_288 = arith.index_cast %add3A_280 : i32 to index
        %swap3A_289 = arith.constant 0 : index
        %swap3A_290 = tpu.vector_load %arg19[%swap3A_288, %swap3A_289] {strides = array<i32>} : memref<80x64xf32, #tpu.memory_space<vmem>>, vector<16xf32>,
        tpu.vector_store %arg19[%swap3A_288, %swap3A_289], %mul3A_287 {strides = array<i32>} : memref<80x64xf32, #tpu.memory_space<vmem>>, vector<16xf32>,
        %get3A_291 = arith.index_cast %add3A_280 : i32 to index
        %get3A_292 = arith.constant 16 : index
        %get3A_293 = tpu.vector_load %arg18[%get3A_291, %get3A_292] {strides = array<i32>} : memref<80x128xf32, #tpu.memory_space<vmem>>, vector<16xf32>,
        %mul3A_294 = arith.mulf %get3A_293, %broadcast_in_dim3A_283 : vector<16xf32>
        %swap3A_295 = arith.index_cast %add3A_280 : i32 to index
        %swap3A_296 = arith.constant 16 : index
        %swap3A_297 = tpu.vector_load %arg19[%swap3A_295, %swap3A_296] {strides = array<i32>} : memref<80x64xf32, #tpu.memory_space<vmem>>, vector<16xf32>,
        tpu.vector_store %arg19[%swap3A_295, %swap3A_296], %mul3A_294 {strides = array<i32>} : memref<80x64xf32, #tpu.memory_space<vmem>>, vector<16xf32>,
        %get3A_298 = arith.index_cast %add3A_280 : i32 to index
        %get3A_299 = arith.constant 32 : index
        %get3A_300 = tpu.vector_load %arg18[%get3A_298, %get3A_299] {strides = array<i32>} : memref<80x128xf32, #tpu.memory_space<vmem>>, vector<16xf32>,
        %mul3A_301 = arith.mulf %get3A_300, %broadcast_in_dim3A_283 : vector<16xf32>
        %swap3A_302 = arith.index_cast %add3A_280 : i32 to index
        %swap3A_303 = arith.constant 32 : index
        %swap3A_304 = tpu.vector_load %arg19[%swap3A_302, %swap3A_303] {strides = array<i32>} : memref<80x64xf32, #tpu.memory_space<vmem>>, vector<16xf32>,
        tpu.vector_store %arg19[%swap3A_302, %swap3A_303], %mul3A_301 {strides = array<i32>} : memref<80x64xf32, #tpu.memory_space<vmem>>, vector<16xf32>,
        %get3A_305 = arith.index_cast %add3A_280 : i32 to index
        %get3A_306 = arith.constant 48 : index
        %get3A_307 = tpu.vector_load %arg18[%get3A_305, %get3A_306] {strides = array<i32>} : memref<80x128xf32, #tpu.memory_space<vmem>>, vector<16xf32>,
        %mul3A_308 = arith.mulf %get3A_307, %broadcast_in_dim3A_283 : vector<16xf32>
        %swap3A_309 = arith.index_cast %add3A_280 : i32 to index
        %swap3A_310 = arith.constant 48 : index
        %swap3A_311 = tpu.vector_load %arg19[%swap3A_309, %swap3A_310] {strides = array<i32>} : memref<80x64xf32, #tpu.memory_space<vmem>>, vector<16xf32>,
        tpu.vector_store %arg19[%swap3A_309, %swap3A_310], %mul3A_308 {strides = array<i32>} : memref<80x64xf32, #tpu.memory_space<vmem>>, vector<16xf32>,
        %mul3A_312 = arith.constant 16 : i32
        %mul3A_313 = arith.muli %scan3A_239, %mul3A_312 : i32
        %add3A_314 = arith.constant 2 : i32
        %add3A_315 = arith.addi %mul3A_313, %add3A_314 : i32
        %slice3A_316 = vector.extract_strided_slice %get3A_243 {offsets = [2], sizes = [1], strides = [1]} : vector<16xf32> to vector<1xf32>
        %squeeze3A_317 = vector.extract %slice3A_316[0] : f32 from vector<1xf32>
        %broadcast_in_dim3A_318 = vector.broadcast %squeeze3A_317 : f32 to vector<16xf32>
        %get3A_319 = arith.index_cast %add3A_315 : i32 to index
        %get3A_320 = arith.constant 0 : index
        %get3A_321 = tpu.vector_load %arg18[%get3A_319, %get3A_320] {strides = array<i32>} : memref<80x128xf32, #tpu.memory_space<vmem>>, vector<16xf32>,
        %mul3A_322 = arith.mulf %get3A_321, %broadcast_in_dim3A_318 : vector<16xf32>
        %swap3A_323 = arith.index_cast %add3A_315 : i32 to index
        %swap3A_324 = arith.constant 0 : index
        %swap3A_325 = tpu.vector_load %arg19[%swap3A_323, %swap3A_324] {strides = array<i32>} : memref<80x64xf32, #tpu.memory_space<vmem>>, vector<16xf32>,
        tpu.vector_store %arg19[%swap3A_323, %swap3A_324], %mul3A_322 {strides = array<i32>} : memref<80x64xf32, #tpu.memory_space<vmem>>, vector<16xf32>,
        %get3A_326 = arith.index_cast %add3A_315 : i32 to index
        %get3A_327 = arith.constant 16 : index
        %get3A_328 = tpu.vector_load %arg18[%get3A_326, %get3A_327] {strides = array<i32>} : memref<80x128xf32, #tpu.memory_space<vmem>>, vector<16xf32>,
        %mul3A_329 = arith.mulf %get3A_328, %broadcast_in_dim3A_318 : vector<16xf32>
        %swap3A_330 = arith.index_cast %add3A_315 : i32 to index
        %swap3A_331 = arith.constant 16 : index
        %swap3A_332 = tpu.vector_load %arg19[%swap3A_330, %swap3A_331] {strides = array<i32>} : memref<80x64xf32, #tpu.memory_space<vmem>>, vector<16xf32>,
        tpu.vector_store %arg19[%swap3A_330, %swap3A_331], %mul3A_329 {strides = array<i32>} : memref<80x64xf32, #tpu.memory_space<vmem>>, vector<16xf32>,
        %get3A_333 = arith.index_cast %add3A_315 : i32 to index
        %get3A_334 = arith.constant 32 : index
        %get3A_335 = tpu.vector_load %arg18[%get3A_333, %get3A_334] {strides = array<i32>} : memref<80x128xf32, #tpu.memory_space<vmem>>, vector<16xf32>,
        %mul3A_336 = arith.mulf %get3A_335, %broadcast_in_dim3A_318 : vector<16xf32>
        %swap3A_337 = arith.index_cast %add3A_315 : i32 to index
        %swap3A_338 = arith.constant 32 : index
        %swap3A_339 = tpu.vector_load %arg19[%swap3A_337, %swap3A_338] {strides = array<i32>} : memref<80x64xf32, #tpu.memory_space<vmem>>, vector<16xf32>,
        tpu.vector_store %arg19[%swap3A_337, %swap3A_338], %mul3A_336 {strides = array<i32>} : memref<80x64xf32, #tpu.memory_space<vmem>>, vector<16xf32>,
        %get3A_340 = arith.index_cast %add3A_315 : i32 to index
        %get3A_341 = arith.constant 48 : index
        %get3A_342 = tpu.vector_load %arg18[%get3A_340, %get3A_341] {strides = array<i32>} : memref<80x128xf32, #tpu.memory_space<vmem>>, vector<16xf32>,
        %mul3A_343 = arith.mulf %get3A_342, %broadcast_in_dim3A_318 : vector<16xf32>
        %swap3A_344 = arith.index_cast %add3A_315 : i32 to index
        %swap3A_345 = arith.constant 48 : index
        %swap3A_346 = tpu.vector_load %arg19[%swap3A_344, %swap3A_345] {strides = array<i32>} : memref<80x64xf32, #tpu.memory_space<vmem>>, vector<16xf32>,
        tpu.vector_store %arg19[%swap3A_344, %swap3A_345], %mul3A_343 {strides = array<i32>} : memref<80x64xf32, #tpu.memory_space<vmem>>, vector<16xf32>,
        %mul3A_347 = arith.constant 16 : i32
        %mul3A_348 = arith.muli %scan3A_239, %mul3A_347 : i32
        %add3A_349 = arith.constant 3 : i32
        %add3A_350 = arith.addi %mul3A_348, %add3A_349 : i32
        %slice3A_351 = vector.extract_strided_slice %get3A_243 {offsets = [3], sizes = [1], strides = [1]} : vector<16xf32> to vector<1xf32>
        %squeeze3A_352 = vector.extract %slice3A_351[0] : f32 from vector<1xf32>
        %broadcast_in_dim3A_353 = vector.broadcast %squeeze3A_352 : f32 to vector<16xf32>
        %get3A_354 = arith.index_cast %add3A_350 : i32 to index
        %get3A_355 = arith.constant 0 : index
        %get3A_356 = tpu.vector_load %arg18[%get3A_354, %get3A_355] {strides = array<i32>} : memref<80x128xf32, #tpu.memory_space<vmem>>, vector<16xf32>,
        %mul3A_357 = arith.mulf %get3A_356, %broadcast_in_dim3A_353 : vector<16xf32>
        %swap3A_358 = arith.index_cast %add3A_350 : i32 to index
        %swap3A_359 = arith.constant 0 : index
        %swap3A_360 = tpu.vector_load %arg19[%swap3A_358, %swap3A_359] {strides = array<i32>} : memref<80x64xf32, #tpu.memory_space<vmem>>, vector<16xf32>,
        tpu.vector_store %arg19[%swap3A_358, %swap3A_359], %mul3A_357 {strides = array<i32>} : memref<80x64xf32, #tpu.memory_space<vmem>>, vector<16xf32>,
        %get3A_361 = arith.index_cast %add3A_350 : i32 to index
        %get3A_362 = arith.constant 16 : index
        %get3A_363 = tpu.vector_load %arg18[%get3A_361, %get3A_362] {strides = array<i32>} : memref<80x128xf32, #tpu.memory_space<vmem>>, vector<16xf32>,
        %mul3A_364 = arith.mulf %get3A_363, %broadcast_in_dim3A_353 : vector<16xf32>
        %swap3A_365 = arith.index_cast %add3A_350 : i32 to index
        %swap3A_366 = arith.constant 16 : index
        %swap3A_367 = tpu.vector_load %arg19[%swap3A_365, %swap3A_366] {strides = array<i32>} : memref<80x64xf32, #tpu.memory_space<vmem>>, vector<16xf32>,
        tpu.vector_store %arg19[%swap3A_365, %swap3A_366], %mul3A_364 {strides = array<i32>} : memref<80x64xf32, #tpu.memory_space<vmem>>, vector<16xf32>,
        %get3A_368 = arith.index_cast %add3A_350 : i32 to index
        %get3A_369 = arith.constant 32 : index
        %get3A_370 = tpu.vector_load %arg18[%get3A_368, %get3A_369] {strides = array<i32>} : memref<80x128xf32, #tpu.memory_space<vmem>>, vector<16xf32>,
        %mul3A_371 = arith.mulf %get3A_370, %broadcast_in_dim3A_353 : vector<16xf32>
        %swap3A_372 = arith.index_cast %add3A_350 : i32 to index
        %swap3A_373 = arith.constant 32 : index
        %swap3A_374 = tpu.vector_load %arg19[%swap3A_372, %swap3A_373] {strides = array<i32>} : memref<80x64xf32, #tpu.memory_space<vmem>>, vector<16xf32>,
        tpu.vector_store %arg19[%swap3A_372, %swap3A_373], %mul3A_371 {strides = array<i32>} : memref<80x64xf32, #tpu.memory_space<vmem>>, vector<16xf32>,
        %get3A_375 = arith.index_cast %add3A_350 : i32 to index
        %get3A_376 = arith.constant 48 : index
        %get3A_377 = tpu.vector_load %arg18[%get3A_375, %get3A_376] {strides = array<i32>} : memref<80x128xf32, #tpu.memory_space<vmem>>, vector<16xf32>,
        %mul3A_378 = arith.mulf %get3A_377, %broadcast_in_dim3A_353 : vector<16xf32>
        %swap3A_379 = arith.index_cast %add3A_350 : i32 to index
        %swap3A_380 = arith.constant 48 : index
        %swap3A_381 = tpu.vector_load %arg19[%swap3A_379, %swap3A_380] {strides = array<i32>} : memref<80x64xf32, #tpu.memory_space<vmem>>, vector<16xf32>,
        tpu.vector_store %arg19[%swap3A_379, %swap3A_380], %mul3A_378 {strides = array<i32>} : memref<80x64xf32, #tpu.memory_space<vmem>>, vector<16xf32>,
        %mul3A_382 = arith.constant 16 : i32
        %mul3A_383 = arith.muli %scan3A_239, %mul3A_382 : i32
        %add3A_384 = arith.constant 4 : i32
        %add3A_385 = arith.addi %mul3A_383, %add3A_384 : i32
        %slice3A_386 = vector.extract_strided_slice %get3A_243 {offsets = [4], sizes = [1], strides = [1]} : vector<16xf32> to vector<1xf32>
        %squeeze3A_387 = vector.extract %slice3A_386[0] : f32 from vector<1xf32>
        %broadcast_in_dim3A_388 = vector.broadcast %squeeze3A_387 : f32 to vector<16xf32>
        %get3A_389 = arith.index_cast %add3A_385 : i32 to index
        %get3A_390 = arith.constant 0 : index
        %get3A_391 = tpu.vector_load %arg18[%get3A_389, %get3A_390] {strides = array<i32>} : memref<80x128xf32, #tpu.memory_space<vmem>>, vector<16xf32>,
        %mul3A_392 = arith.mulf %get3A_391, %broadcast_in_dim3A_388 : vector<16xf32>
        %swap3A_393 = arith.index_cast %add3A_385 : i32 to index
        %swap3A_394 = arith.constant 0 : index
        %swap3A_395 = tpu.vector_load %arg19[%swap3A_393, %swap3A_394] {strides = array<i32>} : memref<80x64xf32, #tpu.memory_space<vmem>>, vector<16xf32>,
        tpu.vector_store %arg19[%swap3A_393, %swap3A_394], %mul3A_392 {strides = array<i32>} : memref<80x64xf32, #tpu.memory_space<vmem>>, vector<16xf32>,
        %get3A_396 = arith.index_cast %add3A_385 : i32 to index
        %get3A_397 = arith.constant 16 : index
        %get3A_398 = tpu.vector_load %arg18[%get3A_396, %get3A_397] {strides = array<i32>} : memref<80x128xf32, #tpu.memory_space<vmem>>, vector<16xf32>,
        %mul3A_399 = arith.mulf %get3A_398, %broadcast_in_dim3A_388 : vector<16xf32>
        %swap3A_400 = arith.index_cast %add3A_385 : i32 to index
        %swap3A_401 = arith.constant 16 : index
        %swap3A_402 = tpu.vector_load %arg19[%swap3A_400, %swap3A_401] {strides = array<i32>} : memref<80x64xf32, #tpu.memory_space<vmem>>, vector<16xf32>,
        tpu.vector_store %arg19[%swap3A_400, %swap3A_401], %mul3A_399 {strides = array<i32>} : memref<80x64xf32, #tpu.memory_space<vmem>>, vector<16xf32>,
        %get3A_403 = arith.index_cast %add3A_385 : i32 to index
        %get3A_404 = arith.constant 32 : index
        %get3A_405 = tpu.vector_load %arg18[%get3A_403, %get3A_404] {strides = array<i32>} : memref<80x128xf32, #tpu.memory_space<vmem>>, vector<16xf32>,
        %mul3A_406 = arith.mulf %get3A_405, %broadcast_in_dim3A_388 : vector<16xf32>
        %swap3A_407 = arith.index_cast %add3A_385 : i32 to index
        %swap3A_408 = arith.constant 32 : index
        %swap3A_409 = tpu.vector_load %arg19[%swap3A_407, %swap3A_408] {strides = array<i32>} : memref<80x64xf32, #tpu.memory_space<vmem>>, vector<16xf32>,
        tpu.vector_store %arg19[%swap3A_407, %swap3A_408], %mul3A_406 {strides = array<i32>} : memref<80x64xf32, #tpu.memory_space<vmem>>, vector<16xf32>,
        %get3A_410 = arith.index_cast %add3A_385 : i32 to index
        %get3A_411 = arith.constant 48 : index
        %get3A_412 = tpu.vector_load %arg18[%get3A_410, %get3A_411] {strides = array<i32>} : memref<80x128xf32, #tpu.memory_space<vmem>>, vector<16xf32>,
        %mul3A_413 = arith.mulf %get3A_412, %broadcast_in_dim3A_388 : vector<16xf32>
        %swap3A_414 = arith.index_cast %add3A_385 : i32 to index
        %swap3A_415 = arith.constant 48 : index
        %swap3A_416 = tpu.vector_load %arg19[%swap3A_414, %swap3A_415] {strides = array<i32>} : memref<80x64xf32, #tpu.memory_space<vmem>>, vector<16xf32>,
        tpu.vector_store %arg19[%swap3A_414, %swap3A_415], %mul3A_413 {strides = array<i32>} : memref<80x64xf32, #tpu.memory_space<vmem>>, vector<16xf32>,
        %mul3A_417 = arith.constant 16 : i32
        %mul3A_418 = arith.muli %scan3A_239, %mul3A_417 : i32
        %add3A_419 = arith.constant 5 : i32
        %add3A_420 = arith.addi %mul3A_418, %add3A_419 : i32
        %slice3A_421 = vector.extract_strided_slice %get3A_243 {offsets = [5], sizes = [1], strides = [1]} : vector<16xf32> to vector<1xf32>
        %squeeze3A_422 = vector.extract %slice3A_421[0] : f32 from vector<1xf32>
        %broadcast_in_dim3A_423 = vector.broadcast %squeeze3A_422 : f32 to vector<16xf32>
        %get3A_424 = arith.index_cast %add3A_420 : i32 to index
        %get3A_425 = arith.constant 0 : index
        %get3A_426 = tpu.vector_load %arg18[%get3A_424, %get3A_425] {strides = array<i32>} : memref<80x128xf32, #tpu.memory_space<vmem>>, vector<16xf32>,
        %mul3A_427 = arith.mulf %get3A_426, %broadcast_in_dim3A_423 : vector<16xf32>
        %swap3A_428 = arith.index_cast %add3A_420 : i32 to index
        %swap3A_429 = arith.constant 0 : index
        %swap3A_430 = tpu.vector_load %arg19[%swap3A_428, %swap3A_429] {strides = array<i32>} : memref<80x64xf32, #tpu.memory_space<vmem>>, vector<16xf32>,
        tpu.vector_store %arg19[%swap3A_428, %swap3A_429], %mul3A_427 {strides = array<i32>} : memref<80x64xf32, #tpu.memory_space<vmem>>, vector<16xf32>,
        %get3A_431 = arith.index_cast %add3A_420 : i32 to index
        %get3A_432 = arith.constant 16 : index
        %get3A_433 = tpu.vector_load %arg18[%get3A_431, %get3A_432] {strides = array<i32>} : memref<80x128xf32, #tpu.memory_space<vmem>>, vector<16xf32>,
        %mul3A_434 = arith.mulf %get3A_433, %broadcast_in_dim3A_423 : vector<16xf32>
        %swap3A_435 = arith.index_cast %add3A_420 : i32 to index
        %swap3A_436 = arith.constant 16 : index
        %swap3A_437 = tpu.vector_load %arg19[%swap3A_435, %swap3A_436] {strides = array<i32>} : memref<80x64xf32, #tpu.memory_space<vmem>>, vector<16xf32>,
        tpu.vector_store %arg19[%swap3A_435, %swap3A_436], %mul3A_434 {strides = array<i32>} : memref<80x64xf32, #tpu.memory_space<vmem>>, vector<16xf32>,
        %get3A_438 = arith.index_cast %add3A_420 : i32 to index
        %get3A_439 = arith.constant 32 : index
        %get3A_440 = tpu.vector_load %arg18[%get3A_438, %get3A_439] {strides = array<i32>} : memref<80x128xf32, #tpu.memory_space<vmem>>, vector<16xf32>,
        %mul3A_441 = arith.mulf %get3A_440, %broadcast_in_dim3A_423 : vector<16xf32>
        %swap3A_442 = arith.index_cast %add3A_420 : i32 to index
        %swap3A_443 = arith.constant 32 : index
        %swap3A_444 = tpu.vector_load %arg19[%swap3A_442, %swap3A_443] {strides = array<i32>} : memref<80x64xf32, #tpu.memory_space<vmem>>, vector<16xf32>,
        tpu.vector_store %arg19[%swap3A_442, %swap3A_443], %mul3A_441 {strides = array<i32>} : memref<80x64xf32, #tpu.memory_space<vmem>>, vector<16xf32>,
        %get3A_445 = arith.index_cast %add3A_420 : i32 to index
        %get3A_446 = arith.constant 48 : index
        %get3A_447 = tpu.vector_load %arg18[%get3A_445, %get3A_446] {strides = array<i32>} : memref<80x128xf32, #tpu.memory_space<vmem>>, vector<16xf32>,
        %mul3A_448 = arith.mulf %get3A_447, %broadcast_in_dim3A_423 : vector<16xf32>
        %swap3A_449 = arith.index_cast %add3A_420 : i32 to index
        %swap3A_450 = arith.constant 48 : index
        %swap3A_451 = tpu.vector_load %arg19[%swap3A_449, %swap3A_450] {strides = array<i32>} : memref<80x64xf32, #tpu.memory_space<vmem>>, vector<16xf32>,
        tpu.vector_store %arg19[%swap3A_449, %swap3A_450], %mul3A_448 {strides = array<i32>} : memref<80x64xf32, #tpu.memory_space<vmem>>, vector<16xf32>,
        %mul3A_452 = arith.constant 16 : i32
        %mul3A_453 = arith.muli %scan3A_239, %mul3A_452 : i32
        %add3A_454 = arith.constant 6 : i32
        %add3A_455 = arith.addi %mul3A_453, %add3A_454 : i32
        %slice3A_456 = vector.extract_strided_slice %get3A_243 {offsets = [6], sizes = [1], strides = [1]} : vector<16xf32> to vector<1xf32>
        %squeeze3A_457 = vector.extract %slice3A_456[0] : f32 from vector<1xf32>
        %broadcast_in_dim3A_458 = vector.broadcast %squeeze3A_457 : f32 to vector<16xf32>
        %get3A_459 = arith.index_cast %add3A_455 : i32 to index
        %get3A_460 = arith.constant 0 : index
        %get3A_461 = tpu.vector_load %arg18[%get3A_459, %get3A_460] {strides = array<i32>} : memref<80x128xf32, #tpu.memory_space<vmem>>, vector<16xf32>,
        %mul3A_462 = arith.mulf %get3A_461, %broadcast_in_dim3A_458 : vector<16xf32>
        %swap3A_463 = arith.index_cast %add3A_455 : i32 to index
        %swap3A_464 = arith.constant 0 : index
        %swap3A_465 = tpu.vector_load %arg19[%swap3A_463, %swap3A_464] {strides = array<i32>} : memref<80x64xf32, #tpu.memory_space<vmem>>, vector<16xf32>,
        tpu.vector_store %arg19[%swap3A_463, %swap3A_464], %mul3A_462 {strides = array<i32>} : memref<80x64xf32, #tpu.memory_space<vmem>>, vector<16xf32>,
        %get3A_466 = arith.index_cast %add3A_455 : i32 to index
        %get3A_467 = arith.constant 16 : index
        %get3A_468 = tpu.vector_load %arg18[%get3A_466, %get3A_467] {strides = array<i32>} : memref<80x128xf32, #tpu.memory_space<vmem>>, vector<16xf32>,
        %mul3A_469 = arith.mulf %get3A_468, %broadcast_in_dim3A_458 : vector<16xf32>
        %swap3A_470 = arith.index_cast %add3A_455 : i32 to index
        %swap3A_471 = arith.constant 16 : index
        %swap3A_472 = tpu.vector_load %arg19[%swap3A_470, %swap3A_471] {strides = array<i32>} : memref<80x64xf32, #tpu.memory_space<vmem>>, vector<16xf32>,
        tpu.vector_store %arg19[%swap3A_470, %swap3A_471], %mul3A_469 {strides = array<i32>} : memref<80x64xf32, #tpu.memory_space<vmem>>, vector<16xf32>,
        %get3A_473 = arith.index_cast %add3A_455 : i32 to index
        %get3A_474 = arith.constant 32 : index
        %get3A_475 = tpu.vector_load %arg18[%get3A_473, %get3A_474] {strides = array<i32>} : memref<80x128xf32, #tpu.memory_space<vmem>>, vector<16xf32>,
        %mul3A_476 = arith.mulf %get3A_475, %broadcast_in_dim3A_458 : vector<16xf32>
        %swap3A_477 = arith.index_cast %add3A_455 : i32 to index
        %swap3A_478 = arith.constant 32 : index
        %swap3A_479 = tpu.vector_load %arg19[%swap3A_477, %swap3A_478] {strides = array<i32>} : memref<80x64xf32, #tpu.memory_space<vmem>>, vector<16xf32>,
        tpu.vector_store %arg19[%swap3A_477, %swap3A_478], %mul3A_476 {strides = array<i32>} : memref<80x64xf32, #tpu.memory_space<vmem>>, vector<16xf32>,
        %get3A_480 = arith.index_cast %add3A_455 : i32 to index
        %get3A_481 = arith.constant 48 : index
        %get3A_482 = tpu.vector_load %arg18[%get3A_480, %get3A_481] {strides = array<i32>} : memref<80x128xf32, #tpu.memory_space<vmem>>, vector<16xf32>,
        %mul3A_483 = arith.mulf %get3A_482, %broadcast_in_dim3A_458 : vector<16xf32>
        %swap3A_484 = arith.index_cast %add3A_455 : i32 to index
        %swap3A_485 = arith.constant 48 : index
        %swap3A_486 = tpu.vector_load %arg19[%swap3A_484, %swap3A_485] {strides = array<i32>} : memref<80x64xf32, #tpu.memory_space<vmem>>, vector<16xf32>,
        tpu.vector_store %arg19[%swap3A_484, %swap3A_485], %mul3A_483 {strides = array<i32>} : memref<80x64xf32, #tpu.memory_space<vmem>>, vector<16xf32>,
        %mul3A_487 = arith.constant 16 : i32
        %mul3A_488 = arith.muli %scan3A_239, %mul3A_487 : i32
        %add3A_489 = arith.constant 7 : i32
        %add3A_490 = arith.addi %mul3A_488, %add3A_489 : i32
        %slice3A_491 = vector.extract_strided_slice %get3A_243 {offsets = [7], sizes = [1], strides = [1]} : vector<16xf32> to vector<1xf32>
        %squeeze3A_492 = vector.extract %slice3A_491[0] : f32 from vector<1xf32>
        %broadcast_in_dim3A_493 = vector.broadcast %squeeze3A_492 : f32 to vector<16xf32>
        %get3A_494 = arith.index_cast %add3A_490 : i32 to index
        %get3A_495 = arith.constant 0 : index
        %get3A_496 = tpu.vector_load %arg18[%get3A_494, %get3A_495] {strides = array<i32>} : memref<80x128xf32, #tpu.memory_space<vmem>>, vector<16xf32>,
        %mul3A_497 = arith.mulf %get3A_496, %broadcast_in_dim3A_493 : vector<16xf32>
        %swap3A_498 = arith.index_cast %add3A_490 : i32 to index
        %swap3A_499 = arith.constant 0 : index
        %swap3A_500 = tpu.vector_load %arg19[%swap3A_498, %swap3A_499] {strides = array<i32>} : memref<80x64xf32, #tpu.memory_space<vmem>>, vector<16xf32>,
        tpu.vector_store %arg19[%swap3A_498, %swap3A_499], %mul3A_497 {strides = array<i32>} : memref<80x64xf32, #tpu.memory_space<vmem>>, vector<16xf32>,
        %get3A_501 = arith.index_cast %add3A_490 : i32 to index
        %get3A_502 = arith.constant 16 : index
        %get3A_503 = tpu.vector_load %arg18[%get3A_501, %get3A_502] {strides = array<i32>} : memref<80x128xf32, #tpu.memory_space<vmem>>, vector<16xf32>,
        %mul3A_504 = arith.mulf %get3A_503, %broadcast_in_dim3A_493 : vector<16xf32>
        %swap3A_505 = arith.index_cast %add3A_490 : i32 to index
        %swap3A_506 = arith.constant 16 : index
        %swap3A_507 = tpu.vector_load %arg19[%swap3A_505, %swap3A_506] {strides = array<i32>} : memref<80x64xf32, #tpu.memory_space<vmem>>, vector<16xf32>,
        tpu.vector_store %arg19[%swap3A_505, %swap3A_506], %mul3A_504 {strides = array<i32>} : memref<80x64xf32, #tpu.memory_space<vmem>>, vector<16xf32>,
        %get3A_508 = arith.index_cast %add3A_490 : i32 to index
        %get3A_509 = arith.constant 32 : index
        %get3A_510 = tpu.vector_load %arg18[%get3A_508, %get3A_509] {strides = array<i32>} : memref<80x128xf32, #tpu.memory_space<vmem>>, vector<16xf32>,
        %mul3A_511 = arith.mulf %get3A_510, %broadcast_in_dim3A_493 : vector<16xf32>
        %swap3A_512 = arith.index_cast %add3A_490 : i32 to index
        %swap3A_513 = arith.constant 32 : index
        %swap3A_514 = tpu.vector_load %arg19[%swap3A_512, %swap3A_513] {strides = array<i32>} : memref<80x64xf32, #tpu.memory_space<vmem>>, vector<16xf32>,
        tpu.vector_store %arg19[%swap3A_512, %swap3A_513], %mul3A_511 {strides = array<i32>} : memref<80x64xf32, #tpu.memory_space<vmem>>, vector<16xf32>,
        %get3A_515 = arith.index_cast %add3A_490 : i32 to index
        %get3A_516 = arith.constant 48 : index
        %get3A_517 = tpu.vector_load %arg18[%get3A_515, %get3A_516] {strides = array<i32>} : memref<80x128xf32, #tpu.memory_space<vmem>>, vector<16xf32>,
        %mul3A_518 = arith.mulf %get3A_517, %broadcast_in_dim3A_493 : vector<16xf32>
        %swap3A_519 = arith.index_cast %add3A_490 : i32 to index
        %swap3A_520 = arith.constant 48 : index
        %swap3A_521 = tpu.vector_load %arg19[%swap3A_519, %swap3A_520] {strides = array<i32>} : memref<80x64xf32, #tpu.memory_space<vmem>>, vector<16xf32>,
        tpu.vector_store %arg19[%swap3A_519, %swap3A_520], %mul3A_518 {strides = array<i32>} : memref<80x64xf32, #tpu.memory_space<vmem>>, vector<16xf32>,
        %mul3A_522 = arith.constant 16 : i32
        %mul3A_523 = arith.muli %scan3A_239, %mul3A_522 : i32
        %add3A_524 = arith.constant 8 : i32
        %add3A_525 = arith.addi %mul3A_523, %add3A_524 : i32
        %slice3A_526 = vector.extract_strided_slice %get3A_243 {offsets = [8], sizes = [1], strides = [1]} : vector<16xf32> to vector<1xf32>
        %squeeze3A_527 = vector.extract %slice3A_526[0] : f32 from vector<1xf32>
        %broadcast_in_dim3A_528 = vector.broadcast %squeeze3A_527 : f32 to vector<16xf32>
        %get3A_529 = arith.index_cast %add3A_525 : i32 to index
        %get3A_530 = arith.constant 0 : index
        %get3A_531 = tpu.vector_load %arg18[%get3A_529, %get3A_530] {strides = array<i32>} : memref<80x128xf32, #tpu.memory_space<vmem>>, vector<16xf32>,
        %mul3A_532 = arith.mulf %get3A_531, %broadcast_in_dim3A_528 : vector<16xf32>
        %swap3A_533 = arith.index_cast %add3A_525 : i32 to index
        %swap3A_534 = arith.constant 0 : index
        %swap3A_535 = tpu.vector_load %arg19[%swap3A_533, %swap3A_534] {strides = array<i32>} : memref<80x64xf32, #tpu.memory_space<vmem>>, vector<16xf32>,
        tpu.vector_store %arg19[%swap3A_533, %swap3A_534], %mul3A_532 {strides = array<i32>} : memref<80x64xf32, #tpu.memory_space<vmem>>, vector<16xf32>,
        %get3A_536 = arith.index_cast %add3A_525 : i32 to index
        %get3A_537 = arith.constant 16 : index
        %get3A_538 = tpu.vector_load %arg18[%get3A_536, %get3A_537] {strides = array<i32>} : memref<80x128xf32, #tpu.memory_space<vmem>>, vector<16xf32>,
        %mul3A_539 = arith.mulf %get3A_538, %broadcast_in_dim3A_528 : vector<16xf32>
        %swap3A_540 = arith.index_cast %add3A_525 : i32 to index
        %swap3A_541 = arith.constant 16 : index
        %swap3A_542 = tpu.vector_load %arg19[%swap3A_540, %swap3A_541] {strides = array<i32>} : memref<80x64xf32, #tpu.memory_space<vmem>>, vector<16xf32>,
        tpu.vector_store %arg19[%swap3A_540, %swap3A_541], %mul3A_539 {strides = array<i32>} : memref<80x64xf32, #tpu.memory_space<vmem>>, vector<16xf32>,
        %get3A_543 = arith.index_cast %add3A_525 : i32 to index
        %get3A_544 = arith.constant 32 : index
        %get3A_545 = tpu.vector_load %arg18[%get3A_543, %get3A_544] {strides = array<i32>} : memref<80x128xf32, #tpu.memory_space<vmem>>, vector<16xf32>,
        %mul3A_546 = arith.mulf %get3A_545, %broadcast_in_dim3A_528 : vector<16xf32>
        %swap3A_547 = arith.index_cast %add3A_525 : i32 to index
        %swap3A_548 = arith.constant 32 : index
        %swap3A_549 = tpu.vector_load %arg19[%swap3A_547, %swap3A_548] {strides = array<i32>} : memref<80x64xf32, #tpu.memory_space<vmem>>, vector<16xf32>,
        tpu.vector_store %arg19[%swap3A_547, %swap3A_548], %mul3A_546 {strides = array<i32>} : memref<80x64xf32, #tpu.memory_space<vmem>>, vector<16xf32>,
        %get3A_550 = arith.index_cast %add3A_525 : i32 to index
        %get3A_551 = arith.constant 48 : index
        %get3A_552 = tpu.vector_load %arg18[%get3A_550, %get3A_551] {strides = array<i32>} : memref<80x128xf32, #tpu.memory_space<vmem>>, vector<16xf32>,
        %mul3A_553 = arith.mulf %get3A_552, %broadcast_in_dim3A_528 : vector<16xf32>
        %swap3A_554 = arith.index_cast %add3A_525 : i32 to index
        %swap3A_555 = arith.constant 48 : index
        %swap3A_556 = tpu.vector_load %arg19[%swap3A_554, %swap3A_555] {strides = array<i32>} : memref<80x64xf32, #tpu.memory_space<vmem>>, vector<16xf32>,
        tpu.vector_store %arg19[%swap3A_554, %swap3A_555], %mul3A_553 {strides = array<i32>} : memref<80x64xf32, #tpu.memory_space<vmem>>, vector<16xf32>,
        %mul3A_557 = arith.constant 16 : i32
        %mul3A_558 = arith.muli %scan3A_239, %mul3A_557 : i32
        %add3A_559 = arith.constant 9 : i32
        %add3A_560 = arith.addi %mul3A_558, %add3A_559 : i32
        %slice3A_561 = vector.extract_strided_slice %get3A_243 {offsets = [9], sizes = [1], strides = [1]} : vector<16xf32> to vector<1xf32>
        %squeeze3A_562 = vector.extract %slice3A_561[0] : f32 from vector<1xf32>
        %broadcast_in_dim3A_563 = vector.broadcast %squeeze3A_562 : f32 to vector<16xf32>
        %get3A_564 = arith.index_cast %add3A_560 : i32 to index
        %get3A_565 = arith.constant 0 : index
        %get3A_566 = tpu.vector_load %arg18[%get3A_564, %get3A_565] {strides = array<i32>} : memref<80x128xf32, #tpu.memory_space<vmem>>, vector<16xf32>,
        %mul3A_567 = arith.mulf %get3A_566, %broadcast_in_dim3A_563 : vector<16xf32>
        %swap3A_568 = arith.index_cast %add3A_560 : i32 to index
        %swap3A_569 = arith.constant 0 : index
        %swap3A_570 = tpu.vector_load %arg19[%swap3A_568, %swap3A_569] {strides = array<i32>} : memref<80x64xf32, #tpu.memory_space<vmem>>, vector<16xf32>,
        tpu.vector_store %arg19[%swap3A_568, %swap3A_569], %mul3A_567 {strides = array<i32>} : memref<80x64xf32, #tpu.memory_space<vmem>>, vector<16xf32>,
        %get3A_571 = arith.index_cast %add3A_560 : i32 to index
        %get3A_572 = arith.constant 16 : index
        %get3A_573 = tpu.vector_load %arg18[%get3A_571, %get3A_572] {strides = array<i32>} : memref<80x128xf32, #tpu.memory_space<vmem>>, vector<16xf32>,
        %mul3A_574 = arith.mulf %get3A_573, %broadcast_in_dim3A_563 : vector<16xf32>
        %swap3A_575 = arith.index_cast %add3A_560 : i32 to index
        %swap3A_576 = arith.constant 16 : index
        %swap3A_577 = tpu.vector_load %arg19[%swap3A_575, %swap3A_576] {strides = array<i32>} : memref<80x64xf32, #tpu.memory_space<vmem>>, vector<16xf32>,
        tpu.vector_store %arg19[%swap3A_575, %swap3A_576], %mul3A_574 {strides = array<i32>} : memref<80x64xf32, #tpu.memory_space<vmem>>, vector<16xf32>,
        %get3A_578 = arith.index_cast %add3A_560 : i32 to index
        %get3A_579 = arith.constant 32 : index
        %get3A_580 = tpu.vector_load %arg18[%get3A_578, %get3A_579] {strides = array<i32>} : memref<80x128xf32, #tpu.memory_space<vmem>>, vector<16xf32>,
        %mul3A_581 = arith.mulf %get3A_580, %broadcast_in_dim3A_563 : vector<16xf32>
        %swap3A_582 = arith.index_cast %add3A_560 : i32 to index
        %swap3A_583 = arith.constant 32 : index
        %swap3A_584 = tpu.vector_load %arg19[%swap3A_582, %swap3A_583] {strides = array<i32>} : memref<80x64xf32, #tpu.memory_space<vmem>>, vector<16xf32>,
        tpu.vector_store %arg19[%swap3A_582, %swap3A_583], %mul3A_581 {strides = array<i32>} : memref<80x64xf32, #tpu.memory_space<vmem>>, vector<16xf32>,
        %get3A_585 = arith.index_cast %add3A_560 : i32 to index
        %get3A_586 = arith.constant 48 : index
        %get3A_587 = tpu.vector_load %arg18[%get3A_585, %get3A_586] {strides = array<i32>} : memref<80x128xf32, #tpu.memory_space<vmem>>, vector<16xf32>,
        %mul3A_588 = arith.mulf %get3A_587, %broadcast_in_dim3A_563 : vector<16xf32>
        %swap3A_589 = arith.index_cast %add3A_560 : i32 to index
        %swap3A_590 = arith.constant 48 : index
        %swap3A_591 = tpu.vector_load %arg19[%swap3A_589, %swap3A_590] {strides = array<i32>} : memref<80x64xf32, #tpu.memory_space<vmem>>, vector<16xf32>,
        tpu.vector_store %arg19[%swap3A_589, %swap3A_590], %mul3A_588 {strides = array<i32>} : memref<80x64xf32, #tpu.memory_space<vmem>>, vector<16xf32>,
        %mul3A_592 = arith.constant 16 : i32
        %mul3A_593 = arith.muli %scan3A_239, %mul3A_592 : i32
        %add3A_594 = arith.constant 10 : i32
        %add3A_595 = arith.addi %mul3A_593, %add3A_594 : i32
        %slice3A_596 = vector.extract_strided_slice %get3A_243 {offsets = [10], sizes = [1], strides = [1]} : vector<16xf32> to vector<1xf32>
        %squeeze3A_597 = vector.extract %slice3A_596[0] : f32 from vector<1xf32>
        %broadcast_in_dim3A_598 = vector.broadcast %squeeze3A_597 : f32 to vector<16xf32>
        %get3A_599 = arith.index_cast %add3A_595 : i32 to index
        %get3A_600 = arith.constant 0 : index
        %get3A_601 = tpu.vector_load %arg18[%get3A_599, %get3A_600] {strides = array<i32>} : memref<80x128xf32, #tpu.memory_space<vmem>>, vector<16xf32>,
        %mul3A_602 = arith.mulf %get3A_601, %broadcast_in_dim3A_598 : vector<16xf32>
        %swap3A_603 = arith.index_cast %add3A_595 : i32 to index
        %swap3A_604 = arith.constant 0 : index
        %swap3A_605 = tpu.vector_load %arg19[%swap3A_603, %swap3A_604] {strides = array<i32>} : memref<80x64xf32, #tpu.memory_space<vmem>>, vector<16xf32>,
        tpu.vector_store %arg19[%swap3A_603, %swap3A_604], %mul3A_602 {strides = array<i32>} : memref<80x64xf32, #tpu.memory_space<vmem>>, vector<16xf32>,
        %get3A_606 = arith.index_cast %add3A_595 : i32 to index
        %get3A_607 = arith.constant 16 : index
        %get3A_608 = tpu.vector_load %arg18[%get3A_606, %get3A_607] {strides = array<i32>} : memref<80x128xf32, #tpu.memory_space<vmem>>, vector<16xf32>,
        %mul3A_609 = arith.mulf %get3A_608, %broadcast_in_dim3A_598 : vector<16xf32>
        %swap3A_610 = arith.index_cast %add3A_595 : i32 to index
        %swap3A_611 = arith.constant 16 : index
        %swap3A_612 = tpu.vector_load %arg19[%swap3A_610, %swap3A_611] {strides = array<i32>} : memref<80x64xf32, #tpu.memory_space<vmem>>, vector<16xf32>,
        tpu.vector_store %arg19[%swap3A_610, %swap3A_611], %mul3A_609 {strides = array<i32>} : memref<80x64xf32, #tpu.memory_space<vmem>>, vector<16xf32>,
        %get3A_613 = arith.index_cast %add3A_595 : i32 to index
        %get3A_614 = arith.constant 32 : index
        %get3A_615 = tpu.vector_load %arg18[%get3A_613, %get3A_614] {strides = array<i32>} : memref<80x128xf32, #tpu.memory_space<vmem>>, vector<16xf32>,
        %mul3A_616 = arith.mulf %get3A_615, %broadcast_in_dim3A_598 : vector<16xf32>
        %swap3A_617 = arith.index_cast %add3A_595 : i32 to index
        %swap3A_618 = arith.constant 32 : index
        %swap3A_619 = tpu.vector_load %arg19[%swap3A_617, %swap3A_618] {strides = array<i32>} : memref<80x64xf32, #tpu.memory_space<vmem>>, vector<16xf32>,
        tpu.vector_store %arg19[%swap3A_617, %swap3A_618], %mul3A_616 {strides = array<i32>} : memref<80x64xf32, #tpu.memory_space<vmem>>, vector<16xf32>,
        %get3A_620 = arith.index_cast %add3A_595 : i32 to index
        %get3A_621 = arith.constant 48 : index
        %get3A_622 = tpu.vector_load %arg18[%get3A_620, %get3A_621] {strides = array<i32>} : memref<80x128xf32, #tpu.memory_space<vmem>>, vector<16xf32>,
        %mul3A_623 = arith.mulf %get3A_622, %broadcast_in_dim3A_598 : vector<16xf32>
        %swap3A_624 = arith.index_cast %add3A_595 : i32 to index
        %swap3A_625 = arith.constant 48 : index
        %swap3A_626 = tpu.vector_load %arg19[%swap3A_624, %swap3A_625] {strides = array<i32>} : memref<80x64xf32, #tpu.memory_space<vmem>>, vector<16xf32>,
        tpu.vector_store %arg19[%swap3A_624, %swap3A_625], %mul3A_623 {strides = array<i32>} : memref<80x64xf32, #tpu.memory_space<vmem>>, vector<16xf32>,
        %mul3A_627 = arith.constant 16 : i32
        %mul3A_628 = arith.muli %scan3A_239, %mul3A_627 : i32
        %add3A_629 = arith.constant 11 : i32
        %add3A_630 = arith.addi %mul3A_628, %add3A_629 : i32
        %slice3A_631 = vector.extract_strided_slice %get3A_243 {offsets = [11], sizes = [1], strides = [1]} : vector<16xf32> to vector<1xf32>
        %squeeze3A_632 = vector.extract %slice3A_631[0] : f32 from vector<1xf32>
        %broadcast_in_dim3A_633 = vector.broadcast %squeeze3A_632 : f32 to vector<16xf32>
        %get3A_634 = arith.index_cast %add3A_630 : i32 to index
        %get3A_635 = arith.constant 0 : index
        %get3A_636 = tpu.vector_load %arg18[%get3A_634, %get3A_635] {strides = array<i32>} : memref<80x128xf32, #tpu.memory_space<vmem>>, vector<16xf32>,
        %mul3A_637 = arith.mulf %get3A_636, %broadcast_in_dim3A_633 : vector<16xf32>
        %swap3A_638 = arith.index_cast %add3A_630 : i32 to index
        %swap3A_639 = arith.constant 0 : index
        %swap3A_640 = tpu.vector_load %arg19[%swap3A_638, %swap3A_639] {strides = array<i32>} : memref<80x64xf32, #tpu.memory_space<vmem>>, vector<16xf32>,
        tpu.vector_store %arg19[%swap3A_638, %swap3A_639], %mul3A_637 {strides = array<i32>} : memref<80x64xf32, #tpu.memory_space<vmem>>, vector<16xf32>,
        %get3A_641 = arith.index_cast %add3A_630 : i32 to index
        %get3A_642 = arith.constant 16 : index
        %get3A_643 = tpu.vector_load %arg18[%get3A_641, %get3A_642] {strides = array<i32>} : memref<80x128xf32, #tpu.memory_space<vmem>>, vector<16xf32>,
        %mul3A_644 = arith.mulf %get3A_643, %broadcast_in_dim3A_633 : vector<16xf32>
        %swap3A_645 = arith.index_cast %add3A_630 : i32 to index
        %swap3A_646 = arith.constant 16 : index
        %swap3A_647 = tpu.vector_load %arg19[%swap3A_645, %swap3A_646] {strides = array<i32>} : memref<80x64xf32, #tpu.memory_space<vmem>>, vector<16xf32>,
        tpu.vector_store %arg19[%swap3A_645, %swap3A_646], %mul3A_644 {strides = array<i32>} : memref<80x64xf32, #tpu.memory_space<vmem>>, vector<16xf32>,
        %get3A_648 = arith.index_cast %add3A_630 : i32 to index
        %get3A_649 = arith.constant 32 : index
        %get3A_650 = tpu.vector_load %arg18[%get3A_648, %get3A_649] {strides = array<i32>} : memref<80x128xf32, #tpu.memory_space<vmem>>, vector<16xf32>,
        %mul3A_651 = arith.mulf %get3A_650, %broadcast_in_dim3A_633 : vector<16xf32>
        %swap3A_652 = arith.index_cast %add3A_630 : i32 to index
        %swap3A_653 = arith.constant 32 : index
        %swap3A_654 = tpu.vector_load %arg19[%swap3A_652, %swap3A_653] {strides = array<i32>} : memref<80x64xf32, #tpu.memory_space<vmem>>, vector<16xf32>,
        tpu.vector_store %arg19[%swap3A_652, %swap3A_653], %mul3A_651 {strides = array<i32>} : memref<80x64xf32, #tpu.memory_space<vmem>>, vector<16xf32>,
        %get3A_655 = arith.index_cast %add3A_630 : i32 to index
        %get3A_656 = arith.constant 48 : index
        %get3A_657 = tpu.vector_load %arg18[%get3A_655, %get3A_656] {strides = array<i32>} : memref<80x128xf32, #tpu.memory_space<vmem>>, vector<16xf32>,
        %mul3A_658 = arith.mulf %get3A_657, %broadcast_in_dim3A_633 : vector<16xf32>
        %swap3A_659 = arith.index_cast %add3A_630 : i32 to index
        %swap3A_660 = arith.constant 48 : index
        %swap3A_661 = tpu.vector_load %arg19[%swap3A_659, %swap3A_660] {strides = array<i32>} : memref<80x64xf32, #tpu.memory_space<vmem>>, vector<16xf32>,
        tpu.vector_store %arg19[%swap3A_659, %swap3A_660], %mul3A_658 {strides = array<i32>} : memref<80x64xf32, #tpu.memory_space<vmem>>, vector<16xf32>,
        %mul3A_662 = arith.constant 16 : i32
        %mul3A_663 = arith.muli %scan3A_239, %mul3A_662 : i32
        %add3A_664 = arith.constant 12 : i32
        %add3A_665 = arith.addi %mul3A_663, %add3A_664 : i32
        %slice3A_666 = vector.extract_strided_slice %get3A_243 {offsets = [12], sizes = [1], strides = [1]} : vector<16xf32> to vector<1xf32>
        %squeeze3A_667 = vector.extract %slice3A_666[0] : f32 from vector<1xf32>
        %broadcast_in_dim3A_668 = vector.broadcast %squeeze3A_667 : f32 to vector<16xf32>
        %get3A_669 = arith.index_cast %add3A_665 : i32 to index
        %get3A_670 = arith.constant 0 : index
        %get3A_671 = tpu.vector_load %arg18[%get3A_669, %get3A_670] {strides = array<i32>} : memref<80x128xf32, #tpu.memory_space<vmem>>, vector<16xf32>,
        %mul3A_672 = arith.mulf %get3A_671, %broadcast_in_dim3A_668 : vector<16xf32>
        %swap3A_673 = arith.index_cast %add3A_665 : i32 to index
        %swap3A_674 = arith.constant 0 : index
        %swap3A_675 = tpu.vector_load %arg19[%swap3A_673, %swap3A_674] {strides = array<i32>} : memref<80x64xf32, #tpu.memory_space<vmem>>, vector<16xf32>,
        tpu.vector_store %arg19[%swap3A_673, %swap3A_674], %mul3A_672 {strides = array<i32>} : memref<80x64xf32, #tpu.memory_space<vmem>>, vector<16xf32>,
        %get3A_676 = arith.index_cast %add3A_665 : i32 to index
        %get3A_677 = arith.constant 16 : index
        %get3A_678 = tpu.vector_load %arg18[%get3A_676, %get3A_677] {strides = array<i32>} : memref<80x128xf32, #tpu.memory_space<vmem>>, vector<16xf32>,
        %mul3A_679 = arith.mulf %get3A_678, %broadcast_in_dim3A_668 : vector<16xf32>
        %swap3A_680 = arith.index_cast %add3A_665 : i32 to index
        %swap3A_681 = arith.constant 16 : index
        %swap3A_682 = tpu.vector_load %arg19[%swap3A_680, %swap3A_681] {strides = array<i32>} : memref<80x64xf32, #tpu.memory_space<vmem>>, vector<16xf32>,
        tpu.vector_store %arg19[%swap3A_680, %swap3A_681], %mul3A_679 {strides = array<i32>} : memref<80x64xf32, #tpu.memory_space<vmem>>, vector<16xf32>,
        %get3A_683 = arith.index_cast %add3A_665 : i32 to index
        %get3A_684 = arith.constant 32 : index
        %get3A_685 = tpu.vector_load %arg18[%get3A_683, %get3A_684] {strides = array<i32>} : memref<80x128xf32, #tpu.memory_space<vmem>>, vector<16xf32>,
        %mul3A_686 = arith.mulf %get3A_685, %broadcast_in_dim3A_668 : vector<16xf32>
        %swap3A_687 = arith.index_cast %add3A_665 : i32 to index
        %swap3A_688 = arith.constant 32 : index
        %swap3A_689 = tpu.vector_load %arg19[%swap3A_687, %swap3A_688] {strides = array<i32>} : memref<80x64xf32, #tpu.memory_space<vmem>>, vector<16xf32>,
        tpu.vector_store %arg19[%swap3A_687, %swap3A_688], %mul3A_686 {strides = array<i32>} : memref<80x64xf32, #tpu.memory_space<vmem>>, vector<16xf32>,
        %get3A_690 = arith.index_cast %add3A_665 : i32 to index
        %get3A_691 = arith.constant 48 : index
        %get3A_692 = tpu.vector_load %arg18[%get3A_690, %get3A_691] {strides = array<i32>} : memref<80x128xf32, #tpu.memory_space<vmem>>, vector<16xf32>,
        %mul3A_693 = arith.mulf %get3A_692, %broadcast_in_dim3A_668 : vector<16xf32>
        %swap3A_694 = arith.index_cast %add3A_665 : i32 to index
        %swap3A_695 = arith.constant 48 : index
        %swap3A_696 = tpu.vector_load %arg19[%swap3A_694, %swap3A_695] {strides = array<i32>} : memref<80x64xf32, #tpu.memory_space<vmem>>, vector<16xf32>,
        tpu.vector_store %arg19[%swap3A_694, %swap3A_695], %mul3A_693 {strides = array<i32>} : memref<80x64xf32, #tpu.memory_space<vmem>>, vector<16xf32>,
        %mul3A_697 = arith.constant 16 : i32
        %mul3A_698 = arith.muli %scan3A_239, %mul3A_697 : i32
        %add3A_699 = arith.constant 13 : i32
        %add3A_700 = arith.addi %mul3A_698, %add3A_699 : i32
        %slice3A_701 = vector.extract_strided_slice %get3A_243 {offsets = [13], sizes = [1], strides = [1]} : vector<16xf32> to vector<1xf32>
        %squeeze3A_702 = vector.extract %slice3A_701[0] : f32 from vector<1xf32>
        %broadcast_in_dim3A_703 = vector.broadcast %squeeze3A_702 : f32 to vector<16xf32>
        %get3A_704 = arith.index_cast %add3A_700 : i32 to index
        %get3A_705 = arith.constant 0 : index
        %get3A_706 = tpu.vector_load %arg18[%get3A_704, %get3A_705] {strides = array<i32>} : memref<80x128xf32, #tpu.memory_space<vmem>>, vector<16xf32>,
        %mul3A_707 = arith.mulf %get3A_706, %broadcast_in_dim3A_703 : vector<16xf32>
        %swap3A_708 = arith.index_cast %add3A_700 : i32 to index
        %swap3A_709 = arith.constant 0 : index
        %swap3A_710 = tpu.vector_load %arg19[%swap3A_708, %swap3A_709] {strides = array<i32>} : memref<80x64xf32, #tpu.memory_space<vmem>>, vector<16xf32>,
        tpu.vector_store %arg19[%swap3A_708, %swap3A_709], %mul3A_707 {strides = array<i32>} : memref<80x64xf32, #tpu.memory_space<vmem>>, vector<16xf32>,
        %get3A_711 = arith.index_cast %add3A_700 : i32 to index
        %get3A_712 = arith.constant 16 : index
        %get3A_713 = tpu.vector_load %arg18[%get3A_711, %get3A_712] {strides = array<i32>} : memref<80x128xf32, #tpu.memory_space<vmem>>, vector<16xf32>,
        %mul3A_714 = arith.mulf %get3A_713, %broadcast_in_dim3A_703 : vector<16xf32>
        %swap3A_715 = arith.index_cast %add3A_700 : i32 to index
        %swap3A_716 = arith.constant 16 : index
        %swap3A_717 = tpu.vector_load %arg19[%swap3A_715, %swap3A_716] {strides = array<i32>} : memref<80x64xf32, #tpu.memory_space<vmem>>, vector<16xf32>,
        tpu.vector_store %arg19[%swap3A_715, %swap3A_716], %mul3A_714 {strides = array<i32>} : memref<80x64xf32, #tpu.memory_space<vmem>>, vector<16xf32>,
        %get3A_718 = arith.index_cast %add3A_700 : i32 to index
        %get3A_719 = arith.constant 32 : index
        %get3A_720 = tpu.vector_load %arg18[%get3A_718, %get3A_719] {strides = array<i32>} : memref<80x128xf32, #tpu.memory_space<vmem>>, vector<16xf32>,
        %mul3A_721 = arith.mulf %get3A_720, %broadcast_in_dim3A_703 : vector<16xf32>
        %swap3A_722 = arith.index_cast %add3A_700 : i32 to index
        %swap3A_723 = arith.constant 32 : index
        %swap3A_724 = tpu.vector_load %arg19[%swap3A_722, %swap3A_723] {strides = array<i32>} : memref<80x64xf32, #tpu.memory_space<vmem>>, vector<16xf32>,
        tpu.vector_store %arg19[%swap3A_722, %swap3A_723], %mul3A_721 {strides = array<i32>} : memref<80x64xf32, #tpu.memory_space<vmem>>, vector<16xf32>,
        %get3A_725 = arith.index_cast %add3A_700 : i32 to index
        %get3A_726 = arith.constant 48 : index
        %get3A_727 = tpu.vector_load %arg18[%get3A_725, %get3A_726] {strides = array<i32>} : memref<80x128xf32, #tpu.memory_space<vmem>>, vector<16xf32>,
        %mul3A_728 = arith.mulf %get3A_727, %broadcast_in_dim3A_703 : vector<16xf32>
        %swap3A_729 = arith.index_cast %add3A_700 : i32 to index
        %swap3A_730 = arith.constant 48 : index
        %swap3A_731 = tpu.vector_load %arg19[%swap3A_729, %swap3A_730] {strides = array<i32>} : memref<80x64xf32, #tpu.memory_space<vmem>>, vector<16xf32>,
        tpu.vector_store %arg19[%swap3A_729, %swap3A_730], %mul3A_728 {strides = array<i32>} : memref<80x64xf32, #tpu.memory_space<vmem>>, vector<16xf32>,
        %mul3A_732 = arith.constant 16 : i32
        %mul3A_733 = arith.muli %scan3A_239, %mul3A_732 : i32
        %add3A_734 = arith.constant 14 : i32
        %add3A_735 = arith.addi %mul3A_733, %add3A_734 : i32
        %slice3A_736 = vector.extract_strided_slice %get3A_243 {offsets = [14], sizes = [1], strides = [1]} : vector<16xf32> to vector<1xf32>
        %squeeze3A_737 = vector.extract %slice3A_736[0] : f32 from vector<1xf32>
        %broadcast_in_dim3A_738 = vector.broadcast %squeeze3A_737 : f32 to vector<16xf32>
        %get3A_739 = arith.index_cast %add3A_735 : i32 to index
        %get3A_740 = arith.constant 0 : index
        %get3A_741 = tpu.vector_load %arg18[%get3A_739, %get3A_740] {strides = array<i32>} : memref<80x128xf32, #tpu.memory_space<vmem>>, vector<16xf32>,
        %mul3A_742 = arith.mulf %get3A_741, %broadcast_in_dim3A_738 : vector<16xf32>
        %swap3A_743 = arith.index_cast %add3A_735 : i32 to index
        %swap3A_744 = arith.constant 0 : index
        %swap3A_745 = tpu.vector_load %arg19[%swap3A_743, %swap3A_744] {strides = array<i32>} : memref<80x64xf32, #tpu.memory_space<vmem>>, vector<16xf32>,
        tpu.vector_store %arg19[%swap3A_743, %swap3A_744], %mul3A_742 {strides = array<i32>} : memref<80x64xf32, #tpu.memory_space<vmem>>, vector<16xf32>,
        %get3A_746 = arith.index_cast %add3A_735 : i32 to index
        %get3A_747 = arith.constant 16 : index
        %get3A_748 = tpu.vector_load %arg18[%get3A_746, %get3A_747] {strides = array<i32>} : memref<80x128xf32, #tpu.memory_space<vmem>>, vector<16xf32>,
        %mul3A_749 = arith.mulf %get3A_748, %broadcast_in_dim3A_738 : vector<16xf32>
        %swap3A_750 = arith.index_cast %add3A_735 : i32 to index
        %swap3A_751 = arith.constant 16 : index
        %swap3A_752 = tpu.vector_load %arg19[%swap3A_750, %swap3A_751] {strides = array<i32>} : memref<80x64xf32, #tpu.memory_space<vmem>>, vector<16xf32>,
        tpu.vector_store %arg19[%swap3A_750, %swap3A_751], %mul3A_749 {strides = array<i32>} : memref<80x64xf32, #tpu.memory_space<vmem>>, vector<16xf32>,
        %get3A_753 = arith.index_cast %add3A_735 : i32 to index
        %get3A_754 = arith.constant 32 : index
        %get3A_755 = tpu.vector_load %arg18[%get3A_753, %get3A_754] {strides = array<i32>} : memref<80x128xf32, #tpu.memory_space<vmem>>, vector<16xf32>,
        %mul3A_756 = arith.mulf %get3A_755, %broadcast_in_dim3A_738 : vector<16xf32>
        %swap3A_757 = arith.index_cast %add3A_735 : i32 to index
        %swap3A_758 = arith.constant 32 : index
        %swap3A_759 = tpu.vector_load %arg19[%swap3A_757, %swap3A_758] {strides = array<i32>} : memref<80x64xf32, #tpu.memory_space<vmem>>, vector<16xf32>,
        tpu.vector_store %arg19[%swap3A_757, %swap3A_758], %mul3A_756 {strides = array<i32>} : memref<80x64xf32, #tpu.memory_space<vmem>>, vector<16xf32>,
        %get3A_760 = arith.index_cast %add3A_735 : i32 to index
        %get3A_761 = arith.constant 48 : index
        %get3A_762 = tpu.vector_load %arg18[%get3A_760, %get3A_761] {strides = array<i32>} : memref<80x128xf32, #tpu.memory_space<vmem>>, vector<16xf32>,
        %mul3A_763 = arith.mulf %get3A_762, %broadcast_in_dim3A_738 : vector<16xf32>
        %swap3A_764 = arith.index_cast %add3A_735 : i32 to index
        %swap3A_765 = arith.constant 48 : index
        %swap3A_766 = tpu.vector_load %arg19[%swap3A_764, %swap3A_765] {strides = array<i32>} : memref<80x64xf32, #tpu.memory_space<vmem>>, vector<16xf32>,
        tpu.vector_store %arg19[%swap3A_764, %swap3A_765], %mul3A_763 {strides = array<i32>} : memref<80x64xf32, #tpu.memory_space<vmem>>, vector<16xf32>,
        %mul3A_767 = arith.constant 16 : i32
        %mul3A_768 = arith.muli %scan3A_239, %mul3A_767 : i32
        %add3A_769 = arith.constant 15 : i32
        %add3A_770 = arith.addi %mul3A_768, %add3A_769 : i32
        %slice3A_771 = vector.extract_strided_slice %get3A_243 {offsets = [15], sizes = [1], strides = [1]} : vector<16xf32> to vector<1xf32>
        %squeeze3A_772 = vector.extract %slice3A_771[0] : f32 from vector<1xf32>
        %broadcast_in_dim3A_773 = vector.broadcast %squeeze3A_772 : f32 to vector<16xf32>
        %get3A_774 = arith.index_cast %add3A_770 : i32 to index
        %get3A_775 = arith.constant 0 : index
        %get3A_776 = tpu.vector_load %arg18[%get3A_774, %get3A_775] {strides = array<i32>} : memref<80x128xf32, #tpu.memory_space<vmem>>, vector<16xf32>,
        %mul3A_777 = arith.mulf %get3A_776, %broadcast_in_dim3A_773 : vector<16xf32>
        %swap3A_778 = arith.index_cast %add3A_770 : i32 to index
        %swap3A_779 = arith.constant 0 : index
        %swap3A_780 = tpu.vector_load %arg19[%swap3A_778, %swap3A_779] {strides = array<i32>} : memref<80x64xf32, #tpu.memory_space<vmem>>, vector<16xf32>,
        tpu.vector_store %arg19[%swap3A_778, %swap3A_779], %mul3A_777 {strides = array<i32>} : memref<80x64xf32, #tpu.memory_space<vmem>>, vector<16xf32>,
        %get3A_781 = arith.index_cast %add3A_770 : i32 to index
        %get3A_782 = arith.constant 16 : index
        %get3A_783 = tpu.vector_load %arg18[%get3A_781, %get3A_782] {strides = array<i32>} : memref<80x128xf32, #tpu.memory_space<vmem>>, vector<16xf32>,
        %mul3A_784 = arith.mulf %get3A_783, %broadcast_in_dim3A_773 : vector<16xf32>
        %swap3A_785 = arith.index_cast %add3A_770 : i32 to index
        %swap3A_786 = arith.constant 16 : index
        %swap3A_787 = tpu.vector_load %arg19[%swap3A_785, %swap3A_786] {strides = array<i32>} : memref<80x64xf32, #tpu.memory_space<vmem>>, vector<16xf32>,
        tpu.vector_store %arg19[%swap3A_785, %swap3A_786], %mul3A_784 {strides = array<i32>} : memref<80x64xf32, #tpu.memory_space<vmem>>, vector<16xf32>,
        %get3A_788 = arith.index_cast %add3A_770 : i32 to index
        %get3A_789 = arith.constant 32 : index
        %get3A_790 = tpu.vector_load %arg18[%get3A_788, %get3A_789] {strides = array<i32>} : memref<80x128xf32, #tpu.memory_space<vmem>>, vector<16xf32>,
        %mul3A_791 = arith.mulf %get3A_790, %broadcast_in_dim3A_773 : vector<16xf32>
        %swap3A_792 = arith.index_cast %add3A_770 : i32 to index
        %swap3A_793 = arith.constant 32 : index
        %swap3A_794 = tpu.vector_load %arg19[%swap3A_792, %swap3A_793] {strides = array<i32>} : memref<80x64xf32, #tpu.memory_space<vmem>>, vector<16xf32>,
        tpu.vector_store %arg19[%swap3A_792, %swap3A_793], %mul3A_791 {strides = array<i32>} : memref<80x64xf32, #tpu.memory_space<vmem>>, vector<16xf32>,
        %get3A_795 = arith.index_cast %add3A_770 : i32 to index
        %get3A_796 = arith.constant 48 : index
        %get3A_797 = tpu.vector_load %arg18[%get3A_795, %get3A_796] {strides = array<i32>} : memref<80x128xf32, #tpu.memory_space<vmem>>, vector<16xf32>,
        %mul3A_798 = arith.mulf %get3A_797, %broadcast_in_dim3A_773 : vector<16xf32>
        %swap3A_799 = arith.index_cast %add3A_770 : i32 to index
        %swap3A_800 = arith.constant 48 : index
        %swap3A_801 = tpu.vector_load %arg19[%swap3A_799, %swap3A_800] {strides = array<i32>} : memref<80x64xf32, #tpu.memory_space<vmem>>, vector<16xf32>,
        tpu.vector_store %arg19[%swap3A_799, %swap3A_800], %mul3A_798 {strides = array<i32>} : memref<80x64xf32, #tpu.memory_space<vmem>>, vector<16xf32>,
      }
      %scan3A_238 = arith.constant 5 : i32
      "tpu.region"() ({
        %run_scoped3A = tpu.sem_alloc : memref<!tpu.dma_semaphore, #tpu.memory_space<semaphore_mem>>
        %dma_start3A_239 = arith.constant 0 : i32
        %dma_start3A_240 = arith.constant 0 : i32
        %dma_start3A_241 = tpu.memref_slice %arg22[%dma_start3A_239, %dma_start3A_240] : memref<10240x64xf32, #tpu.memory_space<vmem_shared>> -> memref<10240x64xf32, #tpu.memory_space<vmem_shared>>
        tpu.enqueue_indirect_dma source(%arg19 : memref<80x64xf32, #tpu.memory_space<vmem>>) target(%dma_start3A_241 : memref<10240x64xf32, #tpu.memory_space<vmem_shared>>) offsets(%arg15 : memref<80xi32, #tpu.memory_space<vmem>>) semaphore(%run_scoped3A : memref<!tpu.dma_semaphore, #tpu.memory_space<semaphore_mem>>) {add = true}
        %dma_wait3A_242 = arith.constant 0 : i32
        %dma_wait3A_243 = arith.constant 0 : i32
        %dma_wait3A_244 = tpu.memref_slice %arg22[%dma_wait3A_242, %dma_wait3A_243] : memref<10240x64xf32, #tpu.memory_space<vmem_shared>> -> memref<10240x64xf32, #tpu.memory_space<vmem_shared>>
        tpu.wait_indirect_dma semaphore(%run_scoped3A : memref<!tpu.dma_semaphore, #tpu.memory_space<semaphore_mem>>) src(%arg19 : memref<80x64xf32, #tpu.memory_space<vmem>>) dst(%dma_wait3A_244 : memref<10240x64xf32, #tpu.memory_space<vmem_shared>>)
        tpu.yield
      }) : () -> ()
      "tpu.region"() ({
        %run_scoped3A = tpu.sem_alloc : memref<!tpu.dma_semaphore, #tpu.memory_space<semaphore_mem>>
        %dma_start3A_239 = arith.constant 0 : i32
        %dma_start3A_240 = arith.constant 0 : i32
        %dma_start3A_241 = tpu.memref_slice %arg23[%dma_start3A_239, %dma_start3A_240] : memref<10240x8xf32, #tpu.memory_space<vmem_shared>> -> memref<10240x8xf32, #tpu.memory_space<vmem_shared>>
        tpu.enqueue_indirect_dma source(%arg17 : memref<80x8xf32, #tpu.memory_space<vmem>>) target(%dma_start3A_241 : memref<10240x8xf32, #tpu.memory_space<vmem_shared>>) offsets(%arg15 : memref<80xi32, #tpu.memory_space<vmem>>) semaphore(%run_scoped3A : memref<!tpu.dma_semaphore, #tpu.memory_space<semaphore_mem>>) {add = true}
        %dma_wait3A_242 = arith.constant 0 : i32
        %dma_wait3A_243 = arith.constant 0 : i32
        %dma_wait3A_244 = tpu.memref_slice %arg23[%dma_wait3A_242, %dma_wait3A_243] : memref<10240x8xf32, #tpu.memory_space<vmem_shared>> -> memref<10240x8xf32, #tpu.memory_space<vmem_shared>>
        tpu.wait_indirect_dma semaphore(%run_scoped3A : memref<!tpu.dma_semaphore, #tpu.memory_space<semaphore_mem>>) src(%arg17 : memref<80x8xf32, #tpu.memory_space<vmem>>) dst(%dma_wait3A_244 : memref<10240x8xf32, #tpu.memory_space<vmem_shared>>)
        tpu.yield
      }) : () -> ()
      "tpu.region"() ({
        %run_scoped3A = tpu.sem_alloc : memref<!tpu.dma_semaphore, #tpu.memory_space<semaphore_mem>>
        %dma_start3A_239 = tpu.memref_slice %arg11[%add3A_130] : memref<320000xf32, #tpu.memory_space<hbm>> -> memref<80xf32, #tpu.memory_space<hbm>>
        %dma_start3A_240 = tpu.memref_slice %arg11[%add3A_130] : memref<320000xf32, #tpu.memory_space<hbm>> -> memref<80xf32, #tpu.memory_space<hbm>>
        tpu.enqueue_dma source(%arg16 : memref<80xf32, #tpu.memory_space<vmem>>) target(%dma_start3A_240 : memref<80xf32, #tpu.memory_space<hbm>>) target_semaphore(%run_scoped3A : memref<!tpu.dma_semaphore, #tpu.memory_space<semaphore_mem>>)
        %dma_wait3A_241 = tpu.memref_slice %arg11[%add3A_130] : memref<320000xf32, #tpu.memory_space<hbm>> -> memref<80xf32, #tpu.memory_space<hbm>>
        %dma_wait3A_242 = tpu.memref_slice %arg11[%add3A_130] : memref<320000xf32, #tpu.memory_space<hbm>> -> memref<80xf32, #tpu.memory_space<hbm>>
        tpu.wait_dma2 semaphore(%run_scoped3A : memref<!tpu.dma_semaphore, #tpu.memory_space<semaphore_mem>>) src(%arg16 : memref<80xf32, #tpu.memory_space<vmem>>) dst(%dma_wait3A_242 : memref<80xf32, #tpu.memory_space<hbm>>)
        tpu.yield
      }) : () -> ()
    }
    %scan3A_45 = arith.constant 250 : i32
    %barrier3A_46 = arith.constant 0 : index
    tpu.barrier barrier_id(%barrier3A_46)
    %mul3A_47 = arith.constant 640 : i32
    %mul3A_48 = arith.muli %arg1, %mul3A_47 : i32
    %add3A_49 = arith.constant 0 : i32
    %add3A_50 = arith.addi %mul3A_48, %add3A_49 : i32
    "tpu.region"() ({
      %run_scoped3A = tpu.sem_alloc : memref<!tpu.dma_semaphore, #tpu.memory_space<semaphore_mem>>
      %dma_start3A = arith.constant 0 : i32
      %dma_start3A_127 = tpu.memref_slice %arg22[%add3A_50, %dma_start3A] : memref<10240x64xf32, #tpu.memory_space<vmem_shared>> -> memref<128x64xf32, #tpu.memory_space<vmem_shared>>
      %dma_start3A_128 = arith.constant 0 : i32
      %dma_start3A_129 = tpu.memref_slice %arg22[%add3A_50, %dma_start3A_128] : memref<10240x64xf32, #tpu.memory_space<vmem_shared>> -> memref<128x64xf32, #tpu.memory_space<vmem_shared>>
      tpu.enqueue_dma source(%dma_start3A_129 : memref<128x64xf32, #tpu.memory_space<vmem_shared>>) target(%arg20 : memref<128x64xf32, #tpu.memory_space<vmem>>) target_semaphore(%run_scoped3A : memref<!tpu.dma_semaphore, #tpu.memory_space<semaphore_mem>>)
      %dma_wait3A = arith.constant 0 : i32
      %dma_wait3A_130 = tpu.memref_slice %arg22[%add3A_50, %dma_wait3A] : memref<10240x64xf32, #tpu.memory_space<vmem_shared>> -> memref<128x64xf32, #tpu.memory_space<vmem_shared>>
      %dma_wait3A_131 = arith.constant 0 : i32
      %dma_wait3A_132 = tpu.memref_slice %arg22[%add3A_50, %dma_wait3A_131] : memref<10240x64xf32, #tpu.memory_space<vmem_shared>> -> memref<128x64xf32, #tpu.memory_space<vmem_shared>>
      tpu.wait_dma2 semaphore(%run_scoped3A : memref<!tpu.dma_semaphore, #tpu.memory_space<semaphore_mem>>) src(%dma_wait3A_132 : memref<128x64xf32, #tpu.memory_space<vmem_shared>>) dst(%arg20 : memref<128x64xf32, #tpu.memory_space<vmem>>)
      tpu.yield
    }) : () -> ()
    %mul3A_51 = arith.constant 640 : i32
    %mul3A_52 = arith.muli %arg1, %mul3A_51 : i32
    %add3A_53 = arith.constant 0 : i32
    %add3A_54 = arith.addi %mul3A_52, %add3A_53 : i32
    "tpu.region"() ({
      %run_scoped3A = tpu.sem_alloc : memref<!tpu.dma_semaphore, #tpu.memory_space<semaphore_mem>>
      %dma_start3A = arith.constant 0 : i32
      %dma_start3A_127 = tpu.memref_slice %arg23[%add3A_54, %dma_start3A] : memref<10240x8xf32, #tpu.memory_space<vmem_shared>> -> memref<128x8xf32, #tpu.memory_space<vmem_shared>>
      %dma_start3A_128 = arith.constant 0 : i32
      %dma_start3A_129 = tpu.memref_slice %arg23[%add3A_54, %dma_start3A_128] : memref<10240x8xf32, #tpu.memory_space<vmem_shared>> -> memref<128x8xf32, #tpu.memory_space<vmem_shared>>
      tpu.enqueue_dma source(%dma_start3A_129 : memref<128x8xf32, #tpu.memory_space<vmem_shared>>) target(%arg21 : memref<128x8xf32, #tpu.memory_space<vmem>>) target_semaphore(%run_scoped3A : memref<!tpu.dma_semaphore, #tpu.memory_space<semaphore_mem>>)
      %dma_wait3A = arith.constant 0 : i32
      %dma_wait3A_130 = tpu.memref_slice %arg23[%add3A_54, %dma_wait3A] : memref<10240x8xf32, #tpu.memory_space<vmem_shared>> -> memref<128x8xf32, #tpu.memory_space<vmem_shared>>
      %dma_wait3A_131 = arith.constant 0 : i32
      %dma_wait3A_132 = tpu.memref_slice %arg23[%add3A_54, %dma_wait3A_131] : memref<10240x8xf32, #tpu.memory_space<vmem_shared>> -> memref<128x8xf32, #tpu.memory_space<vmem_shared>>
      tpu.wait_dma2 semaphore(%run_scoped3A : memref<!tpu.dma_semaphore, #tpu.memory_space<semaphore_mem>>) src(%dma_wait3A_132 : memref<128x8xf32, #tpu.memory_space<vmem_shared>>) dst(%arg21 : memref<128x8xf32, #tpu.memory_space<vmem>>)
      tpu.yield
    }) : () -> ()
    %mul3A_55 = arith.constant 640 : i32
    %mul3A_56 = arith.muli %arg1, %mul3A_55 : i32
    %add3A_57 = arith.constant 0 : i32
    %add3A_58 = arith.addi %mul3A_56, %add3A_57 : i32
    "tpu.region"() ({
      %run_scoped3A = tpu.sem_alloc : memref<!tpu.dma_semaphore, #tpu.memory_space<semaphore_mem>>
      %dma_start3A = arith.constant 0 : i32
      %dma_start3A_127 = tpu.memref_slice %arg9[%add3A_58, %dma_start3A] : memref<10240x64xf32, #tpu.memory_space<hbm>> -> memref<128x64xf32, #tpu.memory_space<hbm>>
      %dma_start3A_128 = arith.constant 0 : i32
      %dma_start3A_129 = tpu.memref_slice %arg9[%add3A_58, %dma_start3A_128] : memref<10240x64xf32, #tpu.memory_space<hbm>> -> memref<128x64xf32, #tpu.memory_space<hbm>>
      tpu.enqueue_dma source(%arg20 : memref<128x64xf32, #tpu.memory_space<vmem>>) target(%dma_start3A_129 : memref<128x64xf32, #tpu.memory_space<hbm>>) target_semaphore(%run_scoped3A : memref<!tpu.dma_semaphore, #tpu.memory_space<semaphore_mem>>)
      %dma_wait3A = arith.constant 0 : i32
      %dma_wait3A_130 = tpu.memref_slice %arg9[%add3A_58, %dma_wait3A] : memref<10240x64xf32, #tpu.memory_space<hbm>> -> memref<128x64xf32, #tpu.memory_space<hbm>>
      %dma_wait3A_131 = arith.constant 0 : i32
      %dma_wait3A_132 = tpu.memref_slice %arg9[%add3A_58, %dma_wait3A_131] : memref<10240x64xf32, #tpu.memory_space<hbm>> -> memref<128x64xf32, #tpu.memory_space<hbm>>
      tpu.wait_dma2 semaphore(%run_scoped3A : memref<!tpu.dma_semaphore, #tpu.memory_space<semaphore_mem>>) src(%arg20 : memref<128x64xf32, #tpu.memory_space<vmem>>) dst(%dma_wait3A_132 : memref<128x64xf32, #tpu.memory_space<hbm>>)
      tpu.yield
    }) : () -> ()
    %mul3A_59 = arith.constant 640 : i32
    %mul3A_60 = arith.muli %arg1, %mul3A_59 : i32
    %add3A_61 = arith.constant 0 : i32
    %add3A_62 = arith.addi %mul3A_60, %add3A_61 : i32
    "tpu.region"() ({
      %run_scoped3A = tpu.sem_alloc : memref<!tpu.dma_semaphore, #tpu.memory_space<semaphore_mem>>
      %dma_start3A = arith.constant 0 : i32
      %dma_start3A_127 = tpu.memref_slice %arg10[%add3A_62, %dma_start3A] : memref<10240x8xf32, #tpu.memory_space<hbm>> -> memref<128x8xf32, #tpu.memory_space<hbm>>
      %dma_start3A_128 = arith.constant 0 : i32
      %dma_start3A_129 = tpu.memref_slice %arg10[%add3A_62, %dma_start3A_128] : memref<10240x8xf32, #tpu.memory_space<hbm>> -> memref<128x8xf32, #tpu.memory_space<hbm>>
      tpu.enqueue_dma source(%arg21 : memref<128x8xf32, #tpu.memory_space<vmem>>) target(%dma_start3A_129 : memref<128x8xf32, #tpu.memory_space<hbm>>) target_semaphore(%run_scoped3A : memref<!tpu.dma_semaphore, #tpu.memory_space<semaphore_mem>>)
      %dma_wait3A = arith.constant 0 : i32
      %dma_wait3A_130 = tpu.memref_slice %arg10[%add3A_62, %dma_wait3A] : memref<10240x8xf32, #tpu.memory_space<hbm>> -> memref<128x8xf32, #tpu.memory_space<hbm>>
      %dma_wait3A_131 = arith.constant 0 : i32
      %dma_wait3A_132 = tpu.memref_slice %arg10[%add3A_62, %dma_wait3A_131] : memref<10240x8xf32, #tpu.memory_space<hbm>> -> memref<128x8xf32, #tpu.memory_space<hbm>>
      tpu.wait_dma2 semaphore(%run_scoped3A : memref<!tpu.dma_semaphore, #tpu.memory_space<semaphore_mem>>) src(%arg21 : memref<128x8xf32, #tpu.memory_space<vmem>>) dst(%dma_wait3A_132 : memref<128x8xf32, #tpu.memory_space<hbm>>)
      tpu.yield
    }) : () -> ()
    %mul3A_63 = arith.constant 640 : i32
    %mul3A_64 = arith.muli %arg1, %mul3A_63 : i32
    %add3A_65 = arith.constant 128 : i32
    %add3A_66 = arith.addi %mul3A_64, %add3A_65 : i32
    "tpu.region"() ({
      %run_scoped3A = tpu.sem_alloc : memref<!tpu.dma_semaphore, #tpu.memory_space<semaphore_mem>>
      %dma_start3A = arith.constant 0 : i32
      %dma_start3A_127 = tpu.memref_slice %arg22[%add3A_66, %dma_start3A] : memref<10240x64xf32, #tpu.memory_space<vmem_shared>> -> memref<128x64xf32, #tpu.memory_space<vmem_shared>>
      %dma_start3A_128 = arith.constant 0 : i32
      %dma_start3A_129 = tpu.memref_slice %arg22[%add3A_66, %dma_start3A_128] : memref<10240x64xf32, #tpu.memory_space<vmem_shared>> -> memref<128x64xf32, #tpu.memory_space<vmem_shared>>
      tpu.enqueue_dma source(%dma_start3A_129 : memref<128x64xf32, #tpu.memory_space<vmem_shared>>) target(%arg20 : memref<128x64xf32, #tpu.memory_space<vmem>>) target_semaphore(%run_scoped3A : memref<!tpu.dma_semaphore, #tpu.memory_space<semaphore_mem>>)
      %dma_wait3A = arith.constant 0 : i32
      %dma_wait3A_130 = tpu.memref_slice %arg22[%add3A_66, %dma_wait3A] : memref<10240x64xf32, #tpu.memory_space<vmem_shared>> -> memref<128x64xf32, #tpu.memory_space<vmem_shared>>
      %dma_wait3A_131 = arith.constant 0 : i32
      %dma_wait3A_132 = tpu.memref_slice %arg22[%add3A_66, %dma_wait3A_131] : memref<10240x64xf32, #tpu.memory_space<vmem_shared>> -> memref<128x64xf32, #tpu.memory_space<vmem_shared>>
      tpu.wait_dma2 semaphore(%run_scoped3A : memref<!tpu.dma_semaphore, #tpu.memory_space<semaphore_mem>>) src(%dma_wait3A_132 : memref<128x64xf32, #tpu.memory_space<vmem_shared>>) dst(%arg20 : memref<128x64xf32, #tpu.memory_space<vmem>>)
      tpu.yield
    }) : () -> ()
    %mul3A_67 = arith.constant 640 : i32
    %mul3A_68 = arith.muli %arg1, %mul3A_67 : i32
    %add3A_69 = arith.constant 128 : i32
    %add3A_70 = arith.addi %mul3A_68, %add3A_69 : i32
    "tpu.region"() ({
      %run_scoped3A = tpu.sem_alloc : memref<!tpu.dma_semaphore, #tpu.memory_space<semaphore_mem>>
      %dma_start3A = arith.constant 0 : i32
      %dma_start3A_127 = tpu.memref_slice %arg23[%add3A_70, %dma_start3A] : memref<10240x8xf32, #tpu.memory_space<vmem_shared>> -> memref<128x8xf32, #tpu.memory_space<vmem_shared>>
      %dma_start3A_128 = arith.constant 0 : i32
      %dma_start3A_129 = tpu.memref_slice %arg23[%add3A_70, %dma_start3A_128] : memref<10240x8xf32, #tpu.memory_space<vmem_shared>> -> memref<128x8xf32, #tpu.memory_space<vmem_shared>>
      tpu.enqueue_dma source(%dma_start3A_129 : memref<128x8xf32, #tpu.memory_space<vmem_shared>>) target(%arg21 : memref<128x8xf32, #tpu.memory_space<vmem>>) target_semaphore(%run_scoped3A : memref<!tpu.dma_semaphore, #tpu.memory_space<semaphore_mem>>)
      %dma_wait3A = arith.constant 0 : i32
      %dma_wait3A_130 = tpu.memref_slice %arg23[%add3A_70, %dma_wait3A] : memref<10240x8xf32, #tpu.memory_space<vmem_shared>> -> memref<128x8xf32, #tpu.memory_space<vmem_shared>>
      %dma_wait3A_131 = arith.constant 0 : i32
      %dma_wait3A_132 = tpu.memref_slice %arg23[%add3A_70, %dma_wait3A_131] : memref<10240x8xf32, #tpu.memory_space<vmem_shared>> -> memref<128x8xf32, #tpu.memory_space<vmem_shared>>
      tpu.wait_dma2 semaphore(%run_scoped3A : memref<!tpu.dma_semaphore, #tpu.memory_space<semaphore_mem>>) src(%dma_wait3A_132 : memref<128x8xf32, #tpu.memory_space<vmem_shared>>) dst(%arg21 : memref<128x8xf32, #tpu.memory_space<vmem>>)
      tpu.yield
    }) : () -> ()
    %mul3A_71 = arith.constant 640 : i32
    %mul3A_72 = arith.muli %arg1, %mul3A_71 : i32
    %add3A_73 = arith.constant 128 : i32
    %add3A_74 = arith.addi %mul3A_72, %add3A_73 : i32
    "tpu.region"() ({
      %run_scoped3A = tpu.sem_alloc : memref<!tpu.dma_semaphore, #tpu.memory_space<semaphore_mem>>
      %dma_start3A = arith.constant 0 : i32
      %dma_start3A_127 = tpu.memref_slice %arg9[%add3A_74, %dma_start3A] : memref<10240x64xf32, #tpu.memory_space<hbm>> -> memref<128x64xf32, #tpu.memory_space<hbm>>
      %dma_start3A_128 = arith.constant 0 : i32
      %dma_start3A_129 = tpu.memref_slice %arg9[%add3A_74, %dma_start3A_128] : memref<10240x64xf32, #tpu.memory_space<hbm>> -> memref<128x64xf32, #tpu.memory_space<hbm>>
      tpu.enqueue_dma source(%arg20 : memref<128x64xf32, #tpu.memory_space<vmem>>) target(%dma_start3A_129 : memref<128x64xf32, #tpu.memory_space<hbm>>) target_semaphore(%run_scoped3A : memref<!tpu.dma_semaphore, #tpu.memory_space<semaphore_mem>>)
      %dma_wait3A = arith.constant 0 : i32
      %dma_wait3A_130 = tpu.memref_slice %arg9[%add3A_74, %dma_wait3A] : memref<10240x64xf32, #tpu.memory_space<hbm>> -> memref<128x64xf32, #tpu.memory_space<hbm>>
      %dma_wait3A_131 = arith.constant 0 : i32
      %dma_wait3A_132 = tpu.memref_slice %arg9[%add3A_74, %dma_wait3A_131] : memref<10240x64xf32, #tpu.memory_space<hbm>> -> memref<128x64xf32, #tpu.memory_space<hbm>>
      tpu.wait_dma2 semaphore(%run_scoped3A : memref<!tpu.dma_semaphore, #tpu.memory_space<semaphore_mem>>) src(%arg20 : memref<128x64xf32, #tpu.memory_space<vmem>>) dst(%dma_wait3A_132 : memref<128x64xf32, #tpu.memory_space<hbm>>)
      tpu.yield
    }) : () -> ()
    %mul3A_75 = arith.constant 640 : i32
    %mul3A_76 = arith.muli %arg1, %mul3A_75 : i32
    %add3A_77 = arith.constant 128 : i32
    %add3A_78 = arith.addi %mul3A_76, %add3A_77 : i32
    "tpu.region"() ({
      %run_scoped3A = tpu.sem_alloc : memref<!tpu.dma_semaphore, #tpu.memory_space<semaphore_mem>>
      %dma_start3A = arith.constant 0 : i32
      %dma_start3A_127 = tpu.memref_slice %arg10[%add3A_78, %dma_start3A] : memref<10240x8xf32, #tpu.memory_space<hbm>> -> memref<128x8xf32, #tpu.memory_space<hbm>>
      %dma_start3A_128 = arith.constant 0 : i32
      %dma_start3A_129 = tpu.memref_slice %arg10[%add3A_78, %dma_start3A_128] : memref<10240x8xf32, #tpu.memory_space<hbm>> -> memref<128x8xf32, #tpu.memory_space<hbm>>
      tpu.enqueue_dma source(%arg21 : memref<128x8xf32, #tpu.memory_space<vmem>>) target(%dma_start3A_129 : memref<128x8xf32, #tpu.memory_space<hbm>>) target_semaphore(%run_scoped3A : memref<!tpu.dma_semaphore, #tpu.memory_space<semaphore_mem>>)
      %dma_wait3A = arith.constant 0 : i32
      %dma_wait3A_130 = tpu.memref_slice %arg10[%add3A_78, %dma_wait3A] : memref<10240x8xf32, #tpu.memory_space<hbm>> -> memref<128x8xf32, #tpu.memory_space<hbm>>
      %dma_wait3A_131 = arith.constant 0 : i32
      %dma_wait3A_132 = tpu.memref_slice %arg10[%add3A_78, %dma_wait3A_131] : memref<10240x8xf32, #tpu.memory_space<hbm>> -> memref<128x8xf32, #tpu.memory_space<hbm>>
      tpu.wait_dma2 semaphore(%run_scoped3A : memref<!tpu.dma_semaphore, #tpu.memory_space<semaphore_mem>>) src(%arg21 : memref<128x8xf32, #tpu.memory_space<vmem>>) dst(%dma_wait3A_132 : memref<128x8xf32, #tpu.memory_space<hbm>>)
      tpu.yield
    }) : () -> ()
    %mul3A_79 = arith.constant 640 : i32
    %mul3A_80 = arith.muli %arg1, %mul3A_79 : i32
    %add3A_81 = arith.constant 256 : i32
    %add3A_82 = arith.addi %mul3A_80, %add3A_81 : i32
    "tpu.region"() ({
      %run_scoped3A = tpu.sem_alloc : memref<!tpu.dma_semaphore, #tpu.memory_space<semaphore_mem>>
      %dma_start3A = arith.constant 0 : i32
      %dma_start3A_127 = tpu.memref_slice %arg22[%add3A_82, %dma_start3A] : memref<10240x64xf32, #tpu.memory_space<vmem_shared>> -> memref<128x64xf32, #tpu.memory_space<vmem_shared>>
      %dma_start3A_128 = arith.constant 0 : i32
      %dma_start3A_129 = tpu.memref_slice %arg22[%add3A_82, %dma_start3A_128] : memref<10240x64xf32, #tpu.memory_space<vmem_shared>> -> memref<128x64xf32, #tpu.memory_space<vmem_shared>>
      tpu.enqueue_dma source(%dma_start3A_129 : memref<128x64xf32, #tpu.memory_space<vmem_shared>>) target(%arg20 : memref<128x64xf32, #tpu.memory_space<vmem>>) target_semaphore(%run_scoped3A : memref<!tpu.dma_semaphore, #tpu.memory_space<semaphore_mem>>)
      %dma_wait3A = arith.constant 0 : i32
      %dma_wait3A_130 = tpu.memref_slice %arg22[%add3A_82, %dma_wait3A] : memref<10240x64xf32, #tpu.memory_space<vmem_shared>> -> memref<128x64xf32, #tpu.memory_space<vmem_shared>>
      %dma_wait3A_131 = arith.constant 0 : i32
      %dma_wait3A_132 = tpu.memref_slice %arg22[%add3A_82, %dma_wait3A_131] : memref<10240x64xf32, #tpu.memory_space<vmem_shared>> -> memref<128x64xf32, #tpu.memory_space<vmem_shared>>
      tpu.wait_dma2 semaphore(%run_scoped3A : memref<!tpu.dma_semaphore, #tpu.memory_space<semaphore_mem>>) src(%dma_wait3A_132 : memref<128x64xf32, #tpu.memory_space<vmem_shared>>) dst(%arg20 : memref<128x64xf32, #tpu.memory_space<vmem>>)
      tpu.yield
    }) : () -> ()
    %mul3A_83 = arith.constant 640 : i32
    %mul3A_84 = arith.muli %arg1, %mul3A_83 : i32
    %add3A_85 = arith.constant 256 : i32
    %add3A_86 = arith.addi %mul3A_84, %add3A_85 : i32
    "tpu.region"() ({
      %run_scoped3A = tpu.sem_alloc : memref<!tpu.dma_semaphore, #tpu.memory_space<semaphore_mem>>
      %dma_start3A = arith.constant 0 : i32
      %dma_start3A_127 = tpu.memref_slice %arg23[%add3A_86, %dma_start3A] : memref<10240x8xf32, #tpu.memory_space<vmem_shared>> -> memref<128x8xf32, #tpu.memory_space<vmem_shared>>
      %dma_start3A_128 = arith.constant 0 : i32
      %dma_start3A_129 = tpu.memref_slice %arg23[%add3A_86, %dma_start3A_128] : memref<10240x8xf32, #tpu.memory_space<vmem_shared>> -> memref<128x8xf32, #tpu.memory_space<vmem_shared>>
      tpu.enqueue_dma source(%dma_start3A_129 : memref<128x8xf32, #tpu.memory_space<vmem_shared>>) target(%arg21 : memref<128x8xf32, #tpu.memory_space<vmem>>) target_semaphore(%run_scoped3A : memref<!tpu.dma_semaphore, #tpu.memory_space<semaphore_mem>>)
      %dma_wait3A = arith.constant 0 : i32
      %dma_wait3A_130 = tpu.memref_slice %arg23[%add3A_86, %dma_wait3A] : memref<10240x8xf32, #tpu.memory_space<vmem_shared>> -> memref<128x8xf32, #tpu.memory_space<vmem_shared>>
      %dma_wait3A_131 = arith.constant 0 : i32
      %dma_wait3A_132 = tpu.memref_slice %arg23[%add3A_86, %dma_wait3A_131] : memref<10240x8xf32, #tpu.memory_space<vmem_shared>> -> memref<128x8xf32, #tpu.memory_space<vmem_shared>>
      tpu.wait_dma2 semaphore(%run_scoped3A : memref<!tpu.dma_semaphore, #tpu.memory_space<semaphore_mem>>) src(%dma_wait3A_132 : memref<128x8xf32, #tpu.memory_space<vmem_shared>>) dst(%arg21 : memref<128x8xf32, #tpu.memory_space<vmem>>)
      tpu.yield
    }) : () -> ()
    %mul3A_87 = arith.constant 640 : i32
    %mul3A_88 = arith.muli %arg1, %mul3A_87 : i32
    %add3A_89 = arith.constant 256 : i32
    %add3A_90 = arith.addi %mul3A_88, %add3A_89 : i32
    "tpu.region"() ({
      %run_scoped3A = tpu.sem_alloc : memref<!tpu.dma_semaphore, #tpu.memory_space<semaphore_mem>>
      %dma_start3A = arith.constant 0 : i32
      %dma_start3A_127 = tpu.memref_slice %arg9[%add3A_90, %dma_start3A] : memref<10240x64xf32, #tpu.memory_space<hbm>> -> memref<128x64xf32, #tpu.memory_space<hbm>>
      %dma_start3A_128 = arith.constant 0 : i32
      %dma_start3A_129 = tpu.memref_slice %arg9[%add3A_90, %dma_start3A_128] : memref<10240x64xf32, #tpu.memory_space<hbm>> -> memref<128x64xf32, #tpu.memory_space<hbm>>
      tpu.enqueue_dma source(%arg20 : memref<128x64xf32, #tpu.memory_space<vmem>>) target(%dma_start3A_129 : memref<128x64xf32, #tpu.memory_space<hbm>>) target_semaphore(%run_scoped3A : memref<!tpu.dma_semaphore, #tpu.memory_space<semaphore_mem>>)
      %dma_wait3A = arith.constant 0 : i32
      %dma_wait3A_130 = tpu.memref_slice %arg9[%add3A_90, %dma_wait3A] : memref<10240x64xf32, #tpu.memory_space<hbm>> -> memref<128x64xf32, #tpu.memory_space<hbm>>
      %dma_wait3A_131 = arith.constant 0 : i32
      %dma_wait3A_132 = tpu.memref_slice %arg9[%add3A_90, %dma_wait3A_131] : memref<10240x64xf32, #tpu.memory_space<hbm>> -> memref<128x64xf32, #tpu.memory_space<hbm>>
      tpu.wait_dma2 semaphore(%run_scoped3A : memref<!tpu.dma_semaphore, #tpu.memory_space<semaphore_mem>>) src(%arg20 : memref<128x64xf32, #tpu.memory_space<vmem>>) dst(%dma_wait3A_132 : memref<128x64xf32, #tpu.memory_space<hbm>>)
      tpu.yield
    }) : () -> ()
    %mul3A_91 = arith.constant 640 : i32
    %mul3A_92 = arith.muli %arg1, %mul3A_91 : i32
    %add3A_93 = arith.constant 256 : i32
    %add3A_94 = arith.addi %mul3A_92, %add3A_93 : i32
    "tpu.region"() ({
      %run_scoped3A = tpu.sem_alloc : memref<!tpu.dma_semaphore, #tpu.memory_space<semaphore_mem>>
      %dma_start3A = arith.constant 0 : i32
      %dma_start3A_127 = tpu.memref_slice %arg10[%add3A_94, %dma_start3A] : memref<10240x8xf32, #tpu.memory_space<hbm>> -> memref<128x8xf32, #tpu.memory_space<hbm>>
      %dma_start3A_128 = arith.constant 0 : i32
      %dma_start3A_129 = tpu.memref_slice %arg10[%add3A_94, %dma_start3A_128] : memref<10240x8xf32, #tpu.memory_space<hbm>> -> memref<128x8xf32, #tpu.memory_space<hbm>>
      tpu.enqueue_dma source(%arg21 : memref<128x8xf32, #tpu.memory_space<vmem>>) target(%dma_start3A_129 : memref<128x8xf32, #tpu.memory_space<hbm>>) target_semaphore(%run_scoped3A : memref<!tpu.dma_semaphore, #tpu.memory_space<semaphore_mem>>)
      %dma_wait3A = arith.constant 0 : i32
      %dma_wait3A_130 = tpu.memref_slice %arg10[%add3A_94, %dma_wait3A] : memref<10240x8xf32, #tpu.memory_space<hbm>> -> memref<128x8xf32, #tpu.memory_space<hbm>>
      %dma_wait3A_131 = arith.constant 0 : i32
      %dma_wait3A_132 = tpu.memref_slice %arg10[%add3A_94, %dma_wait3A_131] : memref<10240x8xf32, #tpu.memory_space<hbm>> -> memref<128x8xf32, #tpu.memory_space<hbm>>
      tpu.wait_dma2 semaphore(%run_scoped3A : memref<!tpu.dma_semaphore, #tpu.memory_space<semaphore_mem>>) src(%arg21 : memref<128x8xf32, #tpu.memory_space<vmem>>) dst(%dma_wait3A_132 : memref<128x8xf32, #tpu.memory_space<hbm>>)
      tpu.yield
    }) : () -> ()
    %mul3A_95 = arith.constant 640 : i32
    %mul3A_96 = arith.muli %arg1, %mul3A_95 : i32
    %add3A_97 = arith.constant 384 : i32
    %add3A_98 = arith.addi %mul3A_96, %add3A_97 : i32
    "tpu.region"() ({
      %run_scoped3A = tpu.sem_alloc : memref<!tpu.dma_semaphore, #tpu.memory_space<semaphore_mem>>
      %dma_start3A = arith.constant 0 : i32
      %dma_start3A_127 = tpu.memref_slice %arg22[%add3A_98, %dma_start3A] : memref<10240x64xf32, #tpu.memory_space<vmem_shared>> -> memref<128x64xf32, #tpu.memory_space<vmem_shared>>
      %dma_start3A_128 = arith.constant 0 : i32
      %dma_start3A_129 = tpu.memref_slice %arg22[%add3A_98, %dma_start3A_128] : memref<10240x64xf32, #tpu.memory_space<vmem_shared>> -> memref<128x64xf32, #tpu.memory_space<vmem_shared>>
      tpu.enqueue_dma source(%dma_start3A_129 : memref<128x64xf32, #tpu.memory_space<vmem_shared>>) target(%arg20 : memref<128x64xf32, #tpu.memory_space<vmem>>) target_semaphore(%run_scoped3A : memref<!tpu.dma_semaphore, #tpu.memory_space<semaphore_mem>>)
      %dma_wait3A = arith.constant 0 : i32
      %dma_wait3A_130 = tpu.memref_slice %arg22[%add3A_98, %dma_wait3A] : memref<10240x64xf32, #tpu.memory_space<vmem_shared>> -> memref<128x64xf32, #tpu.memory_space<vmem_shared>>
      %dma_wait3A_131 = arith.constant 0 : i32
      %dma_wait3A_132 = tpu.memref_slice %arg22[%add3A_98, %dma_wait3A_131] : memref<10240x64xf32, #tpu.memory_space<vmem_shared>> -> memref<128x64xf32, #tpu.memory_space<vmem_shared>>
      tpu.wait_dma2 semaphore(%run_scoped3A : memref<!tpu.dma_semaphore, #tpu.memory_space<semaphore_mem>>) src(%dma_wait3A_132 : memref<128x64xf32, #tpu.memory_space<vmem_shared>>) dst(%arg20 : memref<128x64xf32, #tpu.memory_space<vmem>>)
      tpu.yield
    }) : () -> ()
    %mul3A_99 = arith.constant 640 : i32
    %mul3A_100 = arith.muli %arg1, %mul3A_99 : i32
    %add3A_101 = arith.constant 384 : i32
    %add3A_102 = arith.addi %mul3A_100, %add3A_101 : i32
    "tpu.region"() ({
      %run_scoped3A = tpu.sem_alloc : memref<!tpu.dma_semaphore, #tpu.memory_space<semaphore_mem>>
      %dma_start3A = arith.constant 0 : i32
      %dma_start3A_127 = tpu.memref_slice %arg23[%add3A_102, %dma_start3A] : memref<10240x8xf32, #tpu.memory_space<vmem_shared>> -> memref<128x8xf32, #tpu.memory_space<vmem_shared>>
      %dma_start3A_128 = arith.constant 0 : i32
      %dma_start3A_129 = tpu.memref_slice %arg23[%add3A_102, %dma_start3A_128] : memref<10240x8xf32, #tpu.memory_space<vmem_shared>> -> memref<128x8xf32, #tpu.memory_space<vmem_shared>>
      tpu.enqueue_dma source(%dma_start3A_129 : memref<128x8xf32, #tpu.memory_space<vmem_shared>>) target(%arg21 : memref<128x8xf32, #tpu.memory_space<vmem>>) target_semaphore(%run_scoped3A : memref<!tpu.dma_semaphore, #tpu.memory_space<semaphore_mem>>)
      %dma_wait3A = arith.constant 0 : i32
      %dma_wait3A_130 = tpu.memref_slice %arg23[%add3A_102, %dma_wait3A] : memref<10240x8xf32, #tpu.memory_space<vmem_shared>> -> memref<128x8xf32, #tpu.memory_space<vmem_shared>>
      %dma_wait3A_131 = arith.constant 0 : i32
      %dma_wait3A_132 = tpu.memref_slice %arg23[%add3A_102, %dma_wait3A_131] : memref<10240x8xf32, #tpu.memory_space<vmem_shared>> -> memref<128x8xf32, #tpu.memory_space<vmem_shared>>
      tpu.wait_dma2 semaphore(%run_scoped3A : memref<!tpu.dma_semaphore, #tpu.memory_space<semaphore_mem>>) src(%dma_wait3A_132 : memref<128x8xf32, #tpu.memory_space<vmem_shared>>) dst(%arg21 : memref<128x8xf32, #tpu.memory_space<vmem>>)
      tpu.yield
    }) : () -> ()
    %mul3A_103 = arith.constant 640 : i32
    %mul3A_104 = arith.muli %arg1, %mul3A_103 : i32
    %add3A_105 = arith.constant 384 : i32
    %add3A_106 = arith.addi %mul3A_104, %add3A_105 : i32
    "tpu.region"() ({
      %run_scoped3A = tpu.sem_alloc : memref<!tpu.dma_semaphore, #tpu.memory_space<semaphore_mem>>
      %dma_start3A = arith.constant 0 : i32
      %dma_start3A_127 = tpu.memref_slice %arg9[%add3A_106, %dma_start3A] : memref<10240x64xf32, #tpu.memory_space<hbm>> -> memref<128x64xf32, #tpu.memory_space<hbm>>
      %dma_start3A_128 = arith.constant 0 : i32
      %dma_start3A_129 = tpu.memref_slice %arg9[%add3A_106, %dma_start3A_128] : memref<10240x64xf32, #tpu.memory_space<hbm>> -> memref<128x64xf32, #tpu.memory_space<hbm>>
      tpu.enqueue_dma source(%arg20 : memref<128x64xf32, #tpu.memory_space<vmem>>) target(%dma_start3A_129 : memref<128x64xf32, #tpu.memory_space<hbm>>) target_semaphore(%run_scoped3A : memref<!tpu.dma_semaphore, #tpu.memory_space<semaphore_mem>>)
      %dma_wait3A = arith.constant 0 : i32
      %dma_wait3A_130 = tpu.memref_slice %arg9[%add3A_106, %dma_wait3A] : memref<10240x64xf32, #tpu.memory_space<hbm>> -> memref<128x64xf32, #tpu.memory_space<hbm>>
      %dma_wait3A_131 = arith.constant 0 : i32
      %dma_wait3A_132 = tpu.memref_slice %arg9[%add3A_106, %dma_wait3A_131] : memref<10240x64xf32, #tpu.memory_space<hbm>> -> memref<128x64xf32, #tpu.memory_space<hbm>>
      tpu.wait_dma2 semaphore(%run_scoped3A : memref<!tpu.dma_semaphore, #tpu.memory_space<semaphore_mem>>) src(%arg20 : memref<128x64xf32, #tpu.memory_space<vmem>>) dst(%dma_wait3A_132 : memref<128x64xf32, #tpu.memory_space<hbm>>)
      tpu.yield
    }) : () -> ()
    %mul3A_107 = arith.constant 640 : i32
    %mul3A_108 = arith.muli %arg1, %mul3A_107 : i32
    %add3A_109 = arith.constant 384 : i32
    %add3A_110 = arith.addi %mul3A_108, %add3A_109 : i32
    "tpu.region"() ({
      %run_scoped3A = tpu.sem_alloc : memref<!tpu.dma_semaphore, #tpu.memory_space<semaphore_mem>>
      %dma_start3A = arith.constant 0 : i32
      %dma_start3A_127 = tpu.memref_slice %arg10[%add3A_110, %dma_start3A] : memref<10240x8xf32, #tpu.memory_space<hbm>> -> memref<128x8xf32, #tpu.memory_space<hbm>>
      %dma_start3A_128 = arith.constant 0 : i32
      %dma_start3A_129 = tpu.memref_slice %arg10[%add3A_110, %dma_start3A_128] : memref<10240x8xf32, #tpu.memory_space<hbm>> -> memref<128x8xf32, #tpu.memory_space<hbm>>
      tpu.enqueue_dma source(%arg21 : memref<128x8xf32, #tpu.memory_space<vmem>>) target(%dma_start3A_129 : memref<128x8xf32, #tpu.memory_space<hbm>>) target_semaphore(%run_scoped3A : memref<!tpu.dma_semaphore, #tpu.memory_space<semaphore_mem>>)
      %dma_wait3A = arith.constant 0 : i32
      %dma_wait3A_130 = tpu.memref_slice %arg10[%add3A_110, %dma_wait3A] : memref<10240x8xf32, #tpu.memory_space<hbm>> -> memref<128x8xf32, #tpu.memory_space<hbm>>
      %dma_wait3A_131 = arith.constant 0 : i32
      %dma_wait3A_132 = tpu.memref_slice %arg10[%add3A_110, %dma_wait3A_131] : memref<10240x8xf32, #tpu.memory_space<hbm>> -> memref<128x8xf32, #tpu.memory_space<hbm>>
      tpu.wait_dma2 semaphore(%run_scoped3A : memref<!tpu.dma_semaphore, #tpu.memory_space<semaphore_mem>>) src(%arg21 : memref<128x8xf32, #tpu.memory_space<vmem>>) dst(%dma_wait3A_132 : memref<128x8xf32, #tpu.memory_space<hbm>>)
      tpu.yield
    }) : () -> ()
    %mul3A_111 = arith.constant 640 : i32
    %mul3A_112 = arith.muli %arg1, %mul3A_111 : i32
    %add3A_113 = arith.constant 512 : i32
    %add3A_114 = arith.addi %mul3A_112, %add3A_113 : i32
    "tpu.region"() ({
      %run_scoped3A = tpu.sem_alloc : memref<!tpu.dma_semaphore, #tpu.memory_space<semaphore_mem>>
      %dma_start3A = arith.constant 0 : i32
      %dma_start3A_127 = tpu.memref_slice %arg22[%add3A_114, %dma_start3A] : memref<10240x64xf32, #tpu.memory_space<vmem_shared>> -> memref<128x64xf32, #tpu.memory_space<vmem_shared>>
      %dma_start3A_128 = arith.constant 0 : i32
      %dma_start3A_129 = tpu.memref_slice %arg22[%add3A_114, %dma_start3A_128] : memref<10240x64xf32, #tpu.memory_space<vmem_shared>> -> memref<128x64xf32, #tpu.memory_space<vmem_shared>>
      tpu.enqueue_dma source(%dma_start3A_129 : memref<128x64xf32, #tpu.memory_space<vmem_shared>>) target(%arg20 : memref<128x64xf32, #tpu.memory_space<vmem>>) target_semaphore(%run_scoped3A : memref<!tpu.dma_semaphore, #tpu.memory_space<semaphore_mem>>)
      %dma_wait3A = arith.constant 0 : i32
      %dma_wait3A_130 = tpu.memref_slice %arg22[%add3A_114, %dma_wait3A] : memref<10240x64xf32, #tpu.memory_space<vmem_shared>> -> memref<128x64xf32, #tpu.memory_space<vmem_shared>>
      %dma_wait3A_131 = arith.constant 0 : i32
      %dma_wait3A_132 = tpu.memref_slice %arg22[%add3A_114, %dma_wait3A_131] : memref<10240x64xf32, #tpu.memory_space<vmem_shared>> -> memref<128x64xf32, #tpu.memory_space<vmem_shared>>
      tpu.wait_dma2 semaphore(%run_scoped3A : memref<!tpu.dma_semaphore, #tpu.memory_space<semaphore_mem>>) src(%dma_wait3A_132 : memref<128x64xf32, #tpu.memory_space<vmem_shared>>) dst(%arg20 : memref<128x64xf32, #tpu.memory_space<vmem>>)
      tpu.yield
    }) : () -> ()
    %mul3A_115 = arith.constant 640 : i32
    %mul3A_116 = arith.muli %arg1, %mul3A_115 : i32
    %add3A_117 = arith.constant 512 : i32
    %add3A_118 = arith.addi %mul3A_116, %add3A_117 : i32
    "tpu.region"() ({
      %run_scoped3A = tpu.sem_alloc : memref<!tpu.dma_semaphore, #tpu.memory_space<semaphore_mem>>
      %dma_start3A = arith.constant 0 : i32
      %dma_start3A_127 = tpu.memref_slice %arg23[%add3A_118, %dma_start3A] : memref<10240x8xf32, #tpu.memory_space<vmem_shared>> -> memref<128x8xf32, #tpu.memory_space<vmem_shared>>
      %dma_start3A_128 = arith.constant 0 : i32
      %dma_start3A_129 = tpu.memref_slice %arg23[%add3A_118, %dma_start3A_128] : memref<10240x8xf32, #tpu.memory_space<vmem_shared>> -> memref<128x8xf32, #tpu.memory_space<vmem_shared>>
      tpu.enqueue_dma source(%dma_start3A_129 : memref<128x8xf32, #tpu.memory_space<vmem_shared>>) target(%arg21 : memref<128x8xf32, #tpu.memory_space<vmem>>) target_semaphore(%run_scoped3A : memref<!tpu.dma_semaphore, #tpu.memory_space<semaphore_mem>>)
      %dma_wait3A = arith.constant 0 : i32
      %dma_wait3A_130 = tpu.memref_slice %arg23[%add3A_118, %dma_wait3A] : memref<10240x8xf32, #tpu.memory_space<vmem_shared>> -> memref<128x8xf32, #tpu.memory_space<vmem_shared>>
      %dma_wait3A_131 = arith.constant 0 : i32
      %dma_wait3A_132 = tpu.memref_slice %arg23[%add3A_118, %dma_wait3A_131] : memref<10240x8xf32, #tpu.memory_space<vmem_shared>> -> memref<128x8xf32, #tpu.memory_space<vmem_shared>>
      tpu.wait_dma2 semaphore(%run_scoped3A : memref<!tpu.dma_semaphore, #tpu.memory_space<semaphore_mem>>) src(%dma_wait3A_132 : memref<128x8xf32, #tpu.memory_space<vmem_shared>>) dst(%arg21 : memref<128x8xf32, #tpu.memory_space<vmem>>)
      tpu.yield
    }) : () -> ()
    %mul3A_119 = arith.constant 640 : i32
    %mul3A_120 = arith.muli %arg1, %mul3A_119 : i32
    %add3A_121 = arith.constant 512 : i32
    %add3A_122 = arith.addi %mul3A_120, %add3A_121 : i32
    "tpu.region"() ({
      %run_scoped3A = tpu.sem_alloc : memref<!tpu.dma_semaphore, #tpu.memory_space<semaphore_mem>>
      %dma_start3A = arith.constant 0 : i32
      %dma_start3A_127 = tpu.memref_slice %arg9[%add3A_122, %dma_start3A] : memref<10240x64xf32, #tpu.memory_space<hbm>> -> memref<128x64xf32, #tpu.memory_space<hbm>>
      %dma_start3A_128 = arith.constant 0 : i32
      %dma_start3A_129 = tpu.memref_slice %arg9[%add3A_122, %dma_start3A_128] : memref<10240x64xf32, #tpu.memory_space<hbm>> -> memref<128x64xf32, #tpu.memory_space<hbm>>
      tpu.enqueue_dma source(%arg20 : memref<128x64xf32, #tpu.memory_space<vmem>>) target(%dma_start3A_129 : memref<128x64xf32, #tpu.memory_space<hbm>>) target_semaphore(%run_scoped3A : memref<!tpu.dma_semaphore, #tpu.memory_space<semaphore_mem>>)
      %dma_wait3A = arith.constant 0 : i32
      %dma_wait3A_130 = tpu.memref_slice %arg9[%add3A_122, %dma_wait3A] : memref<10240x64xf32, #tpu.memory_space<hbm>> -> memref<128x64xf32, #tpu.memory_space<hbm>>
      %dma_wait3A_131 = arith.constant 0 : i32
      %dma_wait3A_132 = tpu.memref_slice %arg9[%add3A_122, %dma_wait3A_131] : memref<10240x64xf32, #tpu.memory_space<hbm>> -> memref<128x64xf32, #tpu.memory_space<hbm>>
      tpu.wait_dma2 semaphore(%run_scoped3A : memref<!tpu.dma_semaphore, #tpu.memory_space<semaphore_mem>>) src(%arg20 : memref<128x64xf32, #tpu.memory_space<vmem>>) dst(%dma_wait3A_132 : memref<128x64xf32, #tpu.memory_space<hbm>>)
      tpu.yield
    }) : () -> ()
    %mul3A_123 = arith.constant 640 : i32
    %mul3A_124 = arith.muli %arg1, %mul3A_123 : i32
    %add3A_125 = arith.constant 512 : i32
    %add3A_126 = arith.addi %mul3A_124, %add3A_125 : i32
    "tpu.region"() ({
      %run_scoped3A = tpu.sem_alloc : memref<!tpu.dma_semaphore, #tpu.memory_space<semaphore_mem>>
      %dma_start3A = arith.constant 0 : i32
      %dma_start3A_127 = tpu.memref_slice %arg10[%add3A_126, %dma_start3A] : memref<10240x8xf32, #tpu.memory_space<hbm>> -> memref<128x8xf32, #tpu.memory_space<hbm>>
      %dma_start3A_128 = arith.constant 0 : i32
      %dma_start3A_129 = tpu.memref_slice %arg10[%add3A_126, %dma_start3A_128] : memref<10240x8xf32, #tpu.memory_space<hbm>> -> memref<128x8xf32, #tpu.memory_space<hbm>>
      tpu.enqueue_dma source(%arg21 : memref<128x8xf32, #tpu.memory_space<vmem>>) target(%dma_start3A_129 : memref<128x8xf32, #tpu.memory_space<hbm>>) target_semaphore(%run_scoped3A : memref<!tpu.dma_semaphore, #tpu.memory_space<semaphore_mem>>)
      %dma_wait3A = arith.constant 0 : i32
      %dma_wait3A_130 = tpu.memref_slice %arg10[%add3A_126, %dma_wait3A] : memref<10240x8xf32, #tpu.memory_space<hbm>> -> memref<128x8xf32, #tpu.memory_space<hbm>>
      %dma_wait3A_131 = arith.constant 0 : i32
      %dma_wait3A_132 = tpu.memref_slice %arg10[%add3A_126, %dma_wait3A_131] : memref<10240x8xf32, #tpu.memory_space<hbm>> -> memref<128x8xf32, #tpu.memory_space<hbm>>
      tpu.wait_dma2 semaphore(%run_scoped3A : memref<!tpu.dma_semaphore, #tpu.memory_space<semaphore_mem>>) src(%arg21 : memref<128x8xf32, #tpu.memory_space<vmem>>) dst(%dma_wait3A_132 : memref<128x8xf32, #tpu.memory_space<hbm>>)
      tpu.yield
    }) : () -> ()
    return
  }
}

module attributes {stable_mosaic.version = 14 : i64} {
  func.func @_mm1_body(%arg0: i32, %arg1: memref<1000x128xf32, #tpu.memory_space<vmem>>, %arg2: memref<128x512xf32, #tpu.memory_space<vmem>>, %arg3: memref<512x128xf32, #tpu.memory_space<vmem>>, %arg4: memref<1000x512xf32, #tpu.memory_space<vmem>>, %arg5: memref<1000x128xf32, #tpu.memory_space<vmem>>) attributes {dimension_semantics = [#tpu.dimension_semantics<arbitrary>], iteration_bounds = array<i64: 10>, scalar_prefetch = 0 : i64, scratch_operands = 0 : i64, tpu.core_type = #tpu.core_type<tc>, window_params = [{transform_indices = @transform_0, window_bounds = array<i64: 1000, 128>}, {pipeline_mode = #tpu.pipeline_mode<synchronous>, transform_indices = @transform_1, window_bounds = array<i64: 128, 512>}, {pipeline_mode = #tpu.pipeline_mode<synchronous>, transform_indices = @transform_2, window_bounds = array<i64: 512, 128>}, {transform_indices = @transform_3, window_bounds = array<i64: 1000, 512>}, {transform_indices = @transform_4, window_bounds = array<i64: 1000, 128>}]} {
    %get3A = arith.constant 0 : index
    %get3A_0 = arith.constant 0 : index
    %get3A_1 = vector.load %arg1[%get3A, %get3A_0] : memref<1000x128xf32, #tpu.memory_space<vmem>>, vector<1000x128xf32>
    %get3A_2 = arith.constant 0 : index
    %get3A_3 = arith.constant 0 : index
    %get3A_4 = vector.load %arg2[%get3A_2, %get3A_3] : memref<128x512xf32, #tpu.memory_space<vmem>>, vector<128x512xf32>
    %dot_general3A = arith.constant dense<0.000000e+00> : vector<1000x512xf32>
    %dot_general3A_5 = tpu.matmul %get3A_1, %get3A_4, %dot_general3A {dimension_numbers = #tpu.dot_dimension_numbers<[1], [0], [0], [1], [0, 0, 1, 1], [], []>, transpose_lhs_hint = false} : vector<1000x128xf32>, vector<128x512xf32>, vector<1000x512xf32> -> vector<1000x512xf32>
    %swap3A = arith.constant 0 : index
    %swap3A_6 = arith.constant 0 : index
    %swap3A_7 = vector.load %arg4[%swap3A, %swap3A_6] : memref<1000x512xf32, #tpu.memory_space<vmem>>, vector<1000x512xf32>
    tpu.vector_store %arg4[%swap3A, %swap3A_6], %dot_general3A_5 {strides = array<i32>} : memref<1000x512xf32, #tpu.memory_space<vmem>>, vector<1000x512xf32>,
    %get3A_8 = arith.constant 0 : index
    %get3A_9 = arith.constant 0 : index
    %get3A_10 = vector.load %arg3[%get3A_8, %get3A_9] : memref<512x128xf32, #tpu.memory_space<vmem>>, vector<512x128xf32>
    %dot_general3A_11 = arith.constant dense<0.000000e+00> : vector<1000x128xf32>
    %dot_general3A_12 = tpu.matmul %dot_general3A_5, %get3A_10, %dot_general3A_11 {dimension_numbers = #tpu.dot_dimension_numbers<[1], [0], [0], [1], [0, 0, 1, 1], [], []>, transpose_lhs_hint = false} : vector<1000x512xf32>, vector<512x128xf32>, vector<1000x128xf32> -> vector<1000x128xf32>
    %swap3A_13 = arith.constant 0 : index
    %swap3A_14 = arith.constant 0 : index
    %swap3A_15 = vector.load %arg5[%swap3A_13, %swap3A_14] : memref<1000x128xf32, #tpu.memory_space<vmem>>, vector<1000x128xf32>
    tpu.vector_store %arg5[%swap3A_13, %swap3A_14], %dot_general3A_12 {strides = array<i32>} : memref<1000x128xf32, #tpu.memory_space<vmem>>, vector<1000x128xf32>,
    return
  }
  func.func @transform_0(%arg0: i32) -> (i32, i32) {
    %c0_i32 = arith.constant 0 : i32
    %c0_i32_0 = arith.constant 0 : i32
    return %arg0, %c0_i32 : i32, i32
  }
  func.func @transform_1(%arg0: i32) -> (i32, i32) {
    %c0_i32 = arith.constant 0 : i32
    %c0_i32_0 = arith.constant 0 : i32
    %c0_i32_1 = arith.constant 0 : i32
    return %c0_i32, %c0_i32_0 : i32, i32
  }
  func.func @transform_2(%arg0: i32) -> (i32, i32) {
    %c0_i32 = arith.constant 0 : i32
    %c0_i32_0 = arith.constant 0 : i32
    %c0_i32_1 = arith.constant 0 : i32
    return %c0_i32, %c0_i32_0 : i32, i32
  }
  func.func @transform_3(%arg0: i32) -> (i32, i32) {
    %c0_i32 = arith.constant 0 : i32
    %c0_i32_0 = arith.constant 0 : i32
    return %arg0, %c0_i32 : i32, i32
  }
  func.func @transform_4(%arg0: i32) -> (i32, i32) {
    %c0_i32 = arith.constant 0 : i32
    %c0_i32_0 = arith.constant 0 : i32
    return %arg0, %c0_i32 : i32, i32
  }
}

module attributes {stable_mosaic.version = 14 : i64} {
  func.func @_mm2_body(%arg0: i32, %arg1: memref<1000x512xf32, #tpu.memory_space<vmem>>, %arg2: memref<512x128xf32, #tpu.memory_space<vmem>>, %arg3: memref<1000x128xf32, #tpu.memory_space<vmem>>) attributes {dimension_semantics = [#tpu.dimension_semantics<arbitrary>], iteration_bounds = array<i64: 10>, scalar_prefetch = 0 : i64, scratch_operands = 0 : i64, tpu.core_type = #tpu.core_type<tc>, window_params = [{transform_indices = @transform_0, window_bounds = array<i64: 1000, 512>}, {pipeline_mode = #tpu.pipeline_mode<synchronous>, transform_indices = @transform_1, window_bounds = array<i64: 512, 128>}, {transform_indices = @transform_2, window_bounds = array<i64: 1000, 128>}]} {
    %get3A = arith.constant 0 : index
    %get3A_0 = arith.constant 0 : index
    %get3A_1 = vector.load %arg1[%get3A, %get3A_0] : memref<1000x512xf32, #tpu.memory_space<vmem>>, vector<1000x512xf32>
    %get3A_2 = arith.constant 0 : index
    %get3A_3 = arith.constant 0 : index
    %get3A_4 = vector.load %arg2[%get3A_2, %get3A_3] : memref<512x128xf32, #tpu.memory_space<vmem>>, vector<512x128xf32>
    %dot_general3A = arith.constant dense<0.000000e+00> : vector<1000x128xf32>
    %dot_general3A_5 = tpu.matmul %get3A_1, %get3A_4, %dot_general3A {dimension_numbers = #tpu.dot_dimension_numbers<[1], [0], [0], [1], [0, 0, 1, 1], [], []>, transpose_lhs_hint = false} : vector<1000x512xf32>, vector<512x128xf32>, vector<1000x128xf32> -> vector<1000x128xf32>
    %swap3A = arith.constant 0 : index
    %swap3A_6 = arith.constant 0 : index
    %swap3A_7 = vector.load %arg3[%swap3A, %swap3A_6] : memref<1000x128xf32, #tpu.memory_space<vmem>>, vector<1000x128xf32>
    tpu.vector_store %arg3[%swap3A, %swap3A_6], %dot_general3A_5 {strides = array<i32>} : memref<1000x128xf32, #tpu.memory_space<vmem>>, vector<1000x128xf32>,
    return
  }
  func.func @transform_0(%arg0: i32) -> (i32, i32) {
    %c0_i32 = arith.constant 0 : i32
    %c0_i32_0 = arith.constant 0 : i32
    return %arg0, %c0_i32 : i32, i32
  }
  func.func @transform_1(%arg0: i32) -> (i32, i32) {
    %c0_i32 = arith.constant 0 : i32
    %c0_i32_0 = arith.constant 0 : i32
    %c0_i32_1 = arith.constant 0 : i32
    return %c0_i32, %c0_i32_0 : i32, i32
  }
  func.func @transform_2(%arg0: i32) -> (i32, i32) {
    %c0_i32 = arith.constant 0 : i32
    %c0_i32_0 = arith.constant 0 : i32
    return %arg0, %c0_i32 : i32, i32
  }
}

module attributes {stable_mosaic.version = 14 : i64} {
  func.func @_head_body(%arg0: i32, %arg1: memref<1024x64xf32, #tpu.memory_space<vmem>>, %arg2: memref<1024x8xf32, #tpu.memory_space<vmem>>, %arg3: memref<1x64xf32, #tpu.memory_space<vmem>>, %arg4: memref<1024x1xi32, #tpu.memory_space<vmem>>, %arg5: memref<64x10xf32, #tpu.memory_space<vmem>>, %arg6: memref<1x10xf32, #tpu.memory_space<vmem>>, %arg7: memref<64x10xf32, #tpu.memory_space<vmem>>, %arg8: memref<64x64xf32, #tpu.memory_space<vmem>>, %arg9: memref<1x64xf32, #tpu.memory_space<vmem>>) attributes {dimension_semantics = [#tpu.dimension_semantics<arbitrary>], iteration_bounds = array<i64: 10>, scalar_prefetch = 0 : i64, scratch_operands = 2 : i64, tpu.core_type = #tpu.core_type<tc>, window_params = [{transform_indices = @transform_0, window_bounds = array<i64: 1024, 64>}, {transform_indices = @transform_1, window_bounds = array<i64: 1024, 8>}, {pipeline_mode = #tpu.pipeline_mode<synchronous>, transform_indices = @transform_2, window_bounds = array<i64: 1, 64>}, {transform_indices = @transform_3, window_bounds = array<i64: 1024, 1>}, {pipeline_mode = #tpu.pipeline_mode<synchronous>, transform_indices = @transform_4, window_bounds = array<i64: 64, 10>}, {pipeline_mode = #tpu.pipeline_mode<synchronous>, transform_indices = @transform_5, window_bounds = array<i64: 1, 10>}, {pipeline_mode = #tpu.pipeline_mode<synchronous>, transform_indices = @transform_6, window_bounds = array<i64: 64, 10>}]} {
    %eq3A = arith.constant 0 : i32
    %eq3A_0 = arith.cmpi eq, %arg0, %eq3A : i32
    %convert_element_type3A = arith.extui %eq3A_0 : i1 to i32
    %cond3A = arith.constant 0 : i32
    %cond3A_1 = arith.cmpi ne, %convert_element_type3A, %cond3A : i32
    scf.if %cond3A_1 {
      %broadcast_in_dim3A_51 = arith.constant 0.000000e+00 : f32
      %broadcast_in_dim3A_52 = vector.broadcast %broadcast_in_dim3A_51 : f32 to vector<64x64xf32>
      %swap3A_53 = arith.constant 0 : index
      %swap3A_54 = arith.constant 0 : index
      %swap3A_55 = vector.load %arg8[%swap3A_53, %swap3A_54] : memref<64x64xf32, #tpu.memory_space<vmem>>, vector<64x64xf32>
      tpu.vector_store %arg8[%swap3A_53, %swap3A_54], %broadcast_in_dim3A_52 {strides = array<i32>} : memref<64x64xf32, #tpu.memory_space<vmem>>, vector<64x64xf32>,
      %broadcast_in_dim3A_56 = arith.constant 0.000000e+00 : f32
      %broadcast_in_dim3A_57 = vector.broadcast %broadcast_in_dim3A_56 : f32 to vector<1x64xf32>
      %swap3A_58 = arith.constant 0 : index
      %swap3A_59 = arith.constant 0 : index
      %swap3A_60 = vector.load %arg9[%swap3A_58, %swap3A_59] : memref<1x64xf32, #tpu.memory_space<vmem>>, vector<1x64xf32>
      tpu.vector_store %arg9[%swap3A_58, %swap3A_59], %broadcast_in_dim3A_57 {strides = array<i32>} : memref<1x64xf32, #tpu.memory_space<vmem>>, vector<1x64xf32>,
    } else {
    }
    %get3A = arith.constant 0 : index
    %get3A_2 = arith.constant 0 : index
    %get3A_3 = vector.load %arg1[%get3A, %get3A_2] : memref<1024x64xf32, #tpu.memory_space<vmem>>, vector<1024x64xf32>
    %get3A_4 = arith.constant 0 : index
    %get3A_5 = arith.constant 0 : index
    %get3A_6 = vector.load %arg2[%get3A_4, %get3A_5] : memref<1024x8xf32, #tpu.memory_space<vmem>>, vector<1024x1xf32>
    %add3A = arith.constant 1.000000e-16 : f32
    %add3A_7 = vector.broadcast %add3A : f32 to vector<1024x1xf32>
    %add3A_8 = arith.addf %get3A_6, %add3A_7 : vector<1024x1xf32>
    %div3A = vector.broadcast %add3A_8 : vector<1024x1xf32> to vector<1024x64xf32>
    %div3A_9 = arith.divf %get3A_3, %div3A : vector<1024x64xf32>
    %get3A_10 = arith.constant 0 : index
    %get3A_11 = arith.constant 0 : index
    %get3A_12 = vector.load %arg3[%get3A_10, %get3A_11] : memref<1x64xf32, #tpu.memory_space<vmem>>, vector<1x64xf32>
    %add3A_13 = vector.broadcast %get3A_12 : vector<1x64xf32> to vector<1024x64xf32>
    %add3A_14 = arith.addf %div3A_9, %add3A_13 : vector<1024x64xf32>
    %gt3A = arith.constant 0.000000e+00 : f32
    %gt3A_15 = vector.broadcast %gt3A : f32 to vector<1024x64xf32>
    %gt3A_16 = arith.cmpf ogt, %add3A_14, %gt3A_15 : vector<1024x64xf32>
    %min3A = arith.constant 0.000000e+00 : f32
    %min3A_17 = vector.broadcast %min3A : f32 to vector<1024x64xf32>
    %min3A_18 = arith.minimumf %add3A_14, %min3A_17 : vector<1024x64xf32>
    %exp3A = math.exp %min3A_18 : vector<1024x64xf32>
    %sub3A = arith.constant 1.000000e+00 : f32
    %sub3A_19 = vector.broadcast %sub3A : f32 to vector<1024x64xf32>
    %sub3A_20 = arith.subf %exp3A, %sub3A_19 : vector<1024x64xf32>
    %select_n3A = arith.select %gt3A_16, %add3A_14, %sub3A_20 : vector<1024x64xi1>, vector<1024x64xf32>
    %get3A_21 = arith.constant 0 : index
    %get3A_22 = arith.constant 0 : index
    %get3A_23 = vector.load %arg4[%get3A_21, %get3A_22] : memref<1024x1xi32, #tpu.memory_space<vmem>>, vector<1024x1xi32>
    %iota3A = tpu.iota {dimensions = array<i32: 1>} : vector<1x64xi32>
    %iota3A_24 = vector.shape_cast %iota3A : vector<1x64xi32> to vector<64xi32>
    %broadcast_in_dim3A = vector.shape_cast %iota3A_24 : vector<64xi32> to vector<1x64xi32>
    %eq3A_25 = vector.broadcast %get3A_23 : vector<1024x1xi32> to vector<1024x64xi32>
    %eq3A_26 = vector.broadcast %broadcast_in_dim3A : vector<1x64xi32> to vector<1024x64xi32>
    %eq3A_27 = arith.cmpi eq, %eq3A_25, %eq3A_26 : vector<1024x64xi32>
    %convert_element_type3A_28 = arith.extui %eq3A_27 : vector<1024x64xi1> to vector<1024x64xi32>
    %convert_element_type3A_29 = arith.sitofp %convert_element_type3A_28 : vector<1024x64xi32> to vector<1024x64xf32>
    %get3A_30 = arith.constant 0 : index
    %get3A_31 = arith.constant 0 : index
    %get3A_32 = vector.load %arg8[%get3A_30, %get3A_31] : memref<64x64xf32, #tpu.memory_space<vmem>>, vector<64x64xf32>
    %dot_general3A = arith.constant dense<0.000000e+00> : vector<64x64xf32>
    %dot_general3A_33 = tpu.matmul %convert_element_type3A_29, %select_n3A, %dot_general3A {dimension_numbers = #tpu.dot_dimension_numbers<[0], [0], [1], [1], [0, 1, 1, 1], [], []>, transpose_lhs_hint = false} : vector<1024x64xf32>, vector<1024x64xf32>, vector<64x64xf32> -> vector<64x64xf32>
    %add3A_34 = arith.addf %get3A_32, %dot_general3A_33 : vector<64x64xf32>
    %swap3A = arith.constant 0 : index
    %swap3A_35 = arith.constant 0 : index
    %swap3A_36 = vector.load %arg8[%swap3A, %swap3A_35] : memref<64x64xf32, #tpu.memory_space<vmem>>, vector<64x64xf32>
    tpu.vector_store %arg8[%swap3A, %swap3A_35], %add3A_34 {strides = array<i32>} : memref<64x64xf32, #tpu.memory_space<vmem>>, vector<64x64xf32>,
    %get3A_37 = arith.constant 0 : index
    %get3A_38 = arith.constant 0 : index
    %get3A_39 = vector.load %arg9[%get3A_37, %get3A_38] : memref<1x64xf32, #tpu.memory_space<vmem>>, vector<1x64xf32>
    %reduce_sum3A = arith.constant dense<0.000000e+00> : vector<64xf32>
    %reduce_sum3A_40 = vector.multi_reduction <add>, %convert_element_type3A_29, %reduce_sum3A [0] : vector<1024x64xf32> to vector<64xf32>
    %broadcast_in_dim3A_41 = vector.shape_cast %reduce_sum3A_40 : vector<64xf32> to vector<1x64xf32>
    %add3A_42 = arith.addf %get3A_39, %broadcast_in_dim3A_41 : vector<1x64xf32>
    %swap3A_43 = arith.constant 0 : index
    %swap3A_44 = arith.constant 0 : index
    %swap3A_45 = vector.load %arg9[%swap3A_43, %swap3A_44] : memref<1x64xf32, #tpu.memory_space<vmem>>, vector<1x64xf32>
    tpu.vector_store %arg9[%swap3A_43, %swap3A_44], %add3A_42 {strides = array<i32>} : memref<1x64xf32, #tpu.memory_space<vmem>>, vector<1x64xf32>,
    %eq3A_46 = arith.constant 9 : i32
    %eq3A_47 = arith.cmpi eq, %arg0, %eq3A_46 : i32
    %convert_element_type3A_48 = arith.extui %eq3A_47 : i1 to i32
    %cond3A_49 = arith.constant 0 : i32
    %cond3A_50 = arith.cmpi ne, %convert_element_type3A_48, %cond3A_49 : i32
    scf.if %cond3A_50 {
      %get3A_51 = arith.constant 0 : index
      %get3A_52 = arith.constant 0 : index
      %get3A_53 = vector.load %arg9[%get3A_51, %get3A_52] : memref<1x64xf32, #tpu.memory_space<vmem>>, vector<1x64xf32>
      %max3A = arith.constant 1.000000e+00 : f32
      %max3A_54 = vector.broadcast %max3A : f32 to vector<1x64xf32>
      %max3A_55 = arith.maximumf %get3A_53, %max3A_54 : vector<1x64xf32>
      %reshape3A = vector.shape_cast %max3A_55 : vector<1x64xf32> to vector<64x1xf32>
      %get3A_56 = arith.constant 0 : index
      %get3A_57 = arith.constant 0 : index
      %get3A_58 = vector.load %arg8[%get3A_56, %get3A_57] : memref<64x64xf32, #tpu.memory_space<vmem>>, vector<64x64xf32>
      %div3A_59 = vector.broadcast %reshape3A : vector<64x1xf32> to vector<64x64xf32>
      %div3A_60 = arith.divf %get3A_58, %div3A_59 : vector<64x64xf32>
      %get3A_61 = arith.constant 0 : index
      %get3A_62 = arith.constant 0 : index
      %get3A_63 = vector.load %arg5[%get3A_61, %get3A_62] : memref<64x10xf32, #tpu.memory_space<vmem>>, vector<64x10xf32>
      %dot_general3A_64 = arith.constant dense<0.000000e+00> : vector<64x10xf32>
      %dot_general3A_65 = tpu.matmul %div3A_60, %get3A_63, %dot_general3A_64 {dimension_numbers = #tpu.dot_dimension_numbers<[1], [0], [0], [1], [0, 0, 1, 1], [], []>, transpose_lhs_hint = false} : vector<64x64xf32>, vector<64x10xf32>, vector<64x10xf32> -> vector<64x10xf32>
      %get3A_66 = arith.constant 0 : index
      %get3A_67 = arith.constant 0 : index
      %get3A_68 = vector.load %arg6[%get3A_66, %get3A_67] : memref<1x10xf32, #tpu.memory_space<vmem>>, vector<1x10xf32>
      %add3A_69 = vector.broadcast %get3A_68 : vector<1x10xf32> to vector<64x10xf32>
      %add3A_70 = arith.addf %dot_general3A_65, %add3A_69 : vector<64x10xf32>
      %reduce_max3A = arith.constant dense<0xFF800000> : vector<64xf32>
      %reduce_max3A_71 = vector.multi_reduction <maximumf>, %add3A_70, %reduce_max3A [1] : vector<64x10xf32> to vector<64xf32>
      %broadcast_in_dim3A_72 = vector.shape_cast %reduce_max3A_71 : vector<64xf32> to vector<64x1xf32>
      %sub3A_73 = vector.broadcast %broadcast_in_dim3A_72 : vector<64x1xf32> to vector<64x10xf32>
      %sub3A_74 = arith.subf %add3A_70, %sub3A_73 : vector<64x10xf32>
      %exp3A_75 = math.exp %sub3A_74 : vector<64x10xf32>
      %reduce_sum3A_76 = arith.constant dense<0.000000e+00> : vector<64xf32>
      %reduce_sum3A_77 = vector.multi_reduction <add>, %exp3A_75, %reduce_sum3A_76 [1] : vector<64x10xf32> to vector<64xf32>
      %broadcast_in_dim3A_78 = vector.shape_cast %reduce_sum3A_77 : vector<64xf32> to vector<64x1xf32>
      %log3A = math.log %broadcast_in_dim3A_78 : vector<64x1xf32>
      %sub3A_79 = vector.broadcast %log3A : vector<64x1xf32> to vector<64x10xf32>
      %sub3A_80 = arith.subf %sub3A_74, %sub3A_79 : vector<64x10xf32>
      %swap3A_81 = arith.constant 0 : index
      %swap3A_82 = arith.constant 0 : index
      %swap3A_83 = vector.load %arg7[%swap3A_81, %swap3A_82] : memref<64x10xf32, #tpu.memory_space<vmem>>, vector<64x10xf32>
      tpu.vector_store %arg7[%swap3A_81, %swap3A_82], %sub3A_80 {strides = array<i32>} : memref<64x10xf32, #tpu.memory_space<vmem>>, vector<64x10xf32>,
    } else {
    }
    return
  }
  func.func @transform_0(%arg0: i32) -> (i32, i32) {
    %c0_i32 = arith.constant 0 : i32
    %c0_i32_0 = arith.constant 0 : i32
    return %arg0, %c0_i32 : i32, i32
  }
  func.func @transform_1(%arg0: i32) -> (i32, i32) {
    %c0_i32 = arith.constant 0 : i32
    %c0_i32_0 = arith.constant 0 : i32
    return %arg0, %c0_i32 : i32, i32
  }
  func.func @transform_2(%arg0: i32) -> (i32, i32) {
    %c0_i32 = arith.constant 0 : i32
    %c0_i32_0 = arith.constant 0 : i32
    %c0_i32_1 = arith.constant 0 : i32
    return %c0_i32, %c0_i32_0 : i32, i32
  }
  func.func @transform_3(%arg0: i32) -> (i32, i32) {
    %c0_i32 = arith.constant 0 : i32
    %c0_i32_0 = arith.constant 0 : i32
    return %arg0, %c0_i32 : i32, i32
  }
  func.func @transform_4(%arg0: i32) -> (i32, i32) {
    %c0_i32 = arith.constant 0 : i32
    %c0_i32_0 = arith.constant 0 : i32
    %c0_i32_1 = arith.constant 0 : i32
    return %c0_i32, %c0_i32_0 : i32, i32
  }
  func.func @transform_5(%arg0: i32) -> (i32, i32) {
    %c0_i32 = arith.constant 0 : i32
    %c0_i32_0 = arith.constant 0 : i32
    %c0_i32_1 = arith.constant 0 : i32
    return %c0_i32, %c0_i32_0 : i32, i32
  }
  func.func @transform_6(%arg0: i32) -> (i32, i32) {
    %c0_i32 = arith.constant 0 : i32
    %c0_i32_0 = arith.constant 0 : i32
    %c0_i32_1 = arith.constant 0 : i32
    return %c0_i32, %c0_i32_0 : i32, i32
  }
}

</mosaic_0001>

<sc_bundles>
// kernel: kernel.10.cloned.1.call-start
scs
__scs_entry_jumppad:
0x0: {  	(pc) =	sbr.rel $0x88, $3  }
0x1: {  	(tag) =	ssettag $0x0;
	lr =	simm.s32 $0x1  }
0x2: {  	[smem:$0x3F94] =	sst lr;
	_ =	strace $0xD0000000  }
0x3: {  	_ = 	snop  }
0x4: {  	_ = 	snop  }
0x5: {  	_ = 	snop  }
0x6: {  	_ = 	snop  }
0x7: {  	_ = 	snop  }
__scs_overlays_trampoline_lowered:
0x8: {  	[smem:$0x3FA3] =	sst s0  }
0x9: {  	[smem:$0x3FA4] =	sst s1  }
0xa: {  	[smem:$0x3FA5] =	sst s2  }
0xb: {  	[smem:$0x3FA6] =	sst s3  }
0xc: {  	[smem:$0x3FA7] =	sst s4  }
0xd: {  	[smem:$0x3FA8] =	sst s5  }
0xe: {  	[smem:$0x3FA9] =	sst s6  }
0xf: {  	[smem:$0x3FAA] =	sst s7  }
0x10: {  	[smem:$0x3FAB] =	sst s8  }
0x11: {  	[smem:$0x3FAC] =	sst s9;
	s0 =	simm.s32 @!p0 $0x0  }
0x12: {  	s1 =	sld [smem:$0x3F92];
	s0 =	simm.s32 @p0 $0x1  }
0x13: {  	[smem:$0x3FAD] =	sst s0;
	s0 =	simm.s32 @!p1 $0x0  }
0x14: {  	s2 =	sld [smem:$0x3F91];
	s0 =	simm.s32 @p1 $0x1  }
0x15: {  	[smem:$0x3FAE] =	sst s0;
	s0 =	simm.s32 @!p2 $0x0  }
0x16: {  	s3 =	sld [smem:$0x3FDB];
	s0 =	simm.s32 @p2 $0x1  }
0x17: {  	s4 =	simm.s32 $0x1BF5;
	[smem:$0x3FB0] =	sst s0  }
0x18: {  	s0 =	sld [smem:$0x3F93];
	_ =	swait.ge [sflag:s4], $0x0  }
0x19: {  	s7 =	sld [smem:$0x3F94]  }
0x1a: {  	s8 =	sadd.s32 $0xFFFFE003, lr  }
0x1b: {  	s9 =	sadd.s32 $0xFFFFFEF7, lr;
	s5 =	simm.s32 $0xFFFFFFFF;
	p2 =	slt.u32 s8, $0xFFFFF086  }
0x1c: {  	p1 =	slt.u32 s9, $0xF7A;
	s5 =	simm.s32 @!p2 $0x0  }
0x1d: {  	s5 =	simm.s32 @p1 $0x1;
	p0 =	seq.s32 s7, s2  }
0x1e: {  	s7 =	smul.u32 @!p0 $0xF7A, s2;
	p2 =	seq.s32 @!p0 s5, $0x0  }
0x1f: {  	s9 =	smul.u32 $0xF7A, s1;
	s8 =	simm.s32 @!p0 $0x1BF5;
	p2 =	por !p2, p0  }
0x20: {  	[sflag:s8] =	ssyncset.s32 @!p0 $0xFFFFF086;
	s6 =	sadd.s32 @!p0 s3, s7;
	s7 =	simm.s32 @!p0 $0x108  }
0x21: {  	s3 =	sadd.s32 s3, s9;
	s6 =	sadd.s32 @!p0 $0x88, s6;
	s7 =	simm.s32 @p2 $0x1082  }
0x22: {  	[simem:s7], [sflag:s8] =	dma.local @!p0 [hbm:s6], $0xF7A  }
0x23: {  	s9 =	sor.u32 $0xD0000000, s2;
	s6 =	simm.s32 $0x108;
	_ =	swait.ge @!p0 [sflag:s8], $0x0  }
0x24: {  	s3 =	sadd.s32 $0x88, s3;
	s6 =	simm.s32 @!p1 $0x1082;
	[sflag:s4] =	ssyncset.s32 $0xFFFFF086  }
0x25: {  	[simem:s6], [sflag:s4] =	dma.local [hbm:s3], $0xF7A  }
0x26: {  	[smem:$0x3F94] =	sst s1;
	(tag) =	ssettag s2;
	_ =	strace s9  }
0x27: {  	s1 =	sld [smem:$0x3FA4]  }
0x28: {  	s2 =	sld [smem:$0x3FA5]  }
0x29: {  	s4 =	sld [smem:$0x3FA7]  }
0x2a: {  	p0 =	seq.s32 s5, $0x0;
	s5 =	sld [smem:$0x3FA8]  }
0x2b: {  	s6 =	sld [smem:$0x3FA9]  }
0x2c: {  	s7 =	sld [smem:$0x3FAA]  }
0x2d: {  	s3 =	simm.s32 $0x108;
	s8 =	sld [smem:$0x3FAB]  }
0x2e: {  	s3 =	simm.s32 @!p0 $0x1082;
	s9 =	sld [smem:$0x3FAC]  }
0x2f: {  	lr =	sadd.s32 s0, s3;
	s0 =	sld [smem:$0x3FA3]  }
0x30: {  	s3 =	sld [smem:$0x3FA6]  }
0x31: {  	[smem:$0x3FAF] =	sst s10  }
0x32: {  	s10 =	sld [smem:$0x3FAD];
	_ =	sdelay $0x3  }
0x33: {  	p0 =	seq.s32 s10, $0x1;
	s10 =	sld [smem:$0x3FAF];
	_ =	sdelay $0x3  }
0x34: {  	[smem:$0x3FAF] =	sst s10  }
0x35: {  	s10 =	sld [smem:$0x3FAE];
	_ =	sdelay $0x3  }
0x36: {  	p1 =	seq.s32 s10, $0x1;
	s10 =	sld [smem:$0x3FAF];
	_ =	sdelay $0x3  }
0x37: {  	[smem:$0x3FAF] =	sst s10  }
0x38: {  	s10 =	sld [smem:$0x3FB0]  }
0x39: {  	_ = 	snop;
	(pc) =	sbr.ind lr, $3  }
0x3a: {  	_ = 	snop  }
0x3b: {  	_ = 	snop  }
0x3c: {  	p2 =	seq.s32 s10, $0x1;
	s10 =	sld [smem:$0x3FAF]  }
0x3d: {  	_ =	shalt  }
0x3e: {  	_ =	shalt  }
0x3f: {  	_ =	shalt  }
0x40: {  	_ =	shalt  }
0x41: {  	_ =	shalt  }
0x42: {  	_ =	shalt  }
0x43: {  	_ =	shalt  }
0x44: {  	_ =	shalt  }
0x45: {  	_ =	shalt  }
0x46: {  	_ =	shalt  }
0x47: {  	_ =	shalt  }
0x48: {  	_ =	shalt  }
0x49: {  	_ =	shalt  }
0x4a: {  	_ =	shalt  }
0x4b: {  	_ =	shalt  }
0x4c: {  	_ =	shalt  }
0x4d: {  	_ =	shalt  }
0x4e: {  	_ =	shalt  }
0x4f: {  	_ =	shalt  }
0x50: {  	_ =	shalt  }
0x51: {  	_ =	shalt  }
0x52: {  	_ =	shalt  }
0x53: {  	_ =	shalt  }
0x54: {  	_ =	shalt  }
0x55: {  	_ =	shalt  }
0x56: {  	_ =	shalt  }
0x57: {  	_ =	shalt  }
0x58: {  	_ =	shalt  }
0x59: {  	_ =	shalt  }
0x5a: {  	_ =	shalt  }
0x5b: {  	_ =	shalt  }
0x5c: {  	_ =	shalt  }
0x5d: {  	_ =	shalt  }
0x5e: {  	_ =	shalt  }
0x5f: {  	_ =	shalt  }
0x60: {  	_ =	shalt  }
0x61: {  	_ =	shalt  }
0x62: {  	_ =	shalt  }
0x63: {  	_ =	shalt  }
0x64: {  	_ =	shalt  }
0x65: {  	_ =	shalt  }
0x66: {  	_ =	shalt  }
0x67: {  	_ =	shalt  }
0x68: {  	_ =	shalt  }
0x69: {  	_ =	shalt  }
0x6a: {  	_ =	shalt  }
0x6b: {  	_ =	shalt  }
0x6c: {  	_ =	shalt  }
0x6d: {  	_ =	shalt  }
0x6e: {  	_ =	shalt  }
0x6f: {  	_ =	shalt  }
0x70: {  	_ =	shalt  }
0x71: {  	_ =	shalt  }
0x72: {  	_ =	shalt  }
0x73: {  	_ =	shalt  }
0x74: {  	_ =	shalt  }
0x75: {  	_ =	shalt  }
0x76: {  	_ =	shalt  }
0x77: {  	_ =	shalt  }
0x78: {  	_ =	shalt  }
0x79: {  	_ =	shalt  }
0x7a: {  	_ =	shalt  }
0x7b: {  	_ =	shalt  }
0x7c: {  	_ =	shalt  }
0x7d: {  	_ =	shalt  }
0x7e: {  	_ =	shalt  }
0x7f: {  	_ =	shalt  }
0x80: {  	_ =	shalt  }
0x81: {  	_ =	shalt  }
0x82: {  	_ =	shalt  }
0x83: {  	_ =	shalt  }
0x84: {  	_ =	shalt  }
0x85: {  	_ =	shalt  }
0x86: {  	_ =	shalt  }
0x87: {  	_ =	shalt  }
.Lfunc_end0:
.L_simem_size_0:
called_computation.2_lowered:
.L_overlay_start_0:
0x88: {  	s2 =	sld [smem:$0x3FD9]  }
0x89: {  	s3 =	sld [smem:$0x3FFE];
	_ =	sdelay $0x1  }
0x8a: {  	s1 =	srdreg.scid  }
0x8b: {  	s0 =	sand.u32 $0x1, s1  }
0x8c: {  	s14 =	sshll.u32 s0, $0xA;
	s2 =	sadd.s32 s3, s2  }
0x8d: {  	s2 =	sadd.s32 s2, s14  }
0x8e: {  	[smem:$0x3FBB] =	sst s2  }
0x8f: {  	_ = 	snop  }
0x90: {  	s2 =	sld [smem:$0x3FD0];
	_ =	sdelay $0x2  }
0x91: {  	s15 =	simm.s32 $0xA;
	s4 =	simm.s32 $0x10  }
0x92: {  	[smem:s4], [sflag:s15] =	dma.local [hbm:s2], $0x1  }
0x93: {  	_ =	swait.eq [sflag:s15], $0x1  }
0x94: {  	[sflag:s15] =	ssyncset.done $0x0  }
0x95: {  	s16 =	sld [smem:$0x11];
	[sflag:s15] =	ssyncadd.s32 $0xFFFFFFFF  }
0x96: {  	s17 =	sld [smem:$0x12];
	(tm) =	ssettm $0x1  }
0x97: {  	s18 =	sld [smem:$0x3FFB];
	_ =	sdelay $0x3  }
0x98: {  	_ =	strace s18  }
0x99: {  	s4 =	sld [smem:$0x3FFC];
	_ =	sdelay $0x3  }
0x9a: {  	_ =	strace s4  }
0x9b: {  	s4 =	sld [smem:$0x3FFD];
	_ =	sdelay $0x3  }
0x9c: {  	_ =	strace s4  }
0x9d: {  	_ =	strace $0x8FFFFFFF  }
0x9e: {  	s19 =	sld [smem:$0x3FDB];
	_ =	sdelay $0x1  }
0x9f: {  	s5 =	simm.s32 $_scs_section_size  }
0xa0: {  	s6 =	simm.s32 $_size__tile_overlayer_lowered;
	s7 =	simm.s32 $_tile_overlayer_lowered  }
0xa1: {  	s22 =	simm.s32 $0x1BFF;
	s21 =	sshll.u32 s7, $0x1;
	s4 =	sadd.s32 s5, s19  }
0xa2: {  	s8 =	simm.s32 $0x0;
	s20 =	sshll.u32 s6, $0x1;
	s6 =	sadd.s32 s21, s4  }
0xa3: {  	[timem:s8], [sflag:s22] =	dma.local [hbm:s6], s20  }
0xa4: {  	_ =	swait.ge [sflag:s22], s20  }
0xa5: {  	s5 =	ssub.s32 $0x0, s20;
	[sflag:s22] =	ssyncset.done $0x0  }
0xa6: {  	[sflag:s22] =	ssyncadd.s32 s5;
	_ =	sdelay $0x1  }
0xa7: {  	s23 =	simm.s32 $0x1B8B  }
0xa8: {  	_ =	swait.ge [sflag:s23], $0x1  }
0xa9: {  	[sflag:s23] =	ssyncset.done $0x0  }
0xaa: {  	s25 =	simm.s32 $0x1B8E;
	s24 =	sld [smem:$0x3FFE];
	[sflag:s23] =	ssyncadd.s32 $0xFFFFFFFF  }
0xab: {  	s26 =	simm.s32 $execute0_lowered;
	[smem:$0x3FD2] =	sst s25  }
0xac: {  	s6 =	sshll.u32 s26, $0x1;
	_ =	strace $0x8000004C;
	[dreg:$0x1] =	wrdreg $0xFFFFFFFF  }
0xad: {  	s28 =	simm.s32 $_size_execute0_lowered;
	s4 =	sadd.s32 s4, s6;
	[dreg:$0x0] =	wrdreg $0x0  }
0xae: {  	s6 =	sshll.u32 s28, $0x1;
	[dreg:$0x2] =	wrdreg s4  }
0xaf: {  	[dreg:$0x3] =	wrdreg s6  }
0xb0: {  	[dreg:$0x4] =	wrdreg $0xC0  }
0xb1: {  	_ =	task [dreg:s8], $0x5FFFF  }
0xb2: {  	[dreg:$0x1] =	wrdreg $0xFFFFFFFF  }
0xb3: {  	[dreg:$0x0] =	wrdreg $0x60  }
0xb4: {  	[dreg:$0x2] =	wrdreg s24  }
0xb5: {  	[dreg:$0x3] =	wrdreg s16  }
0xb6: {  	[dreg:$0x4] =	wrdreg s17  }
0xb7: {  	[dreg:$0x5] =	wrdreg $0x9  }
0xb8: {  	_ =	task.clear_ibuf [dreg:s8], $0x6FFFF;
	_ =	strace $0x9000004C  }
0xb9: {  	s29 =	simm.s32 $0x9;
	_ =	strace $0x8000004E  }
0xba: {  	_ =	swait.ge [sflag:s29], $0x1  }
0xbb: {  	[sflag:s29] =	ssyncadd.s32 $0xFFFFFFFF  }
0xbc: {  	_ =	strace $0x9000004E  }
0xbd: {  	_ =	sfence  }
0xbe: {  	s30 =	sld [smem:$0x0];
	_ =	sdelay $0x2  }
0xbf: {  	s31 =	sshll.u32 s1, $0xD;
	s1 =	sshrl.u32 s1, $0x2  }
0xc0: {  	s3 =	sand.u32 $0x4000, s31;
	s1 =	sadd.s32 s1, s30  }
0xc1: {  	s0 =	sor.u32 s3, s0;
	s1 =	sshll.u32 s1, $0x11  }
0xc2: {  	s0 =	sor.u32 s1, s0  }
0xc3: {  	s0 =	sadd.s32 $0x8F2B, s0  }
0xc4: {  	[sflag:s0] =	ssyncadd.remote.s32 $0x1  }
0xc5: {  	_ =	sfence.sel $0xFFFF  }
0xc6: {  	[dreg:$0x0] =	wrdreg $0xFFFFFFFF;
	(pc) =	sbr.abs _section_cstart, $3  }
0xc7: {  	[dreg:$0x1] =	wrdreg $0xFFFFFFFF  }
0xc8: {  	_ =	task.clear_ibuf [dreg:s8], $0x2FFFF;
	_ =	strace $0x9FFFFFFF  }
0xc9: {  	(tm) =	ssettm $0x7FFFFFFF  }
tec
execute0_lowered:
.L_overlay_start_1:
0x0: {  	(tag) =	ssettag $0x1  }
0x1: {  	s4 =	rddreg [dreg:$0x0]  }
0x2: {  	s5 =	rddreg [dreg:$0x1];
	s1 =	srdreg.scid  }
0x3: {  	s0 =	stileid.u32;
	s2 =	rddreg [dreg:$0x2]  }
0x4: {  	s10 =	simm.s32 $0x4E20;
	s6 =	sand.u32 $0x1, s1;
	s3 =	sshll.u32 s0, $0x1  }
0x5: {  	s11 =	simm.s32 $0x7620;
	s1 =	rddreg [dreg:$0x3];
	s7 =	sor.u32 s6, s3  }
0x6: {  	s3 =	simm.s32 $0x0;
	s6 =	ssub.s32 $0x2, s6;
	s7 =	smul.u32 $0x4E2, s7  }
0x7: {  	s12 =	simm.s32 $0x0;
	[smem:$0x7FF] =	sst s3;
	s8 =	sshrl.u32 s6, $0x1  }
0x8: {  	_ =	strace $0x8000004D;
	s8 =	ssub.s32 s6, s8;
	s9 =	sadd.s32 s7, s4  }
0x9: {  	s5 =	sadd.s32 s5, s7;
	s7 =	smax.u32 s8, $0x1;
	s8 =	simm.s32 $0x1  }
0xa: {  	s4 =	sadd.s32 $0x46200, s9;
	s6 =	sadd.s32 $0x200, s9;
	s9 =	simm.s32 $0x2710  }
.LBB2_1:
0xb: {  	[tilespmem:s3], [sflag:$0x1] =	stream.linear.gather [hbm4b:s4+s3], $0x2710, $0x38;
	[tilespmem:$0x9D30] =	vst v63  }
0xc: {  	_ =	swait.ge [sflag:s8], $0x2710  }
0xd: {  	[sflag:s8] =	ssyncset.done $0x0  }
0xe: {  	[sflag:s8] =	ssyncadd.s32 $0xFFFFD8F0  }
0xf: {  	[tilespmem:s9], [sflag:$0x1] =	stream.linear.gather [hbm4b:s5+s3], $0x2710, $0x38;
	[tilespmem:$0x9D30] =	vst v63  }
0x10: {  	_ =	swait.ge [sflag:s8], $0x2710  }
0x11: {  	[sflag:s8] =	ssyncset.done $0x0  }
0x12: {  	[sflag:s8] =	ssyncadd.s32 $0xFFFFD8F0  }
0x13: {  	[tilespmem:s10], [sflag:$0x1] =	stream.linear.gather [hbm4b:s2+s3], $0x2800, $0x38;
	[tilespmem:$0x9D30] =	vst v63  }
0x14: {  	_ =	swait.ge [sflag:s8], $0x2800  }
0x15: {  	[sflag:s8] =	ssyncset.done $0x0  }
0x16: {  	s13 =	simm.s32 $0x0;
	[sflag:s8] =	ssyncadd.s32 $0xFFFFD800  }
0x17: {  	v0 =	vld [tilespmem:s13+$0x2710];
	_ =	sdelay $0x7  }
0x18: {  	v0 =	vld.idx.msk [tilespmem:v0+s10+$0x0], $0xffff;
	_ =	sdelay $0x4  }
0x19: {  	v0 =	vadd.f32 $1.000000020e-16, v0;
	_ =	sdelay $0x1  }
0x1a: {  	(erf) = vrcp.f32 v0;
	_ =	sdelay $0x3  }
0x1b: {  	s15 =	simm.s32 $0x10;
	s14 =	simm.s32 $0x80;
	v0 =	vld [tilespmem:s13+$0x0]  }
.LBB2_2:
0x1c: {  	p0 =	sne.s32 s14, $0x9C00;
	v1 =	vld [tilespmem:s15+$0x2710];
	_ =	sdelay $0x3  }
0x1d: {  	v2 =	vpop (erf)  }
0x1e: {  	v0 =	vmul.f32 v2, v0;
	_ =	sdelay $0x1  }
0x1f: {  	[tilespmem:s13+$0x7620] =	vst v0;
	s13 =	smov.u32 s15  }
0x20: {  	v0 =	vld.idx.msk [tilespmem:v1+s10+$0x0], $0xffff;
	_ =	sdelay $0x5  }
0x21: {  	v0 =	vadd.f32 $1.000000020e-16, v0;
	_ =	sdelay $0x1  }
.Ltmp0:
0x22: {  	(erf) = vrcp.f32 v0;
	(pc) =	sbr.rel @p0 .LBB2_2-.Ltmp0, $2  }
0x23: {  	_ =	sdelay $0x2  }
0x24: {  	s15 =	sshra.s32 s14, $0x2;
	s14 =	sadd.s32 $0x40, s14;
	v0 =	vld [tilespmem:s13+$0x0]  }
0x25: {  	v1 =	vld [tilespmem:s15+$0x2710];
	_ =	sdelay $0x3  }
0x26: {  	v2 =	vpop (erf)  }
0x27: {  	v0 =	vmul.f32 v2, v0;
	_ =	sdelay $0x1  }
0x28: {  	[tilespmem:s13+$0x7620] =	vst v0  }
0x29: {  	v0 =	vld.idx.msk [tilespmem:v1+s10+$0x0], $0xffff;
	_ =	sdelay $0x4  }
0x2a: {  	v0 =	vadd.f32 $1.000000020e-16, v0;
	_ =	sdelay $0x1  }
0x2b: {  	(erf) = vrcp.f32 v0;
	_ =	sdelay $0x4  }
0x2c: {  	v62 =	vld [tilespmem:s15+$0x0];
	_ =	sdelay $0x3  }
0x2d: {  	v63 =	vpop (erf)  }
0x2e: {  	s12 =	sadd.s32 $0x1, s12;
	v0 =	vmul.f32 v63, v62  }
0x2f: {  	p0 =	sne.s32 s12, s7  }
.Ltmp1:
0x30: {  	[tilespmem:s15+$0x7620] =	vst v0;
	(pc) =	sbr.rel @p0 .LBB2_1-.Ltmp1, $4  }
0x31: {  	[hbm4b:s6+s3] =	stream.linear.scatter [tilespmem:s11], [sflag:$0x1], $0x2710, $0x38;
	[tilespmem:$0x9D30] =	vst v63  }
0x32: {  	_ =	swait.ge [sflag:s8], $0x2710  }
0x33: {  	[sflag:s8] =	ssyncset.done $0x0  }
0x34: {  	[sflag:s8] =	ssyncadd.s32 $0xFFFFD8F0  }
0x35: {  	_ =	sfence.sel $0x180000  }
0x36: {  	[bflag:$0x0] =	sbarrier.arrive $0xFFFF  }
0x37: {  	p0 =	sne.s32 s0, $0x0;
	_ =	strace $0x9000004D  }
0x38: {  	s0 =	sadd.s32 @!p0 $0x100000, s1;
	[bflag:$0x2] =	sbarrier.arrive $0xFFFF  }
0x39: {  	[sflag:s0] =	ssyncadd.tile.s32 @!p0 $0x1;
	_ =	shalt  }
.Lfunc_end2:
_tile_overlayer_lowered:
.L_overlay_start_2:
0x3a: {  	(tag) =	ssettag $0x2  }
0x3b: {  	s0 =	rddreg [dreg:$0x0];
	s2 =	stileid.u32  }
0x3c: {  	s1 =	rddreg [dreg:$0x1];
	p0 =	sne.s32 s2, $0x0  }
0x3d: {  	s3 =	rddreg [dreg:$0x2];
	[bflag:$0x3] =	sbarrier.arrive $0xFFFF;
	s2 =	simm.s32 @!p0 $0x1C01  }
0x3e: {  	[timem:s3], [sflag:s2] =	dma.local @!p0 [hbm:s0], s1  }
0x3f: {  	s0 =	simm.s32 @!p0 $0x1  }
0x40: {  	_ =	swait.ge @!p0 [sflag:s0], s1  }
0x41: {  	s1 =	ssub.s32 @!p0 $0x0, s1;
	[sflag:s0] =	ssyncset.done @!p0 $0x0  }
0x42: {  	[sflag:s0] =	ssyncadd.s32 @!p0 s1  }
0x43: {  	[bflag:$0x3] =	sbarrier.arrive $0xFFFF  }
0x44: {  	_ =	shalt  }

// kernel: kernel.7.cloned.1.call-start
scs
__scs_entry_jumppad:
0x0: {  	(pc) =	sbr.rel $0x88, $3  }
0x1: {  	(tag) =	ssettag $0x0;
	lr =	simm.s32 $0x1  }
0x2: {  	[smem:$0x3F94] =	sst lr;
	_ =	strace $0xD0000000  }
0x3: {  	_ = 	snop  }
0x4: {  	_ = 	snop  }
0x5: {  	_ = 	snop  }
0x6: {  	_ = 	snop  }
0x7: {  	_ = 	snop  }
__scs_overlays_trampoline_lowered:
0x8: {  	[smem:$0x3FA3] =	sst s0  }
0x9: {  	[smem:$0x3FA4] =	sst s1  }
0xa: {  	[smem:$0x3FA5] =	sst s2  }
0xb: {  	[smem:$0x3FA6] =	sst s3  }
0xc: {  	[smem:$0x3FA7] =	sst s4  }
0xd: {  	[smem:$0x3FA8] =	sst s5  }
0xe: {  	[smem:$0x3FA9] =	sst s6  }
0xf: {  	[smem:$0x3FAA] =	sst s7  }
0x10: {  	[smem:$0x3FAB] =	sst s8  }
0x11: {  	[smem:$0x3FAC] =	sst s9;
	s0 =	simm.s32 @!p0 $0x0  }
0x12: {  	s1 =	sld [smem:$0x3F92];
	s0 =	simm.s32 @p0 $0x1  }
0x13: {  	[smem:$0x3FAD] =	sst s0;
	s0 =	simm.s32 @!p1 $0x0  }
0x14: {  	s2 =	sld [smem:$0x3F91];
	s0 =	simm.s32 @p1 $0x1  }
0x15: {  	[smem:$0x3FAE] =	sst s0;
	s0 =	simm.s32 @!p2 $0x0  }
0x16: {  	s3 =	sld [smem:$0x3FDB];
	s0 =	simm.s32 @p2 $0x1  }
0x17: {  	s4 =	simm.s32 $0x1BF5;
	[smem:$0x3FB0] =	sst s0  }
0x18: {  	s0 =	sld [smem:$0x3F93];
	_ =	swait.ge [sflag:s4], $0x0  }
0x19: {  	s7 =	sld [smem:$0x3F94]  }
0x1a: {  	s8 =	sadd.s32 $0xFFFFE003, lr  }
0x1b: {  	s9 =	sadd.s32 $0xFFFFFEF7, lr;
	s5 =	simm.s32 $0xFFFFFFFF;
	p2 =	slt.u32 s8, $0xFFFFF086  }
0x1c: {  	p1 =	slt.u32 s9, $0xF7A;
	s5 =	simm.s32 @!p2 $0x0  }
0x1d: {  	s5 =	simm.s32 @p1 $0x1;
	p0 =	seq.s32 s7, s2  }
0x1e: {  	s7 =	smul.u32 @!p0 $0xF7A, s2;
	p2 =	seq.s32 @!p0 s5, $0x0  }
0x1f: {  	s9 =	smul.u32 $0xF7A, s1;
	s8 =	simm.s32 @!p0 $0x1BF5;
	p2 =	por !p2, p0  }
0x20: {  	[sflag:s8] =	ssyncset.s32 @!p0 $0xFFFFF086;
	s6 =	sadd.s32 @!p0 s3, s7;
	s7 =	simm.s32 @!p0 $0x108  }
0x21: {  	s3 =	sadd.s32 s3, s9;
	s6 =	sadd.s32 @!p0 $0x88, s6;
	s7 =	simm.s32 @p2 $0x1082  }
0x22: {  	[simem:s7], [sflag:s8] =	dma.local @!p0 [hbm:s6], $0xF7A  }
0x23: {  	s9 =	sor.u32 $0xD0000000, s2;
	s6 =	simm.s32 $0x108;
	_ =	swait.ge @!p0 [sflag:s8], $0x0  }
0x24: {  	s3 =	sadd.s32 $0x88, s3;
	s6 =	simm.s32 @!p1 $0x1082;
	[sflag:s4] =	ssyncset.s32 $0xFFFFF086  }
0x25: {  	[simem:s6], [sflag:s4] =	dma.local [hbm:s3], $0xF7A  }
0x26: {  	[smem:$0x3F94] =	sst s1;
	(tag) =	ssettag s2;
	_ =	strace s9  }
0x27: {  	s1 =	sld [smem:$0x3FA4]  }
0x28: {  	s2 =	sld [smem:$0x3FA5]  }
0x29: {  	s4 =	sld [smem:$0x3FA7]  }
0x2a: {  	p0 =	seq.s32 s5, $0x0;
	s5 =	sld [smem:$0x3FA8]  }
0x2b: {  	s6 =	sld [smem:$0x3FA9]  }
0x2c: {  	s7 =	sld [smem:$0x3FAA]  }
0x2d: {  	s3 =	simm.s32 $0x108;
	s8 =	sld [smem:$0x3FAB]  }
0x2e: {  	s3 =	simm.s32 @!p0 $0x1082;
	s9 =	sld [smem:$0x3FAC]  }
0x2f: {  	lr =	sadd.s32 s0, s3;
	s0 =	sld [smem:$0x3FA3]  }
0x30: {  	s3 =	sld [smem:$0x3FA6]  }
0x31: {  	[smem:$0x3FAF] =	sst s10  }
0x32: {  	s10 =	sld [smem:$0x3FAD];
	_ =	sdelay $0x3  }
0x33: {  	p0 =	seq.s32 s10, $0x1;
	s10 =	sld [smem:$0x3FAF];
	_ =	sdelay $0x3  }
0x34: {  	[smem:$0x3FAF] =	sst s10  }
0x35: {  	s10 =	sld [smem:$0x3FAE];
	_ =	sdelay $0x3  }
0x36: {  	p1 =	seq.s32 s10, $0x1;
	s10 =	sld [smem:$0x3FAF];
	_ =	sdelay $0x3  }
0x37: {  	[smem:$0x3FAF] =	sst s10  }
0x38: {  	s10 =	sld [smem:$0x3FB0]  }
0x39: {  	_ = 	snop;
	(pc) =	sbr.ind lr, $3  }
0x3a: {  	_ = 	snop  }
0x3b: {  	_ = 	snop  }
0x3c: {  	p2 =	seq.s32 s10, $0x1;
	s10 =	sld [smem:$0x3FAF]  }
0x3d: {  	_ =	shalt  }
0x3e: {  	_ =	shalt  }
0x3f: {  	_ =	shalt  }
0x40: {  	_ =	shalt  }
0x41: {  	_ =	shalt  }
0x42: {  	_ =	shalt  }
0x43: {  	_ =	shalt  }
0x44: {  	_ =	shalt  }
0x45: {  	_ =	shalt  }
0x46: {  	_ =	shalt  }
0x47: {  	_ =	shalt  }
0x48: {  	_ =	shalt  }
0x49: {  	_ =	shalt  }
0x4a: {  	_ =	shalt  }
0x4b: {  	_ =	shalt  }
0x4c: {  	_ =	shalt  }
0x4d: {  	_ =	shalt  }
0x4e: {  	_ =	shalt  }
0x4f: {  	_ =	shalt  }
0x50: {  	_ =	shalt  }
0x51: {  	_ =	shalt  }
0x52: {  	_ =	shalt  }
0x53: {  	_ =	shalt  }
0x54: {  	_ =	shalt  }
0x55: {  	_ =	shalt  }
0x56: {  	_ =	shalt  }
0x57: {  	_ =	shalt  }
0x58: {  	_ =	shalt  }
0x59: {  	_ =	shalt  }
0x5a: {  	_ =	shalt  }
0x5b: {  	_ =	shalt  }
0x5c: {  	_ =	shalt  }
0x5d: {  	_ =	shalt  }
0x5e: {  	_ =	shalt  }
0x5f: {  	_ =	shalt  }
0x60: {  	_ =	shalt  }
0x61: {  	_ =	shalt  }
0x62: {  	_ =	shalt  }
0x63: {  	_ =	shalt  }
0x64: {  	_ =	shalt  }
0x65: {  	_ =	shalt  }
0x66: {  	_ =	shalt  }
0x67: {  	_ =	shalt  }
0x68: {  	_ =	shalt  }
0x69: {  	_ =	shalt  }
0x6a: {  	_ =	shalt  }
0x6b: {  	_ =	shalt  }
0x6c: {  	_ =	shalt  }
0x6d: {  	_ =	shalt  }
0x6e: {  	_ =	shalt  }
0x6f: {  	_ =	shalt  }
0x70: {  	_ =	shalt  }
0x71: {  	_ =	shalt  }
0x72: {  	_ =	shalt  }
0x73: {  	_ =	shalt  }
0x74: {  	_ =	shalt  }
0x75: {  	_ =	shalt  }
0x76: {  	_ =	shalt  }
0x77: {  	_ =	shalt  }
0x78: {  	_ =	shalt  }
0x79: {  	_ =	shalt  }
0x7a: {  	_ =	shalt  }
0x7b: {  	_ =	shalt  }
0x7c: {  	_ =	shalt  }
0x7d: {  	_ =	shalt  }
0x7e: {  	_ =	shalt  }
0x7f: {  	_ =	shalt  }
0x80: {  	_ =	shalt  }
0x81: {  	_ =	shalt  }
0x82: {  	_ =	shalt  }
0x83: {  	_ =	shalt  }
0x84: {  	_ =	shalt  }
0x85: {  	_ =	shalt  }
0x86: {  	_ =	shalt  }
0x87: {  	_ =	shalt  }
.Lfunc_end0:
.L_simem_size_0:
called_computation.1_lowered:
.L_overlay_start_0:
0x88: {  	s0 =	sld [smem:$0x3FD9]  }
0x89: {  	s1 =	sld [smem:$0x3FFE];
	_ =	sdelay $0x3  }
0x8a: {  	s0 =	sadd.s32 s1, s0  }
0x8b: {  	[smem:$0x3FBB] =	sst s0  }
0x8c: {  	_ = 	snop  }
0x8d: {  	s0 =	sld [smem:$0x3FD0];
	_ =	sdelay $0x2  }
0x8e: {  	s13 =	simm.s32 $0xA;
	s2 =	simm.s32 $0x10  }
0x8f: {  	[smem:s2], [sflag:s13] =	dma.local [hbm:s0], $0x1  }
0x90: {  	_ =	swait.eq [sflag:s13], $0x1  }
0x91: {  	s14 =	sld [smem:$0x10];
	[sflag:s13] =	ssyncset.done $0x0  }
0x92: {  	s15 =	sld [smem:$0x11];
	[sflag:s13] =	ssyncadd.s32 $0xFFFFFFFF  }
0x93: {  	s16 =	sld [smem:$0x12];
	(tm) =	ssettm $0x1  }
0x94: {  	s3 =	sld [smem:$0x3FFB];
	_ =	sdelay $0x3  }
0x95: {  	_ =	strace s3  }
0x96: {  	s3 =	sld [smem:$0x3FFC];
	_ =	sdelay $0x3  }
0x97: {  	_ =	strace s3  }
0x98: {  	s3 =	sld [smem:$0x3FFD];
	_ =	sdelay $0x3  }
0x99: {  	_ =	strace s3  }
0x9a: {  	_ =	strace $0x8FFFFFFF  }
0x9b: {  	s17 =	sld [smem:$0x3FDB];
	_ =	sdelay $0x1  }
0x9c: {  	s4 =	simm.s32 $_scs_section_size  }
0x9d: {  	s5 =	simm.s32 $_size__tile_overlayer_lowered;
	s6 =	simm.s32 $_tile_overlayer_lowered  }
0x9e: {  	s20 =	simm.s32 $0x1BFF;
	s19 =	sshll.u32 s6, $0x1;
	s3 =	sadd.s32 s4, s17  }
0x9f: {  	s7 =	simm.s32 $0x0;
	s18 =	sshll.u32 s5, $0x1;
	s5 =	sadd.s32 s19, s3  }
0xa0: {  	[timem:s7], [sflag:s20] =	dma.local [hbm:s5], s18  }
0xa1: {  	_ =	swait.ge [sflag:s20], s18  }
0xa2: {  	s4 =	ssub.s32 $0x0, s18;
	[sflag:s20] =	ssyncset.done $0x0  }
0xa3: {  	[sflag:s20] =	ssyncadd.s32 s4;
	_ =	sdelay $0x1  }
0xa4: {  	s21 =	simm.s32 $0x1B8B  }
0xa5: {  	_ =	swait.ge [sflag:s21], $0x1  }
0xa6: {  	[sflag:s21] =	ssyncset.done $0x0  }
0xa7: {  	s23 =	simm.s32 $0x1B8E;
	s22 =	sld [smem:$0x3FFE];
	[sflag:s21] =	ssyncadd.s32 $0xFFFFFFFF  }
0xa8: {  	s24 =	simm.s32 $execute0_lowered;
	[smem:$0x3FD2] =	sst s23  }
0xa9: {  	s5 =	sshll.u32 s24, $0x1;
	_ =	strace $0x80000049;
	[dreg:$0x1] =	wrdreg $0xFFFFFFFF  }
0xaa: {  	s25 =	simm.s32 $_size_execute0_lowered;
	s3 =	sadd.s32 s3, s5;
	[dreg:$0x0] =	wrdreg $0x0  }
0xab: {  	s5 =	sshll.u32 s25, $0x1;
	[dreg:$0x2] =	wrdreg s3  }
0xac: {  	[dreg:$0x3] =	wrdreg s5  }
0xad: {  	[dreg:$0x4] =	wrdreg $0xC0  }
0xae: {  	_ =	task [dreg:s7], $0x5FFFF  }
0xaf: {  	[dreg:$0x1] =	wrdreg $0xFFFFFFFF  }
0xb0: {  	[dreg:$0x0] =	wrdreg $0x60  }
0xb1: {  	[dreg:$0x2] =	wrdreg s22  }
0xb2: {  	[dreg:$0x3] =	wrdreg s15  }
0xb3: {  	[dreg:$0x4] =	wrdreg s14  }
0xb4: {  	[dreg:$0x5] =	wrdreg s16  }
0xb5: {  	[dreg:$0x6] =	wrdreg $0xB1900  }
0xb6: {  	[dreg:$0x7] =	wrdreg $0x151900  }
0xb7: {  	[dreg:$0x8] =	wrdreg $0x9  }
0xb8: {  	_ =	task.clear_ibuf [dreg:s7], $0x9FFFF;
	_ =	strace $0x90000049  }
0xb9: {  	s26 =	simm.s32 $0x9;
	_ =	strace $0x8000004B  }
0xba: {  	_ =	swait.ge [sflag:s26], $0x1  }
0xbb: {  	[sflag:s26] =	ssyncadd.s32 $0xFFFFFFFF  }
0xbc: {  	_ =	strace $0x9000004B  }
0xbd: {  	_ =	sfence  }
0xbe: {  	s28 =	sld [smem:$0x0];
	_ =	sdelay $0x1  }
0xbf: {  	s29 =	srdreg.scid  }
0xc0: {  	s30 =	sshll.u32 s29, $0xD;
	s31 =	sshrl.u32 s29, $0x2  }
0xc1: {  	s1 =	sand.u32 $0x1, s29;
	s2 =	sand.u32 $0x4000, s30;
	s0 =	sadd.s32 s31, s28  }
0xc2: {  	s1 =	sor.u32 s2, s1;
	s0 =	sshll.u32 s0, $0x11  }
0xc3: {  	s0 =	sor.u32 s0, s1  }
0xc4: {  	s0 =	sadd.s32 $0x8F2B, s0  }
0xc5: {  	[sflag:s0] =	ssyncadd.remote.s32 $0x1  }
0xc6: {  	_ =	sfence.sel $0xFFFF  }
0xc7: {  	[dreg:$0x0] =	wrdreg $0xFFFFFFFF;
	(pc) =	sbr.abs _section_cstart, $3  }
0xc8: {  	[dreg:$0x1] =	wrdreg $0xFFFFFFFF  }
0xc9: {  	_ =	task.clear_ibuf [dreg:s7], $0x2FFFF;
	_ =	strace $0x9FFFFFFF  }
0xca: {  	(tm) =	ssettm $0x7FFFFFFF  }
0xcb: {  	_ =	shalt  }
tec
execute0_lowered:
.L_overlay_start_1:
0x0: {  	(tag) =	ssettag $0x1  }
0x1: {  	s2 =	rddreg [dreg:$0x0]  }
0x2: {  	s6 =	rddreg [dreg:$0x1]  }
0x3: {  	s0 =	rddreg [dreg:$0x2]  }
0x4: {  	s7 =	rddreg [dreg:$0x4]  }
0x5: {  	s9 =	rddreg [dreg:$0x5];
	s12 =	simm.s32 $0x0  }
0x6: {  	[smem:$0x7FF] =	sst s12  }
0x7: {  	s16 =	simm.s32 $0x2;
	s1 =	sadd.s32 $0x31800, s2;
	_ =	strace $0x8000004A  }
0x8: {  	[tilespmem:s12], [sflag:$0x2] =	stream.linear.gather [hbm4b:s1+s12], $0x2710, $0x38;
	[tilespmem:$0x16590] =	vst v63  }
0x9: {  	_ =	swait.ge [sflag:s16], $0x2710  }
0xa: {  	[sflag:s16] =	ssyncset.done $0x0  }
0xb: {  	s20 =	simm.s32 $0x2710;
	s15 =	sadd.s32 $0x31200, s2;
	[sflag:s16] =	ssyncadd.s32 $0xFFFFD8F0  }
0xc: {  	[tilespmem:s20], [sflag:$0x2] =	stream.linear.gather [hbm4b:s15+s12], $0x2710, $0x38;
	[tilespmem:$0x16590] =	vst v63  }
0xd: {  	_ =	swait.ge [sflag:s16], $0x2710  }
0xe: {  	[sflag:s16] =	ssyncset.done $0x0  }
0xf: {  	s17 =	simm.s32 $0x8D90;
	s3 =	sadd.s32 $0x31E00, s2;
	[sflag:s16] =	ssyncadd.s32 $0xFFFFD8F0  }
0x10: {  	[tilespmem:s17], [sflag:$0x2] =	stream.linear.gather [hbm4b:s3+s12], $0x2000, $0x38;
	[tilespmem:$0x16590] =	vst v63  }
0x11: {  	_ =	swait.ge [sflag:s16], $0x2000  }
0x12: {  	[sflag:s16] =	ssyncset.done $0x0  }
0x13: {  	s13 =	stileid.u32;
	s8 =	simm.s32 $0xAD90;
	[sflag:s16] =	ssyncadd.s32 $0xFFFFE000  }
0x14: {  	[tilespmem:s8], [sflag:$0x2] =	stream.linear.gather [hbm4b:s0+s12], $0x400, $0x38;
	[tilespmem:$0x16590] =	vst v63  }
0x15: {  	s18 =	smul.u32 $0xA000, s13;
	_ =	swait.ge [sflag:s16], $0x400  }
0x16: {  	s4 =	smul.u32 $0x1400, s13;
	[sflag:s16] =	ssyncset.done $0x0  }
0x17: {  	s29 =	sadd.s32 s18, s7;
	[dreg:$0x12] =	wrdreg s18;
	[sflag:s16] =	ssyncadd.s32 $0xFFFFFC00  }
0x18: {  	[spmem:s29] =	stream.linear.scatter [tilespmem:s17], [sflag:$0x2], $0x2000, $0x38;
	[tilespmem:$0x16590] =	vst v63  }
0x19: {  	s19 =	smul.u32 $0x280, s13;
	_ =	swait.ge [sflag:s16], $0x2000  }
0x1a: {  	s30 =	sadd.s32 s4, s9;
	[sflag:s16] =	ssyncset.done $0x0  }
0x1b: {  	s10 =	sadd.s32 $0x80, s19;
	[dreg:$0xf] =	wrdreg s4;
	[sflag:s16] =	ssyncadd.s32 $0xFFFFE000  }
0x1c: {  	[spmem:s30] =	stream.linear.scatter [tilespmem:s8], [sflag:$0x2], $0x400, $0x38;
	[tilespmem:$0x16590] =	vst v63  }
0x1d: {  	s21 =	sshll.u32 s10, $0x6;
	_ =	swait.ge [sflag:s16], $0x400  }
0x1e: {  	s4 =	sadd.s32 s21, s7;
	[sflag:s16] =	ssyncset.done $0x0  }
0x1f: {  	[dreg:$0x13] =	wrdreg s4;
	[sflag:s16] =	ssyncadd.s32 $0xFFFFFC00  }
0x20: {  	[spmem:s4] =	stream.linear.scatter [tilespmem:s17], [sflag:$0x2], $0x2000, $0x38;
	[tilespmem:$0x16590] =	vst v63  }
0x21: {  	s22 =	sshll.u32 s10, $0x3;
	_ =	swait.ge [sflag:s16], $0x2000  }
0x22: {  	s4 =	sadd.s32 s22, s9;
	[dreg:$0x11] =	wrdreg s22;
	[sflag:s16] =	ssyncset.done $0x0  }
0x23: {  	s5 =	sadd.s32 $0x100, s19;
	[dreg:$0x14] =	wrdreg s4;
	[sflag:s16] =	ssyncadd.s32 $0xFFFFE000  }
0x24: {  	[spmem:s4] =	stream.linear.scatter [tilespmem:s8], [sflag:$0x2], $0x400, $0x38;
	[tilespmem:$0x16590] =	vst v63  }
0x25: {  	s23 =	sshll.u32 s5, $0x6;
	_ =	swait.ge [sflag:s16], $0x400  }
0x26: {  	s4 =	sadd.s32 s23, s7;
	[sflag:s16] =	ssyncset.done $0x0  }
0x27: {  	[dreg:$0xe] =	wrdreg s4;
	[sflag:s16] =	ssyncadd.s32 $0xFFFFFC00  }
0x28: {  	[spmem:s4] =	stream.linear.scatter [tilespmem:s17], [sflag:$0x2], $0x2000, $0x38;
	[tilespmem:$0x16590] =	vst v63  }
0x29: {  	_ =	swait.ge [sflag:s16], $0x2000  }
0x2a: {  	s24 =	sshll.u32 s5, $0x3;
	[sflag:s16] =	ssyncset.done $0x0  }
0x2b: {  	s4 =	sadd.s32 s24, s9;
	[dreg:$0xc] =	wrdreg s24;
	[sflag:s16] =	ssyncadd.s32 $0xFFFFE000  }
0x2c: {  	[spmem:s4] =	stream.linear.scatter [tilespmem:s8], [sflag:$0x2], $0x400, $0x38;
	[tilespmem:$0x16590] =	vst v63  }
0x2d: {  	[dreg:$0x10] =	wrdreg s4;
	s4 =	sadd.s32 $0x180, s19  }
0x2e: {  	_ =	swait.ge [sflag:s16], $0x400;
	s11 =	sshll.u32 s4, $0x6  }
0x2f: {  	[sflag:s16] =	ssyncset.done $0x0;
	s11 =	sadd.s32 s11, s7  }
0x30: {  	[sflag:s16] =	ssyncadd.s32 $0xFFFFFC00;
	[dreg:$0xb] =	wrdreg s11  }
0x31: {  	[spmem:s11] =	stream.linear.scatter [tilespmem:s17], [sflag:$0x2], $0x2000, $0x38;
	[tilespmem:$0x16590] =	vst v63  }
0x32: {  	s25 =	sshll.u32 s4, $0x3;
	_ =	swait.ge [sflag:s16], $0x2000  }
0x33: {  	s11 =	sadd.s32 s25, s9;
	[dreg:$0xa] =	wrdreg s25;
	[sflag:s16] =	ssyncset.done $0x0  }
0x34: {  	s3 =	sadd.s32 $0x200, s19;
	[dreg:$0xd] =	wrdreg s11;
	[sflag:s16] =	ssyncadd.s32 $0xFFFFE000  }
0x35: {  	[spmem:s11] =	stream.linear.scatter [tilespmem:s8], [sflag:$0x2], $0x400, $0x38;
	[tilespmem:$0x16590] =	vst v63  }
0x36: {  	s26 =	sshll.u32 s3, $0x6;
	_ =	swait.ge [sflag:s16], $0x400  }
0x37: {  	s11 =	sadd.s32 s26, s7;
	[sflag:s16] =	ssyncset.done $0x0  }
0x38: {  	[dreg:$0x8] =	wrdreg s11;
	[sflag:s16] =	ssyncadd.s32 $0xFFFFFC00  }
0x39: {  	[spmem:s11] =	stream.linear.scatter [tilespmem:s17], [sflag:$0x2], $0x2000, $0x38;
	[tilespmem:$0x16590] =	vst v63  }
0x3a: {  	s28 =	sshll.u32 s3, $0x3;
	_ =	swait.ge [sflag:s16], $0x2000  }
0x3b: {  	s1 =	sadd.s32 s28, s9;
	[dreg:$0x7] =	wrdreg s28;
	[sflag:s16] =	ssyncset.done $0x0  }
0x3c: {  	[dreg:$0x9] =	wrdreg s1;
	[sflag:s16] =	ssyncadd.s32 $0xFFFFE000  }
0x3d: {  	[spmem:s1] =	stream.linear.scatter [tilespmem:s8], [sflag:$0x2], $0x400, $0x38;
	[tilespmem:$0x16590] =	vst v63  }
0x3e: {  	s31 =	simm.s32 $0x4F10;
	s14 =	simm.s32 $0x50;
	_ =	swait.ge [sflag:s16], $0x400  }
0x3f: {  	s15 =	simm.s32 $0x5190;
	s18 =	simm.s32 $0x7990;
	[sflag:s16] =	ssyncset.done $0x0  }
0x40: {  	s21 =	simm.s32 $0x0;
	s24 =	sadd.s32 $0x32200, s2;
	[sflag:s16] =	ssyncadd.s32 $0xFFFFFC00  }
0x41: {  	v0 =	vlaneseq.u32;
	[tilespmem:s31], [sflag:$0x2] =	stream.linear.gather [hbm4b:s0+s12], $0x280, $0x38;
	[tilespmem:$0x16590] =	vst v63  }
0x42: {  	v0 =	vmul.u32 $0x8, v0;
	s19 =	simm.s32 $0x4EC0;
	s11 =	simm.s32 $0x4E20;
	_ =	swait.ge [sflag:s16], $0x280  }
0x43: {  	s17 =	simm.s32 $0x1;
	s1 =	sadd.s32 $0xA000, s2;
	[sflag:s16] =	ssyncset.done $0x0  }
0x44: {  	v1 =	vor.u32 $0x80, v0;
	s8 =	smul.u32 $0x4E20, s13;
	s13 =	simm.s32 $0x4E70;
	[sflag:s16] =	ssyncadd.s32 $0xFFFFFD80  }
0x45: {  	v2 =	vor.u32 $0x100, v0;
	v3 =	vor.u32 $0x180, v0;
	v4 =	vor.u32 $0x200, v0;
	s0 =	sadd.s32 $0x200, s2;
	s2 =	sadd.s32 $0x46200, s2;
	[bflag:$0x0] =	sbarrier.arrive $0xFFFF  }
.LBB2_1:
0x46: {  	s22 =	smul.u32 $0x50, s21;
	_ =	sdelay $0x1  }
0x47: {  	s22 =	sadd.s32 s8, s22  }
0x48: {  	s22 =	sshrl.u32 s22, $0x3  }
0x49: {  	s23 =	sadd.s32 s0, s22  }
0x4a: {  	[tilespmem:s11], [sflag:$0x2] =	stream.linear.gather [hbm4b:s23+s12], $0x50, $0x38;
	[tilespmem:$0x16590] =	vst v63  }
0x4b: {  	_ =	swait.ge [sflag:s16], $0x50  }
0x4c: {  	[sflag:s16] =	ssyncset.done $0x0  }
0x4d: {  	s28 =	sadd.s32 s6, s22;
	[sflag:s16] =	ssyncadd.s32 $0xFFFFFFB0  }
0x4e: {  	[tilespmem:s13], [sflag:$0x2] =	stream.linear.gather [hbm4b:s28+s12], $0x50, $0x38;
	[tilespmem:$0x16590] =	vst v63  }
0x4f: {  	_ =	swait.ge [sflag:s16], $0x50  }
0x50: {  	[sflag:s16] =	ssyncset.done $0x0  }
0x51: {  	[sflag:s16] =	ssyncadd.s32 $0xFFFFFFB0  }
0x52: {  	v5 =	vld [tilespmem:$0x4E20]  }
0x53: {  	v6 =	vld [tilespmem:$0x4E70];
	_ =	sdelay $0x6  }
0x54: {  	v5 =	vld.idx.msk [tilespmem:v5+s12+$0x0], $0xffff  }
0x55: {  	v6 =	vld.idx.msk [tilespmem:v6+s20+$0x0], $0xffff;
	_ =	sdelay $0x4  }
0x56: {  	v5 =	vadd.f32 v6, v5;
	_ =	sdelay $0x1  }
0x57: {  	v6 =	vmul.f32 $2.000000030e-01, v5  }
0x58: {  	vm0 =	vge.f32 v5, $0.0e+00  }
0x59: {  	v5 =	vsel vm0, v5, v6  }
0x5a: {  	v5 =	vmul.f32 $1.442695020e+00, v5;
	_ =	sdelay $0x1  }
0x5b: {  	(erf) = vpow2.f32 v5;
	_ =	sdelay $0x8  }
0x5c: {  	v5 =	vpop (erf)  }
0x5d: {  	[tilespmem:$0x4EC0] =	vst v5  }
0x5e: {  	[tilespmem:v0+s31+$0x0] =	vst.idx.msk $0xffff, v5  }
0x5f: {  	v5 =	vld [tilespmem:$0x4E30]  }
0x60: {  	v6 =	vld [tilespmem:$0x4E80];
	_ =	sdelay $0x6  }
0x61: {  	v5 =	vld.idx.msk [tilespmem:v5+s12+$0x0], $0xffff  }
0x62: {  	v6 =	vld.idx.msk [tilespmem:v6+s20+$0x0], $0xffff;
	_ =	sdelay $0x4  }
0x63: {  	v5 =	vadd.f32 v6, v5;
	_ =	sdelay $0x1  }
0x64: {  	v6 =	vmul.f32 $2.000000030e-01, v5  }
0x65: {  	vm12 =	vge.f32 v5, $0.0e+00  }
0x66: {  	v5 =	vsel vm12, v5, v6  }
0x67: {  	v5 =	vmul.f32 $1.442695020e+00, v5;
	_ =	sdelay $0x1  }
0x68: {  	(erf) = vpow2.f32 v5;
	_ =	sdelay $0x8  }
0x69: {  	v5 =	vpop (erf)  }
0x6a: {  	[tilespmem:$0x4ED0] =	vst v5  }
0x6b: {  	[tilespmem:v1+s31+$0x0] =	vst.idx.msk $0xffff, v5  }
0x6c: {  	v5 =	vld [tilespmem:$0x4E40]  }
0x6d: {  	v6 =	vld [tilespmem:$0x4E90];
	_ =	sdelay $0x6  }
0x6e: {  	v5 =	vld.idx.msk [tilespmem:v5+s12+$0x0], $0xffff  }
0x6f: {  	v6 =	vld.idx.msk [tilespmem:v6+s20+$0x0], $0xffff;
	_ =	sdelay $0x4  }
0x70: {  	v5 =	vadd.f32 v6, v5;
	_ =	sdelay $0x1  }
0x71: {  	v6 =	vmul.f32 $2.000000030e-01, v5  }
0x72: {  	vm13 =	vge.f32 v5, $0.0e+00  }
0x73: {  	v5 =	vsel vm13, v5, v6  }
0x74: {  	v5 =	vmul.f32 $1.442695020e+00, v5;
	_ =	sdelay $0x1  }
0x75: {  	(erf) = vpow2.f32 v5;
	_ =	sdelay $0x8  }
0x76: {  	v5 =	vpop (erf)  }
0x77: {  	[tilespmem:$0x4EE0] =	vst v5  }
0x78: {  	[tilespmem:v2+s31+$0x0] =	vst.idx.msk $0xffff, v5  }
0x79: {  	v5 =	vld [tilespmem:$0x4E50]  }
0x7a: {  	v6 =	vld [tilespmem:$0x4EA0];
	_ =	sdelay $0x6  }
0x7b: {  	v5 =	vld.idx.msk [tilespmem:v5+s12+$0x0], $0xffff  }
0x7c: {  	v6 =	vld.idx.msk [tilespmem:v6+s20+$0x0], $0xffff;
	_ =	sdelay $0x4  }
0x7d: {  	v5 =	vadd.f32 v6, v5;
	_ =	sdelay $0x1  }
0x7e: {  	v6 =	vmul.f32 $2.000000030e-01, v5  }
0x7f: {  	vm14 =	vge.f32 v5, $0.0e+00  }
0x80: {  	v5 =	vsel vm14, v5, v6  }
0x81: {  	v5 =	vmul.f32 $1.442695020e+00, v5;
	_ =	sdelay $0x1  }
0x82: {  	(erf) = vpow2.f32 v5;
	_ =	sdelay $0x8  }
0x83: {  	v5 =	vpop (erf)  }
0x84: {  	[tilespmem:$0x4EF0] =	vst v5  }
0x85: {  	[tilespmem:v3+s31+$0x0] =	vst.idx.msk $0xffff, v5  }
0x86: {  	v5 =	vld [tilespmem:$0x4E60]  }
0x87: {  	v6 =	vld [tilespmem:$0x4EB0];
	_ =	sdelay $0x6  }
0x88: {  	v5 =	vld.idx.msk [tilespmem:v5+s12+$0x0], $0xffff  }
0x89: {  	v6 =	vld.idx.msk [tilespmem:v6+s20+$0x0], $0xffff;
	_ =	sdelay $0x4  }
0x8a: {  	v5 =	vadd.f32 v6, v5;
	_ =	sdelay $0x1  }
0x8b: {  	v6 =	vmul.f32 $2.000000030e-01, v5  }
0x8c: {  	vm15 =	vge.f32 v5, $0.0e+00  }
0x8d: {  	v5 =	vsel vm15, v5, v6  }
0x8e: {  	v5 =	vmul.f32 $1.442695020e+00, v5;
	_ =	sdelay $0x1  }
0x8f: {  	(erf) = vpow2.f32 v5;
	_ =	sdelay $0x8  }
0x90: {  	v5 =	vpop (erf)  }
0x91: {  	[tilespmem:$0x4F00] =	vst v5  }
0x92: {  	[tilespmem:v4+s31+$0x0] =	vst.idx.msk $0xffff, v5  }
0x93: {  	[tilespmem:s15], [sflag:$0x1] =	stream.indirect.gather [hbm4b:s1+s14], $0x80, s11, s14, $0xb8;
	[tilespmem:$0x16590] =	vst v63  }
0x94: {  	_ =	swait.ge [sflag:s17], $0x2800  }
0x95: {  	s25 =	simm.s32 $0x7B90;
	[sflag:s17] =	ssyncset.done $0x0  }
0x96: {  	s26 =	simm.s32 $0x0;
	s23 =	simm.s32 $0x5590;
	[sflag:s17] =	ssyncadd.s32 $0xFFFFD800  }
.LBB2_2:
0x97: {  	s28 =	sshra.s32 s26, $0x2  }
0x98: {  	v5 =	vld [tilespmem:s28+$0x4EC0];
	_ =	sdelay $0x1  }
0x99: {  	v6 =	vld [tilespmem:s23+$0xFFFFFC00];
	_ =	sdelay $0x2  }
0x9a: {  	v7 =	vbroadcast v5, $0x0;
	_ =	sdelay $0x1  }
0x9b: {  	v6 =	vmul.f32 v7, v6;
	_ =	sdelay $0x1  }
0x9c: {  	[tilespmem:s25+$0xFFFFFE00] =	vst v6  }
0x9d: {  	v6 =	vld [tilespmem:s23+$0xFFFFFC10];
	_ =	sdelay $0x4  }
0x9e: {  	v6 =	vmul.f32 v6, v7;
	_ =	sdelay $0x1  }
0x9f: {  	[tilespmem:s25+$0xFFFFFE10] =	vst v6  }
0xa0: {  	v6 =	vld [tilespmem:s23+$0xFFFFFC20];
	_ =	sdelay $0x4  }
0xa1: {  	v6 =	vmul.f32 v6, v7;
	_ =	sdelay $0x1  }
0xa2: {  	[tilespmem:s25+$0xFFFFFE20] =	vst v6  }
0xa3: {  	v6 =	vld [tilespmem:s23+$0xFFFFFC30];
	_ =	sdelay $0x4  }
0xa4: {  	v6 =	vmul.f32 v6, v7;
	_ =	sdelay $0x1  }
0xa5: {  	[tilespmem:s25+$0xFFFFFE30] =	vst v6  }
0xa6: {  	v6 =	vld [tilespmem:s23+$0xFFFFFC80];
	_ =	sdelay $0x2  }
0xa7: {  	v7 =	vbroadcast v5, $0x1;
	_ =	sdelay $0x1  }
0xa8: {  	v6 =	vmul.f32 v6, v7;
	_ =	sdelay $0x1  }
0xa9: {  	[tilespmem:s25+$0xFFFFFE40] =	vst v6  }
0xaa: {  	v6 =	vld [tilespmem:s23+$0xFFFFFC90];
	_ =	sdelay $0x4  }
0xab: {  	v6 =	vmul.f32 v6, v7;
	_ =	sdelay $0x1  }
0xac: {  	[tilespmem:s25+$0xFFFFFE50] =	vst v6  }
0xad: {  	v6 =	vld [tilespmem:s23+$0xFFFFFCA0];
	_ =	sdelay $0x4  }
0xae: {  	v6 =	vmul.f32 v6, v7;
	_ =	sdelay $0x1  }
0xaf: {  	[tilespmem:s25+$0xFFFFFE60] =	vst v6  }
0xb0: {  	v6 =	vld [tilespmem:s23+$0xFFFFFCB0];
	_ =	sdelay $0x4  }
0xb1: {  	v6 =	vmul.f32 v6, v7;
	_ =	sdelay $0x1  }
0xb2: {  	[tilespmem:s25+$0xFFFFFE70] =	vst v6  }
0xb3: {  	v6 =	vld [tilespmem:s23+$0xFFFFFD00];
	_ =	sdelay $0x2  }
0xb4: {  	v7 =	vbroadcast v5, $0x2;
	_ =	sdelay $0x1  }
0xb5: {  	v6 =	vmul.f32 v6, v7;
	_ =	sdelay $0x1  }
0xb6: {  	[tilespmem:s25+$0xFFFFFE80] =	vst v6  }
0xb7: {  	v6 =	vld [tilespmem:s23+$0xFFFFFD10];
	_ =	sdelay $0x4  }
0xb8: {  	v6 =	vmul.f32 v6, v7;
	_ =	sdelay $0x1  }
0xb9: {  	[tilespmem:s25+$0xFFFFFE90] =	vst v6  }
0xba: {  	v6 =	vld [tilespmem:s23+$0xFFFFFD20];
	_ =	sdelay $0x4  }
0xbb: {  	v6 =	vmul.f32 v6, v7;
	_ =	sdelay $0x1  }
0xbc: {  	[tilespmem:s25+$0xFFFFFEA0] =	vst v6  }
0xbd: {  	v6 =	vld [tilespmem:s23+$0xFFFFFD30];
	_ =	sdelay $0x4  }
0xbe: {  	v6 =	vmul.f32 v6, v7;
	_ =	sdelay $0x1  }
0xbf: {  	[tilespmem:s25+$0xFFFFFEB0] =	vst v6  }
0xc0: {  	v6 =	vld [tilespmem:s23+$0xFFFFFD80];
	_ =	sdelay $0x2  }
0xc1: {  	v7 =	vbroadcast v5, $0x3;
	_ =	sdelay $0x1  }
0xc2: {  	v6 =	vmul.f32 v6, v7;
	_ =	sdelay $0x1  }
0xc3: {  	[tilespmem:s25+$0xFFFFFEC0] =	vst v6  }
0xc4: {  	v6 =	vld [tilespmem:s23+$0xFFFFFD90];
	_ =	sdelay $0x4  }
0xc5: {  	v6 =	vmul.f32 v6, v7;
	_ =	sdelay $0x1  }
0xc6: {  	[tilespmem:s25+$0xFFFFFED0] =	vst v6  }
0xc7: {  	v6 =	vld [tilespmem:s23+$0xFFFFFDA0];
	_ =	sdelay $0x4  }
0xc8: {  	v6 =	vmul.f32 v6, v7;
	_ =	sdelay $0x1  }
0xc9: {  	[tilespmem:s25+$0xFFFFFEE0] =	vst v6  }
0xca: {  	v6 =	vld [tilespmem:s23+$0xFFFFFDB0];
	_ =	sdelay $0x4  }
0xcb: {  	v6 =	vmul.f32 v6, v7;
	_ =	sdelay $0x1  }
0xcc: {  	[tilespmem:s25+$0xFFFFFEF0] =	vst v6  }
0xcd: {  	v6 =	vld [tilespmem:s23+$0xFFFFFE00];
	_ =	sdelay $0x2  }
0xce: {  	v7 =	vbroadcast v5, $0x4;
	_ =	sdelay $0x1  }
0xcf: {  	v6 =	vmul.f32 v6, v7;
	_ =	sdelay $0x1  }
0xd0: {  	[tilespmem:s25+$0xFFFFFF00] =	vst v6  }
0xd1: {  	v6 =	vld [tilespmem:s23+$0xFFFFFE10];
	_ =	sdelay $0x4  }
0xd2: {  	v6 =	vmul.f32 v6, v7;
	_ =	sdelay $0x1  }
0xd3: {  	[tilespmem:s25+$0xFFFFFF10] =	vst v6  }
0xd4: {  	v6 =	vld [tilespmem:s23+$0xFFFFFE20];
	_ =	sdelay $0x4  }
0xd5: {  	v6 =	vmul.f32 v6, v7;
	_ =	sdelay $0x1  }
0xd6: {  	[tilespmem:s25+$0xFFFFFF20] =	vst v6  }
0xd7: {  	v6 =	vld [tilespmem:s23+$0xFFFFFE30];
	_ =	sdelay $0x4  }
0xd8: {  	v6 =	vmul.f32 v6, v7;
	_ =	sdelay $0x1  }
0xd9: {  	[tilespmem:s25+$0xFFFFFF30] =	vst v6  }
0xda: {  	v6 =	vld [tilespmem:s23+$0xFFFFFE80];
	_ =	sdelay $0x2  }
0xdb: {  	v7 =	vbroadcast v5, $0x5;
	_ =	sdelay $0x1  }
0xdc: {  	v6 =	vmul.f32 v6, v7;
	_ =	sdelay $0x1  }
0xdd: {  	[tilespmem:s25+$0xFFFFFF40] =	vst v6  }
0xde: {  	v6 =	vld [tilespmem:s23+$0xFFFFFE90];
	_ =	sdelay $0x4  }
0xdf: {  	v6 =	vmul.f32 v6, v7;
	_ =	sdelay $0x1  }
0xe0: {  	[tilespmem:s25+$0xFFFFFF50] =	vst v6  }
0xe1: {  	v6 =	vld [tilespmem:s23+$0xFFFFFEA0];
	_ =	sdelay $0x4  }
0xe2: {  	v6 =	vmul.f32 v6, v7;
	_ =	sdelay $0x1  }
0xe3: {  	[tilespmem:s25+$0xFFFFFF60] =	vst v6  }
0xe4: {  	v6 =	vld [tilespmem:s23+$0xFFFFFEB0];
	_ =	sdelay $0x4  }
0xe5: {  	v6 =	vmul.f32 v6, v7;
	_ =	sdelay $0x1  }
0xe6: {  	[tilespmem:s25+$0xFFFFFF70] =	vst v6  }
0xe7: {  	v6 =	vld [tilespmem:s23+$0xFFFFFF00];
	_ =	sdelay $0x2  }
0xe8: {  	v7 =	vbroadcast v5, $0x6;
	_ =	sdelay $0x1  }
0xe9: {  	v6 =	vmul.f32 v6, v7;
	_ =	sdelay $0x1  }
0xea: {  	[tilespmem:s25+$0xFFFFFF80] =	vst v6  }
0xeb: {  	v6 =	vld [tilespmem:s23+$0xFFFFFF10];
	_ =	sdelay $0x4  }
0xec: {  	v6 =	vmul.f32 v6, v7;
	_ =	sdelay $0x1  }
0xed: {  	[tilespmem:s25+$0xFFFFFF90] =	vst v6  }
0xee: {  	v6 =	vld [tilespmem:s23+$0xFFFFFF20];
	_ =	sdelay $0x4  }
0xef: {  	v6 =	vmul.f32 v6, v7;
	_ =	sdelay $0x1  }
0xf0: {  	[tilespmem:s25+$0xFFFFFFA0] =	vst v6  }
0xf1: {  	v6 =	vld [tilespmem:s23+$0xFFFFFF30];
	_ =	sdelay $0x4  }
0xf2: {  	v6 =	vmul.f32 v6, v7;
	_ =	sdelay $0x1  }
0xf3: {  	[tilespmem:s25+$0xFFFFFFB0] =	vst v6  }
0xf4: {  	v6 =	vld [tilespmem:s23+$0xFFFFFF80];
	_ =	sdelay $0x2  }
0xf5: {  	v7 =	vbroadcast v5, $0x7;
	_ =	sdelay $0x1  }
0xf6: {  	v6 =	vmul.f32 v6, v7;
	_ =	sdelay $0x1  }
0xf7: {  	[tilespmem:s25+$0xFFFFFFC0] =	vst v6  }
0xf8: {  	v6 =	vld [tilespmem:s23+$0xFFFFFF90];
	_ =	sdelay $0x4  }
0xf9: {  	v6 =	vmul.f32 v6, v7;
	_ =	sdelay $0x1  }
0xfa: {  	[tilespmem:s25+$0xFFFFFFD0] =	vst v6  }
0xfb: {  	v6 =	vld [tilespmem:s23+$0xFFFFFFA0];
	_ =	sdelay $0x4  }
0xfc: {  	v6 =	vmul.f32 v6, v7;
	_ =	sdelay $0x1  }
0xfd: {  	[tilespmem:s25+$0xFFFFFFE0] =	vst v6  }
0xfe: {  	v6 =	vld [tilespmem:s23+$0xFFFFFFB0];
	_ =	sdelay $0x4  }
0xff: {  	v6 =	vmul.f32 v6, v7;
	_ =	sdelay $0x1  }
0x100: {  	[tilespmem:s25+$0xFFFFFFF0] =	vst v6  }
0x101: {  	v6 =	vld [tilespmem:s23+$0x0];
	_ =	sdelay $0x2  }
0x102: {  	v7 =	vbroadcast v5, $0x8;
	_ =	sdelay $0x1  }
0x103: {  	v6 =	vmul.f32 v6, v7;
	_ =	sdelay $0x1  }
0x104: {  	[tilespmem:s25+$0x0] =	vst v6  }
0x105: {  	v6 =	vld [tilespmem:s23+$0x10];
	_ =	sdelay $0x4  }
0x106: {  	v6 =	vmul.f32 v6, v7;
	_ =	sdelay $0x1  }
0x107: {  	[tilespmem:s25+$0x10] =	vst v6  }
0x108: {  	v6 =	vld [tilespmem:s23+$0x20];
	_ =	sdelay $0x4  }
0x109: {  	v6 =	vmul.f32 v6, v7;
	_ =	sdelay $0x1  }
0x10a: {  	[tilespmem:s25+$0x20] =	vst v6  }
0x10b: {  	v6 =	vld [tilespmem:s23+$0x30];
	_ =	sdelay $0x4  }
0x10c: {  	v6 =	vmul.f32 v6, v7;
	_ =	sdelay $0x1  }
0x10d: {  	[tilespmem:s25+$0x30] =	vst v6  }
0x10e: {  	v6 =	vld [tilespmem:s23+$0x80];
	_ =	sdelay $0x2  }
0x10f: {  	v7 =	vbroadcast v5, $0x9;
	_ =	sdelay $0x1  }
0x110: {  	v6 =	vmul.f32 v6, v7;
	_ =	sdelay $0x1  }
0x111: {  	[tilespmem:s25+$0x40] =	vst v6  }
0x112: {  	v6 =	vld [tilespmem:s23+$0x90];
	_ =	sdelay $0x4  }
0x113: {  	v6 =	vmul.f32 v6, v7;
	_ =	sdelay $0x1  }
0x114: {  	[tilespmem:s25+$0x50] =	vst v6  }
0x115: {  	v6 =	vld [tilespmem:s23+$0xA0];
	_ =	sdelay $0x4  }
0x116: {  	v6 =	vmul.f32 v6, v7;
	_ =	sdelay $0x1  }
0x117: {  	[tilespmem:s25+$0x60] =	vst v6  }
0x118: {  	v6 =	vld [tilespmem:s23+$0xB0];
	_ =	sdelay $0x4  }
0x119: {  	v6 =	vmul.f32 v6, v7;
	_ =	sdelay $0x1  }
0x11a: {  	[tilespmem:s25+$0x70] =	vst v6  }
0x11b: {  	v6 =	vld [tilespmem:s23+$0x100];
	_ =	sdelay $0x2  }
0x11c: {  	v7 =	vbroadcast v5, $0xA;
	_ =	sdelay $0x1  }
0x11d: {  	v6 =	vmul.f32 v6, v7;
	_ =	sdelay $0x1  }
0x11e: {  	[tilespmem:s25+$0x80] =	vst v6  }
0x11f: {  	v6 =	vld [tilespmem:s23+$0x110];
	_ =	sdelay $0x4  }
0x120: {  	v6 =	vmul.f32 v6, v7;
	_ =	sdelay $0x1  }
0x121: {  	[tilespmem:s25+$0x90] =	vst v6  }
0x122: {  	v6 =	vld [tilespmem:s23+$0x120];
	_ =	sdelay $0x4  }
0x123: {  	v6 =	vmul.f32 v6, v7;
	_ =	sdelay $0x1  }
0x124: {  	[tilespmem:s25+$0xA0] =	vst v6  }
0x125: {  	v6 =	vld [tilespmem:s23+$0x130];
	_ =	sdelay $0x4  }
0x126: {  	v6 =	vmul.f32 v6, v7;
	_ =	sdelay $0x1  }
0x127: {  	[tilespmem:s25+$0xB0] =	vst v6  }
0x128: {  	v6 =	vld [tilespmem:s23+$0x180];
	_ =	sdelay $0x2  }
0x129: {  	v7 =	vbroadcast v5, $0xB;
	_ =	sdelay $0x1  }
0x12a: {  	v6 =	vmul.f32 v6, v7;
	_ =	sdelay $0x1  }
0x12b: {  	[tilespmem:s25+$0xC0] =	vst v6  }
0x12c: {  	v6 =	vld [tilespmem:s23+$0x190];
	_ =	sdelay $0x4  }
0x12d: {  	v6 =	vmul.f32 v6, v7;
	_ =	sdelay $0x1  }
0x12e: {  	[tilespmem:s25+$0xD0] =	vst v6  }
0x12f: {  	v6 =	vld [tilespmem:s23+$0x1A0];
	_ =	sdelay $0x4  }
0x130: {  	v6 =	vmul.f32 v6, v7;
	_ =	sdelay $0x1  }
0x131: {  	[tilespmem:s25+$0xE0] =	vst v6  }
0x132: {  	v6 =	vld [tilespmem:s23+$0x1B0];
	_ =	sdelay $0x4  }
0x133: {  	v6 =	vmul.f32 v6, v7;
	_ =	sdelay $0x1  }
0x134: {  	[tilespmem:s25+$0xF0] =	vst v6  }
0x135: {  	v6 =	vld [tilespmem:s23+$0x200];
	_ =	sdelay $0x2  }
0x136: {  	v7 =	vbroadcast v5, $0xC;
	_ =	sdelay $0x1  }
0x137: {  	v6 =	vmul.f32 v6, v7;
	_ =	sdelay $0x1  }
0x138: {  	[tilespmem:s25+$0x100] =	vst v6  }
0x139: {  	v6 =	vld [tilespmem:s23+$0x210];
	_ =	sdelay $0x4  }
0x13a: {  	v6 =	vmul.f32 v6, v7;
	_ =	sdelay $0x1  }
0x13b: {  	[tilespmem:s25+$0x110] =	vst v6  }
0x13c: {  	v6 =	vld [tilespmem:s23+$0x220];
	_ =	sdelay $0x4  }
0x13d: {  	v6 =	vmul.f32 v6, v7;
	_ =	sdelay $0x1  }
0x13e: {  	[tilespmem:s25+$0x120] =	vst v6  }
0x13f: {  	v6 =	vld [tilespmem:s23+$0x230];
	_ =	sdelay $0x4  }
0x140: {  	v6 =	vmul.f32 v6, v7;
	_ =	sdelay $0x1  }
0x141: {  	[tilespmem:s25+$0x130] =	vst v6  }
0x142: {  	v6 =	vld [tilespmem:s23+$0x280];
	_ =	sdelay $0x2  }
0x143: {  	v7 =	vbroadcast v5, $0xD;
	_ =	sdelay $0x1  }
0x144: {  	v6 =	vmul.f32 v6, v7;
	_ =	sdelay $0x1  }
0x145: {  	[tilespmem:s25+$0x140] =	vst v6  }
0x146: {  	v6 =	vld [tilespmem:s23+$0x290];
	_ =	sdelay $0x4  }
0x147: {  	v6 =	vmul.f32 v6, v7;
	_ =	sdelay $0x1  }
0x148: {  	[tilespmem:s25+$0x150] =	vst v6  }
0x149: {  	v6 =	vld [tilespmem:s23+$0x2A0];
	_ =	sdelay $0x4  }
0x14a: {  	v6 =	vmul.f32 v6, v7;
	_ =	sdelay $0x1  }
0x14b: {  	[tilespmem:s25+$0x160] =	vst v6  }
0x14c: {  	v6 =	vld [tilespmem:s23+$0x2B0];
	_ =	sdelay $0x4  }
0x14d: {  	v6 =	vmul.f32 v6, v7;
	_ =	sdelay $0x1  }
0x14e: {  	[tilespmem:s25+$0x170] =	vst v6  }
0x14f: {  	v6 =	vld [tilespmem:s23+$0x300];
	_ =	sdelay $0x2  }
0x150: {  	v7 =	vbroadcast v5, $0xE;
	_ =	sdelay $0x1  }
0x151: {  	v6 =	vmul.f32 v6, v7;
	_ =	sdelay $0x1  }
0x152: {  	[tilespmem:s25+$0x180] =	vst v6  }
0x153: {  	v6 =	vld [tilespmem:s23+$0x310];
	_ =	sdelay $0x4  }
0x154: {  	v6 =	vmul.f32 v6, v7;
	_ =	sdelay $0x1  }
0x155: {  	[tilespmem:s25+$0x190] =	vst v6  }
0x156: {  	v6 =	vld [tilespmem:s23+$0x320];
	_ =	sdelay $0x4  }
0x157: {  	v6 =	vmul.f32 v6, v7;
	_ =	sdelay $0x1  }
0x158: {  	[tilespmem:s25+$0x1A0] =	vst v6  }
0x159: {  	v6 =	vld [tilespmem:s23+$0x330];
	_ =	sdelay $0x4  }
0x15a: {  	v6 =	vmul.f32 v6, v7;
	_ =	sdelay $0x1  }
0x15b: {  	[tilespmem:s25+$0x1B0] =	vst v6  }
0x15c: {  	v6 =	vld [tilespmem:s23+$0x380];
	_ =	sdelay $0x2  }
0x15d: {  	v5 =	vbroadcast v5, $0xF;
	_ =	sdelay $0x1  }
0x15e: {  	v6 =	vmul.f32 v6, v5;
	_ =	sdelay $0x1  }
0x15f: {  	[tilespmem:s25+$0x1C0] =	vst v6  }
0x160: {  	v6 =	vld [tilespmem:s23+$0x390];
	_ =	sdelay $0x4  }
0x161: {  	v6 =	vmul.f32 v6, v5;
	_ =	sdelay $0x1  }
0x162: {  	[tilespmem:s25+$0x1D0] =	vst v6  }
0x163: {  	v6 =	vld [tilespmem:s23+$0x3A0];
	_ =	sdelay $0x4  }
0x164: {  	v6 =	vmul.f32 v6, v5;
	_ =	sdelay $0x1  }
0x165: {  	[tilespmem:s25+$0x1E0] =	vst v6  }
0x166: {  	v6 =	vld [tilespmem:s23+$0x3B0];
	_ =	sdelay $0x1  }
0x167: {  	p0 =	sne.s32 s26, $0x100  }
.Ltmp0:
0x168: {  	_ = 	snop;
	(pc) =	sbr.rel @p0 .LBB2_2-.Ltmp0, $3  }
0x169: {  	_ = 	snop  }
0x16a: {  	v5 =	vmul.f32 v6, v5;
	_ =	sdelay $0x1  }
0x16b: {  	s26 =	sadd.s32 $0x40, s26;
	s23 =	sadd.s32 $0x800, s23;
	[tilespmem:s25+$0x1F0] =	vst v5;
	s25 =	sadd.s32 $0x400, s25  }
0x16c: {  	[spmem:s7] =	stream.indirect.scatter.add.f32 [tilespmem:s18], [sflag:$0x2], $0x40, s13, s14, $0xb8;
	[tilespmem:$0x16590] =	vst v63  }
0x16d: {  	_ =	swait.ge [sflag:s16], $0x1400  }
0x16e: {  	[sflag:s16] =	ssyncset.done $0x0  }
0x16f: {  	[sflag:s16] =	ssyncadd.s32 $0xFFFFEC00  }
0x170: {  	[spmem:s9] =	stream.indirect.scatter.add.f32 [tilespmem:s31], [sflag:$0x2], $0x8, s13, s14, $0xb8;
	[tilespmem:$0x16590] =	vst v63  }
0x171: {  	s21 =	sadd.s32 $0x1, s21;
	_ =	swait.ge [sflag:s16], $0x280  }
0x172: {  	p0 =	sne.s32 s21, $0xFA;
	[sflag:s16] =	ssyncset.done $0x0  }
.Ltmp1:
0x173: {  	s22 =	sadd.s32 s2, s22;
	[sflag:s16] =	ssyncadd.s32 $0xFFFFFD80;
	(pc) =	sbr.rel @p0 .LBB2_1-.Ltmp1, $4  }
0x174: {  	[hbm4b:s22+s12] =	stream.linear.scatter [tilespmem:s19], [sflag:$0x2], $0x50, $0x38;
	[tilespmem:$0x16590] =	vst v63  }
0x175: {  	_ =	swait.ge [sflag:s16], $0x50  }
0x176: {  	[sflag:s16] =	ssyncset.done $0x0  }
0x177: {  	[sflag:s16] =	ssyncadd.s32 $0xFFFFFFB0  }
0x178: {  	[bflag:$0x0] =	sbarrier.arrive $0xFFFF;
	s1 =	simm.s32 $0x8D90;
	s0 =	simm.s32 $0x2  }
0x179: {  	[tilespmem:s1], [sflag:$0x2] =	stream.linear.gather [spmem:s29], $0x2000, $0x38;
	[tilespmem:$0x16590] =	vst v63  }
0x17a: {  	_ =	swait.ge [sflag:s0], $0x2000  }
0x17b: {  	[sflag:s0] =	ssyncset.done $0x0  }
0x17c: {  	s2 =	simm.s32 $0xAD90;
	[sflag:s0] =	ssyncadd.s32 $0xFFFFE000  }
0x17d: {  	[tilespmem:s2], [sflag:$0x2] =	stream.linear.gather [spmem:s30], $0x400, $0x38;
	[tilespmem:$0x16590] =	vst v63  }
0x17e: {  	_ =	swait.ge [sflag:s0], $0x400  }
0x17f: {  	s6 =	rddreg [dreg:$0x12]  }
0x180: {  	[sflag:s0] =	ssyncset.done $0x0;
	s6 =	sshrl.u32 s6, $0x3  }
0x181: {  	s13 =	simm.s32 $0x0;
	[sflag:s0] =	ssyncadd.s32 $0xFFFFFC00;
	s7 =	sadd.s32 s24, s6  }
0x182: {  	[hbm4b:s7+s13] =	stream.linear.scatter [tilespmem:s1], [sflag:$0x2], $0x2000, $0x38;
	[tilespmem:$0x16590] =	vst v63  }
0x183: {  	_ =	swait.ge [sflag:s0], $0x2000  }
0x184: {  	s14 =	rddreg [dreg:$0xf];
	[sflag:s0] =	ssyncset.done $0x0  }
0x185: {  	s7 =	sshrl.u32 s14, $0x3;
	s8 =	rddreg [dreg:$0x3]  }
0x186: {  	[sflag:s0] =	ssyncadd.s32 $0xFFFFE000;
	s7 =	sadd.s32 s8, s7  }
0x187: {  	[hbm4b:s7+s13] =	stream.linear.scatter [tilespmem:s2], [sflag:$0x2], $0x400, $0x38;
	[tilespmem:$0x16590] =	vst v63  }
0x188: {  	_ =	swait.ge [sflag:s0], $0x400  }
0x189: {  	[sflag:s0] =	ssyncset.done $0x0  }
0x18a: {  	s15 =	rddreg [dreg:$0x13];
	[sflag:s0] =	ssyncadd.s32 $0xFFFFFC00  }
0x18b: {  	[tilespmem:s1], [sflag:$0x2] =	stream.linear.gather [spmem:s15], $0x2000, $0x38;
	[tilespmem:$0x16590] =	vst v63  }
0x18c: {  	_ =	swait.ge [sflag:s0], $0x2000  }
0x18d: {  	[sflag:s0] =	ssyncset.done $0x0  }
0x18e: {  	s16 =	rddreg [dreg:$0x14];
	[sflag:s0] =	ssyncadd.s32 $0xFFFFE000  }
0x18f: {  	[tilespmem:s2], [sflag:$0x2] =	stream.linear.gather [spmem:s16], $0x400, $0x38;
	[tilespmem:$0x16590] =	vst v63  }
0x190: {  	_ =	swait.ge [sflag:s0], $0x400  }
0x191: {  	[sflag:s0] =	ssyncset.done $0x0;
	s17 =	rddreg [dreg:$0x11]  }
0x192: {  	s7 =	sadd.s32 s24, s17;
	[sflag:s0] =	ssyncadd.s32 $0xFFFFFC00  }
0x193: {  	[hbm4b:s7+s13] =	stream.linear.scatter [tilespmem:s1], [sflag:$0x2], $0x2000, $0x38;
	[tilespmem:$0x16590] =	vst v63  }
0x194: {  	_ =	swait.ge [sflag:s0], $0x2000  }
0x195: {  	[sflag:s0] =	ssyncset.done $0x0  }
0x196: {  	s18 =	sadd.s32 s8, s10;
	[sflag:s0] =	ssyncadd.s32 $0xFFFFE000  }
0x197: {  	[hbm4b:s18+s13] =	stream.linear.scatter [tilespmem:s2], [sflag:$0x2], $0x400, $0x38;
	[tilespmem:$0x16590] =	vst v63  }
0x198: {  	_ =	swait.ge [sflag:s0], $0x400  }
0x199: {  	[sflag:s0] =	ssyncset.done $0x0  }
0x19a: {  	s19 =	rddreg [dreg:$0xe];
	[sflag:s0] =	ssyncadd.s32 $0xFFFFFC00  }
0x19b: {  	[tilespmem:s1], [sflag:$0x2] =	stream.linear.gather [spmem:s19], $0x2000, $0x38;
	[tilespmem:$0x16590] =	vst v63  }
0x19c: {  	_ =	swait.ge [sflag:s0], $0x2000  }
0x19d: {  	[sflag:s0] =	ssyncset.done $0x0  }
0x19e: {  	s20 =	rddreg [dreg:$0x10];
	[sflag:s0] =	ssyncadd.s32 $0xFFFFE000  }
0x19f: {  	[tilespmem:s2], [sflag:$0x2] =	stream.linear.gather [spmem:s20], $0x400, $0x38;
	[tilespmem:$0x16590] =	vst v63  }
0x1a0: {  	_ =	swait.ge [sflag:s0], $0x400  }
0x1a1: {  	[sflag:s0] =	ssyncset.done $0x0;
	s21 =	rddreg [dreg:$0xc]  }
0x1a2: {  	s7 =	sadd.s32 s24, s21;
	[sflag:s0] =	ssyncadd.s32 $0xFFFFFC00  }
0x1a3: {  	[hbm4b:s7+s13] =	stream.linear.scatter [tilespmem:s1], [sflag:$0x2], $0x2000, $0x38;
	[tilespmem:$0x16590] =	vst v63  }
0x1a4: {  	_ =	swait.ge [sflag:s0], $0x2000  }
0x1a5: {  	[sflag:s0] =	ssyncset.done $0x0  }
0x1a6: {  	s5 =	sadd.s32 s8, s5;
	[sflag:s0] =	ssyncadd.s32 $0xFFFFE000  }
0x1a7: {  	[hbm4b:s5+s13] =	stream.linear.scatter [tilespmem:s2], [sflag:$0x2], $0x400, $0x38;
	[tilespmem:$0x16590] =	vst v63  }
0x1a8: {  	_ =	swait.ge [sflag:s0], $0x400  }
0x1a9: {  	[sflag:s0] =	ssyncset.done $0x0  }
0x1aa: {  	s22 =	rddreg [dreg:$0xb];
	[sflag:s0] =	ssyncadd.s32 $0xFFFFFC00  }
0x1ab: {  	[tilespmem:s1], [sflag:$0x2] =	stream.linear.gather [spmem:s22], $0x2000, $0x38;
	[tilespmem:$0x16590] =	vst v63  }
0x1ac: {  	_ =	swait.ge [sflag:s0], $0x2000  }
0x1ad: {  	[sflag:s0] =	ssyncset.done $0x0  }
0x1ae: {  	s23 =	rddreg [dreg:$0xd];
	[sflag:s0] =	ssyncadd.s32 $0xFFFFE000  }
0x1af: {  	[tilespmem:s2], [sflag:$0x2] =	stream.linear.gather [spmem:s23], $0x400, $0x38;
	[tilespmem:$0x16590] =	vst v63  }
0x1b0: {  	_ =	swait.ge [sflag:s0], $0x400  }
0x1b1: {  	[sflag:s0] =	ssyncset.done $0x0;
	s25 =	rddreg [dreg:$0xa]  }
0x1b2: {  	s5 =	sadd.s32 s24, s25;
	[sflag:s0] =	ssyncadd.s32 $0xFFFFFC00  }
0x1b3: {  	[hbm4b:s5+s13] =	stream.linear.scatter [tilespmem:s1], [sflag:$0x2], $0x2000, $0x38;
	[tilespmem:$0x16590] =	vst v63  }
0x1b4: {  	_ =	swait.ge [sflag:s0], $0x2000  }
0x1b5: {  	[sflag:s0] =	ssyncset.done $0x0  }
0x1b6: {  	s4 =	sadd.s32 s8, s4;
	[sflag:s0] =	ssyncadd.s32 $0xFFFFE000  }
0x1b7: {  	[hbm4b:s4+s13] =	stream.linear.scatter [tilespmem:s2], [sflag:$0x2], $0x400, $0x38;
	[tilespmem:$0x16590] =	vst v63  }
0x1b8: {  	_ =	swait.ge [sflag:s0], $0x400  }
0x1b9: {  	[sflag:s0] =	ssyncset.done $0x0  }
0x1ba: {  	s26 =	rddreg [dreg:$0x8];
	[sflag:s0] =	ssyncadd.s32 $0xFFFFFC00  }
0x1bb: {  	[tilespmem:s1], [sflag:$0x2] =	stream.linear.gather [spmem:s26], $0x2000, $0x38;
	[tilespmem:$0x16590] =	vst v63  }
0x1bc: {  	_ =	swait.ge [sflag:s0], $0x2000  }
0x1bd: {  	[sflag:s0] =	ssyncset.done $0x0  }
0x1be: {  	s28 =	rddreg [dreg:$0x9];
	[sflag:s0] =	ssyncadd.s32 $0xFFFFE000  }
0x1bf: {  	[tilespmem:s2], [sflag:$0x2] =	stream.linear.gather [spmem:s28], $0x400, $0x38;
	[tilespmem:$0x16590] =	vst v63  }
0x1c0: {  	_ =	swait.ge [sflag:s0], $0x400  }
0x1c1: {  	[sflag:s0] =	ssyncset.done $0x0;
	s29 =	rddreg [dreg:$0x7]  }
0x1c2: {  	s4 =	sadd.s32 s24, s29;
	[sflag:s0] =	ssyncadd.s32 $0xFFFFFC00  }
0x1c3: {  	[hbm4b:s4+s13] =	stream.linear.scatter [tilespmem:s1], [sflag:$0x2], $0x2000, $0x38;
	[tilespmem:$0x16590] =	vst v63  }
0x1c4: {  	_ =	swait.ge [sflag:s0], $0x2000  }
0x1c5: {  	[sflag:s0] =	ssyncset.done $0x0  }
0x1c6: {  	s30 =	sadd.s32 s8, s3;
	[sflag:s0] =	ssyncadd.s32 $0xFFFFE000  }
0x1c7: {  	[hbm4b:s30+s13] =	stream.linear.scatter [tilespmem:s2], [sflag:$0x2], $0x400, $0x38;
	[tilespmem:$0x16590] =	vst v63  }
0x1c8: {  	_ =	swait.ge [sflag:s0], $0x400  }
0x1c9: {  	[sflag:s0] =	ssyncset.done $0x0  }
0x1ca: {  	[sflag:s0] =	ssyncadd.s32 $0xFFFFFC00  }
0x1cb: {  	_ =	sfence.sel $0x180000  }
0x1cc: {  	[bflag:$0x0] =	sbarrier.arrive $0xFFFF  }
0x1cd: {  	_ =	strace $0x9000004A  }
0x1ce: {  	s31 =	stileid.u32;
	[bflag:$0x2] =	sbarrier.arrive $0xFFFF  }
0x1cf: {  	p0 =	sne.s32 s31, $0x0;
	s0 =	rddreg [dreg:$0x6]  }
0x1d0: {  	s0 =	sadd.s32 @!p0 $0x100000, s0  }
0x1d1: {  	[sflag:s0] =	ssyncadd.tile.s32 @!p0 $0x1;
	_ =	shalt  }
.Lfunc_end2:
_tile_overlayer_lowered:
.L_overlay_start_2:
0x1d2: {  	(tag) =	ssettag $0x2  }
0x1d3: {  	s0 =	rddreg [dreg:$0x0];
	s2 =	stileid.u32  }
0x1d4: {  	s1 =	rddreg [dreg:$0x1];
	p0 =	sne.s32 s2, $0x0  }
0x1d5: {  	s3 =	rddreg [dreg:$0x2];
	[bflag:$0x3] =	sbarrier.arrive $0xFFFF;
	s2 =	simm.s32 @!p0 $0x1C02  }
0x1d6: {  	[timem:s3], [sflag:s2] =	dma.local @!p0 [hbm:s0], s1  }
0x1d7: {  	s0 =	simm.s32 @!p0 $0x2  }
0x1d8: {  	_ =	swait.ge @!p0 [sflag:s0], s1  }
0x1d9: {  	s1 =	ssub.s32 @!p0 $0x0, s1;
	[sflag:s0] =	ssyncset.done @!p0 $0x0  }
0x1da: {  	[sflag:s0] =	ssyncadd.s32 @!p0 s1  }
0x1db: {  	[bflag:$0x3] =	sbarrier.arrive $0xFFFF  }
0x1dc: {  	_ =	shalt  }

// kernel: scatter_offload_async_start
scs
__scs_entry_jumppad:
0x0: {  	(pc) =	sbr.rel $0x88, $3  }
0x1: {  	(tag) =	ssettag $0x0;
	lr =	simm.s32 $0x1  }
0x2: {  	[smem:$0x3F94] =	sst lr;
	_ =	strace $0xD0000000  }
0x3: {  	_ = 	snop  }
0x4: {  	_ = 	snop  }
0x5: {  	_ = 	snop  }
0x6: {  	_ = 	snop  }
0x7: {  	_ = 	snop  }
__scs_overlays_trampoline_lowered:
0x8: {  	[smem:$0x3FA3] =	sst s0  }
0x9: {  	[smem:$0x3FA4] =	sst s1  }
0xa: {  	[smem:$0x3FA5] =	sst s2  }
0xb: {  	[smem:$0x3FA6] =	sst s3  }
0xc: {  	[smem:$0x3FA7] =	sst s4  }
0xd: {  	[smem:$0x3FA8] =	sst s5  }
0xe: {  	[smem:$0x3FA9] =	sst s6  }
0xf: {  	[smem:$0x3FAA] =	sst s7  }
0x10: {  	[smem:$0x3FAB] =	sst s8  }
0x11: {  	[smem:$0x3FAC] =	sst s9;
	s0 =	simm.s32 @!p0 $0x0  }
0x12: {  	s1 =	sld [smem:$0x3F92];
	s0 =	simm.s32 @p0 $0x1  }
0x13: {  	[smem:$0x3FAD] =	sst s0;
	s0 =	simm.s32 @!p1 $0x0  }
0x14: {  	s2 =	sld [smem:$0x3F91];
	s0 =	simm.s32 @p1 $0x1  }
0x15: {  	[smem:$0x3FAE] =	sst s0;
	s0 =	simm.s32 @!p2 $0x0  }
0x16: {  	s3 =	sld [smem:$0x3FDB];
	s0 =	simm.s32 @p2 $0x1  }
0x17: {  	s4 =	simm.s32 $0x1BF5;
	[smem:$0x3FB0] =	sst s0  }
0x18: {  	s0 =	sld [smem:$0x3F93];
	_ =	swait.ge [sflag:s4], $0x0  }
0x19: {  	s7 =	sld [smem:$0x3F94]  }
0x1a: {  	s8 =	sadd.s32 $0xFFFFE003, lr  }
0x1b: {  	s9 =	sadd.s32 $0xFFFFFEF7, lr;
	s5 =	simm.s32 $0xFFFFFFFF;
	p2 =	slt.u32 s8, $0xFFFFF086  }
0x1c: {  	p1 =	slt.u32 s9, $0xF7A;
	s5 =	simm.s32 @!p2 $0x0  }
0x1d: {  	s5 =	simm.s32 @p1 $0x1;
	p0 =	seq.s32 s7, s2  }
0x1e: {  	s7 =	smul.u32 @!p0 $0xF7A, s2;
	p2 =	seq.s32 @!p0 s5, $0x0  }
0x1f: {  	s9 =	smul.u32 $0xF7A, s1;
	s8 =	simm.s32 @!p0 $0x1BF5;
	p2 =	por !p2, p0  }
0x20: {  	[sflag:s8] =	ssyncset.s32 @!p0 $0xFFFFF086;
	s6 =	sadd.s32 @!p0 s3, s7;
	s7 =	simm.s32 @!p0 $0x108  }
0x21: {  	s3 =	sadd.s32 s3, s9;
	s6 =	sadd.s32 @!p0 $0x88, s6;
	s7 =	simm.s32 @p2 $0x1082  }
0x22: {  	[simem:s7], [sflag:s8] =	dma.local @!p0 [hbm:s6], $0xF7A  }
0x23: {  	s9 =	sor.u32 $0xD0000000, s2;
	s6 =	simm.s32 $0x108;
	_ =	swait.ge @!p0 [sflag:s8], $0x0  }
0x24: {  	s3 =	sadd.s32 $0x88, s3;
	s6 =	simm.s32 @!p1 $0x1082;
	[sflag:s4] =	ssyncset.s32 $0xFFFFF086  }
0x25: {  	[simem:s6], [sflag:s4] =	dma.local [hbm:s3], $0xF7A  }
0x26: {  	[smem:$0x3F94] =	sst s1;
	(tag) =	ssettag s2;
	_ =	strace s9  }
0x27: {  	s1 =	sld [smem:$0x3FA4]  }
0x28: {  	s2 =	sld [smem:$0x3FA5]  }
0x29: {  	s4 =	sld [smem:$0x3FA7]  }
0x2a: {  	p0 =	seq.s32 s5, $0x0;
	s5 =	sld [smem:$0x3FA8]  }
0x2b: {  	s6 =	sld [smem:$0x3FA9]  }
0x2c: {  	s7 =	sld [smem:$0x3FAA]  }
0x2d: {  	s3 =	simm.s32 $0x108;
	s8 =	sld [smem:$0x3FAB]  }
0x2e: {  	s3 =	simm.s32 @!p0 $0x1082;
	s9 =	sld [smem:$0x3FAC]  }
0x2f: {  	lr =	sadd.s32 s0, s3;
	s0 =	sld [smem:$0x3FA3]  }
0x30: {  	s3 =	sld [smem:$0x3FA6]  }
0x31: {  	[smem:$0x3FAF] =	sst s10  }
0x32: {  	s10 =	sld [smem:$0x3FAD];
	_ =	sdelay $0x3  }
0x33: {  	p0 =	seq.s32 s10, $0x1;
	s10 =	sld [smem:$0x3FAF];
	_ =	sdelay $0x3  }
0x34: {  	[smem:$0x3FAF] =	sst s10  }
0x35: {  	s10 =	sld [smem:$0x3FAE];
	_ =	sdelay $0x3  }
0x36: {  	p1 =	seq.s32 s10, $0x1;
	s10 =	sld [smem:$0x3FAF];
	_ =	sdelay $0x3  }
0x37: {  	[smem:$0x3FAF] =	sst s10  }
0x38: {  	s10 =	sld [smem:$0x3FB0]  }
0x39: {  	_ = 	snop;
	(pc) =	sbr.ind lr, $3  }
0x3a: {  	_ = 	snop  }
0x3b: {  	_ = 	snop  }
0x3c: {  	p2 =	seq.s32 s10, $0x1;
	s10 =	sld [smem:$0x3FAF]  }
0x3d: {  	_ =	shalt  }
0x3e: {  	_ =	shalt  }
0x3f: {  	_ =	shalt  }
0x40: {  	_ =	shalt  }
0x41: {  	_ =	shalt  }
0x42: {  	_ =	shalt  }
0x43: {  	_ =	shalt  }
0x44: {  	_ =	shalt  }
0x45: {  	_ =	shalt  }
0x46: {  	_ =	shalt  }
0x47: {  	_ =	shalt  }
0x48: {  	_ =	shalt  }
0x49: {  	_ =	shalt  }
0x4a: {  	_ =	shalt  }
0x4b: {  	_ =	shalt  }
0x4c: {  	_ =	shalt  }
0x4d: {  	_ =	shalt  }
0x4e: {  	_ =	shalt  }
0x4f: {  	_ =	shalt  }
0x50: {  	_ =	shalt  }
0x51: {  	_ =	shalt  }
0x52: {  	_ =	shalt  }
0x53: {  	_ =	shalt  }
0x54: {  	_ =	shalt  }
0x55: {  	_ =	shalt  }
0x56: {  	_ =	shalt  }
0x57: {  	_ =	shalt  }
0x58: {  	_ =	shalt  }
0x59: {  	_ =	shalt  }
0x5a: {  	_ =	shalt  }
0x5b: {  	_ =	shalt  }
0x5c: {  	_ =	shalt  }
0x5d: {  	_ =	shalt  }
0x5e: {  	_ =	shalt  }
0x5f: {  	_ =	shalt  }
0x60: {  	_ =	shalt  }
0x61: {  	_ =	shalt  }
0x62: {  	_ =	shalt  }
0x63: {  	_ =	shalt  }
0x64: {  	_ =	shalt  }
0x65: {  	_ =	shalt  }
0x66: {  	_ =	shalt  }
0x67: {  	_ =	shalt  }
0x68: {  	_ =	shalt  }
0x69: {  	_ =	shalt  }
0x6a: {  	_ =	shalt  }
0x6b: {  	_ =	shalt  }
0x6c: {  	_ =	shalt  }
0x6d: {  	_ =	shalt  }
0x6e: {  	_ =	shalt  }
0x6f: {  	_ =	shalt  }
0x70: {  	_ =	shalt  }
0x71: {  	_ =	shalt  }
0x72: {  	_ =	shalt  }
0x73: {  	_ =	shalt  }
0x74: {  	_ =	shalt  }
0x75: {  	_ =	shalt  }
0x76: {  	_ =	shalt  }
0x77: {  	_ =	shalt  }
0x78: {  	_ =	shalt  }
0x79: {  	_ =	shalt  }
0x7a: {  	_ =	shalt  }
0x7b: {  	_ =	shalt  }
0x7c: {  	_ =	shalt  }
0x7d: {  	_ =	shalt  }
0x7e: {  	_ =	shalt  }
0x7f: {  	_ =	shalt  }
0x80: {  	_ =	shalt  }
0x81: {  	_ =	shalt  }
0x82: {  	_ =	shalt  }
0x83: {  	_ =	shalt  }
0x84: {  	_ =	shalt  }
0x85: {  	_ =	shalt  }
0x86: {  	_ =	shalt  }
0x87: {  	_ =	shalt  }
.Lfunc_end0:
.L_simem_size_0:
called_computation_lowered:
.L_overlay_start_0:
0x88: {  	s2 =	sld [smem:$0x3FD9]  }
0x89: {  	s3 =	sld [smem:$0x3FFE];
	_ =	sdelay $0x1  }
0x8a: {  	s1 =	srdreg.scid  }
0x8b: {  	s0 =	sand.u32 $0x1, s1  }
0x8c: {  	s15 =	sshll.u32 s0, $0xA;
	s2 =	sadd.s32 s3, s2  }
0x8d: {  	s2 =	sadd.s32 s2, s15  }
0x8e: {  	[smem:$0x3FBB] =	sst s2  }
0x8f: {  	_ = 	snop  }
0x90: {  	(tm) =	ssettm $0x1  }
0x91: {  	s16 =	sld [smem:$0x3FFB];
	_ =	sdelay $0x3  }
0x92: {  	_ =	strace s16  }
0x93: {  	s2 =	sld [smem:$0x3FFC];
	_ =	sdelay $0x3  }
0x94: {  	_ =	strace s2  }
0x95: {  	s2 =	sld [smem:$0x3FFD];
	_ =	sdelay $0x3  }
0x96: {  	_ =	strace s2  }
0x97: {  	_ =	strace $0x8FFFFFFF  }
0x98: {  	s17 =	sld [smem:$0x3FDB];
	_ =	sdelay $0x1  }
0x99: {  	s18 =	simm.s32 $_scs_section_size  }
0x9a: {  	s4 =	simm.s32 $_size__tile_overlayer_lowered;
	s5 =	simm.s32 $_tile_overlayer_lowered  }
0x9b: {  	s21 =	simm.s32 $0x1BFF;
	s20 =	sshll.u32 s5, $0x1;
	s2 =	sadd.s32 s18, s17  }
0x9c: {  	s6 =	simm.s32 $0x0;
	s19 =	sshll.u32 s4, $0x1;
	s4 =	sadd.s32 s20, s2  }
0x9d: {  	[timem:s6], [sflag:s21] =	dma.local [hbm:s4], s19  }
0x9e: {  	_ =	swait.ge [sflag:s21], s19  }
0x9f: {  	s3 =	ssub.s32 $0x0, s19;
	[sflag:s21] =	ssyncset.done $0x0  }
0xa0: {  	[sflag:s21] =	ssyncadd.s32 s3;
	_ =	sdelay $0x1  }
0xa1: {  	s22 =	simm.s32 $0x1B8B  }
0xa2: {  	_ =	swait.ge [sflag:s22], $0x1  }
0xa3: {  	[sflag:s22] =	ssyncset.done $0x0  }
0xa4: {  	s23 =	sld [smem:$0x3FFE];
	[sflag:s22] =	ssyncadd.s32 $0xFFFFFFFF  }
0xa5: {  	s25 =	simm.s32 $0x1B8E;
	s24 =	sld [smem:$0x0]  }
0xa6: {  	s26 =	simm.s32 $execute0_lowered;
	[smem:$0x3FD2] =	sst s25  }
0xa7: {  	s5 =	sshll.u32 s26, $0x1;
	_ =	strace $0x80000046;
	[dreg:$0x1] =	wrdreg $0xFFFFFFFF  }
0xa8: {  	s28 =	simm.s32 $_size_execute0_lowered;
	s2 =	sadd.s32 s2, s5;
	[dreg:$0x0] =	wrdreg $0x0  }
0xa9: {  	s5 =	sshll.u32 s28, $0x1;
	[dreg:$0x2] =	wrdreg s2  }
0xaa: {  	[dreg:$0x3] =	wrdreg s5  }
0xab: {  	[dreg:$0x4] =	wrdreg $0xC0  }
0xac: {  	_ =	task [dreg:s6], $0x5FFFF  }
0xad: {  	[dreg:$0x1] =	wrdreg $0xFFFFFFFF  }
0xae: {  	[dreg:$0x0] =	wrdreg $0x60  }
0xaf: {  	[dreg:$0x2] =	wrdreg s23  }
0xb0: {  	[dreg:$0x3] =	wrdreg s1  }
0xb1: {  	[dreg:$0x4] =	wrdreg s24  }
0xb2: {  	[dreg:$0x5] =	wrdreg $0x9  }
0xb3: {  	_ =	task.clear_ibuf [dreg:s6], $0x6FFFF;
	_ =	strace $0x90000046  }
0xb4: {  	s29 =	simm.s32 $0x9;
	_ =	strace $0x80000048  }
0xb5: {  	_ =	swait.ge [sflag:s29], $0x1  }
0xb6: {  	[sflag:s29] =	ssyncadd.s32 $0xFFFFFFFF  }
0xb7: {  	_ =	strace $0x90000048  }
0xb8: {  	_ =	sfence  }
0xb9: {  	s30 =	sld [smem:$0x0];
	_ =	sdelay $0x2  }
0xba: {  	s31 =	sshll.u32 s1, $0xD;
	s1 =	sshrl.u32 s1, $0x2  }
0xbb: {  	s3 =	sand.u32 $0x4000, s31;
	s1 =	sadd.s32 s1, s30  }
0xbc: {  	s0 =	sor.u32 s3, s0;
	s1 =	sshll.u32 s1, $0x11  }
0xbd: {  	s0 =	sor.u32 s1, s0  }
0xbe: {  	s0 =	sadd.s32 $0x8F2B, s0  }
0xbf: {  	[sflag:s0] =	ssyncadd.remote.s32 $0x1  }
0xc0: {  	_ =	sfence.sel $0xFFFF  }
0xc1: {  	[dreg:$0x0] =	wrdreg $0xFFFFFFFF;
	(pc) =	sbr.abs _section_cstart, $3  }
0xc2: {  	[dreg:$0x1] =	wrdreg $0xFFFFFFFF  }
0xc3: {  	_ =	task.clear_ibuf [dreg:s6], $0x2FFFF;
	_ =	strace $0x9FFFFFFF  }
0xc4: {  	(tm) =	ssettm $0x7FFFFFFF  }
0xc5: {  	_ =	shalt  }
tec
execute0_lowered:
.L_overlay_start_1:
0x0: {  	(tag) =	ssettag $0x1  }
0x1: {  	s11 =	rddreg [dreg:$0x0]  }
0x2: {  	s2 =	rddreg [dreg:$0x1];
	_ =	strace $0x80000047;
	s12 =	simm.s32 $0x1  }
0x3: {  	v0 =	vimm.s32 $0x0;
	[sflag:s12] =	ssyncpa.u1 $0x0  }
0x4: {  	[tilespmem:$0x28] =	vst v0  }
0x5: {  	[tilespmem:$0x38] =	vst v0  }
0x6: {  	[tilespmem:$0x48] =	vst v0  }
0x7: {  	[tilespmem:$0x58] =	vst v0  }
0x8: {  	[tilespmem:$0x68] =	vst v0  }
0x9: {  	[tilespmem:$0x78] =	vst v0  }
0xa: {  	[tilespmem:$0x88] =	vst v0  }
0xb: {  	[tilespmem:$0x98] =	vst v0  }
0xc: {  	[tilespmem:$0xA8] =	vst v0  }
0xd: {  	[tilespmem:$0xB8] =	vst v0  }
0xe: {  	[tilespmem:$0xC8] =	vst v0  }
0xf: {  	[tilespmem:$0xD8] =	vst v0  }
0x10: {  	[tilespmem:$0xE8] =	vst v0  }
0x11: {  	[tilespmem:$0xF8] =	vst v0  }
0x12: {  	[tilespmem:$0x108] =	vst v0  }
0x13: {  	[tilespmem:$0x118] =	vst v0  }
0x14: {  	[tilespmem:$0x128] =	vst v0  }
0x15: {  	[tilespmem:$0x138] =	vst v0  }
0x16: {  	[tilespmem:$0x148] =	vst v0  }
0x17: {  	[tilespmem:$0x158] =	vst v0  }
0x18: {  	[tilespmem:$0x168] =	vst v0  }
0x19: {  	[tilespmem:$0x178] =	vst v0  }
0x1a: {  	[tilespmem:$0x188] =	vst v0  }
0x1b: {  	[tilespmem:$0x198] =	vst v0  }
0x1c: {  	[tilespmem:$0x1A8] =	vst v0  }
0x1d: {  	[tilespmem:$0x1B8] =	vst v0  }
0x1e: {  	[tilespmem:$0x1C8] =	vst v0  }
0x1f: {  	[tilespmem:$0x1D8] =	vst v0  }
0x20: {  	[tilespmem:$0x1E8] =	vst v0  }
0x21: {  	[tilespmem:$0x1F8] =	vst v0  }
0x22: {  	[tilespmem:$0x208] =	vst v0  }
0x23: {  	[tilespmem:$0x218] =	vst v0  }
0x24: {  	[tilespmem:$0x228] =	vst v0  }
0x25: {  	[tilespmem:$0x238] =	vst v0  }
0x26: {  	[tilespmem:$0x248] =	vst v0  }
0x27: {  	[tilespmem:$0x258] =	vst v0  }
0x28: {  	[tilespmem:$0x268] =	vst v0  }
0x29: {  	[tilespmem:$0x278] =	vst v0  }
0x2a: {  	[tilespmem:$0x288] =	vst v0  }
0x2b: {  	[tilespmem:$0x298] =	vst v0  }
0x2c: {  	[tilespmem:$0x2A8] =	vst v0  }
0x2d: {  	[tilespmem:$0x2B8] =	vst v0  }
0x2e: {  	[tilespmem:$0x2C8] =	vst v0  }
0x2f: {  	[tilespmem:$0x2D8] =	vst v0  }
0x30: {  	[tilespmem:$0x2E8] =	vst v0  }
0x31: {  	[tilespmem:$0x2F8] =	vst v0  }
0x32: {  	[tilespmem:$0x308] =	vst v0  }
0x33: {  	[tilespmem:$0x318] =	vst v0  }
0x34: {  	[tilespmem:$0x328] =	vst v0  }
0x35: {  	[tilespmem:$0x338] =	vst v0  }
0x36: {  	[tilespmem:$0x348] =	vst v0  }
0x37: {  	[tilespmem:$0x358] =	vst v0  }
0x38: {  	[tilespmem:$0x368] =	vst v0  }
0x39: {  	[tilespmem:$0x378] =	vst v0  }
0x3a: {  	[tilespmem:$0x388] =	vst v0  }
0x3b: {  	[tilespmem:$0x398] =	vst v0  }
0x3c: {  	[tilespmem:$0x3A8] =	vst v0  }
0x3d: {  	[tilespmem:$0x3B8] =	vst v0  }
0x3e: {  	[tilespmem:$0x3C8] =	vst v0  }
0x3f: {  	[tilespmem:$0x3D8] =	vst v0  }
0x40: {  	[tilespmem:$0x3E8] =	vst v0  }
0x41: {  	[tilespmem:$0x3F8] =	vst v0  }
0x42: {  	[tilespmem:$0x408] =	vst v0  }
0x43: {  	[tilespmem:$0x418] =	vst v0  }
0x44: {  	[tilespmem:$0x428] =	vst v0  }
0x45: {  	[tilespmem:$0x438] =	vst v0  }
0x46: {  	[tilespmem:$0x448] =	vst v0  }
0x47: {  	[tilespmem:$0x458] =	vst v0  }
0x48: {  	[tilespmem:$0x468] =	vst v0  }
0x49: {  	[tilespmem:$0x478] =	vst v0  }
0x4a: {  	[tilespmem:$0x488] =	vst v0  }
0x4b: {  	[tilespmem:$0x498] =	vst v0  }
0x4c: {  	[tilespmem:$0x4A8] =	vst v0  }
0x4d: {  	[tilespmem:$0x4B8] =	vst v0  }
0x4e: {  	[tilespmem:$0x4C8] =	vst v0  }
0x4f: {  	[tilespmem:$0x4D8] =	vst v0  }
0x50: {  	[tilespmem:$0x4E8] =	vst v0  }
0x51: {  	[tilespmem:$0x4F8] =	vst v0  }
0x52: {  	[tilespmem:$0x508] =	vst v0  }
0x53: {  	[tilespmem:$0x518] =	vst v0  }
0x54: {  	[tilespmem:$0x528] =	vst v0  }
0x55: {  	[tilespmem:$0x538] =	vst v0  }
0x56: {  	[tilespmem:$0x548] =	vst v0  }
0x57: {  	[tilespmem:$0x558] =	vst v0  }
0x58: {  	[tilespmem:$0x568] =	vst v0  }
0x59: {  	[tilespmem:$0x578] =	vst v0  }
0x5a: {  	[tilespmem:$0x588] =	vst v0  }
0x5b: {  	[tilespmem:$0x598] =	vst v0  }
0x5c: {  	[tilespmem:$0x5A8] =	vst v0  }
0x5d: {  	[tilespmem:$0x5B8] =	vst v0  }
0x5e: {  	[tilespmem:$0x5C8] =	vst v0  }
0x5f: {  	[tilespmem:$0x5D8] =	vst v0  }
0x60: {  	[tilespmem:$0x5E8] =	vst v0  }
0x61: {  	[tilespmem:$0x5F8] =	vst v0  }
0x62: {  	[tilespmem:$0x608] =	vst v0  }
0x63: {  	[tilespmem:$0x618] =	vst v0  }
0x64: {  	[tilespmem:$0x628] =	vst v0  }
0x65: {  	[tilespmem:$0x638] =	vst v0  }
0x66: {  	[tilespmem:$0x648] =	vst v0  }
0x67: {  	[tilespmem:$0x658] =	vst v0  }
0x68: {  	[tilespmem:$0x668] =	vst v0  }
0x69: {  	[tilespmem:$0x678] =	vst v0  }
0x6a: {  	[tilespmem:$0x688] =	vst v0  }
0x6b: {  	[tilespmem:$0x698] =	vst v0  }
0x6c: {  	[tilespmem:$0x6A8] =	vst v0  }
0x6d: {  	[tilespmem:$0x6B8] =	vst v0  }
0x6e: {  	[tilespmem:$0x6C8] =	vst v0  }
0x6f: {  	[tilespmem:$0x6D8] =	vst v0  }
0x70: {  	[tilespmem:$0x6E8] =	vst v0  }
0x71: {  	[tilespmem:$0x6F8] =	vst v0  }
0x72: {  	[tilespmem:$0x708] =	vst v0  }
0x73: {  	[tilespmem:$0x718] =	vst v0  }
0x74: {  	[tilespmem:$0x728] =	vst v0  }
0x75: {  	[tilespmem:$0x738] =	vst v0  }
0x76: {  	[tilespmem:$0x748] =	vst v0  }
0x77: {  	[tilespmem:$0x758] =	vst v0  }
0x78: {  	[tilespmem:$0x768] =	vst v0  }
0x79: {  	[tilespmem:$0x778] =	vst v0  }
0x7a: {  	[tilespmem:$0x788] =	vst v0  }
0x7b: {  	[tilespmem:$0x798] =	vst v0  }
0x7c: {  	[tilespmem:$0x7A8] =	vst v0  }
0x7d: {  	[tilespmem:$0x7B8] =	vst v0  }
0x7e: {  	[tilespmem:$0x7C8] =	vst v0  }
0x7f: {  	[tilespmem:$0x7D8] =	vst v0  }
0x80: {  	[tilespmem:$0x7E8] =	vst v0  }
0x81: {  	[tilespmem:$0x7F8] =	vst v0  }
0x82: {  	[tilespmem:$0x808] =	vst v0  }
0x83: {  	[tilespmem:$0x818] =	vst v0  }
0x84: {  	[tilespmem:$0x828] =	vst v0  }
0x85: {  	[tilespmem:$0x838] =	vst v0  }
0x86: {  	[tilespmem:$0x848] =	vst v0  }
0x87: {  	[tilespmem:$0x858] =	vst v0  }
0x88: {  	[tilespmem:$0x868] =	vst v0  }
0x89: {  	[tilespmem:$0x878] =	vst v0  }
0x8a: {  	[tilespmem:$0x888] =	vst v0  }
0x8b: {  	[tilespmem:$0x898] =	vst v0  }
0x8c: {  	[tilespmem:$0x8A8] =	vst v0  }
0x8d: {  	[tilespmem:$0x8B8] =	vst v0  }
0x8e: {  	[tilespmem:$0x8C8] =	vst v0  }
0x8f: {  	[tilespmem:$0x8D8] =	vst v0  }
0x90: {  	[tilespmem:$0x8E8] =	vst v0  }
0x91: {  	[tilespmem:$0x8F8] =	vst v0  }
0x92: {  	[tilespmem:$0x908] =	vst v0  }
0x93: {  	[tilespmem:$0x918] =	vst v0  }
0x94: {  	[tilespmem:$0x928] =	vst v0  }
0x95: {  	[tilespmem:$0x938] =	vst v0  }
0x96: {  	[tilespmem:$0x948] =	vst v0  }
0x97: {  	[tilespmem:$0x958] =	vst v0  }
0x98: {  	[tilespmem:$0x968] =	vst v0  }
0x99: {  	[tilespmem:$0x978] =	vst v0  }
0x9a: {  	[tilespmem:$0x988] =	vst v0  }
0x9b: {  	[tilespmem:$0x998] =	vst v0  }
0x9c: {  	[tilespmem:$0x9A8] =	vst v0  }
0x9d: {  	[tilespmem:$0x9B8] =	vst v0  }
0x9e: {  	[tilespmem:$0x9C8] =	vst v0  }
0x9f: {  	[tilespmem:$0x9D8] =	vst v0  }
0xa0: {  	[tilespmem:$0x9E8] =	vst v0  }
0xa1: {  	[tilespmem:$0x9F8] =	vst v0  }
0xa2: {  	[tilespmem:$0xA08] =	vst v0  }
0xa3: {  	[tilespmem:$0xA18] =	vst v0  }
0xa4: {  	[tilespmem:$0xA28] =	vst v0  }
0xa5: {  	[tilespmem:$0xA38] =	vst v0  }
0xa6: {  	[tilespmem:$0xA48] =	vst v0  }
0xa7: {  	[tilespmem:$0xA58] =	vst v0  }
0xa8: {  	[tilespmem:$0xA68] =	vst v0  }
0xa9: {  	[tilespmem:$0xA78] =	vst v0  }
0xaa: {  	[tilespmem:$0xA88] =	vst v0  }
0xab: {  	[tilespmem:$0xA98] =	vst v0  }
0xac: {  	[tilespmem:$0xAA8] =	vst v0  }
0xad: {  	[tilespmem:$0xAB8] =	vst v0  }
0xae: {  	[tilespmem:$0xAC8] =	vst v0  }
0xaf: {  	[tilespmem:$0xAD8] =	vst v0  }
0xb0: {  	[tilespmem:$0xAE8] =	vst v0  }
0xb1: {  	[tilespmem:$0xAF8] =	vst v0  }
0xb2: {  	[tilespmem:$0xB08] =	vst v0  }
0xb3: {  	[tilespmem:$0xB18] =	vst v0  }
0xb4: {  	[tilespmem:$0xB28] =	vst v0  }
0xb5: {  	[tilespmem:$0xB38] =	vst v0  }
0xb6: {  	[tilespmem:$0xB48] =	vst v0  }
0xb7: {  	[tilespmem:$0xB58] =	vst v0  }
0xb8: {  	[tilespmem:$0xB68] =	vst v0  }
0xb9: {  	[tilespmem:$0xB78] =	vst v0  }
0xba: {  	[tilespmem:$0xB88] =	vst v0  }
0xbb: {  	[tilespmem:$0xB98] =	vst v0  }
0xbc: {  	[tilespmem:$0xBA8] =	vst v0  }
0xbd: {  	[tilespmem:$0xBB8] =	vst v0  }
0xbe: {  	[tilespmem:$0xBC8] =	vst v0  }
0xbf: {  	[tilespmem:$0xBD8] =	vst v0  }
0xc0: {  	[tilespmem:$0xBE8] =	vst v0  }
0xc1: {  	[tilespmem:$0xBF8] =	vst v0  }
0xc2: {  	[tilespmem:$0xC08] =	vst v0  }
0xc3: {  	[tilespmem:$0xC18] =	vst v0  }
0xc4: {  	[tilespmem:$0xC28] =	vst v0  }
0xc5: {  	[tilespmem:$0xC38] =	vst v0  }
0xc6: {  	[tilespmem:$0xC48] =	vst v0  }
0xc7: {  	[tilespmem:$0xC58] =	vst v0  }
0xc8: {  	[tilespmem:$0xC68] =	vst v0  }
0xc9: {  	[tilespmem:$0xC78] =	vst v0  }
0xca: {  	[tilespmem:$0xC88] =	vst v0  }
0xcb: {  	[tilespmem:$0xC98] =	vst v0  }
0xcc: {  	[tilespmem:$0xCA8] =	vst v0  }
0xcd: {  	[tilespmem:$0xCB8] =	vst v0  }
0xce: {  	[tilespmem:$0xCC8] =	vst v0  }
0xcf: {  	[tilespmem:$0xCD8] =	vst v0  }
0xd0: {  	[tilespmem:$0xCE8] =	vst v0  }
0xd1: {  	[tilespmem:$0xCF8] =	vst v0  }
0xd2: {  	[tilespmem:$0xD08] =	vst v0  }
0xd3: {  	[tilespmem:$0xD18] =	vst v0  }
0xd4: {  	[tilespmem:$0xD28] =	vst v0  }
0xd5: {  	[tilespmem:$0xD38] =	vst v0  }
0xd6: {  	[tilespmem:$0xD48] =	vst v0  }
0xd7: {  	[tilespmem:$0xD58] =	vst v0  }
0xd8: {  	[tilespmem:$0xD68] =	vst v0  }
0xd9: {  	[tilespmem:$0xD78] =	vst v0  }
0xda: {  	[tilespmem:$0xD88] =	vst v0  }
0xdb: {  	[tilespmem:$0xD98] =	vst v0  }
0xdc: {  	[tilespmem:$0xDA8] =	vst v0  }
0xdd: {  	[tilespmem:$0xDB8] =	vst v0  }
0xde: {  	[tilespmem:$0xDC8] =	vst v0  }
0xdf: {  	[tilespmem:$0xDD8] =	vst v0  }
0xe0: {  	[tilespmem:$0xDE8] =	vst v0  }
0xe1: {  	[tilespmem:$0xDF8] =	vst v0  }
0xe2: {  	[tilespmem:$0xE08] =	vst v0  }
0xe3: {  	[tilespmem:$0xE18] =	vst v0  }
0xe4: {  	[tilespmem:$0xE28] =	vst v0  }
0xe5: {  	[tilespmem:$0xE38] =	vst v0  }
0xe6: {  	[tilespmem:$0xE48] =	vst v0  }
0xe7: {  	[tilespmem:$0xE58] =	vst v0  }
0xe8: {  	[tilespmem:$0xE68] =	vst v0  }
0xe9: {  	[tilespmem:$0xE78] =	vst v0  }
0xea: {  	[tilespmem:$0xE88] =	vst v0  }
0xeb: {  	[tilespmem:$0xE98] =	vst v0  }
0xec: {  	[tilespmem:$0xEA8] =	vst v0  }
0xed: {  	[tilespmem:$0xEB8] =	vst v0  }
0xee: {  	[tilespmem:$0xEC8] =	vst v0  }
0xef: {  	[tilespmem:$0xED8] =	vst v0  }
0xf0: {  	[tilespmem:$0xEE8] =	vst v0  }
0xf1: {  	[tilespmem:$0xEF8] =	vst v0  }
0xf2: {  	[tilespmem:$0xF08] =	vst v0  }
0xf3: {  	[tilespmem:$0xF18] =	vst v0  }
0xf4: {  	[tilespmem:$0xF28] =	vst v0  }
0xf5: {  	[tilespmem:$0xF38] =	vst v0  }
0xf6: {  	[tilespmem:$0xF48] =	vst v0  }
0xf7: {  	[tilespmem:$0xF58] =	vst v0  }
0xf8: {  	[tilespmem:$0xF68] =	vst v0  }
0xf9: {  	[tilespmem:$0xF78] =	vst v0  }
0xfa: {  	[tilespmem:$0xF88] =	vst v0  }
0xfb: {  	[tilespmem:$0xF98] =	vst v0  }
0xfc: {  	[tilespmem:$0xFA8] =	vst v0  }
0xfd: {  	[tilespmem:$0xFB8] =	vst v0  }
0xfe: {  	[tilespmem:$0xFC8] =	vst v0  }
0xff: {  	[tilespmem:$0xFD8] =	vst v0  }
0x100: {  	[tilespmem:$0xFE8] =	vst v0  }
0x101: {  	[tilespmem:$0xFF8] =	vst v0  }
0x102: {  	[tilespmem:$0x1028] =	vst v0  }
0x103: {  	[tilespmem:$0x10E8] =	vst v0  }
0x104: {  	[tilespmem:$0x1068] =	vst v0  }
0x105: {  	[tilespmem:$0x1B28] =	vst v0  }
0x106: {  	[tilespmem:$0x1B18] =	vst v0  }
0x107: {  	[tilespmem:$0x1B08] =	vst v0  }
0x108: {  	[tilespmem:$0x1AF8] =	vst v0  }
0x109: {  	[tilespmem:$0x1AE8] =	vst v0  }
0x10a: {  	[tilespmem:$0x1AD8] =	vst v0  }
0x10b: {  	[tilespmem:$0x1AC8] =	vst v0  }
0x10c: {  	[tilespmem:$0x1AB8] =	vst v0  }
0x10d: {  	[tilespmem:$0x1AA8] =	vst v0  }
0x10e: {  	[tilespmem:$0x1A98] =	vst v0  }
0x10f: {  	[tilespmem:$0x1A88] =	vst v0  }
0x110: {  	[tilespmem:$0x1A78] =	vst v0  }
0x111: {  	[tilespmem:$0x1A68] =	vst v0  }
0x112: {  	[tilespmem:$0x1A58] =	vst v0  }
0x113: {  	[tilespmem:$0x1A48] =	vst v0  }
0x114: {  	[tilespmem:$0x1A38] =	vst v0  }
0x115: {  	[tilespmem:$0x1A28] =	vst v0  }
0x116: {  	[tilespmem:$0x1A18] =	vst v0  }
0x117: {  	[tilespmem:$0x1A08] =	vst v0  }
0x118: {  	[tilespmem:$0x19F8] =	vst v0  }
0x119: {  	[tilespmem:$0x19E8] =	vst v0  }
0x11a: {  	[tilespmem:$0x19D8] =	vst v0  }
0x11b: {  	[tilespmem:$0x19C8] =	vst v0  }
0x11c: {  	[tilespmem:$0x19B8] =	vst v0  }
0x11d: {  	[tilespmem:$0x19A8] =	vst v0  }
0x11e: {  	[tilespmem:$0x1998] =	vst v0  }
0x11f: {  	[tilespmem:$0x1988] =	vst v0  }
0x120: {  	[tilespmem:$0x1978] =	vst v0  }
0x121: {  	[tilespmem:$0x1968] =	vst v0  }
0x122: {  	[tilespmem:$0x1958] =	vst v0  }
0x123: {  	[tilespmem:$0x1948] =	vst v0  }
0x124: {  	[tilespmem:$0x1938] =	vst v0  }
0x125: {  	[tilespmem:$0x1928] =	vst v0  }
0x126: {  	[tilespmem:$0x1918] =	vst v0  }
0x127: {  	[tilespmem:$0x1908] =	vst v0  }
0x128: {  	[tilespmem:$0x18F8] =	vst v0  }
0x129: {  	[tilespmem:$0x18E8] =	vst v0  }
0x12a: {  	[tilespmem:$0x18D8] =	vst v0  }
0x12b: {  	[tilespmem:$0x18C8] =	vst v0  }
0x12c: {  	[tilespmem:$0x18B8] =	vst v0  }
0x12d: {  	[tilespmem:$0x18A8] =	vst v0  }
0x12e: {  	[tilespmem:$0x1898] =	vst v0  }
0x12f: {  	[tilespmem:$0x1888] =	vst v0  }
0x130: {  	[tilespmem:$0x1878] =	vst v0  }
0x131: {  	[tilespmem:$0x1868] =	vst v0  }
0x132: {  	[tilespmem:$0x1858] =	vst v0  }
0x133: {  	[tilespmem:$0x1848] =	vst v0  }
0x134: {  	[tilespmem:$0x1838] =	vst v0  }
0x135: {  	[tilespmem:$0x1828] =	vst v0  }
0x136: {  	[tilespmem:$0x1818] =	vst v0  }
0x137: {  	[tilespmem:$0x1808] =	vst v0  }
0x138: {  	[tilespmem:$0x17F8] =	vst v0  }
0x139: {  	[tilespmem:$0x17E8] =	vst v0  }
0x13a: {  	[tilespmem:$0x17D8] =	vst v0  }
0x13b: {  	[tilespmem:$0x17C8] =	vst v0  }
0x13c: {  	[tilespmem:$0x17B8] =	vst v0  }
0x13d: {  	[tilespmem:$0x17A8] =	vst v0  }
0x13e: {  	[tilespmem:$0x1798] =	vst v0  }
0x13f: {  	[tilespmem:$0x1788] =	vst v0  }
0x140: {  	[tilespmem:$0x1778] =	vst v0  }
0x141: {  	[tilespmem:$0x1768] =	vst v0  }
0x142: {  	[tilespmem:$0x1758] =	vst v0  }
0x143: {  	[tilespmem:$0x1748] =	vst v0  }
0x144: {  	[tilespmem:$0x1738] =	vst v0  }
0x145: {  	[tilespmem:$0x1728] =	vst v0  }
0x146: {  	[tilespmem:$0x1718] =	vst v0  }
0x147: {  	[tilespmem:$0x1708] =	vst v0  }
0x148: {  	[tilespmem:$0x16F8] =	vst v0  }
0x149: {  	[tilespmem:$0x16E8] =	vst v0  }
0x14a: {  	[tilespmem:$0x16D8] =	vst v0  }
0x14b: {  	[tilespmem:$0x16C8] =	vst v0  }
0x14c: {  	[tilespmem:$0x16B8] =	vst v0  }
0x14d: {  	[tilespmem:$0x16A8] =	vst v0  }
0x14e: {  	[tilespmem:$0x1698] =	vst v0  }
0x14f: {  	[tilespmem:$0x1688] =	vst v0  }
0x150: {  	[tilespmem:$0x1678] =	vst v0  }
0x151: {  	[tilespmem:$0x1668] =	vst v0  }
0x152: {  	[tilespmem:$0x1658] =	vst v0  }
0x153: {  	[tilespmem:$0x1648] =	vst v0  }
0x154: {  	[tilespmem:$0x1638] =	vst v0  }
0x155: {  	[tilespmem:$0x1628] =	vst v0  }
0x156: {  	[tilespmem:$0x1618] =	vst v0  }
0x157: {  	[tilespmem:$0x1608] =	vst v0  }
0x158: {  	[tilespmem:$0x15F8] =	vst v0  }
0x159: {  	[tilespmem:$0x15E8] =	vst v0  }
0x15a: {  	[tilespmem:$0x15D8] =	vst v0  }
0x15b: {  	[tilespmem:$0x15C8] =	vst v0  }
0x15c: {  	[tilespmem:$0x15B8] =	vst v0  }
0x15d: {  	[tilespmem:$0x15A8] =	vst v0  }
0x15e: {  	[tilespmem:$0x1598] =	vst v0  }
0x15f: {  	[tilespmem:$0x1588] =	vst v0  }
0x160: {  	[tilespmem:$0x1578] =	vst v0  }
0x161: {  	[tilespmem:$0x1568] =	vst v0  }
0x162: {  	[tilespmem:$0x1558] =	vst v0  }
0x163: {  	[tilespmem:$0x1548] =	vst v0  }
0x164: {  	[tilespmem:$0x1538] =	vst v0  }
0x165: {  	[tilespmem:$0x1528] =	vst v0  }
0x166: {  	[tilespmem:$0x1518] =	vst v0  }
0x167: {  	[tilespmem:$0x1508] =	vst v0  }
0x168: {  	[tilespmem:$0x14F8] =	vst v0  }
0x169: {  	[tilespmem:$0x14E8] =	vst v0  }
0x16a: {  	[tilespmem:$0x14D8] =	vst v0  }
0x16b: {  	[tilespmem:$0x14C8] =	vst v0  }
0x16c: {  	[tilespmem:$0x14B8] =	vst v0  }
0x16d: {  	[tilespmem:$0x14A8] =	vst v0  }
0x16e: {  	[tilespmem:$0x1498] =	vst v0  }
0x16f: {  	[tilespmem:$0x1488] =	vst v0  }
0x170: {  	[tilespmem:$0x1478] =	vst v0  }
0x171: {  	[tilespmem:$0x1468] =	vst v0  }
0x172: {  	[tilespmem:$0x1458] =	vst v0  }
0x173: {  	[tilespmem:$0x1448] =	vst v0  }
0x174: {  	[tilespmem:$0x1438] =	vst v0  }
0x175: {  	[tilespmem:$0x1428] =	vst v0  }
0x176: {  	[tilespmem:$0x1418] =	vst v0  }
0x177: {  	[tilespmem:$0x1408] =	vst v0  }
0x178: {  	[tilespmem:$0x13F8] =	vst v0  }
0x179: {  	[tilespmem:$0x13E8] =	vst v0  }
0x17a: {  	[tilespmem:$0x13D8] =	vst v0  }
0x17b: {  	[tilespmem:$0x13C8] =	vst v0  }
0x17c: {  	[tilespmem:$0x13B8] =	vst v0  }
0x17d: {  	[tilespmem:$0x13A8] =	vst v0  }
0x17e: {  	[tilespmem:$0x1398] =	vst v0  }
0x17f: {  	[tilespmem:$0x1388] =	vst v0  }
0x180: {  	[tilespmem:$0x1378] =	vst v0  }
0x181: {  	[tilespmem:$0x1368] =	vst v0  }
0x182: {  	[tilespmem:$0x1358] =	vst v0  }
0x183: {  	[tilespmem:$0x1348] =	vst v0  }
0x184: {  	[tilespmem:$0x1338] =	vst v0  }
0x185: {  	[tilespmem:$0x1328] =	vst v0  }
0x186: {  	[tilespmem:$0x1318] =	vst v0  }
0x187: {  	[tilespmem:$0x1308] =	vst v0  }
0x188: {  	[tilespmem:$0x12F8] =	vst v0  }
0x189: {  	[tilespmem:$0x12E8] =	vst v0  }
0x18a: {  	[tilespmem:$0x12D8] =	vst v0  }
0x18b: {  	[tilespmem:$0x12C8] =	vst v0  }
0x18c: {  	[tilespmem:$0x12B8] =	vst v0  }
0x18d: {  	[tilespmem:$0x12A8] =	vst v0  }
0x18e: {  	[tilespmem:$0x1298] =	vst v0  }
0x18f: {  	[tilespmem:$0x1288] =	vst v0  }
0x190: {  	[tilespmem:$0x1278] =	vst v0  }
0x191: {  	[tilespmem:$0x1268] =	vst v0  }
0x192: {  	[tilespmem:$0x1258] =	vst v0  }
0x193: {  	[tilespmem:$0x1248] =	vst v0  }
0x194: {  	[tilespmem:$0x1238] =	vst v0  }
0x195: {  	[tilespmem:$0x1228] =	vst v0  }
0x196: {  	[tilespmem:$0x1218] =	vst v0  }
0x197: {  	[tilespmem:$0x1208] =	vst v0  }
0x198: {  	[tilespmem:$0x11F8] =	vst v0  }
0x199: {  	[tilespmem:$0x11E8] =	vst v0  }
0x19a: {  	[tilespmem:$0x11D8] =	vst v0  }
0x19b: {  	[tilespmem:$0x11C8] =	vst v0  }
0x19c: {  	[tilespmem:$0x11B8] =	vst v0  }
0x19d: {  	[tilespmem:$0x11A8] =	vst v0  }
0x19e: {  	[tilespmem:$0x1198] =	vst v0  }
0x19f: {  	[tilespmem:$0x1188] =	vst v0  }
0x1a0: {  	[tilespmem:$0x1178] =	vst v0  }
0x1a1: {  	[tilespmem:$0x1168] =	vst v0  }
0x1a2: {  	[tilespmem:$0x1158] =	vst v0  }
0x1a3: {  	[tilespmem:$0x1148] =	vst v0  }
0x1a4: {  	[tilespmem:$0x1138] =	vst v0  }
0x1a5: {  	[tilespmem:$0x1128] =	vst v0  }
0x1a6: {  	[tilespmem:$0x1118] =	vst v0  }
0x1a7: {  	s4 =	stileid.u32;
	[tilespmem:$0x1108] =	vst v0  }
0x1a8: {  	s0 =	smul.u32 $0x17, s4;
	[tilespmem:$0x10F8] =	vst v0  }
0x1a9: {  	s1 =	smin.u32 s4, $0x3;
	[tilespmem:$0x10C8] =	vst v0  }
0x1aa: {  	[tilespmem:$0x10D8] =	vst v0;
	s0 =	sadd.s32 s1, s0  }
0x1ab: {  	p0 =	slt.u32 s4, $0x3;
	[tilespmem:$0x10B8] =	vst v0;
	s1 =	simm.s32 $0x2880;
	s6 =	smul.u32 $0x1B0, s0  }
0x1ac: {  	s1 =	simm.s32 @!p0 $0x26D0;
	[tilespmem:$0x1038] =	vst v0  }
0x1ad: {  	[tilespmem:$0x10A8] =	vst v0;
	s0 =	sadd.s32 s1, s6  }
0x1ae: {  	s3 =	simm.s32 $0x2;
	s8 =	simm.s32 $0x9;
	[tilespmem:$0x1098] =	vst v0;
	s7 =	smin.u32 s0, $0x27100  }
0x1af: {  	s10 =	simm.s32 $0xA;
	s30 =	simm.s32 $0xB;
	[tilespmem:$0x1088] =	vst v0;
	s0 =	ssub.s32 s7, s6  }
0x1b0: {  	s16 =	simm.s32 $0x0;
	p4 =	por $0x0, $0x0;
	[tilespmem:$0x1078] =	vst v0;
	p0 =	sgt.s32 s0, $0x0  }
0x1b1: {  	s17 =	simm.s32 $0xC;
	s21 =	simm.s32 $0x0;
	[tilespmem:$0x1058] =	vst v0;
	s0 =	simm.s32 @!p0 $0x0  }
0x1b2: {  	s18 =	simm.s32 $0x0;
	s2 =	sand.u32 $0x1, s2;
	[tilespmem:$0x1048] =	vst v0;
	s29 =	smulhi.u32 $0x4BDA12F7, s0  }
0x1b3: {  	s20 =	simm.s32 $0x0;
	s31 =	sshll.u32 s4, $0x5;
	[tilespmem:$0x1018] =	vst v0;
	[dreg:$0x5] =	wrdreg s2  }
0x1b4: {  	s2 =	smul.u32 $0x4E20, s2;
	[tilespmem:$0x1008] =	vst v0;
	[sflag:s3] =	ssyncpa.u1 $0x0;
	s1 =	sshrl.u32 s29, $0x7  }
0x1b5: {  	v0 =	vimm.s32 $0xFFFFFFFF;
	s3 =	sadd.s32 $0x5C4E00, s11;
	[dreg:$0x4] =	wrdreg s31;
	s5 =	smul.u32 $0x1B0, s1  }
.Ltmp0:
0x1b6: {  	[tilespmem:$0x3648] =	vst v0;
	[sflag:s8] =	ssyncpa.u1 $0x0;
	s2 =	sadd.s32 s2, s11;
	(pc) =	sbr.rel .LBB2_1-.Ltmp0, $4  }
0x1b7: {  	[sflag:s10] =	ssyncpa.u1 $0x0;
	s11 =	sadd.s32 $0xE2E00, s11;
	p0 =	sne.s32 s0, s5  }
0x1b8: {  	[sflag:s30] =	ssyncpa.u1 $0x0;
	s14 =	sadd.s32 $0xB1E00, s2;
	s12 =	simm.s32 @!p0 $0x0  }
0x1b9: {  	s15 =	sadd.s32 $0xA8000, s2;
	s19 =	smov.u32 s6;
	s12 =	sadd.s32 s12, s1  }
0x1ba: {  	v0 =	vlaneseq.u32;
	[dreg:$0x6] =	wrdreg s6;
	p0 =	por $0x1, $0x1;
	s4 =	sadd.s32 $0x1, s12  }
.LBB2_18:
0x1bb: {  	s0 =	simm.s32 $0x2  }
0x1bc: {  	_ =	swait.ge [sflag:s0], $0x0  }
0x1bd: {  	[sflag:s0] =	ssyncset.done $0x0;
	s0 =	simm.s32 $0x0  }
.LBB2_19:
0x1be: {  	_ =	swait.ge [sflag:s17], s0  }
0x1bf: {  	s31 =	ssub.s32 $0x0, s0;
	v1 =	vmov s23;
	vm0 =	veq.s32 v0, $0x0;
	[sflag:s17] =	ssyncset.done $0x0  }
0x1c0: {  	vm15 =	veq.s32 v0, $0x2;
	v1 =	vsel vm0, s28, v1;
	[sflag:s17] =	ssyncadd.s32 s31  }
0x1c1: {  	v1 =	vsel vm15, s21, v1;
	[sflag:s17] =	ssyncpa.u1 $0x1  }
0x1c2: {  	[tilespmem:$0x3648] =	vst v1  }
.LBB2_20:
0x1c3: {  	s0 =	sadd.s32 $0x1B0, s19  }
0x1c4: {  	s1 =	smov.u32 s6;
	p1 =	slt.s32 s0, s7  }
0x1c5: {  	s1 =	smov.u32 @p1 s0;
	p1 =	sne.s32 s20, s4  }
.Ltmp1:
0x1c6: {  	_ = 	snop;
	(pc) =	sbr.rel @!p1 .LBB2_21-.Ltmp1, $4  }
0x1c7: {  	_ = 	snop  }
0x1c8: {  	s21 =	smov.u32 s18  }
0x1c9: {  	s31 =	sadd.s32 $0x1, s20;
	s18 =	smov.u32 s19;
	p0 =	por !p0, !p0  }
0x1ca: {  	p4 =	por !p4, !p4;
	s20 =	smov.u32 s31;
	s19 =	smov.u32 s1  }
.LBB2_1:
0x1cb: {  	p2 =	sge.u32 s20, s12  }
0x1cc: {  	s0 =	smulhi.u32 @!p2 $0xAAAAAAAB, s20  }
0x1cd: {  	s1 =	smov.u32 s19;
	p3 =	sgt.s32 @!p2 s19, $0x26F50  }
0x1ce: {  	s2 =	sshra.s32 @!p2 s19, $0x1F;
	p3 =	por !p3, p2;
	s0 =	sshrl.u32 @!p2 s0, $0x1  }
0x1cf: {  	s2 =	sand.u32 @!p2 s2, s19;
	s1 =	simm.s32 @p3 $0x26F50;
	s0 =	smul.u32 @!p2 $0x3, s0  }
0x1d0: {  	s1 =	ssub.s32 @!p2 s1, s2  }
0x1d1: {  	s23 =	sadd.s32 $0xFFFFFFFF, s20;
	s1 =	sadd.s32 @!p2 $0xFFFD90B0, s1;
	s0 =	ssub.s32 @!p2 s20, s0  }
0x1d2: {  	s2 =	sshll.u32 @!p2 s1, $0x2;
	p3 =	sgt.s32 @!p2 s1, $0x1AF;
	s0 =	smul.u32 @!p2 $0x6C0, s0  }
0x1d3: {  	s5 =	sand.u32 @!p2 $0x7, s19;
	s1 =	ssub.s32 @!p2 $0x6C0, s2;
	p3 =	por !p3, p2  }
0x1d4: {  	s2 =	sshrl.u32 @!p2 s19, $0x3;
	s1 =	sshrl.u32 @!p2 s1, $0x2;
	s0 =	sshrl.u32 @!p2 s0, $0x2  }
0x1d5: {  	s2 =	sadd.s32 @!p2 s2, s14;
	s1 =	simm.s32 @!p3 $0x0;
	s0 =	sadd.s32 @!p2 $0x3888, s0  }
0x1d6: {  	[tilespmem:s0], [sflag:$0xA] =	stream.linear.gather @!p2 [hbm4b:s2+s5], s1, $0x38;
	[tilespmem:$0x1F0F8] =	vst v63  }
0x1d7: {  	p2 =	sge.u32 s23, s12  }
0x1d8: {  	p3 =	sgt.s32 @!p2 s18, $0x26F50  }
0x1d9: {  	s0 =	smov.u32 s18;
	s1 =	sshra.s32 @!p2 s18, $0x1F;
	p3 =	por !p3, p2  }
0x1da: {  	s1 =	sand.u32 @!p2 s1, s18;
	s0 =	simm.s32 @p3 $0x26F50  }
0x1db: {  	s0 =	ssub.s32 @!p2 s0, s1  }
0x1dc: {  	s0 =	sadd.s32 @!p2 $0xFFFD90B0, s0  }
0x1dd: {  	s1 =	sshll.u32 @!p2 s0, $0x2  }
0x1de: {  	p3 =	sgt.s32 @!p2 s0, $0x1AF;
	s0 =	ssub.s32 @!p2 $0x6C0, s1  }
0x1df: {  	s22 =	ssub.s32 @!p2 $0x27100, s18;
	p3 =	por !p3, p2;
	s0 =	sshrl.u32 @!p2 s0, $0x2  }
0x1e0: {  	s1 =	sand.u32 @!p2 $0x1, s23;
	s0 =	simm.s32 @!p3 $0x0;
	p3 =	slt.s32 @!p2 s22, $0x1  }
0x1e1: {  	s2 =	simm.s32 @!p2 $0xA;
	s1 =	smul.u32 @!p2 $0x6C0, s1;
	p3 =	por p2, p3  }
.Ltmp2:
0x1e2: {  	_ =	swait.ge @!p2 [sflag:s2], s0;
	(pc) =	sbr.rel @p3 .LBB2_7-.Ltmp2, $4  }
0x1e3: {  	s5 =	ssub.s32 @!p2 $0x0, s0;
	[sflag:s2] =	ssyncset.done @!p2 $0x0  }
0x1e4: {  	s1 =	sshrl.u32 @!p2 s1, $0x2;
	[sflag:s2] =	ssyncadd.s32 @!p2 s5;
	s2 =	sshrl.u32 @!p2 s18, $0x3  }
0x1e5: {  	s1 =	sadd.s32 @!p2 $0x3D98, s1;
	s5 =	sand.u32 @!p2 $0x7, s18;
	s2 =	sadd.s32 @!p2 s2, s15  }
0x1e6: {  	[tilespmem:s1], [sflag:$0xB] =	stream.linear.gather @!p2 [hbm4b:s2+s5], s0, $0x38;
	[tilespmem:$0x1F0F8] =	vst v63  }
0x1e7: {  	s0 =	smulhi.u32 $0xAAAAAAAB, s23;
	_ =	sdelay $0x1  }
0x1e8: {  	s0 =	sshrl.u32 s0, $0x1  }
0x1e9: {  	s0 =	smul.u32 $0x3, s0;
	_ =	sdelay $0x1  }
0x1ea: {  	s0 =	ssub.s32 s23, s0  }
0x1eb: {  	s1 =	simm.s32 $0x1;
	s0 =	smul.u32 $0x6C0, s0  }
.Ltmp3:
0x1ec: {  	s1 =	simm.s32 @!p0 $0x0;
	(pc) =	sbr.rel .LBB2_4-.Ltmp3, $4  }
0x1ed: {  	s1 =	smul.u32 $0x36000, s1  }
0x1ee: {  	p3 =	slt.s32 @!p2 s22, $0x1B0;
	s0 =	sshrl.u32 s0, $0x2  }
0x1ef: {  	p2 =	por !p3, p2;
	s1 =	sshrl.u32 s1, $0x2;
	s0 =	sadd.s32 $0x3888, s0  }
0x1f0: {  	s24 =	simm.s32 $0x0;
	s22 =	simm.s32 @p2 $0x1B0;
	s23 =	sadd.s32 $0x40F8, s1;
	v1 =	vmov s0  }
.LBB2_3:
0x1f1: {  	p2 =	sge.s32 s24, s22  }
.Ltmp4:
0x1f2: {  	_ = 	snop;
	(pc) =	sbr.rel @p2 .LBB2_7-.Ltmp4, $2  }
0x1f3: {  	_ =	sdelay $0x2  }
0x1f4: {  	s23 =	sadd.s32 $0x800, s23  }
.LBB2_4:
0x1f5: {  	p2 =	sle.s32 s22, s24  }
.Ltmp5:
0x1f6: {  	_ = 	snop;
	(pc) =	sbr.rel @p2 .LBB2_3-.Ltmp5, $2  }
0x1f7: {  	_ =	sdelay $0x2  }
0x1f8: {  	s0 =	smov.u32 s24;
	s24 =	sadd.s32 $0x10, s24  }
0x1f9: {  	s1 =	ssub.s32 s22, s0  }
0x1fa: {  	p2 =	slt.s32 s1, $0x10  }
0x1fb: {  	s1 =	simm.s32 @!p2 $0x10  }
0x1fc: {  	v2 =	vmov s1  }
0x1fd: {  	vm0 =	vgt.s32 v2, v0;
	_ =	sdelay $0x5  }
0x1fe: {  	v2 =	vld.idx.msk [tilespmem:v1+s0+$0x0 ss:$0x1], vm0;
	_ =	sdelay $0x2  }
0x1ff: {  	p2 =	slt.s32 s24, s22;
	s1 =	smov.u32 s22  }
0x200: {  	s2 =	smov.u32 s23;
	s25 =	simm.s32 $0x0;
	s1 =	smov.u32 @p2 s24  }
.LBB2_6:
0x201: {  	(v2sf) =	vpush v2, s25;
	_ =	sdelay $0xc  }
0x202: {  	s25 =	sadd.s32 $0x1, s25  }
0x203: {  	s31 =	sadd.s32 s25, s0  }
0x204: {  	p2 =	slt.s32 s31, s1;
	s5 =	spop (v2sf)  }
.Ltmp6:
0x205: {  	s5 =	sshll.u32 s5, $0x4;
	(pc) =	sbr.rel @p2 .LBB2_6-.Ltmp6, $4  }
0x206: {  	s5 =	sand.u32 $0x1FFFFFF0, s5  }
0x207: {  	s5 =	sadd.s32 s11, s5  }
0x208: {  	[tilespmem:s2], [sflag:$0x9] =	stream.linear.gather [hbm4b:s5+s16], $0x8, $0x38;
	[tilespmem:$0x1F0F8] =	vst v63  }
0x209: {  	s2 =	sadd.s32 $0x80, s2  }
.Ltmp7:
0x20a: {  	_ = 	snop;
	(pc) =	sbr.rel .LBB2_3-.Ltmp7, $1  }
0x20b: {  	_ =	sdelay $0x3  }
.LBB2_7:
0x20c: {  	p2 =	slt.u32 s20, $0x2  }
.Ltmp8:
0x20d: {  	_ = 	snop;
	(pc) =	sbr.rel @p2 .LBB2_20-.Ltmp8, $1  }
0x20e: {  	_ =	sdelay $0x3  }
0x20f: {  	p2 =	sgt.s32 s21, $0x26F50  }
0x210: {  	s0 =	smov.u32 s21;
	s1 =	sshra.s32 s21, $0x1F;
	s2 =	ssub.s32 $0x27100, s21  }
0x211: {  	s0 =	simm.s32 @!p2 $0x26F50;
	s1 =	sand.u32 s1, s21;
	p2 =	slt.s32 s2, $0x1B0  }
0x212: {  	s0 =	ssub.s32 s0, s1;
	s2 =	simm.s32 @!p2 $0x1B0  }
0x213: {  	s0 =	sadd.s32 $0xFFFD90B0, s0;
	s24 =	sshll.u32 s2, $0x3  }
0x214: {  	s28 =	simm.s32 $0x9;
	s25 =	sshll.u32 s0, $0x2;
	s1 =	sand.u32 $0x3FFFFFF8, s24  }
0x215: {  	p2 =	sgt.s32 s0, $0x1AF;
	s26 =	ssub.s32 $0x6C0, s25;
	_ =	swait.ge [sflag:s28], s1  }
0x216: {  	s1 =	ssub.s32 $0x0, s1;
	[sflag:s28] =	ssyncset.done $0x0;
	s0 =	sshrl.u32 s26, $0x2  }
0x217: {  	s30 =	simm.s32 $0xB;
	[sflag:s28] =	ssyncadd.s32 s1;
	s0 =	simm.s32 @p2 $0x0  }
0x218: {  	_ =	swait.ge [sflag:s30], s0  }
0x219: {  	s0 =	ssub.s32 $0x0, s0;
	[sflag:s30] =	ssyncset.done $0x0  }
0x21a: {  	[sflag:s30] =	ssyncadd.s32 s0  }
0x21b: {  	v1 =	vld [tilespmem:$0x3648];
	_ =	sdelay $0x4  }
0x21c: {  	(v2sf) =	vpush v1, $0x0  }
0x21d: {  	(v2sf) =	vpush v1, $0x1  }
0x21e: {  	(v2sf) =	vpush v1, $0x2;
	_ =	sdelay $0x3  }
0x21f: {  	s0 =	sadd.s32 $0x1B0, s21  }
0x220: {  	s1 =	ssub.s32 $0x4E200, s21;
	p2 =	slt.s32 s7, s0  }
0x221: {  	s0 =	smov.u32 @p2 s7;
	p2 =	sgt.s32 s1, $0x0  }
0x222: {  	s25 =	ssub.s32 s0, s21;
	s1 =	simm.s32 @!p2 $0x0  }
0x223: {  	p2 =	slt.s32 s1, s25  }
0x224: {  	s25 =	smov.u32 @p2 s1  }
0x225: {  	s24 =	simm.s32 $0x1;
	p2 =	slt.s32 s25, $0x1  }
.Ltmp9:
0x226: {  	s24 =	simm.s32 @!p4 $0x0;
	(pc) =	sbr.rel @p2 .LBB2_12-.Ltmp9, $4  }
0x227: {  	s31 =	smul.u32 $0x6C0, s24  }
0x228: {  	s26 =	spop (v2sf)  }
0x229: {  	s0 =	sshrl.u32 s31, $0x2;
	s29 =	spop (v2sf)  }
0x22a: {  	s22 =	sadd.s32 $0x3D98, s0;
	s21 =	spop (v2sf)  }
0x22b: {  	s0 =	smin.u32 s25, $0x10  }
0x22c: {  	v1 =	vmov s0  }
0x22d: {  	p3 =	sgt.s32 s25, $0x10;
	vm1 =	vgt.u32 v1, v0  }
.Ltmp10:
0x22e: {  	_ = 	snop;
	(pc) =	sbr.rel @!p3 .LBB2_11-.Ltmp10, $2  }
0x22f: {  	_ =	sdelay $0x2  }
0x230: {  	s23 =	simm.s32 $0x10;
	s28 =	sadd.s32 $0xFFFFFFF0, s25;
	s0 =	smov.u32 s22;
	vm0 =	vmmov vm1  }
.LBB2_10:
0x231: {  	s1 =	smin.u32 s28, $0x10;
	s23 =	sadd.s32 $0x10, s23;
	v1 =	vld.msk [tilespmem:s0+$0x0 ss:$0x1], vm1  }
0x232: {  	v2 =	vmov s1;
	p3 =	slt.s32 s23, s25  }
0x233: {  	vm1 =	vgt.u32 v2, v0  }
.Ltmp11:
0x234: {  	(pc) =	sbr.rel @p3 .LBB2_10-.Ltmp11, $3  }
0x235: {  	_ =	sdelay $0x1  }
0x236: {  	v1 =	vshll.u32 v1, $0x4  }
0x237: {  	s28 =	sadd.s32 $0xFFFFFFF0, s28;
	[tilespmem:s0+$0x0] =	vst.msk vm0, v1;
	s0 =	sadd.s32 $0x10, s0;
	vm0 =	vmmov vm1  }
.LBB2_11:
0x238: {  	_ =	sdelay $0x4  }
0x239: {  	v1 =	vld.msk [tilespmem:s0+$0x0 ss:$0x1], vm1;
	_ =	sdelay $0x4  }
0x23a: {  	v1 =	vshll.u32 v1, $0x4  }
0x23b: {  	[tilespmem:s0+$0x0] =	vst.msk vm0, v1  }
.LBB2_12:
0x23c: {  	s0 =	sand.u32 $0x1, s20  }
0x23d: {  	s0 =	smul.u32 $0x1B0, s0  }
0x23e: {  	p3 =	sne.s32 s29, $0xFFFFFFFF  }
0x23f: {  	v1 =	vld.msk @!p3 [tilespmem:s0+$0x3D98], $0x1;
	_ =	sdelay $0x4  }
0x240: {  	(v2sf) =	vpush @!p3 v1, $0x0;
	_ =	sdelay $0xc  }
.Ltmp12:
0x241: {  	_ = 	snop;
	(pc) =	sbr.rel @p2 .LBB2_18-.Ltmp12, $4  }
0x242: {  	_ = 	snop  }
0x243: {  	s28 =	spop @!p3 (v2sf)  }
0x244: {  	s21 =	simm.s32 @!p3 $0x0;
	s23 =	smov.u32 s28  }
0x245: {  	[sflag:s17] =	ssyncpa.u1 $0x0;
	s28 =	smov.u32 @p3 s26;
	s23 =	smov.u32 @p3 s29  }
0x246: {  	v1 =	vld.msk [tilespmem:s22+$0x0], $0x1;
	_ =	sdelay $0x4  }
0x247: {  	(v2sf) =	vpush v1, $0x0;
	_ =	sdelay $0xe  }
0x248: {  	s0 =	simm.s32 @!p4 $0x0;
	s26 =	smul.u32 $0x36000, s24;
	s31 =	spop (v2sf)  }
0x249: {  	s29 =	ssub.s32 $0x0, s25;
	s0 =	simm.s32 @p4 $0x1;
	p2 =	seq.s32 s28, s31  }
0x24a: {  	s1 =	smov.u32 s28;
	[smem:$0x7FD] =	sst s0;
	p3 =	sgt.s32 @!p2 s28, $0x0  }
0x24b: {  	s0 =	sshrl.u32 s26, $0x2;
	s26 =	sadd.s32 $0x1, s29;
	p3 =	por !p3, p2  }
0x24c: {  	s1 =	simm.s32 @p3 $0x0;
	p3 =	seq.s32 s26, $0x0  }
.Ltmp13:
0x24d: {  	_ = 	snop;
	(pc) =	sbr.rel @p3 .LBB2_15-.Ltmp13, $4  }
0x24e: {  	s6 =	smov.u32 s4;
	s25 =	simm.s32 $0x0  }
0x24f: {  	s24 =	sadd.s32 $0x40F8, s0;
	s0 =	simm.s32 @!p2 $0x1;
	s2 =	smin.u32 @!p2 s1, $0x270FF  }
0x250: {  	s30 =	sadd.s32 $0x1, s22;
	s0 =	smov.u32 @p2 s25;
	s5 =	sand.u32 @!p2 $0x3FFF8, s2  }
0x251: {  	s1 =	simm.s32 @!p2 $0x1B38;
	s2 =	sand.u32 @!p2 $0x7, s2;
	s5 =	sadd.s32 @!p2 s3, s5  }
.LBB2_14:
0x252: {  	s4 =	smov.u32 s0  }
0x253: {  	[tilespmem:s1], [sflag:$0x2] =	stream.linear.gather @!p2 [hbm4b:s5+s2], $0x8, $0x38;
	[tilespmem:$0x1F0F8] =	vst v63  }
0x254: {  	s26 =	sadd.s32 $0x1, s26;
	s2 =	smov.u32 s31;
	v1 =	vld.msk [tilespmem:s30+$0x0], $0x1  }
0x255: {  	p3 =	seq.s32 s26, $0x0;
	_ =	sdelay $0x3  }
0x256: {  	(v2sf) =	vpush v1, $0x0;
	_ =	sdelay $0xe  }
0x257: {  	s31 =	spop (v2sf)  }
0x258: {  	p2 =	seq.s32 s2, s31  }
0x259: {  	p4 =	sgt.s32 @!p2 s2, $0x0;
	s1 =	sshll.u32 @!p2 s0, $0x6;
	s0 =	sadd.s32 @!p2 $0x1, s0  }
.Ltmp14:
0x25a: {  	p4 =	por !p4, p2;
	s1 =	sshra.s32 @!p2 s1, $0x2;
	(pc) =	sbr.rel @!p3 .LBB2_14-.Ltmp14, $4  }
0x25b: {  	s0 =	smov.u32 @p2 s4;
	s2 =	simm.s32 @p4 $0x0;
	s1 =	sadd.s32 @!p2 $0x1B38, s1  }
0x25c: {  	s2 =	smin.u32 @!p2 s2, $0x270FF  }
0x25d: {  	s4 =	sand.u32 @!p2 $0x3FFF8, s2;
	s2 =	sand.u32 @!p2 $0x7, s2  }
0x25e: {  	s30 =	sadd.s32 $0x1, s30;
	s5 =	sadd.s32 @!p2 s3, s4  }
.LBB2_15:
0x25f: {  	[tilespmem:s1], [sflag:$0x2] =	stream.linear.gather @!p2 [hbm4b:s5+s2], $0x8, $0x38;
	[tilespmem:$0x1F0F8] =	vst v63  }
0x260: {  	s0 =	sshll.u32 s0, $0x3  }
0x261: {  	s31 =	simm.s32 $0x2;
	s0 =	sand.u32 $0x3FFFFFF8, s0  }
0x262: {  	_ =	swait.ge [sflag:s31], s0  }
0x263: {  	s0 =	ssub.s32 $0x0, s0;
	[sflag:s31] =	ssyncset.done $0x0  }
0x264: {  	[sflag:s31] =	ssyncadd.s32 s0  }
0x265: {  	v1 =	vld.msk [tilespmem:s22+$0x0], $0x1;
	_ =	sdelay $0x4  }
0x266: {  	(v2sf) =	vpush v1, $0x0;
	_ =	sdelay $0xe  }
0x267: {  	s26 =	spop (v2sf)  }
0x268: {  	p2 =	sne.s32 s28, s26  }
0x269: {  	p4 =	sne.s32 @p2 s28, s23  }
0x26a: {  	p3 =	por !p4, !p2  }
0x26b: {  	s0 =	simm.s32 @!p3 $0x0  }
0x26c: {  	v1 =	vld.msk @!p3 [tilespmem:s0+$0x1B38], $0xff  }
0x26d: {  	p5 =	sgt.u32 @!p3 s28, $0x270FF  }
0x26e: {  	s1 =	sshll.u32 @!p3 s21, $0x6;
	p6 =	por @p2 p5, !p4  }
0x26f: {  	s1 =	sshra.s32 @!p3 s1, $0x2;
	p1 =	por p6, !p2;
	p6 =	por p4, !p2  }
0x270: {  	s2 =	sadd.s32 @!p3 $0x28, s1;
	s4 =	sand.u32 @!p1 $0x3FFF8, s28;
	s5 =	sshll.u32 @!p6 s21, $0x6  }
0x271: {  	s28 =	sand.u32 @!p1 $0x7, s28;
	[tilespmem:s1+$0x28] =	vst.add.f32.msk @!p3 $0xff, v1;
	s1 =	sadd.s32 @!p1 s3, s4;
	s4 =	sshra.s32 @!p6 s5, $0x2  }
0x272: {  	[hbm4b:s1+s28] =	stream.linear.scatter @!p1 [tilespmem:s2], [sflag:$0xC], $0x8, $0x38;
	[tilespmem:$0x1F0F8] =	vst v63  }
0x273: {  	s0 =	rddreg [dreg:$0x4];
	s1 =	sadd.s32 @!p6 $0x28, s4;
	s2 =	simm.s32 @!p6 $0x1  }
0x274: {  	[spmem:s0] =	stream.linear.scatter @!p6 [tilespmem:s1], [sflag:$0x1], $0x8, $0x38;
	[tilespmem:$0x1F0F8] =	vst v63  }
0x275: {  	s0 =	sadd.s32 @p2 $0x1, s21;
	_ =	swait.ge @!p6 [sflag:s2], $0x8  }
0x276: {  	s1 =	sshrl.u32 @p2 s0, $0x4;
	[sflag:s2] =	ssyncset.done @!p6 $0x0  }
0x277: {  	s1 =	smulhi.u32 @p2 $0x97B425F, s1;
	[sflag:s2] =	ssyncadd.s32 @!p6 $0xFFFFFFF8  }
0x278: {  	s28 =	sadd.s32 $0x1, s29;
	v1 =	vld.msk @p2 [tilespmem:s24+$0x0], $0xff  }
0x279: {  	p1 =	por @p2 !p5, !p4;
	p4 =	seq.s32 s28, $0x0;
	s1 =	smul.u32 @p2 $0x1B0, s1  }
.Ltmp15:
0x27a: {  	p1 =	por !p1, !p2;
	s2 =	simm.s32 @!p3 $0x0;
	(pc) =	sbr.rel @p4 .LBB2_17-.Ltmp15, $4  }
0x27b: {  	s4 =	sshll.u32 @!p2 s21, $0x6;
	s2 =	simm.s32 @!p1 $0x20;
	s0 =	ssub.s32 @p2 s0, s1  }
0x27c: {  	s29 =	simm.s32 $0x0;
	s2 =	sadd.s32 @!p3 $0x0, s2;
	s5 =	sshll.u32 @p2 s0, $0x4  }
0x27d: {  	s30 =	sshra.s32 @!p2 s4, $0x2;
	s1 =	simm.s32 @p2 $0x1;
	s2 =	smov.u32 @p3 s25;
	[tilespmem:s5+$0x28] =	vst.msk @p2 $0xff, v1  }
0x27e: {  	s21 =	smov.u32 @p2 s0;
	s29 =	smov.u32 @p2 s2;
	s25 =	smov.u32 @p2 s1;
	v1 =	vld.msk @!p2 [tilespmem:s24+$0x0], $0xff  }
.LBB2_16:
0x27f: {  	_ =	sdelay $0x3  }
0x280: {  	s22 =	sadd.s32 $0x1, s22;
	[tilespmem:s30+$0x28] =	vst.add.f32.msk @!p2 $0xff, v1  }
0x281: {  	v1 =	vld.msk [tilespmem:s22+$0x0], $0x1;
	_ =	sdelay $0x4  }
0x282: {  	(v2sf) =	vpush v1, $0x0;
	_ =	sdelay $0xe  }
0x283: {  	s0 =	smov.u32 s26;
	s26 =	spop (v2sf)  }
0x284: {  	p2 =	sne.s32 s0, s26  }
0x285: {  	p5 =	sne.s32 @p2 s0, s23  }
0x286: {  	s4 =	sshll.u32 @!p2 s21, $0x6;
	p4 =	por !p5, !p2  }
0x287: {  	s30 =	sshra.s32 @!p2 s4, $0x2;
	s4 =	sshll.u32 @!p4 s25, $0x6  }
0x288: {  	s4 =	sshra.s32 @!p4 s4, $0x2  }
0x289: {  	p1 =	sgt.u32 @!p4 s0, $0x270FF;
	v1 =	vld.msk @!p4 [tilespmem:s4+$0x1B38], $0xff  }
0x28a: {  	s31 =	sshll.u32 @!p4 s21, $0x6;
	p6 =	por @p2 p1, !p5;
	p1 =	por @p2 !p1, !p5  }
0x28b: {  	s8 =	simm.s32 @!p4 $0x0;
	s31 =	sshra.s32 @!p4 s31, $0x2;
	p1 =	por !p1, !p2  }
0x28c: {  	p5 =	por p5, !p2;
	s8 =	simm.s32 @!p1 $0x20;
	p1 =	por p6, !p2  }
0x28d: {  	s4 =	sadd.s32 @!p4 $0x28, s31;
	s13 =	sshll.u32 @!p5 s21, $0x6;
	s10 =	sand.u32 @!p1 $0x3FFF8, s0  }
0x28e: {  	s13 =	sshra.s32 @!p5 s13, $0x2;
	s0 =	sand.u32 @!p1 $0x7, s0;
	s10 =	sadd.s32 @!p1 s3, s10;
	[tilespmem:s31+$0x28] =	vst.add.f32.msk @!p4 $0xff, v1  }
0x28f: {  	[hbm4b:s10+s0] =	stream.linear.scatter @!p1 [tilespmem:s4], [sflag:$0xC], $0x8, $0x38;
	[tilespmem:$0x1F0F8] =	vst v63  }
0x290: {  	s1 =	rddreg [dreg:$0x4];
	s0 =	sadd.s32 @!p5 $0x28, s13;
	s4 =	simm.s32 @!p5 $0x1  }
0x291: {  	[spmem:s1] =	stream.linear.scatter @!p5 [tilespmem:s0], [sflag:$0x1], $0x8, $0x38;
	[tilespmem:$0x1F0F8] =	vst v63  }
0x292: {  	s2 =	sadd.s32 @p2 $0x1, s21;
	_ =	swait.ge @!p5 [sflag:s4], $0x8  }
0x293: {  	s5 =	sshrl.u32 @p2 s2, $0x4;
	[sflag:s4] =	ssyncset.done @!p5 $0x0  }
0x294: {  	s24 =	sadd.s32 $0x80, s24;
	s5 =	smulhi.u32 @p2 $0x97B425F, s5;
	[sflag:s4] =	ssyncadd.s32 @!p5 $0xFFFFFFF8  }
0x295: {  	s28 =	sadd.s32 $0x1, s28;
	v1 =	vld.msk @p2 [tilespmem:s24+$0x0], $0xff  }
0x296: {  	p3 =	seq.s32 s28, $0x0;
	s5 =	smul.u32 @p2 $0x1B0, s5  }
.Ltmp16:
0x297: {  	_ = 	snop;
	(pc) =	sbr.rel @!p3 .LBB2_16-.Ltmp16, $4  }
0x298: {  	s2 =	ssub.s32 @p2 s2, s5  }
0x299: {  	s8 =	sadd.s32 @!p4 s8, s29;
	s5 =	sshll.u32 @p2 s2, $0x4  }
0x29a: {  	s9 =	sadd.s32 @p2 $0x1, s25;
	s8 =	smov.u32 @p4 s29;
	[tilespmem:s5+$0x28] =	vst.msk @p2 $0xff, v1  }
0x29b: {  	s25 =	smov.u32 @p2 s9;
	s21 =	smov.u32 @p2 s2;
	s29 =	smov.u32 @p2 s8;
	v1 =	vld.msk @!p2 [tilespmem:s24+$0x0], $0xff  }
.LBB2_17:
.Ltmp17:
0x29c: {  	_ = 	snop;
	(pc) =	sbr.rel .LBB2_19-.Ltmp17, $3  }
0x29d: {  	s1 =	sld [smem:$0x7FD];
	_ =	sdelay $0x1  }
0x29e: {  	s0 =	sshrl.u32 s29, $0x2;
	s28 =	smov.u32 s26  }
0x29f: {  	s4 =	smov.u32 s6;
	s6 =	rddreg [dreg:$0x6];
	p4 =	seq.s32 s1, $0x1;
	[tilespmem:s30+$0x28] =	vst.add.f32.msk @!p2 $0xff, v1  }
.LBB2_21:
0x2a0: {  	_ =	sfence.sel $0x180000  }
0x2a1: {  	s0 =	simm.s32 $0x9;
	[bflag:$0x0] =	sbarrier.arrive $0xFFFF  }
0x2a2: {  	s24 =	simm.s32 $0xA;
	[sflag:s0] =	ssyncpa.u1 $0x1  }
0x2a3: {  	s25 =	simm.s32 $0xB;
	[sflag:s24] =	ssyncpa.u1 $0x1  }
0x2a4: {  	s26 =	simm.s32 $0x2;
	[sflag:s25] =	ssyncpa.u1 $0x1  }
0x2a5: {  	[sflag:s26] =	ssyncpa.u1 $0x1  }
0x2a6: {  	v0 =	vld [tilespmem:$0x3648];
	_ =	sdelay $0x4  }
0x2a7: {  	(v2sf) =	vpush v0, $0x0  }
0x2a8: {  	(v2sf) =	vpush v0, $0x1;
	_ =	sdelay $0x1  }
0x2a9: {  	(v2sf) =	vpush v0, $0x2;
	_ =	sdelay $0xb  }
0x2aa: {  	s0 =	spop (v2sf)  }
0x2ab: {  	s1 =	spop (v2sf)  }
0x2ac: {  	s2 =	smov.u32 s0;
	p0 =	sne.s32 s0, s1  }
0x2ad: {  	s4 =	spop (v2sf);
	s2 =	simm.s32 @!p0 $0xFFFFFFFF  }
0x2ae: {  	v2 =	vimm.s32 $0x1;
	v3 =	vlaneseq.u32;
	p0 =	seq.s32 s4, $0xFFFFFFFF;
	v1 =	vmov s2  }
0x2af: {  	s16 =	stileid.u32;
	v0 =	vperm.xlane v0, v2;
	p1 =	sne.s32 @!p0 s0, s1;
	v1 =	vperm.xlane v1, v3  }
0x2b0: {  	vm0 =	vcmask $0x3F04;
	s6 =	simm.s32 $0x3648;
	s0 =	simm.s32 @!p0 $0x1;
	p1 =	por !p1, p0  }
0x2b1: {  	s2 =	sshll.u32 s16, $0x1;
	s1 =	sshll.u32 @!p0 s4, $0x6;
	s0 =	simm.s32 @p1 $0x0;
	v0 =	vsel vm0, v1, v0  }
0x2b2: {  	s5 =	sor.u32 $0x200, s2;
	s1 =	sshra.s32 @!p0 s1, $0x2;
	s0 =	sor.u32 @!p0 s0, s2;
	[tilespmem:$0x3648] =	vst v0  }
0x2b3: {  	[spmem:s5] =	stream.linear.scatter [tilespmem:s6], [sflag:$0x1], $0x2, $0x38;
	[tilespmem:$0x1F0F8] =	vst v63  }
0x2b4: {  	s1 =	sadd.s32 @!p0 $0x28, s1;
	s0 =	sshll.u32 @!p0 s0, $0x4  }
0x2b5: {  	[spmem:s0] =	stream.linear.scatter @!p0 [tilespmem:s1], [sflag:$0x1], $0x10, $0x38;
	[tilespmem:$0x1F0F8] =	vst v63  }
0x2b6: {  	s0 =	simm.s32 @!p0 $0x12  }
0x2b7: {  	s28 =	simm.s32 $0x1;
	s0 =	simm.s32 @p0 $0x2  }
0x2b8: {  	_ =	swait.ge [sflag:s28], s0  }
0x2b9: {  	s0 =	ssub.s32 $0x0, s0;
	[sflag:s28] =	ssyncset.done $0x0  }
0x2ba: {  	p0 =	sne.s32 s16, $0x0;
	[sflag:s28] =	ssyncadd.s32 s0  }
.Ltmp18:
0x2bb: {  	_ =	sfence.stream.spmem;
	(pc) =	sbr.rel @p0 .LBB2_38-.Ltmp18, $4  }
0x2bc: {  	s29 =	simm.s32 $0x3;
	[bflag:$0x0] =	sbarrier.arrive $0xFFFF  }
0x2bd: {  	s30 =	simm.s32 $0x4;
	[sflag:s29] =	ssyncpa.u1 $0x1  }
0x2be: {  	s31 =	simm.s32 $0x3C;
	[sflag:s30] =	ssyncpa.u1 $0x1  }
0x2bf: {  	s17 =	rddreg [dreg:$0x5];
	[sflag:s31] =	ssyncpa.u1 $0x1  }
0x2c0: {  	_ =	sfence.stream.spmem;
	s0 =	simm.s32 $0x5  }
0x2c1: {  	s1 =	simm.s32 $0x200;
	s2 =	simm.s32 $0x3658;
	[sflag:s0] =	ssyncpa.u1 $0x0  }
0x2c2: {  	[tilespmem:s2], [sflag:$0x5] =	stream.linear.gather [spmem:s1], $0x20, $0x38;
	[tilespmem:$0x1F0F8] =	vst v63  }
0x2c3: {  	s26 =	simm.s32 $0x0;
	s28 =	simm.s32 $0x3678  }
0x2c4: {  	[tilespmem:s28], [sflag:$0x5] =	stream.linear.gather [spmem:s26], $0x200, $0x38;
	[tilespmem:$0x1F0F8] =	vst v63  }
0x2c5: {  	_ =	swait.ge [sflag:s0], $0x220  }
0x2c6: {  	[sflag:s0] =	ssyncset.done $0x0  }
0x2c7: {  	s29 =	simm.s32 $0x0;
	[sflag:s0] =	ssyncadd.s32 $0xFFFFFDE0  }
0x2c8: {  	v0 =	vld.msk [tilespmem:s29+$0x3658], $0x1;
	_ =	sdelay $0x1  }
0x2c9: {  	s30 =	simm.s32 $0x1  }
0x2ca: {  	v1 =	vld.msk [tilespmem:s30+$0x3658], $0x1;
	_ =	sdelay $0x1  }
0x2cb: {  	(v2sf) =	vpush v0, $0x0;
	_ =	sdelay $0x2  }
0x2cc: {  	(v2sf) =	vpush v1, $0x0;
	_ =	sdelay $0x2  }
0x2cd: {  	s31 =	simm.s32 $0x2  }
0x2ce: {  	v0 =	vld.msk [tilespmem:s31+$0x3658], $0x1;
	_ =	sdelay $0x2  }
0x2cf: {  	s6 =	simm.s32 $0xFFFFFFFF;
	s1 =	simm.s32 $0xFFFFFFFF;
	s0 =	simm.s32 $0xC  }
.LBB2_23:
0x2d0: {  	s2 =	smov.u32 s6;
	s4 =	smov.u32 s1  }
0x2d1: {  	s1 =	sshra.s32 s0, $0x2;
	p1 =	sne.s32 s0, $0x7C;
	s0 =	sadd.s32 $0x4, s0;
	(v2sf) =	vpush v0, $0x0  }
0x2d2: {  	v0 =	vld.msk [tilespmem:s1+$0x3658], $0x1  }
.Ltmp19:
0x2d3: {  	(pc) =	sbr.rel @p1 .LBB2_23-.Ltmp19, $4  }
0x2d4: {  	s6 =	spop (v2sf)  }
0x2d5: {  	p2 =	sne.s32 s4, $0xFFFFFFFF;
	s1 =	smov.u32 s6  }
0x2d6: {  	p3 =	seq.s32 s6, $0xFFFFFFFF;
	s1 =	smov.u32 @p2 s4  }
0x2d7: {  	s6 =	smov.u32 @p3 s2;
	s1 =	smov.u32 @p3 s4  }
0x2d8: {  	(v2sf) =	vpush v0, $0x0;
	_ =	sdelay $0x8  }
0x2d9: {  	s0 =	spop (v2sf)  }
0x2da: {  	p1 =	sne.s32 s1, $0xFFFFFFFF;
	s2 =	smov.u32 s0  }
0x2db: {  	s9 =	simm.s32 $0x6;
	p2 =	seq.s32 s0, $0xFFFFFFFF;
	s2 =	smov.u32 @p1 s1  }
0x2dc: {  	s10 =	simm.s32 $0x3638;
	s2 =	smov.u32 @p2 s1;
	s1 =	spop (v2sf)  }
0x2dd: {  	s0 =	smov.u32 @p2 s6;
	p1 =	sne.s32 s2, $0xFFFFFFFF;
	s4 =	smov.u32 s1  }
.Ltmp20:
0x2de: {  	p2 =	seq.s32 s1, $0xFFFFFFFF;
	s4 =	smov.u32 @p1 s2;
	(pc) =	sbr.rel .LBB2_25-.Ltmp20, $4  }
0x2df: {  	s11 =	simm.s32 $0x0;
	s4 =	smov.u32 @p2 s2;
	s7 =	spop (v2sf)  }
0x2e0: {  	[sflag:s9] =	ssyncpa.u1 $0x0;
	p1 =	sne.s32 s4, $0xFFFFFFFF;
	s8 =	smov.u32 s7  }
0x2e1: {  	s1 =	smov.u32 @p2 s0;
	p2 =	seq.s32 s7, $0xFFFFFFFF;
	s8 =	smov.u32 @p1 s4  }
0x2e2: {  	s6 =	simm.s32 $0x0;
	s7 =	smov.u32 @p2 s1;
	s8 =	smov.u32 @p2 s4  }
.LBB2_30:
0x2e3: {  	p1 =	sgt.u32 s12, $0x270FF  }
0x2e4: {  	p2 =	seq.s32 @!p1 s12, s8  }
0x2e5: {  	p1 =	por p1, p2  }
0x2e6: {  	p2 =	sne.s32 @!p1 s12, s7  }
0x2e7: {  	p1 =	por p1, !p2  }
0x2e8: {  	s0 =	sshll.u32 @p1 s11, $0x6  }
0x2e9: {  	s0 =	sand.u32 @!p1 $0x3FFF8, s12  }
0x2ea: {  	s1 =	sand.u32 @!p1 $0x7, s12;
	s0 =	sadd.s32 @!p1 s3, s0  }
0x2eb: {  	[tilespmem:s10], [sflag:$0x6] =	stream.linear.gather @!p1 [hbm4b:s0+s1], $0x8, $0x38;
	[tilespmem:$0x1F0F8] =	vst v63  }
0x2ec: {  	_ =	swait.ge @!p1 [sflag:s9], $0x8  }
0x2ed: {  	[sflag:s9] =	ssyncset.done @!p1 $0x0  }
0x2ee: {  	[sflag:s9] =	ssyncadd.s32 @!p1 $0xFFFFFFF8  }
0x2ef: {  	v1 =	vld @!p1 [tilespmem:$0x3638];
	_ =	sdelay $0x2  }
0x2f0: {  	s0 =	sshll.u32 @!p1 s11, $0x6  }
0x2f1: {  	s1 =	sshrl.u32 @!p1 s0, $0x2  }
0x2f2: {  	[tilespmem:s1+$0x3678] =	vst.add.f32.msk @!p1 $0xffff, v1  }
0x2f3: {  	s0 =	sshrl.u32 s0, $0x2;
	[tilespmem:s6+$0x3658] =	vst.msk $0x1, v0  }
0x2f4: {  	v0 =	vld [tilespmem:s0+$0x3678];
	_ =	sdelay $0x2  }
0x2f5: {  	s31 =	sshll.u32 s6, $0x6  }
0x2f6: {  	s0 =	sshra.s32 s31, $0x2  }
0x2f7: {  	s6 =	sadd.s32 $0x1, s6;
	[tilespmem:s0+$0x3678] =	vst v0  }
.LBB2_32:
0x2f8: {  	s11 =	sadd.s32 $0x1, s11  }
0x2f9: {  	p1 =	sne.s32 s11, $0x20  }
.Ltmp21:
0x2fa: {  	_ = 	snop;
	(pc) =	sbr.rel @!p1 .LBB2_33-.Ltmp21, $1  }
0x2fb: {  	_ =	sdelay $0x3  }
.LBB2_25:
0x2fc: {  	v0 =	vld.msk [tilespmem:s11+$0x3658], $0x1;
	_ =	sdelay $0x4  }
0x2fd: {  	(v2sf) =	vpush v0, $0x0;
	_ =	sdelay $0xe  }
0x2fe: {  	s12 =	spop (v2sf)  }
0x2ff: {  	p1 =	seq.s32 s12, $0xFFFFFFFF  }
.Ltmp22:
0x300: {  	_ = 	snop;
	(pc) =	sbr.rel @p1 .LBB2_32-.Ltmp22, $1  }
0x301: {  	_ =	sdelay $0x3  }
0x302: {  	p1 =	slt.s32 s6, $0x1  }
.Ltmp23:
0x303: {  	_ = 	snop;
	(pc) =	sbr.rel @p1 .LBB2_30-.Ltmp23, $1  }
0x304: {  	_ =	sdelay $0x3  }
0x305: {  	s13 =	simm.s32 $0x3658;
	p1 =	por $0x0, $0x0  }
0x306: {  	v1 =	vld.msk @!p1 [tilespmem:s13+$0x0], $0x1;
	_ =	sdelay $0x4  }
0x307: {  	(v2sf) =	vpush @!p1 v1, $0x0;
	_ =	sdelay $0xd  }
0x308: {  	p3 =	sne.s32 s6, $0x1  }
.Ltmp24:
0x309: {  	s0 =	spop @!p1 (v2sf);
	(pc) =	sbr.rel @!p3 .LBB2_29-.Ltmp24, $4  }
0x30a: {  	p2 =	seq.s32 @!p1 s12, s0  }
0x30b: {  	s14 =	simm.s32 $0x0;
	p2 =	por !p2, p1  }
0x30c: {  	s0 =	simm.s32 $0xFFFFFFFF;
	s14 =	simm.s32 @p2 $0xFFFFFFFF  }
0x30d: {  	s15 =	simm.s32 $0x1;
	s14 =	smov.u32 @p1 s0  }
.LBB2_28:
0x30e: {  	s0 =	smov.u32 s14;
	p1 =	sne.s32 s14, $0xFFFFFFFF  }
0x30f: {  	s13 =	sadd.s32 $0x1, s13;
	s14 =	smov.u32 s15;
	s15 =	sadd.s32 $0x1, s15  }
0x310: {  	p2 =	sne.s32 s6, s15;
	v1 =	vld.msk @!p1 [tilespmem:s13+$0x0], $0x1;
	_ =	sdelay $0x4  }
0x311: {  	(v2sf) =	vpush @!p1 v1, $0x0;
	_ =	sdelay $0xe  }
.Ltmp25:
0x312: {  	s1 =	spop @!p1 (v2sf);
	(pc) =	sbr.rel @p2 .LBB2_28-.Ltmp25, $4  }
0x313: {  	p3 =	seq.s32 @!p1 s12, s1  }
0x314: {  	p3 =	por !p3, p1  }
0x315: {  	s14 =	simm.s32 @p3 $0xFFFFFFFF  }
0x316: {  	s14 =	smov.u32 @p1 s0  }
.LBB2_29:
0x317: {  	p1 =	sne.s32 s14, $0xFFFFFFFF  }
.Ltmp26:
0x318: {  	_ = 	snop;
	(pc) =	sbr.rel @!p1 .LBB2_30-.Ltmp26, $1  }
0x319: {  	_ =	sdelay $0x3  }
0x31a: {  	s0 =	sshll.u32 s11, $0x4  }
0x31b: {  	s0 =	sand.u32 $0x3FFFFFF0, s0  }
0x31c: {  	v0 =	vld [tilespmem:s0+$0x3678]  }
.Ltmp27:
0x31d: {  	_ = 	snop;
	(pc) =	sbr.rel .LBB2_32-.Ltmp27, $4  }
0x31e: {  	_ = 	snop  }
0x31f: {  	s31 =	sshll.u32 s14, $0x6  }
0x320: {  	s0 =	sshra.s32 s31, $0x2  }
0x321: {  	[tilespmem:s0+$0x3678] =	vst.add.f32.msk $0xffff, v0  }
.LBB2_33:
0x322: {  	s0 =	simm.s32 $0x6;
	p1 =	seq.s32 s6, $0x0  }
0x323: {  	[sflag:s0] =	ssyncpa.u1 $0x1;
	v0 =	vimm.s32 @p1 $0xFFFFFFFF  }
0x324: {  	s9 =	sadd.s32 $0xFFFFFFFF, s6;
	[tilespmem:$0x3878] =	vst @p1 v0  }
0x325: {  	v0 =	vld.msk @!p1 [tilespmem:s9+$0x3658], $0x1;
	_ =	sdelay $0x1  }
0x326: {  	v1 =	vld.msk @!p1 [tilespmem:$0x3658], $0x1;
	_ =	sdelay $0x2  }
0x327: {  	p2 =	seq.s32 @!p1 s9, $0x0;
	v0 =	vbroadcast @!p1 v0, $0x0  }
0x328: {  	vm0 =	vmmov @!p1 $0x1;
	p2 =	por !p2, p1  }
0x329: {  	v1 =	vnsel @!p1 vm0, $0xFFFFFFFF, v1;
	vm0 =	vcmask @!p1 $0x308;
	v0 =	vpsel !p2, $0xFFFFFFFF, v0  }
0x32a: {  	p2 =	sne.s32 @!p1 s8, s7;
	v0 =	vsel @!p1 vm0, v1, v0  }
0x32b: {  	s0 =	simm.s32 @!p1 $0x3678;
	s1 =	simm.s32 @!p1 $0x0;
	p3 =	por !p2, p1;
	[tilespmem:$0x3878] =	vst @!p1 v0  }
0x32c: {  	[spmem:s1] =	stream.linear.scatter @!p1 [tilespmem:s0], [sflag:$0x1], $0x10, $0x38;
	[tilespmem:$0x1F0F8] =	vst v63  }
0x32d: {  	s0 =	sshll.u32 @!p3 s9, $0x6  }
0x32e: {  	s0 =	sshra.s32 @!p3 s0, $0x2  }
0x32f: {  	s1 =	simm.s32 @!p3 $0x10;
	s0 =	sadd.s32 @!p3 $0x3678, s0  }
0x330: {  	[spmem:s1] =	stream.linear.scatter @!p3 [tilespmem:s0], [sflag:$0x1], $0x10, $0x38;
	[tilespmem:$0x1F0F8] =	vst v63  }
0x331: {  	s0 =	simm.s32 @!p3 $0x1  }
0x332: {  	_ =	swait.ge @!p3 [sflag:s0], $0x20  }
0x333: {  	p1 =	por p2, p1;
	[sflag:s0] =	ssyncset.done @!p3 $0x0  }
0x334: {  	[sflag:s0] =	ssyncadd.s32 @!p3 $0xFFFFFFE0;
	s0 =	simm.s32 @!p1 $0x1  }
0x335: {  	_ =	swait.ge @!p1 [sflag:s0], $0x10  }
0x336: {  	s29 =	simm.s32 $0x3878;
	[sflag:s0] =	ssyncset.done @!p1 $0x0  }
0x337: {  	s30 =	simm.s32 $0x200;
	s31 =	simm.s32 $0x1;
	[sflag:s0] =	ssyncadd.s32 @!p1 $0xFFFFFFF0  }
0x338: {  	[spmem:s30] =	stream.linear.scatter [tilespmem:s29], [sflag:$0x1], $0x10, $0x38;
	[tilespmem:$0x1F0F8] =	vst v63  }
0x339: {  	_ =	swait.ge [sflag:s31], $0x10  }
0x33a: {  	[sflag:s31] =	ssyncset.done $0x0  }
0x33b: {  	p1 =	seq.s32 s17, $0x0;
	s8 =	rddreg [dreg:$0x1];
	[sflag:s31] =	ssyncadd.s32 $0xFFFFFFF0  }
0x33c: {  	s1 =	sshll.u32 @p1 s8, $0xE;
	s7 =	rddreg [dreg:$0x2]  }
0x33d: {  	s0 =	sadd.s32 @p1 $0x15C3C, s1;
	s1 =	sshll.u32 @p1 s7, $0x11  }
0x33e: {  	_ =	sfence.stream.spmem;
	s0 =	sor.u32 @p1 s1, s0  }
0x33f: {  	[sflag:s0] =	ssyncadd.remote.s32 @p1 $0x1;
	s0 =	simm.s32 @p1 $0x4  }
0x340: {  	s2 =	simm.s32 @!p1 $0x3C;
	s1 =	sand.u32 $0xFFFFFFFE, s8;
	_ =	swait.ge @p1 [sflag:s0], $0x6  }
0x341: {  	s4 =	simm.s32 @!p1 $0x0;
	s1 =	sadd.s32 @!p1 $0x4, s1;
	[sflag:s0] =	ssyncset.done @p1 $0x0  }
0x342: {  	s5 =	simm.s32 @!p1 $0x20;
	[sflag:s0] =	ssyncadd.s32 @p1 $0xFFFFFFFA;
	s0 =	sshll.u32 @!p1 s1, $0x1A  }
0x343: {  	s1 =	sshll.u32 @!p1 s1, $0xD;
	s0 =	sor.u32 @!p1 s0, s7;
	_ =	swait.eq @!p1 [sflag:s2], $0x1  }
0x344: {  	s1 =	sor.u32 @!p1 $0x1C04, s1;
	s2 =	simm.s32 @!p1 $0x1C03;
	s0 =	sor.u32 @!p1 $0x80004000, s0  }
0x345: {  	[spmem:s5], [sflag:s1] =	dma.general @!p1 [spmem:s4], [sflag:s2], length:$0x4, [dreg:$0x0], stride_count:$0x0, ici_dest:s0, dma_misc:DstOpCode:WRITE  }
0x346: {  	p2 =	slt.s32 s9, $0x2;
	s4 =	simm.s32 @!p1 $0x40;
	s5 =	simm.s32 @!p1 $0x42  }
0x347: {  	[spmem:s5], [sflag:s1] =	dma.general @!p1 [spmem:s4], [sflag:s2], length:$0x2, [dreg:$0x0], stride_count:$0x0, ici_dest:s0, dma_misc:DstOpCode:WRITE  }
.Ltmp28:
0x348: {  	s0 =	simm.s32 @!p1 $0x3;
	(pc) =	sbr.rel @p2 .LBB2_37-.Ltmp28, $4  }
0x349: {  	s1 =	sshll.u32 @!p1 s8, $0xE;
	_ =	swait.ge @!p1 [sflag:s0], $0x6  }
0x34a: {  	s2 =	sshll.u32 @!p1 s7, $0x11;
	s1 =	sadd.s32 @!p1 $0x11C3C, s1;
	[sflag:s0] =	ssyncset.done @!p1 $0x0  }
0x34b: {  	[sflag:s0] =	ssyncadd.s32 @!p1 $0xFFFFFFFA;
	s0 =	sor.u32 @!p1 s2, s1  }
0x34c: {  	[sflag:s0] =	ssyncadd.remote.s32 @!p1 $0xFFFFFFFF;
	s0 =	simm.s32 $0x0  }
0x34d: {  	s0 =	simm.s32 $0x3659  }
0x34e: {  	v0 =	vld.msk [tilespmem:s0+$0x0], $0x1;
	_ =	sdelay $0x4  }
0x34f: {  	(v2sf) =	vpush v0, $0x0;
	_ =	sdelay $0xd  }
0x350: {  	s2 =	sadd.s32 $0xFFFFFFFE, s6  }
0x351: {  	s2 =	sadd.s32 $0xFFFFFFFF, s2;
	s0 =	spop (v2sf)  }
0x352: {  	p2 =	sne.s32 s2, $0x0;
	p1 =	sgt.u32 s0, $0x270FF  }
.Ltmp29:
0x353: {  	s4 =	sand.u32 @!p1 $0x3FFF8, s0;
	(pc) =	sbr.rel @!p2 .LBB2_36-.Ltmp29, $4  }
0x354: {  	s1 =	simm.s32 $0x3688;
	s0 =	sand.u32 @!p1 $0x7, s0;
	s4 =	sadd.s32 @!p1 s3, s4  }
0x355: {  	[hbm4b:s4+s0] =	stream.linear.scatter @!p1 [tilespmem:s1], [sflag:$0x5], $0x8, $0x38;
	[tilespmem:$0x1F0F8] =	vst v63  }
0x356: {  	s0 =	simm.s32 $0x0  }
0x357: {  	s6 =	simm.s32 $0x0;
	s7 =	simm.s32 $0x365A;
	s0 =	simm.s32 @!p1 $0x20  }
.LBB2_35:
0x358: {  	v0 =	vld.msk [tilespmem:s7+$0x0], $0x1;
	s2 =	sadd.s32 $0xFFFFFFFF, s2;
	s6 =	sadd.s32 s6, s0  }
0x359: {  	p1 =	sne.s32 s2, $0x0;
	_ =	sdelay $0x3  }
0x35a: {  	(v2sf) =	vpush v0, $0x0;
	_ =	sdelay $0xe  }
.Ltmp30:
0x35b: {  	s4 =	spop (v2sf);
	(pc) =	sbr.rel @p1 .LBB2_35-.Ltmp30, $4  }
0x35c: {  	s0 =	simm.s32 $0x0;
	p2 =	sgt.u32 s4, $0x270FF  }
0x35d: {  	s1 =	sadd.s32 $0x10, s1;
	s0 =	simm.s32 @!p2 $0x20;
	s5 =	sand.u32 @!p2 $0x3FFF8, s4  }
0x35e: {  	s7 =	sadd.s32 $0x1, s7;
	s4 =	sand.u32 @!p2 $0x7, s4;
	s5 =	sadd.s32 @!p2 s3, s5  }
0x35f: {  	[hbm4b:s5+s4] =	stream.linear.scatter @!p2 [tilespmem:s1], [sflag:$0x5], $0x8, $0x38;
	[tilespmem:$0x1F0F8] =	vst v63  }
.LBB2_36:
0x360: {  	s0 =	sadd.s32 s6, s0  }
0x361: {  	s0 =	sshrl.u32 s0, $0x2  }
.LBB2_37:
0x362: {  	s1 =	simm.s32 $0x5  }
0x363: {  	_ =	swait.ge [sflag:s1], s0  }
0x364: {  	s31 =	ssub.s32 $0x0, s0;
	[sflag:s1] =	ssyncset.done $0x0  }
0x365: {  	[sflag:s1] =	ssyncadd.s32 s31  }
0x366: {  	[sflag:s1] =	ssyncpa.u1 $0x1  }
.LBB2_38:
0x367: {  	s0 =	sor.u32 s17, s16  }
0x368: {  	p1 =	sne.s32 s0, $0x0  }
.Ltmp31:
0x369: {  	_ = 	snop;
	(pc) =	sbr.rel @p1 .LBB2_53-.Ltmp31, $3  }
0x36a: {  	_ =	sdelay $0x1  }
0x36b: {  	[bflag:$0x0] =	sbarrier.arrive $0xFFFF  }
0x36c: {  	_ =	sfence  }
0x36d: {  	s0 =	simm.s32 $0x7  }
0x36e: {  	s1 =	simm.s32 $0x200;
	s2 =	simm.s32 $0x3658;
	[sflag:s0] =	ssyncpa.u1 $0x0  }
0x36f: {  	[tilespmem:s2], [sflag:$0x7] =	stream.linear.gather [spmem:s1], $0x20, $0x38;
	[tilespmem:$0x1F0F8] =	vst v63  }
0x370: {  	s30 =	simm.s32 $0x3678;
	s1 =	simm.s32 $0x0  }
0x371: {  	[tilespmem:s30], [sflag:$0x7] =	stream.linear.gather [spmem:s1], $0x200, $0x38;
	[tilespmem:$0x1F0F8] =	vst v63  }
.Ltmp32:
0x372: {  	_ = 	snop;
	(pc) =	sbr.rel .LBB2_40-.Ltmp32, $4  }
0x373: {  	_ =	swait.ge [sflag:s0], $0x220  }
0x374: {  	[sflag:s0] =	ssyncset.done $0x0  }
0x375: {  	s31 =	simm.s32 $0x8;
	[sflag:s0] =	ssyncadd.s32 $0xFFFFFDE0  }
0x376: {  	s2 =	simm.s32 $0x0;
	[sflag:s31] =	ssyncpa.u1 $0x0  }
.LBB2_45:
0x377: {  	p1 =	slt.u32 s4, $0x27100  }
0x378: {  	s0 =	sand.u32 @p1 $0x3FFF8, s4  }
0x379: {  	s4 =	sand.u32 @p1 $0x7, s4;
	s5 =	simm.s32 @p1 $0x3638;
	s0 =	sadd.s32 @p1 s3, s0  }
0x37a: {  	[tilespmem:s5], [sflag:$0x8] =	stream.linear.gather @p1 [hbm4b:s0+s4], $0x8, $0x38;
	[tilespmem:$0x1F0F8] =	vst v63  }
0x37b: {  	s0 =	simm.s32 @p1 $0x8  }
0x37c: {  	_ =	swait.ge @p1 [sflag:s0], $0x8  }
0x37d: {  	[sflag:s0] =	ssyncset.done @p1 $0x0  }
0x37e: {  	[sflag:s0] =	ssyncadd.s32 @p1 $0xFFFFFFF8  }
0x37f: {  	v1 =	vld @p1 [tilespmem:$0x3638];
	_ =	sdelay $0x2  }
0x380: {  	s0 =	sshll.u32 @p1 s2, $0x6  }
0x381: {  	s5 =	sshll.u32 @!p1 s2, $0x6;
	s4 =	sshrl.u32 @p1 s0, $0x2  }
0x382: {  	s5 =	smov.u32 @p1 s0;
	[tilespmem:s4+$0x3678] =	vst.add.f32.msk @p1 $0xffff, v1  }
0x383: {  	s0 =	sshrl.u32 s5, $0x2;
	[tilespmem:s1+$0x3658] =	vst.msk $0x1, v0  }
0x384: {  	v0 =	vld [tilespmem:s0+$0x3678];
	_ =	sdelay $0x2  }
0x385: {  	s31 =	sshll.u32 s1, $0x6  }
0x386: {  	s0 =	sshra.s32 s31, $0x2  }
0x387: {  	s1 =	sadd.s32 $0x1, s1;
	[tilespmem:s0+$0x3678] =	vst v0  }
.LBB2_47:
0x388: {  	s2 =	sadd.s32 $0x1, s2  }
0x389: {  	p1 =	sne.s32 s2, $0x20  }
.Ltmp33:
0x38a: {  	_ = 	snop;
	(pc) =	sbr.rel @!p1 .LBB2_48-.Ltmp33, $1  }
0x38b: {  	_ =	sdelay $0x3  }
.LBB2_40:
0x38c: {  	v0 =	vld.msk [tilespmem:s2+$0x3658], $0x1;
	_ =	sdelay $0x4  }
0x38d: {  	(v2sf) =	vpush v0, $0x0;
	_ =	sdelay $0xe  }
0x38e: {  	s4 =	spop (v2sf)  }
0x38f: {  	p1 =	seq.s32 s4, $0xFFFFFFFF  }
.Ltmp34:
0x390: {  	_ = 	snop;
	(pc) =	sbr.rel @p1 .LBB2_47-.Ltmp34, $1  }
0x391: {  	_ =	sdelay $0x3  }
0x392: {  	p1 =	slt.s32 s1, $0x1  }
.Ltmp35:
0x393: {  	_ = 	snop;
	(pc) =	sbr.rel @p1 .LBB2_45-.Ltmp35, $1  }
0x394: {  	_ =	sdelay $0x3  }
0x395: {  	s5 =	simm.s32 $0x3658;
	p1 =	por $0x0, $0x0  }
0x396: {  	v1 =	vld.msk @!p1 [tilespmem:s5+$0x0], $0x1;
	_ =	sdelay $0x4  }
0x397: {  	(v2sf) =	vpush @!p1 v1, $0x0;
	_ =	sdelay $0xd  }
0x398: {  	p3 =	sne.s32 s1, $0x1  }
.Ltmp36:
0x399: {  	s0 =	spop @!p1 (v2sf);
	(pc) =	sbr.rel @!p3 .LBB2_44-.Ltmp36, $4  }
0x39a: {  	p2 =	seq.s32 @!p1 s4, s0  }
0x39b: {  	s6 =	simm.s32 $0x0;
	p2 =	por !p2, p1  }
0x39c: {  	s0 =	simm.s32 $0xFFFFFFFF;
	s6 =	simm.s32 @p2 $0xFFFFFFFF  }
0x39d: {  	s7 =	simm.s32 $0x1;
	s6 =	smov.u32 @p1 s0  }
.LBB2_43:
0x39e: {  	s0 =	smov.u32 s6;
	p1 =	sne.s32 s6, $0xFFFFFFFF  }
0x39f: {  	s5 =	sadd.s32 $0x1, s5;
	s6 =	smov.u32 s7;
	s7 =	sadd.s32 $0x1, s7  }
0x3a0: {  	p2 =	sne.s32 s1, s7;
	v1 =	vld.msk @!p1 [tilespmem:s5+$0x0], $0x1;
	_ =	sdelay $0x4  }
0x3a1: {  	(v2sf) =	vpush @!p1 v1, $0x0;
	_ =	sdelay $0xe  }
.Ltmp37:
0x3a2: {  	s8 =	spop @!p1 (v2sf);
	(pc) =	sbr.rel @p2 .LBB2_43-.Ltmp37, $4  }
0x3a3: {  	p3 =	seq.s32 @!p1 s4, s8  }
0x3a4: {  	p3 =	por !p3, p1  }
0x3a5: {  	s6 =	simm.s32 @p3 $0xFFFFFFFF  }
0x3a6: {  	s6 =	smov.u32 @p1 s0  }
.LBB2_44:
0x3a7: {  	p1 =	sne.s32 s6, $0xFFFFFFFF  }
.Ltmp38:
0x3a8: {  	_ = 	snop;
	(pc) =	sbr.rel @!p1 .LBB2_45-.Ltmp38, $1  }
0x3a9: {  	_ =	sdelay $0x3  }
0x3aa: {  	s0 =	sshll.u32 s2, $0x4  }
0x3ab: {  	s0 =	sand.u32 $0x3FFFFFF0, s0  }
0x3ac: {  	v0 =	vld [tilespmem:s0+$0x3678]  }
.Ltmp39:
0x3ad: {  	_ = 	snop;
	(pc) =	sbr.rel .LBB2_47-.Ltmp39, $4  }
0x3ae: {  	_ = 	snop  }
0x3af: {  	s31 =	sshll.u32 s6, $0x6  }
0x3b0: {  	s0 =	sshra.s32 s31, $0x2  }
0x3b1: {  	[tilespmem:s0+$0x3678] =	vst.add.f32.msk $0xffff, v0  }
.LBB2_48:
0x3b2: {  	p1 =	slt.s32 s1, $0x1  }
.Ltmp40:
0x3b3: {  	_ = 	snop;
	(pc) =	sbr.rel @p1 .LBB2_52-.Ltmp40, $3  }
0x3b4: {  	_ =	sdelay $0x1  }
0x3b5: {  	s0 =	simm.s32 $0x8  }
0x3b6: {  	s2 =	simm.s32 $0x0;
	[sflag:s0] =	ssyncpa.u1 $0x1  }
0x3b7: {  	s0 =	simm.s32 $0x3658  }
0x3b8: {  	v0 =	vld.msk [tilespmem:s0+$0x0], $0x1;
	_ =	sdelay $0x4  }
0x3b9: {  	(v2sf) =	vpush v0, $0x0;
	_ =	sdelay $0xe  }
0x3ba: {  	s1 =	sadd.s32 $0xFFFFFFFF, s1;
	s0 =	spop (v2sf)  }
0x3bb: {  	p2 =	sne.s32 s1, $0x0;
	p1 =	sgt.u32 s0, $0x270FF  }
.Ltmp41:
0x3bc: {  	s5 =	sand.u32 @!p1 $0x3FFF8, s0;
	(pc) =	sbr.rel @!p2 .LBB2_51-.Ltmp41, $4  }
0x3bd: {  	s4 =	simm.s32 $0x3678;
	s0 =	sand.u32 @!p1 $0x7, s0;
	s5 =	sadd.s32 @!p1 s3, s5  }
0x3be: {  	[hbm4b:s5+s0] =	stream.linear.scatter @!p1 [tilespmem:s4], [sflag:$0x7], $0x8, $0x38;
	[tilespmem:$0x1F0F8] =	vst v63  }
0x3bf: {  	s0 =	simm.s32 $0x0  }
0x3c0: {  	s5 =	simm.s32 $0x3659;
	s0 =	simm.s32 @!p1 $0x20  }
.LBB2_50:
0x3c1: {  	v0 =	vld.msk [tilespmem:s5+$0x0], $0x1;
	s1 =	sadd.s32 $0xFFFFFFFF, s1;
	s2 =	sadd.s32 s2, s0  }
0x3c2: {  	p1 =	sne.s32 s1, $0x0;
	_ =	sdelay $0x3  }
0x3c3: {  	(v2sf) =	vpush v0, $0x0;
	_ =	sdelay $0xe  }
.Ltmp42:
0x3c4: {  	s6 =	spop (v2sf);
	(pc) =	sbr.rel @p1 .LBB2_50-.Ltmp42, $4  }
0x3c5: {  	s0 =	simm.s32 $0x0;
	p2 =	sgt.u32 s6, $0x270FF  }
0x3c6: {  	s4 =	sadd.s32 $0x10, s4;
	s0 =	simm.s32 @!p2 $0x20;
	s7 =	sand.u32 @!p2 $0x3FFF8, s6  }
0x3c7: {  	s5 =	sadd.s32 $0x1, s5;
	s6 =	sand.u32 @!p2 $0x7, s6;
	s7 =	sadd.s32 @!p2 s3, s7  }
0x3c8: {  	[hbm4b:s7+s6] =	stream.linear.scatter @!p2 [tilespmem:s4], [sflag:$0x7], $0x8, $0x38;
	[tilespmem:$0x1F0F8] =	vst v63  }
.LBB2_51:
0x3c9: {  	s0 =	sadd.s32 s2, s0  }
0x3ca: {  	s2 =	sshrl.u32 s0, $0x2  }
.LBB2_52:
0x3cb: {  	s0 =	simm.s32 $0x7  }
0x3cc: {  	_ =	swait.ge [sflag:s0], s2  }
0x3cd: {  	s1 =	ssub.s32 $0x0, s2;
	[sflag:s0] =	ssyncset.done $0x0  }
0x3ce: {  	[sflag:s0] =	ssyncadd.s32 s1  }
0x3cf: {  	[sflag:s0] =	ssyncpa.u1 $0x1  }
.LBB2_53:
0x3d0: {  	_ =	sfence;
	s0 =	simm.s32 $0x1  }
0x3d1: {  	[sflag:s0] =	ssyncpa.u1 $0x1  }
0x3d2: {  	_ =	strace $0x90000047  }
0x3d3: {  	[bflag:$0x2] =	sbarrier.arrive $0xFFFF  }
0x3d4: {  	s0 =	rddreg [dreg:$0x3]  }
0x3d5: {  	s0 =	sadd.s32 @!p0 $0x100000, s0  }
0x3d6: {  	[sflag:s0] =	ssyncadd.tile.s32 @!p0 $0x1;
	_ =	shalt  }
.Lfunc_end2:
_tile_overlayer_lowered:
.L_overlay_start_2:
0x3d7: {  	(tag) =	ssettag $0x2  }
0x3d8: {  	s0 =	rddreg [dreg:$0x0];
	s2 =	stileid.u32  }
0x3d9: {  	s1 =	rddreg [dreg:$0x1];
	p0 =	sne.s32 s2, $0x0  }
0x3da: {  	s3 =	rddreg [dreg:$0x2];
	[bflag:$0x3] =	sbarrier.arrive $0xFFFF;
	s2 =	simm.s32 @!p0 $0x1C01  }
0x3db: {  	[timem:s3], [sflag:s2] =	dma.local @!p0 [hbm:s0], s1  }
0x3dc: {  	s0 =	simm.s32 @!p0 $0x1  }
0x3dd: {  	_ =	swait.ge @!p0 [sflag:s0], s1  }
0x3de: {  	s1 =	ssub.s32 @!p0 $0x0, s1;
	[sflag:s0] =	ssyncset.done @!p0 $0x0  }
0x3df: {  	[sflag:s0] =	ssyncadd.s32 @!p0 s1  }
0x3e0: {  	[bflag:$0x3] =	sbarrier.arrive $0xFFFF  }
0x3e1: {  	_ =	shalt  }

</sc_bundles>
